<compile_context>
chip_gen: v7x
topology: tpu7x:2x2x1
jax: 0.10.2.dev20260603
libtpu: 0.0.44.dev20260713+nightly
codegen_flags: <defaults>
</compile_context>

<pallas_src>
import functools

import jax
import jax.numpy as jnp
from jax import lax
from jax.experimental import pallas as pl
from jax.experimental.pallas import tpu as pltpu
from jax.experimental.pallas import tpu_sc as plsc

NC = 2
NS = 16
NW = NC * NS
CH = 512
LN = 16

_F32 = jnp.float32
_I32 = jnp.int32

def _sc_params():
    return dict(
        mesh=plsc.VectorSubcoreMesh(core_axis_name="c", subcore_axis_name="s",
                                    num_cores=NC, num_subcores=NS),
        compiler_params=pltpu.CompilerParams(use_tc_tiling_on_sc=False,
                                             needs_layout_passes=False),
    )


def _sc_scatter_scalar(ei3, vals_hbm, zeros1, ones, n_pad, kk):
    rows = ei3.shape[1]
    rw = rows // NW
    nsup = rw // kk
    assert nsup * kk == rw
    npt = n_pad // NS
    gather = vals_hbm is not None

    scratch = [
        pltpu.VMEM((kk, CH), _I32),
        pltpu.VMEM((kk, CH), _F32),
        pltpu.VMEM((npt,), _F32),
        pltpu.VMEM_SHARED((n_pad,), _F32),
        pltpu.SemaphoreType.DMA,
    ]
    if gather:
        scratch = [pltpu.VMEM((kk, CH), _I32),
                   pltpu.VMEM((n_pad,), _F32)] + scratch

    @functools.partial(
        pl.kernel,
        out_type=jax.ShapeDtypeStruct((NC * n_pad,), _F32),
        scratch_types=scratch,
        **_sc_params(),
    )
    def k(*refs):
        if gather:
            ei_h, val_h, z_h, out_h, sidx_v, xtab_v, didx_v, val_v, \
                bb_v, acc, sems = refs
        else:
            ei_h, z_h, ones_h, out_h, didx_v, val_v, bb_v, acc, sems = refs
        c = lax.axis_index("c")
        s = lax.axis_index("s")
        wid = c * NS + s
        moff = pl.multiple_of(s * npt, 8)
        pltpu.sync_copy(z_h.at[pl.ds(moff, npt)], bb_v)
        pltpu.sync_copy(bb_v, acc.at[pl.ds(moff, npt)])
        if gather:
            pltpu.sync_copy(val_h, xtab_v)
        else:
            pltpu.sync_copy(ones_h, val_v)
        plsc.subcore_barrier()
        base = wid * rw

        def body(i, carry):
            r0 = pl.multiple_of(base + i * kk, 8)
            pltpu.sync_copy(ei_h.at[1, pl.ds(r0, kk), :], didx_v)
            if gather:
                pltpu.sync_copy(ei_h.at[0, pl.ds(r0, kk), :], sidx_v)
                for j in range(kk):
                    for q in range(CH // LN):
                        idx16 = sidx_v[j, pl.ds(q * LN, LN)]
                        val_v[j, pl.ds(q * LN, LN)] = \
                            plsc.load_gather(xtab_v, [idx16])
            sd = [pltpu.async_copy(val_v.at[j], acc.at[didx_v.at[j]], sems,
                                   add=True)
                  for j in range(kk)]
            for d_ in sd:
                d_.wait()
            return carry

        lax.fori_loop(0, nsup, body, 0)
        plsc.subcore_barrier()
        ooff = pl.multiple_of(c * n_pad + s * npt, 8)
        pltpu.sync_copy(acc.at[pl.ds(moff, npt)], bb_v)
        pltpu.sync_copy(bb_v, out_h.at[pl.ds(ooff, npt)])

    if gather:
        return k(ei3, vals_hbm, zeros1)
    return k(ei3, zeros1, ones)


def _sc_scatter_rows(ei3, rows0, rows1, zeros2, n_pad, dh, kk):
    rows = ei3.shape[1]
    rt = rows // NS
    nsup = rt // kk
    assert nsup * kk == rt
    npt = n_pad // NS

    @functools.partial(
        pl.kernel,
        out_type=[jax.ShapeDtypeStruct((n_pad, dh), _F32)] * 2,
        scratch_types=[
            pltpu.VMEM((kk, CH), _I32),
            pltpu.VMEM((kk, CH), _I32),
            pltpu.VMEM((kk, CH, dh), _F32),
            pltpu.VMEM((npt, dh), _F32),
            pltpu.VMEM_SHARED((n_pad, dh), _F32),
            pltpu.SemaphoreType.DMA,
            pltpu.SemaphoreType.DMA,
        ],
        **_sc_params(),
    )
    def k(ei_h, rows0_h, rows1_h, z_h, out0_h, out1_h,
          sidx_v, didx_v, rows_v, bb_v, acc, semg, sems):
        c = lax.axis_index("c")
        s = lax.axis_index("s")
        moff = pl.multiple_of(s * npt, 8)
        pltpu.sync_copy(z_h.at[pl.ds(moff, npt), :], bb_v)
        pltpu.sync_copy(bb_v, acc.at[pl.ds(moff, npt), :])
        plsc.subcore_barrier()
        base = s * rt

        def body(i, carry):
            r0 = pl.multiple_of(base + i * kk, 8)
            pltpu.sync_copy(ei_h.at[0, pl.ds(r0, kk), :], sidx_v)
            pltpu.sync_copy(ei_h.at[1, pl.ds(r0, kk), :], didx_v)

            def fire_scatters(gd):
                sd = []
                for j in range(kk):
                    gd[j].wait()
                    sd.append(pltpu.async_copy(rows_v.at[j],
                                               acc.at[didx_v.at[j]],
                                               sems, add=True))
                for d_ in sd:
                    d_.wait()

            @pl.when(c == 0)
            def _():
                fire_scatters([pltpu.async_copy(rows0_h.at[sidx_v.at[j]],
                                                rows_v.at[j], semg)
                               for j in range(kk)])

            @pl.when(c == 1)
            def _():
                fire_scatters([pltpu.async_copy(rows1_h.at[sidx_v.at[j]],
                                                rows_v.at[j], semg)
                               for j in range(kk)])

            return carry

        lax.fori_loop(0, nsup, body, 0)
        plsc.subcore_barrier()
        pltpu.sync_copy(acc.at[pl.ds(moff, npt), :], bb_v)

        @pl.when(c == 0)
        def _():
            pltpu.sync_copy(bb_v, out0_h.at[pl.ds(moff, npt), :])

        @pl.when(c == 1)
        def _():
            pltpu.sync_copy(bb_v, out1_h.at[pl.ds(moff, npt), :])

    return k(ei3, rows0, rows1, zeros2)


def _tc_layer1(svec, xp, dis, w1iT, w1rT, b1T, n_pad, blk):
    d = w1iT.shape[0]
    dh = d // NC

    def body(s_r, x_r, d_r, wi_r, wr_r, b_r, h_r, hh0_r, hh1_r):
        h = jnp.maximum(wi_r[:] * s_r[:] + wr_r[:] * x_r[:] + b_r[:], 0.0)
        h_r[:] = h
        hh = h * d_r[:]
        hh0_r[:] = hh[:dh, :].T
        hh1_r[:] = hh[dh:, :].T

    row = pl.BlockSpec((1, blk), lambda i: (0, i))
    full = pl.BlockSpec((d, 1), lambda i: (0, 0))
    return pl.pallas_call(
        body,
        grid=(n_pad // blk,),
        in_specs=[row, row, row, full, full, full],
        out_specs=[pl.BlockSpec((d, blk), lambda i: (0, i)),
                   pl.BlockSpec((blk, dh), lambda i: (i, 0)),
                   pl.BlockSpec((blk, dh), lambda i: (i, 0))],
        out_shape=[jax.ShapeDtypeStruct((d, n_pad), _F32),
                   jax.ShapeDtypeStruct((n_pad, dh), _F32),
                   jax.ShapeDtypeStruct((n_pad, dh), _F32)],
    )(svec, xp, dis, w1iT, w1rT, b1T)


def _tc_layer2(u0T, u1T, dis, h1T, w2iT, w2rT, b2T, fwT, fb, n_pad, blk):
    def body(u0_r, u1_r, d_r, h1_r, wi_r, wr_r, b_r, fw_r, fb_r, y_r):
        g = jnp.concatenate([u0_r[:].T, u1_r[:].T], axis=0) * d_r[:]
        agg = jnp.dot(wi_r[:], g, preferred_element_type=_F32)
        rt = jnp.dot(wr_r[:], h1_r[:], preferred_element_type=_F32)
        out2 = jnp.maximum(agg + rt + b_r[:], 0.0)
        y_r[:] = jnp.dot(fw_r[:], out2, preferred_element_type=_F32) + fb_r[:]

    dd = h1T.shape[0]
    dhh = dd // NC
    do = w2iT.shape[0]
    row = pl.BlockSpec((1, blk), lambda i: (0, i))
    half = pl.BlockSpec((blk, dhh), lambda i: (i, 0))
    return pl.pallas_call(
        body,
        grid=(n_pad // blk,),
        in_specs=[half, half, row, pl.BlockSpec((dd, blk), lambda i: (0, i)),
                  pl.BlockSpec((do, dd), lambda i: (0, 0)),
                  pl.BlockSpec((do, dd), lambda i: (0, 0)),
                  pl.BlockSpec((do, 1), lambda i: (0, 0)),
                  pl.BlockSpec((1, do), lambda i: (0, 0)),
                  pl.BlockSpec((1, 1), lambda i: (0, 0))],
        out_specs=pl.BlockSpec((1, blk), lambda i: (0, i)),
        out_shape=jax.ShapeDtypeStruct((1, n_pad), _F32),
    )(u0T, u1T, dis, h1T, w2iT, w2rT, b2T, fwT, fb)


def kernel(x_tmp, edge_index, conv1_init_w, conv1_root_w, conv1_bias,
           conv2_init_w, conv2_root_w, conv2_bias, fc2_w, fc2_b):
    n = x_tmp.shape[0]
    e = edge_index.shape[1]
    n_pad = ((n + 255) // 256) * 256
    blk = n_pad // 4

    kk_s, kk_r = 5, 2
    row_quant = CH * kk_s * NW
    e_pad = ((e + row_quant - 1) // row_quant) * row_quant
    npad_e = e_pad - e
    rows = e_pad // CH
    pad_ar = jnp.arange(npad_e, dtype=_I32)
    pad2 = jnp.stack([pad_ar % n, n + pad_ar % (n_pad - n)])
    ei3 = jnp.concatenate([edge_index, pad2], axis=1).reshape(2, rows, CH)

    zeros1 = jnp.zeros((n_pad,), _F32)
    ones = jnp.ones((kk_s, CH), _F32)

    deg2 = _sc_scatter_scalar(ei3, None, zeros1, ones, n_pad, kk_s)
    deg = deg2[:n_pad] + deg2[n_pad:]
    dis = jnp.where(deg > 0, lax.rsqrt(jnp.maximum(deg, 1e-12)), 0.0)
    xp = jnp.pad(x_tmp[:, 0], (0, n_pad - n))
    xhat = dis * xp

    t2 = _sc_scatter_scalar(ei3, xhat, zeros1, ones, n_pad, kk_s)
    svec = dis * (t2[:n_pad] + t2[n_pad:])

    h1T, hh0, hh1 = _tc_layer1(
        svec[None, :], xp[None, :], dis[None, :],
        conv1_init_w.reshape(-1, 1), conv1_root_w.reshape(-1, 1),
        conv1_bias[:, None], n_pad, blk)

    dhh = hh0.shape[1]
    zeros2 = jnp.zeros((n_pad, dhh), _F32)
    u0, u1 = _sc_scatter_rows(ei3, hh0, hh1, zeros2,
                              n_pad, dhh, kk_r)

    yT = _tc_layer2(u0, u1, dis[None, :], h1T,
                    conv2_init_w.T, conv2_root_w.T, conv2_bias[:, None],
                    fc2_w.T, fc2_b[None, :], n_pad, blk)
    return yT[0, :n][:, None]

# --- scband reference (transcript-rebuilt; emitter-appended) ---
"""Pipeline reference for scband-armanet-7576322310701 (READ-ONLY COPY).

The authoritative reference and input builder live on the scoring server;
editing this copy changes nothing except your own understanding.
"""

import jax, jax.numpy as jnp
import numpy as np

N = 50000
E = 800000


def setup_inputs(seed: int = 0):
    key = jax.random.key(seed)
    ks = jax.random.split(key, 8)
    x_tmp = jax.random.normal(ks[0], (N, 1), dtype=jnp.float32)
    edge_index = jax.random.randint(ks[1], (2, E), 0, N, dtype=jnp.int32)

    def w(k, shape):
        fan_in = shape[0]
        return jax.random.uniform(k, shape, dtype=jnp.float32, minval=-1.0, maxval=1.0) / np.sqrt(fan_in)

    return {
        'x_tmp': x_tmp,
        'edge_index': edge_index,
        'conv1_init_w': w(ks[2], (1, 32)),
        'conv1_root_w': w(ks[3], (1, 32)),
        'conv1_bias': jnp.zeros((32,), jnp.float32),
        'conv2_init_w': w(ks[4], (32, 64)),
        'conv2_root_w': w(ks[5], (32, 64)),
        'conv2_bias': jnp.zeros((64,), jnp.float32),
        'fc2_w': w(ks[6], (64, 1)),
        'fc2_b': jnp.zeros((1,), jnp.float32),
    }


def _gcn_norm(edge_index, n):
    # gcn_norm as used by PyG ARMAConv: symmetric normalization, NO self loops
    row = edge_index[0]
    col = edge_index[1]
    deg = jnp.zeros((n,), jnp.float32).at[col].add(1.0)
    deg_inv_sqrt = jnp.where(deg > 0, jax.lax.rsqrt(jnp.maximum(deg, 1e-12)), 0.0)
    return deg_inv_sqrt[row] * deg_inv_sqrt[col]


def _arma_conv(x, edge_index, norm, init_w, root_w, bias):
    # ARMAConv with num_stacks=1, num_layers=1, shared_weights=False, dropout=0
    # out = ReLU( A_hat @ (x @ W_init) + x @ W_root + b )
    h = x @ init_w
    src = edge_index[0]
    dst = edge_index[1]
    msg = h[src] * norm[:, None]
    agg = jnp.zeros_like(h).at[dst].add(msg)
    out = agg + x @ root_w + bias
    return jax.nn.relu(out)


def reference(x_tmp, edge_index, conv1_init_w, conv1_root_w, conv1_bias,
              conv2_init_w, conv2_root_w, conv2_bias, fc2_w, fc2_b):
    n = x_tmp.shape[0]
    norm = _gcn_norm(edge_index, n)
    h = _arma_conv(x_tmp, edge_index, norm, conv1_init_w, conv1_root_w, conv1_bias)
    h = jax.nn.relu(h)
    h = _arma_conv(h, edge_index, norm, conv2_init_w, conv2_root_w, conv2_bias)
    h = jax.nn.relu(h)
    return h @ fc2_w + fc2_b

if __name__ == "__main__":
    import jax
    _d = setup_inputs()
    print(jax.jit(kernel)(*tuple(_d.values())))

</pallas_src>

<mosaic_0001>
#map = affine_map<(d0, d1) -> (0, 0, 0)>
#map1 = affine_map<(d0, d1) -> (0)>
#map2 = affine_map<(d0, d1) -> (0, 0)>
module attributes {stable_mosaic.version = 14 : i64} {
  func.func @k(%arg0: i32, %arg1: i32, %arg2: memref<2x1600x512xi32, #tpu.memory_space<hbm>>, %arg3: memref<50176xf32, #tpu.memory_space<hbm>>, %arg4: memref<5x512xf32, #tpu.memory_space<hbm>>, %arg5: memref<100352xf32, #tpu.memory_space<hbm>>, %arg6: memref<5x512xi32, #tpu.memory_space<vmem>>, %arg7: memref<5x512xf32, #tpu.memory_space<vmem>>, %arg8: memref<3136xf32, #tpu.memory_space<vmem>>, %arg9: memref<50176xf32, #tpu.memory_space<vmem_shared>>, %arg10: memref<!tpu.dma_semaphore, #tpu.memory_space<semaphore_mem>>) attributes {dimension_semantics = [#tpu.dimension_semantics<core_parallel>, #tpu.dimension_semantics<subcore_parallel>], iteration_bounds = array<i64: 2, 16>, scalar_prefetch = 0 : i64, scratch_operands = 5 : i64, tpu.core_type = #tpu.core_type<sc_vector_subcore>, window_params = [{transform_indices = #map}, {transform_indices = #map1}, {transform_indices = #map2}, {transform_indices = #map1}]} {
    %mul3A = arith.constant 16 : i32
    %mul3A_0 = arith.muli %arg0, %mul3A : i32
    %add3A = arith.addi %mul3A_0, %arg1 : i32
    %mul3A_1 = arith.constant 3136 : i32
    %mul3A_2 = arith.muli %arg1, %mul3A_1 : i32
    %multiple_of3A = tpu.assume_multiple %mul3A_2, 8 : i32
    "tpu.region"() ({
      %run_scoped3A = tpu.sem_alloc : memref<!tpu.dma_semaphore, #tpu.memory_space<semaphore_mem>>
      %dma_start3A = tpu.memref_slice %arg3[%multiple_of3A] : memref<50176xf32, #tpu.memory_space<hbm>> -> memref<3136xf32, #tpu.memory_space<hbm>>
      %dma_start3A_17 = tpu.memref_slice %arg3[%multiple_of3A] : memref<50176xf32, #tpu.memory_space<hbm>> -> memref<3136xf32, #tpu.memory_space<hbm>>
      tpu.enqueue_dma source(%dma_start3A_17 : memref<3136xf32, #tpu.memory_space<hbm>>) target(%arg8 : memref<3136xf32, #tpu.memory_space<vmem>>) target_semaphore(%run_scoped3A : memref<!tpu.dma_semaphore, #tpu.memory_space<semaphore_mem>>)
      %dma_wait3A = tpu.memref_slice %arg3[%multiple_of3A] : memref<50176xf32, #tpu.memory_space<hbm>> -> memref<3136xf32, #tpu.memory_space<hbm>>
      %dma_wait3A_18 = tpu.memref_slice %arg3[%multiple_of3A] : memref<50176xf32, #tpu.memory_space<hbm>> -> memref<3136xf32, #tpu.memory_space<hbm>>
      tpu.wait_dma2 semaphore(%run_scoped3A : memref<!tpu.dma_semaphore, #tpu.memory_space<semaphore_mem>>) src(%dma_wait3A_18 : memref<3136xf32, #tpu.memory_space<hbm>>) dst(%arg8 : memref<3136xf32, #tpu.memory_space<vmem>>)
      tpu.yield
    }) : () -> ()
    "tpu.region"() ({
      %run_scoped3A = tpu.sem_alloc : memref<!tpu.dma_semaphore, #tpu.memory_space<semaphore_mem>>
      %dma_start3A = tpu.memref_slice %arg9[%multiple_of3A] : memref<50176xf32, #tpu.memory_space<vmem_shared>> -> memref<3136xf32, #tpu.memory_space<vmem_shared>>
      %dma_start3A_17 = tpu.memref_slice %arg9[%multiple_of3A] : memref<50176xf32, #tpu.memory_space<vmem_shared>> -> memref<3136xf32, #tpu.memory_space<vmem_shared>>
      tpu.enqueue_dma source(%arg8 : memref<3136xf32, #tpu.memory_space<vmem>>) target(%dma_start3A_17 : memref<3136xf32, #tpu.memory_space<vmem_shared>>) target_semaphore(%run_scoped3A : memref<!tpu.dma_semaphore, #tpu.memory_space<semaphore_mem>>)
      %dma_wait3A = tpu.memref_slice %arg9[%multiple_of3A] : memref<50176xf32, #tpu.memory_space<vmem_shared>> -> memref<3136xf32, #tpu.memory_space<vmem_shared>>
      %dma_wait3A_18 = tpu.memref_slice %arg9[%multiple_of3A] : memref<50176xf32, #tpu.memory_space<vmem_shared>> -> memref<3136xf32, #tpu.memory_space<vmem_shared>>
      tpu.wait_dma2 semaphore(%run_scoped3A : memref<!tpu.dma_semaphore, #tpu.memory_space<semaphore_mem>>) src(%arg8 : memref<3136xf32, #tpu.memory_space<vmem>>) dst(%dma_wait3A_18 : memref<3136xf32, #tpu.memory_space<vmem_shared>>)
      tpu.yield
    }) : () -> ()
    "tpu.region"() ({
      %run_scoped3A = tpu.sem_alloc : memref<!tpu.dma_semaphore, #tpu.memory_space<semaphore_mem>>
      tpu.enqueue_dma source(%arg4 : memref<5x512xf32, #tpu.memory_space<hbm>>) target(%arg7 : memref<5x512xf32, #tpu.memory_space<vmem>>) target_semaphore(%run_scoped3A : memref<!tpu.dma_semaphore, #tpu.memory_space<semaphore_mem>>)
      tpu.wait_dma2 semaphore(%run_scoped3A : memref<!tpu.dma_semaphore, #tpu.memory_space<semaphore_mem>>) src(%arg4 : memref<5x512xf32, #tpu.memory_space<hbm>>) dst(%arg7 : memref<5x512xf32, #tpu.memory_space<vmem>>)
      tpu.yield
    }) : () -> ()
    %barrier3A = arith.constant 0 : index
    tpu.barrier barrier_id(%barrier3A)
    %mul3A_3 = arith.constant 50 : i32
    %mul3A_4 = arith.muli %add3A, %mul3A_3 : i32
    %scan3A = arith.constant 0 : i32
    %scan3A_5 = arith.constant 0 : i32
    %scan3A_6 = arith.constant 10 : i32
    %scan3A_7 = arith.addi %scan3A_5, %scan3A_6 : i32
    %scan3A_8 = arith.constant 1 : i32
    scf.for %scan3A_17 = %scan3A_5 to %scan3A_7 step %scan3A_8  : i32 {
      %mul3A_18 = arith.constant 5 : i32
      %mul3A_19 = arith.muli %scan3A_17, %mul3A_18 : i32
      %add3A_20 = arith.addi %mul3A_4, %mul3A_19 : i32
      %multiple_of3A_21 = tpu.assume_multiple %add3A_20, 8 : i32
      %run_scoped3A = arith.constant 1 : i32
      "tpu.region"() ({
        %run_scoped3A_120 = tpu.sem_alloc : memref<!tpu.dma_semaphore, #tpu.memory_space<semaphore_mem>>
        %dma_start3A_121 = arith.constant 0 : i32
        %dma_start3A_122 = tpu.memref_slice %arg2[%run_scoped3A, %multiple_of3A_21, %dma_start3A_121] : memref<2x1600x512xi32, #tpu.memory_space<hbm>> -> memref<1x5x512xi32, #tpu.memory_space<hbm>>
        %dma_start3A_123 = tpu.memref_squeeze %dma_start3A_122 : memref<1x5x512xi32, #tpu.memory_space<hbm>> -> memref<5x512xi32, #tpu.memory_space<hbm>>
        %dma_start3A_124 = arith.constant 0 : i32
        %dma_start3A_125 = tpu.memref_slice %arg2[%run_scoped3A, %multiple_of3A_21, %dma_start3A_124] : memref<2x1600x512xi32, #tpu.memory_space<hbm>> -> memref<1x5x512xi32, #tpu.memory_space<hbm>>
        %dma_start3A_126 = tpu.memref_squeeze %dma_start3A_125 : memref<1x5x512xi32, #tpu.memory_space<hbm>> -> memref<5x512xi32, #tpu.memory_space<hbm>>
        tpu.enqueue_dma source(%dma_start3A_126 : memref<5x512xi32, #tpu.memory_space<hbm>>) target(%arg6 : memref<5x512xi32, #tpu.memory_space<vmem>>) target_semaphore(%run_scoped3A_120 : memref<!tpu.dma_semaphore, #tpu.memory_space<semaphore_mem>>)
        %dma_wait3A_127 = arith.constant 0 : i32
        %dma_wait3A_128 = tpu.memref_slice %arg2[%run_scoped3A, %multiple_of3A_21, %dma_wait3A_127] : memref<2x1600x512xi32, #tpu.memory_space<hbm>> -> memref<1x5x512xi32, #tpu.memory_space<hbm>>
        %dma_wait3A_129 = tpu.memref_squeeze %dma_wait3A_128 : memref<1x5x512xi32, #tpu.memory_space<hbm>> -> memref<5x512xi32, #tpu.memory_space<hbm>>
        %dma_wait3A_130 = arith.constant 0 : i32
        %dma_wait3A_131 = tpu.memref_slice %arg2[%run_scoped3A, %multiple_of3A_21, %dma_wait3A_130] : memref<2x1600x512xi32, #tpu.memory_space<hbm>> -> memref<1x5x512xi32, #tpu.memory_space<hbm>>
        %dma_wait3A_132 = tpu.memref_squeeze %dma_wait3A_131 : memref<1x5x512xi32, #tpu.memory_space<hbm>> -> memref<5x512xi32, #tpu.memory_space<hbm>>
        tpu.wait_dma2 semaphore(%run_scoped3A_120 : memref<!tpu.dma_semaphore, #tpu.memory_space<semaphore_mem>>) src(%dma_wait3A_132 : memref<5x512xi32, #tpu.memory_space<hbm>>) dst(%arg6 : memref<5x512xi32, #tpu.memory_space<vmem>>)
        tpu.yield
      }) : () -> ()
      %dma_start3A = arith.constant 0 : i32
      %dma_start3A_22 = arith.constant 0 : i32
      %dma_start3A_23 = arith.constant 0 : i32
      %dma_start3A_24 = tpu.memref_slice %arg7[%dma_start3A, %dma_start3A_23] : memref<5x512xf32, #tpu.memory_space<vmem>> -> memref<1x512xf32, #tpu.memory_space<vmem>>
      %dma_start3A_25 = tpu.memref_squeeze %dma_start3A_24 : memref<1x512xf32, #tpu.memory_space<vmem>> -> memref<512xf32, #tpu.memory_space<vmem>>
      %dma_start3A_26 = arith.constant 0 : i32
      %dma_start3A_27 = tpu.memref_slice %arg6[%dma_start3A_22, %dma_start3A_26] : memref<5x512xi32, #tpu.memory_space<vmem>> -> memref<1x512xi32, #tpu.memory_space<vmem>>
      %dma_start3A_28 = tpu.memref_squeeze %dma_start3A_27 : memref<1x512xi32, #tpu.memory_space<vmem>> -> memref<512xi32, #tpu.memory_space<vmem>>
      %dma_start3A_29 = arith.constant 0 : i32
      %dma_start3A_30 = tpu.memref_slice %arg9[%dma_start3A_29] : memref<50176xf32, #tpu.memory_space<vmem_shared>> -> memref<50176xf32, #tpu.memory_space<vmem_shared>>
      tpu.enqueue_indirect_dma source(%dma_start3A_25 : memref<512xf32, #tpu.memory_space<vmem>>) target(%dma_start3A_30 : memref<50176xf32, #tpu.memory_space<vmem_shared>>) offsets(%dma_start3A_28 : memref<512xi32, #tpu.memory_space<vmem>>) semaphore(%arg10 : memref<!tpu.dma_semaphore, #tpu.memory_space<semaphore_mem>>) {add = true}
      %dma_start3A_31 = arith.constant 1 : i32
      %dma_start3A_32 = arith.constant 1 : i32
      %dma_start3A_33 = arith.constant 0 : i32
      %dma_start3A_34 = tpu.memref_slice %arg7[%dma_start3A_31, %dma_start3A_33] : memref<5x512xf32, #tpu.memory_space<vmem>> -> memref<1x512xf32, #tpu.memory_space<vmem>>
      %dma_start3A_35 = tpu.memref_squeeze %dma_start3A_34 : memref<1x512xf32, #tpu.memory_space<vmem>> -> memref<512xf32, #tpu.memory_space<vmem>>
      %dma_start3A_36 = arith.constant 0 : i32
      %dma_start3A_37 = tpu.memref_slice %arg6[%dma_start3A_32, %dma_start3A_36] : memref<5x512xi32, #tpu.memory_space<vmem>> -> memref<1x512xi32, #tpu.memory_space<vmem>>
      %dma_start3A_38 = tpu.memref_squeeze %dma_start3A_37 : memref<1x512xi32, #tpu.memory_space<vmem>> -> memref<512xi32, #tpu.memory_space<vmem>>
      %dma_start3A_39 = arith.constant 0 : i32
      %dma_start3A_40 = tpu.memref_slice %arg9[%dma_start3A_39] : memref<50176xf32, #tpu.memory_space<vmem_shared>> -> memref<50176xf32, #tpu.memory_space<vmem_shared>>
      tpu.enqueue_indirect_dma source(%dma_start3A_35 : memref<512xf32, #tpu.memory_space<vmem>>) target(%dma_start3A_40 : memref<50176xf32, #tpu.memory_space<vmem_shared>>) offsets(%dma_start3A_38 : memref<512xi32, #tpu.memory_space<vmem>>) semaphore(%arg10 : memref<!tpu.dma_semaphore, #tpu.memory_space<semaphore_mem>>) {add = true}
      %dma_start3A_41 = arith.constant 2 : i32
      %dma_start3A_42 = arith.constant 2 : i32
      %dma_start3A_43 = arith.constant 0 : i32
      %dma_start3A_44 = tpu.memref_slice %arg7[%dma_start3A_41, %dma_start3A_43] : memref<5x512xf32, #tpu.memory_space<vmem>> -> memref<1x512xf32, #tpu.memory_space<vmem>>
      %dma_start3A_45 = tpu.memref_squeeze %dma_start3A_44 : memref<1x512xf32, #tpu.memory_space<vmem>> -> memref<512xf32, #tpu.memory_space<vmem>>
      %dma_start3A_46 = arith.constant 0 : i32
      %dma_start3A_47 = tpu.memref_slice %arg6[%dma_start3A_42, %dma_start3A_46] : memref<5x512xi32, #tpu.memory_space<vmem>> -> memref<1x512xi32, #tpu.memory_space<vmem>>
      %dma_start3A_48 = tpu.memref_squeeze %dma_start3A_47 : memref<1x512xi32, #tpu.memory_space<vmem>> -> memref<512xi32, #tpu.memory_space<vmem>>
      %dma_start3A_49 = arith.constant 0 : i32
      %dma_start3A_50 = tpu.memref_slice %arg9[%dma_start3A_49] : memref<50176xf32, #tpu.memory_space<vmem_shared>> -> memref<50176xf32, #tpu.memory_space<vmem_shared>>
      tpu.enqueue_indirect_dma source(%dma_start3A_45 : memref<512xf32, #tpu.memory_space<vmem>>) target(%dma_start3A_50 : memref<50176xf32, #tpu.memory_space<vmem_shared>>) offsets(%dma_start3A_48 : memref<512xi32, #tpu.memory_space<vmem>>) semaphore(%arg10 : memref<!tpu.dma_semaphore, #tpu.memory_space<semaphore_mem>>) {add = true}
      %dma_start3A_51 = arith.constant 3 : i32
      %dma_start3A_52 = arith.constant 3 : i32
      %dma_start3A_53 = arith.constant 0 : i32
      %dma_start3A_54 = tpu.memref_slice %arg7[%dma_start3A_51, %dma_start3A_53] : memref<5x512xf32, #tpu.memory_space<vmem>> -> memref<1x512xf32, #tpu.memory_space<vmem>>
      %dma_start3A_55 = tpu.memref_squeeze %dma_start3A_54 : memref<1x512xf32, #tpu.memory_space<vmem>> -> memref<512xf32, #tpu.memory_space<vmem>>
      %dma_start3A_56 = arith.constant 0 : i32
      %dma_start3A_57 = tpu.memref_slice %arg6[%dma_start3A_52, %dma_start3A_56] : memref<5x512xi32, #tpu.memory_space<vmem>> -> memref<1x512xi32, #tpu.memory_space<vmem>>
      %dma_start3A_58 = tpu.memref_squeeze %dma_start3A_57 : memref<1x512xi32, #tpu.memory_space<vmem>> -> memref<512xi32, #tpu.memory_space<vmem>>
      %dma_start3A_59 = arith.constant 0 : i32
      %dma_start3A_60 = tpu.memref_slice %arg9[%dma_start3A_59] : memref<50176xf32, #tpu.memory_space<vmem_shared>> -> memref<50176xf32, #tpu.memory_space<vmem_shared>>
      tpu.enqueue_indirect_dma source(%dma_start3A_55 : memref<512xf32, #tpu.memory_space<vmem>>) target(%dma_start3A_60 : memref<50176xf32, #tpu.memory_space<vmem_shared>>) offsets(%dma_start3A_58 : memref<512xi32, #tpu.memory_space<vmem>>) semaphore(%arg10 : memref<!tpu.dma_semaphore, #tpu.memory_space<semaphore_mem>>) {add = true}
      %dma_start3A_61 = arith.constant 4 : i32
      %dma_start3A_62 = arith.constant 4 : i32
      %dma_start3A_63 = arith.constant 0 : i32
      %dma_start3A_64 = tpu.memref_slice %arg7[%dma_start3A_61, %dma_start3A_63] : memref<5x512xf32, #tpu.memory_space<vmem>> -> memref<1x512xf32, #tpu.memory_space<vmem>>
      %dma_start3A_65 = tpu.memref_squeeze %dma_start3A_64 : memref<1x512xf32, #tpu.memory_space<vmem>> -> memref<512xf32, #tpu.memory_space<vmem>>
      %dma_start3A_66 = arith.constant 0 : i32
      %dma_start3A_67 = tpu.memref_slice %arg6[%dma_start3A_62, %dma_start3A_66] : memref<5x512xi32, #tpu.memory_space<vmem>> -> memref<1x512xi32, #tpu.memory_space<vmem>>
      %dma_start3A_68 = tpu.memref_squeeze %dma_start3A_67 : memref<1x512xi32, #tpu.memory_space<vmem>> -> memref<512xi32, #tpu.memory_space<vmem>>
      %dma_start3A_69 = arith.constant 0 : i32
      %dma_start3A_70 = tpu.memref_slice %arg9[%dma_start3A_69] : memref<50176xf32, #tpu.memory_space<vmem_shared>> -> memref<50176xf32, #tpu.memory_space<vmem_shared>>
      tpu.enqueue_indirect_dma source(%dma_start3A_65 : memref<512xf32, #tpu.memory_space<vmem>>) target(%dma_start3A_70 : memref<50176xf32, #tpu.memory_space<vmem_shared>>) offsets(%dma_start3A_68 : memref<512xi32, #tpu.memory_space<vmem>>) semaphore(%arg10 : memref<!tpu.dma_semaphore, #tpu.memory_space<semaphore_mem>>) {add = true}
      %dma_wait3A = arith.constant 0 : i32
      %dma_wait3A_71 = arith.constant 0 : i32
      %dma_wait3A_72 = arith.constant 0 : i32
      %dma_wait3A_73 = tpu.memref_slice %arg7[%dma_wait3A, %dma_wait3A_72] : memref<5x512xf32, #tpu.memory_space<vmem>> -> memref<1x512xf32, #tpu.memory_space<vmem>>
      %dma_wait3A_74 = tpu.memref_squeeze %dma_wait3A_73 : memref<1x512xf32, #tpu.memory_space<vmem>> -> memref<512xf32, #tpu.memory_space<vmem>>
      %dma_wait3A_75 = arith.constant 0 : i32
      %dma_wait3A_76 = tpu.memref_slice %arg6[%dma_wait3A_71, %dma_wait3A_75] : memref<5x512xi32, #tpu.memory_space<vmem>> -> memref<1x512xi32, #tpu.memory_space<vmem>>
      %dma_wait3A_77 = tpu.memref_squeeze %dma_wait3A_76 : memref<1x512xi32, #tpu.memory_space<vmem>> -> memref<512xi32, #tpu.memory_space<vmem>>
      %dma_wait3A_78 = arith.constant 0 : i32
      %dma_wait3A_79 = tpu.memref_slice %arg9[%dma_wait3A_78] : memref<50176xf32, #tpu.memory_space<vmem_shared>> -> memref<50176xf32, #tpu.memory_space<vmem_shared>>
      tpu.wait_indirect_dma semaphore(%arg10 : memref<!tpu.dma_semaphore, #tpu.memory_space<semaphore_mem>>) src(%dma_wait3A_74 : memref<512xf32, #tpu.memory_space<vmem>>) dst(%dma_wait3A_79 : memref<50176xf32, #tpu.memory_space<vmem_shared>>)
      %dma_wait3A_80 = arith.constant 1 : i32
      %dma_wait3A_81 = arith.constant 1 : i32
      %dma_wait3A_82 = arith.constant 0 : i32
      %dma_wait3A_83 = tpu.memref_slice %arg7[%dma_wait3A_80, %dma_wait3A_82] : memref<5x512xf32, #tpu.memory_space<vmem>> -> memref<1x512xf32, #tpu.memory_space<vmem>>
      %dma_wait3A_84 = tpu.memref_squeeze %dma_wait3A_83 : memref<1x512xf32, #tpu.memory_space<vmem>> -> memref<512xf32, #tpu.memory_space<vmem>>
      %dma_wait3A_85 = arith.constant 0 : i32
      %dma_wait3A_86 = tpu.memref_slice %arg6[%dma_wait3A_81, %dma_wait3A_85] : memref<5x512xi32, #tpu.memory_space<vmem>> -> memref<1x512xi32, #tpu.memory_space<vmem>>
      %dma_wait3A_87 = tpu.memref_squeeze %dma_wait3A_86 : memref<1x512xi32, #tpu.memory_space<vmem>> -> memref<512xi32, #tpu.memory_space<vmem>>
      %dma_wait3A_88 = arith.constant 0 : i32
      %dma_wait3A_89 = tpu.memref_slice %arg9[%dma_wait3A_88] : memref<50176xf32, #tpu.memory_space<vmem_shared>> -> memref<50176xf32, #tpu.memory_space<vmem_shared>>
      tpu.wait_indirect_dma semaphore(%arg10 : memref<!tpu.dma_semaphore, #tpu.memory_space<semaphore_mem>>) src(%dma_wait3A_84 : memref<512xf32, #tpu.memory_space<vmem>>) dst(%dma_wait3A_89 : memref<50176xf32, #tpu.memory_space<vmem_shared>>)
      %dma_wait3A_90 = arith.constant 2 : i32
      %dma_wait3A_91 = arith.constant 2 : i32
      %dma_wait3A_92 = arith.constant 0 : i32
      %dma_wait3A_93 = tpu.memref_slice %arg7[%dma_wait3A_90, %dma_wait3A_92] : memref<5x512xf32, #tpu.memory_space<vmem>> -> memref<1x512xf32, #tpu.memory_space<vmem>>
      %dma_wait3A_94 = tpu.memref_squeeze %dma_wait3A_93 : memref<1x512xf32, #tpu.memory_space<vmem>> -> memref<512xf32, #tpu.memory_space<vmem>>
      %dma_wait3A_95 = arith.constant 0 : i32
      %dma_wait3A_96 = tpu.memref_slice %arg6[%dma_wait3A_91, %dma_wait3A_95] : memref<5x512xi32, #tpu.memory_space<vmem>> -> memref<1x512xi32, #tpu.memory_space<vmem>>
      %dma_wait3A_97 = tpu.memref_squeeze %dma_wait3A_96 : memref<1x512xi32, #tpu.memory_space<vmem>> -> memref<512xi32, #tpu.memory_space<vmem>>
      %dma_wait3A_98 = arith.constant 0 : i32
      %dma_wait3A_99 = tpu.memref_slice %arg9[%dma_wait3A_98] : memref<50176xf32, #tpu.memory_space<vmem_shared>> -> memref<50176xf32, #tpu.memory_space<vmem_shared>>
      tpu.wait_indirect_dma semaphore(%arg10 : memref<!tpu.dma_semaphore, #tpu.memory_space<semaphore_mem>>) src(%dma_wait3A_94 : memref<512xf32, #tpu.memory_space<vmem>>) dst(%dma_wait3A_99 : memref<50176xf32, #tpu.memory_space<vmem_shared>>)
      %dma_wait3A_100 = arith.constant 3 : i32
      %dma_wait3A_101 = arith.constant 3 : i32
      %dma_wait3A_102 = arith.constant 0 : i32
      %dma_wait3A_103 = tpu.memref_slice %arg7[%dma_wait3A_100, %dma_wait3A_102] : memref<5x512xf32, #tpu.memory_space<vmem>> -> memref<1x512xf32, #tpu.memory_space<vmem>>
      %dma_wait3A_104 = tpu.memref_squeeze %dma_wait3A_103 : memref<1x512xf32, #tpu.memory_space<vmem>> -> memref<512xf32, #tpu.memory_space<vmem>>
      %dma_wait3A_105 = arith.constant 0 : i32
      %dma_wait3A_106 = tpu.memref_slice %arg6[%dma_wait3A_101, %dma_wait3A_105] : memref<5x512xi32, #tpu.memory_space<vmem>> -> memref<1x512xi32, #tpu.memory_space<vmem>>
      %dma_wait3A_107 = tpu.memref_squeeze %dma_wait3A_106 : memref<1x512xi32, #tpu.memory_space<vmem>> -> memref<512xi32, #tpu.memory_space<vmem>>
      %dma_wait3A_108 = arith.constant 0 : i32
      %dma_wait3A_109 = tpu.memref_slice %arg9[%dma_wait3A_108] : memref<50176xf32, #tpu.memory_space<vmem_shared>> -> memref<50176xf32, #tpu.memory_space<vmem_shared>>
      tpu.wait_indirect_dma semaphore(%arg10 : memref<!tpu.dma_semaphore, #tpu.memory_space<semaphore_mem>>) src(%dma_wait3A_104 : memref<512xf32, #tpu.memory_space<vmem>>) dst(%dma_wait3A_109 : memref<50176xf32, #tpu.memory_space<vmem_shared>>)
      %dma_wait3A_110 = arith.constant 4 : i32
      %dma_wait3A_111 = arith.constant 4 : i32
      %dma_wait3A_112 = arith.constant 0 : i32
      %dma_wait3A_113 = tpu.memref_slice %arg7[%dma_wait3A_110, %dma_wait3A_112] : memref<5x512xf32, #tpu.memory_space<vmem>> -> memref<1x512xf32, #tpu.memory_space<vmem>>
      %dma_wait3A_114 = tpu.memref_squeeze %dma_wait3A_113 : memref<1x512xf32, #tpu.memory_space<vmem>> -> memref<512xf32, #tpu.memory_space<vmem>>
      %dma_wait3A_115 = arith.constant 0 : i32
      %dma_wait3A_116 = tpu.memref_slice %arg6[%dma_wait3A_111, %dma_wait3A_115] : memref<5x512xi32, #tpu.memory_space<vmem>> -> memref<1x512xi32, #tpu.memory_space<vmem>>
      %dma_wait3A_117 = tpu.memref_squeeze %dma_wait3A_116 : memref<1x512xi32, #tpu.memory_space<vmem>> -> memref<512xi32, #tpu.memory_space<vmem>>
      %dma_wait3A_118 = arith.constant 0 : i32
      %dma_wait3A_119 = tpu.memref_slice %arg9[%dma_wait3A_118] : memref<50176xf32, #tpu.memory_space<vmem_shared>> -> memref<50176xf32, #tpu.memory_space<vmem_shared>>
      tpu.wait_indirect_dma semaphore(%arg10 : memref<!tpu.dma_semaphore, #tpu.memory_space<semaphore_mem>>) src(%dma_wait3A_114 : memref<512xf32, #tpu.memory_space<vmem>>) dst(%dma_wait3A_119 : memref<50176xf32, #tpu.memory_space<vmem_shared>>)
    }
    %scan3A_9 = arith.constant 10 : i32
    %barrier3A_10 = arith.constant 0 : index
    tpu.barrier barrier_id(%barrier3A_10)
    %mul3A_11 = arith.constant 50176 : i32
    %mul3A_12 = arith.muli %arg0, %mul3A_11 : i32
    %mul3A_13 = arith.constant 3136 : i32
    %mul3A_14 = arith.muli %arg1, %mul3A_13 : i32
    %add3A_15 = arith.addi %mul3A_12, %mul3A_14 : i32
    %multiple_of3A_16 = tpu.assume_multiple %add3A_15, 8 : i32
    "tpu.region"() ({
      %run_scoped3A = tpu.sem_alloc : memref<!tpu.dma_semaphore, #tpu.memory_space<semaphore_mem>>
      %dma_start3A = tpu.memref_slice %arg9[%multiple_of3A] : memref<50176xf32, #tpu.memory_space<vmem_shared>> -> memref<3136xf32, #tpu.memory_space<vmem_shared>>
      %dma_start3A_17 = tpu.memref_slice %arg9[%multiple_of3A] : memref<50176xf32, #tpu.memory_space<vmem_shared>> -> memref<3136xf32, #tpu.memory_space<vmem_shared>>
      tpu.enqueue_dma source(%dma_start3A_17 : memref<3136xf32, #tpu.memory_space<vmem_shared>>) target(%arg8 : memref<3136xf32, #tpu.memory_space<vmem>>) target_semaphore(%run_scoped3A : memref<!tpu.dma_semaphore, #tpu.memory_space<semaphore_mem>>)
      %dma_wait3A = tpu.memref_slice %arg9[%multiple_of3A] : memref<50176xf32, #tpu.memory_space<vmem_shared>> -> memref<3136xf32, #tpu.memory_space<vmem_shared>>
      %dma_wait3A_18 = tpu.memref_slice %arg9[%multiple_of3A] : memref<50176xf32, #tpu.memory_space<vmem_shared>> -> memref<3136xf32, #tpu.memory_space<vmem_shared>>
      tpu.wait_dma2 semaphore(%run_scoped3A : memref<!tpu.dma_semaphore, #tpu.memory_space<semaphore_mem>>) src(%dma_wait3A_18 : memref<3136xf32, #tpu.memory_space<vmem_shared>>) dst(%arg8 : memref<3136xf32, #tpu.memory_space<vmem>>)
      tpu.yield
    }) : () -> ()
    "tpu.region"() ({
      %run_scoped3A = tpu.sem_alloc : memref<!tpu.dma_semaphore, #tpu.memory_space<semaphore_mem>>
      %dma_start3A = tpu.memref_slice %arg5[%multiple_of3A_16] : memref<100352xf32, #tpu.memory_space<hbm>> -> memref<3136xf32, #tpu.memory_space<hbm>>
      %dma_start3A_17 = tpu.memref_slice %arg5[%multiple_of3A_16] : memref<100352xf32, #tpu.memory_space<hbm>> -> memref<3136xf32, #tpu.memory_space<hbm>>
      tpu.enqueue_dma source(%arg8 : memref<3136xf32, #tpu.memory_space<vmem>>) target(%dma_start3A_17 : memref<3136xf32, #tpu.memory_space<hbm>>) target_semaphore(%run_scoped3A : memref<!tpu.dma_semaphore, #tpu.memory_space<semaphore_mem>>)
      %dma_wait3A = tpu.memref_slice %arg5[%multiple_of3A_16] : memref<100352xf32, #tpu.memory_space<hbm>> -> memref<3136xf32, #tpu.memory_space<hbm>>
      %dma_wait3A_18 = tpu.memref_slice %arg5[%multiple_of3A_16] : memref<100352xf32, #tpu.memory_space<hbm>> -> memref<3136xf32, #tpu.memory_space<hbm>>
      tpu.wait_dma2 semaphore(%run_scoped3A : memref<!tpu.dma_semaphore, #tpu.memory_space<semaphore_mem>>) src(%arg8 : memref<3136xf32, #tpu.memory_space<vmem>>) dst(%dma_wait3A_18 : memref<3136xf32, #tpu.memory_space<hbm>>)
      tpu.yield
    }) : () -> ()
    return
  }
}

#map = affine_map<(d0, d1) -> (0, 0, 0)>
#map1 = affine_map<(d0, d1) -> (0, 0)>
module attributes {stable_mosaic.version = 14 : i64} {
  func.func @k(%arg0: i32, %arg1: i32, %arg2: memref<2x1600x512xi32, #tpu.memory_space<hbm>>, %arg3: memref<50176x16xf32, #tpu.memory_space<hbm>>, %arg4: memref<50176x16xf32, #tpu.memory_space<hbm>>, %arg5: memref<50176x16xf32, #tpu.memory_space<hbm>>, %arg6: memref<50176x16xf32, #tpu.memory_space<hbm>>, %arg7: memref<50176x16xf32, #tpu.memory_space<hbm>>, %arg8: memref<2x512xi32, #tpu.memory_space<vmem>>, %arg9: memref<2x512xi32, #tpu.memory_space<vmem>>, %arg10: memref<2x512x16xf32, #tpu.memory_space<vmem>>, %arg11: memref<3136x16xf32, #tpu.memory_space<vmem>>, %arg12: memref<50176x16xf32, #tpu.memory_space<vmem_shared>>, %arg13: memref<!tpu.dma_semaphore, #tpu.memory_space<semaphore_mem>>, %arg14: memref<!tpu.dma_semaphore, #tpu.memory_space<semaphore_mem>>) attributes {dimension_semantics = [#tpu.dimension_semantics<core_parallel>, #tpu.dimension_semantics<subcore_parallel>], iteration_bounds = array<i64: 2, 16>, scalar_prefetch = 0 : i64, scratch_operands = 7 : i64, tpu.core_type = #tpu.core_type<sc_vector_subcore>, window_params = [{transform_indices = #map}, {transform_indices = #map1}, {transform_indices = #map1}, {transform_indices = #map1}, {transform_indices = #map1}, {transform_indices = #map1}]} {
    %mul3A = arith.constant 3136 : i32
    %mul3A_0 = arith.muli %arg1, %mul3A : i32
    %multiple_of3A = tpu.assume_multiple %mul3A_0, 8 : i32
    "tpu.region"() ({
      %run_scoped3A = tpu.sem_alloc : memref<!tpu.dma_semaphore, #tpu.memory_space<semaphore_mem>>
      %dma_start3A = arith.constant 0 : i32
      %dma_start3A_16 = tpu.memref_slice %arg5[%multiple_of3A, %dma_start3A] : memref<50176x16xf32, #tpu.memory_space<hbm>> -> memref<3136x16xf32, #tpu.memory_space<hbm>>
      %dma_start3A_17 = arith.constant 0 : i32
      %dma_start3A_18 = tpu.memref_slice %arg5[%multiple_of3A, %dma_start3A_17] : memref<50176x16xf32, #tpu.memory_space<hbm>> -> memref<3136x16xf32, #tpu.memory_space<hbm>>
      tpu.enqueue_dma source(%dma_start3A_18 : memref<3136x16xf32, #tpu.memory_space<hbm>>) target(%arg11 : memref<3136x16xf32, #tpu.memory_space<vmem>>) target_semaphore(%run_scoped3A : memref<!tpu.dma_semaphore, #tpu.memory_space<semaphore_mem>>)
      %dma_wait3A = arith.constant 0 : i32
      %dma_wait3A_19 = tpu.memref_slice %arg5[%multiple_of3A, %dma_wait3A] : memref<50176x16xf32, #tpu.memory_space<hbm>> -> memref<3136x16xf32, #tpu.memory_space<hbm>>
      %dma_wait3A_20 = arith.constant 0 : i32
      %dma_wait3A_21 = tpu.memref_slice %arg5[%multiple_of3A, %dma_wait3A_20] : memref<50176x16xf32, #tpu.memory_space<hbm>> -> memref<3136x16xf32, #tpu.memory_space<hbm>>
      tpu.wait_dma2 semaphore(%run_scoped3A : memref<!tpu.dma_semaphore, #tpu.memory_space<semaphore_mem>>) src(%dma_wait3A_21 : memref<3136x16xf32, #tpu.memory_space<hbm>>) dst(%arg11 : memref<3136x16xf32, #tpu.memory_space<vmem>>)
      tpu.yield
    }) : () -> ()
    "tpu.region"() ({
      %run_scoped3A = tpu.sem_alloc : memref<!tpu.dma_semaphore, #tpu.memory_space<semaphore_mem>>
      %dma_start3A = arith.constant 0 : i32
      %dma_start3A_16 = tpu.memref_slice %arg12[%multiple_of3A, %dma_start3A] : memref<50176x16xf32, #tpu.memory_space<vmem_shared>> -> memref<3136x16xf32, #tpu.memory_space<vmem_shared>>
      %dma_start3A_17 = arith.constant 0 : i32
      %dma_start3A_18 = tpu.memref_slice %arg12[%multiple_of3A, %dma_start3A_17] : memref<50176x16xf32, #tpu.memory_space<vmem_shared>> -> memref<3136x16xf32, #tpu.memory_space<vmem_shared>>
      tpu.enqueue_dma source(%arg11 : memref<3136x16xf32, #tpu.memory_space<vmem>>) target(%dma_start3A_18 : memref<3136x16xf32, #tpu.memory_space<vmem_shared>>) target_semaphore(%run_scoped3A : memref<!tpu.dma_semaphore, #tpu.memory_space<semaphore_mem>>)
      %dma_wait3A = arith.constant 0 : i32
      %dma_wait3A_19 = tpu.memref_slice %arg12[%multiple_of3A, %dma_wait3A] : memref<50176x16xf32, #tpu.memory_space<vmem_shared>> -> memref<3136x16xf32, #tpu.memory_space<vmem_shared>>
      %dma_wait3A_20 = arith.constant 0 : i32
      %dma_wait3A_21 = tpu.memref_slice %arg12[%multiple_of3A, %dma_wait3A_20] : memref<50176x16xf32, #tpu.memory_space<vmem_shared>> -> memref<3136x16xf32, #tpu.memory_space<vmem_shared>>
      tpu.wait_dma2 semaphore(%run_scoped3A : memref<!tpu.dma_semaphore, #tpu.memory_space<semaphore_mem>>) src(%arg11 : memref<3136x16xf32, #tpu.memory_space<vmem>>) dst(%dma_wait3A_21 : memref<3136x16xf32, #tpu.memory_space<vmem_shared>>)
      tpu.yield
    }) : () -> ()
    %barrier3A = arith.constant 0 : index
    tpu.barrier barrier_id(%barrier3A)
    %mul3A_1 = arith.constant 100 : i32
    %mul3A_2 = arith.muli %arg1, %mul3A_1 : i32
    %scan3A = arith.constant 0 : i32
    %scan3A_3 = arith.constant 0 : i32
    %scan3A_4 = arith.constant 50 : i32
    %scan3A_5 = arith.addi %scan3A_3, %scan3A_4 : i32
    %scan3A_6 = arith.constant 1 : i32
    scf.for %scan3A_16 = %scan3A_3 to %scan3A_5 step %scan3A_6  : i32 {
      %mul3A_17 = arith.constant 2 : i32
      %mul3A_18 = arith.muli %scan3A_16, %mul3A_17 : i32
      %add3A = arith.addi %mul3A_2, %mul3A_18 : i32
      %multiple_of3A_19 = tpu.assume_multiple %add3A, 8 : i32
      %run_scoped3A = arith.constant 0 : i32
      "tpu.region"() ({
        %run_scoped3A_31 = tpu.sem_alloc : memref<!tpu.dma_semaphore, #tpu.memory_space<semaphore_mem>>
        %dma_start3A = arith.constant 0 : i32
        %dma_start3A_32 = tpu.memref_slice %arg2[%run_scoped3A, %multiple_of3A_19, %dma_start3A] : memref<2x1600x512xi32, #tpu.memory_space<hbm>> -> memref<1x2x512xi32, #tpu.memory_space<hbm>>
        %dma_start3A_33 = tpu.memref_squeeze %dma_start3A_32 : memref<1x2x512xi32, #tpu.memory_space<hbm>> -> memref<2x512xi32, #tpu.memory_space<hbm>>
        %dma_start3A_34 = arith.constant 0 : i32
        %dma_start3A_35 = tpu.memref_slice %arg2[%run_scoped3A, %multiple_of3A_19, %dma_start3A_34] : memref<2x1600x512xi32, #tpu.memory_space<hbm>> -> memref<1x2x512xi32, #tpu.memory_space<hbm>>
        %dma_start3A_36 = tpu.memref_squeeze %dma_start3A_35 : memref<1x2x512xi32, #tpu.memory_space<hbm>> -> memref<2x512xi32, #tpu.memory_space<hbm>>
        tpu.enqueue_dma source(%dma_start3A_36 : memref<2x512xi32, #tpu.memory_space<hbm>>) target(%arg8 : memref<2x512xi32, #tpu.memory_space<vmem>>) target_semaphore(%run_scoped3A_31 : memref<!tpu.dma_semaphore, #tpu.memory_space<semaphore_mem>>)
        %dma_wait3A = arith.constant 0 : i32
        %dma_wait3A_37 = tpu.memref_slice %arg2[%run_scoped3A, %multiple_of3A_19, %dma_wait3A] : memref<2x1600x512xi32, #tpu.memory_space<hbm>> -> memref<1x2x512xi32, #tpu.memory_space<hbm>>
        %dma_wait3A_38 = tpu.memref_squeeze %dma_wait3A_37 : memref<1x2x512xi32, #tpu.memory_space<hbm>> -> memref<2x512xi32, #tpu.memory_space<hbm>>
        %dma_wait3A_39 = arith.constant 0 : i32
        %dma_wait3A_40 = tpu.memref_slice %arg2[%run_scoped3A, %multiple_of3A_19, %dma_wait3A_39] : memref<2x1600x512xi32, #tpu.memory_space<hbm>> -> memref<1x2x512xi32, #tpu.memory_space<hbm>>
        %dma_wait3A_41 = tpu.memref_squeeze %dma_wait3A_40 : memref<1x2x512xi32, #tpu.memory_space<hbm>> -> memref<2x512xi32, #tpu.memory_space<hbm>>
        tpu.wait_dma2 semaphore(%run_scoped3A_31 : memref<!tpu.dma_semaphore, #tpu.memory_space<semaphore_mem>>) src(%dma_wait3A_41 : memref<2x512xi32, #tpu.memory_space<hbm>>) dst(%arg8 : memref<2x512xi32, #tpu.memory_space<vmem>>)
        tpu.yield
      }) : () -> ()
      %run_scoped3A_20 = arith.constant 1 : i32
      "tpu.region"() ({
        %run_scoped3A_31 = tpu.sem_alloc : memref<!tpu.dma_semaphore, #tpu.memory_space<semaphore_mem>>
        %dma_start3A = arith.constant 0 : i32
        %dma_start3A_32 = tpu.memref_slice %arg2[%run_scoped3A_20, %multiple_of3A_19, %dma_start3A] : memref<2x1600x512xi32, #tpu.memory_space<hbm>> -> memref<1x2x512xi32, #tpu.memory_space<hbm>>
        %dma_start3A_33 = tpu.memref_squeeze %dma_start3A_32 : memref<1x2x512xi32, #tpu.memory_space<hbm>> -> memref<2x512xi32, #tpu.memory_space<hbm>>
        %dma_start3A_34 = arith.constant 0 : i32
        %dma_start3A_35 = tpu.memref_slice %arg2[%run_scoped3A_20, %multiple_of3A_19, %dma_start3A_34] : memref<2x1600x512xi32, #tpu.memory_space<hbm>> -> memref<1x2x512xi32, #tpu.memory_space<hbm>>
        %dma_start3A_36 = tpu.memref_squeeze %dma_start3A_35 : memref<1x2x512xi32, #tpu.memory_space<hbm>> -> memref<2x512xi32, #tpu.memory_space<hbm>>
        tpu.enqueue_dma source(%dma_start3A_36 : memref<2x512xi32, #tpu.memory_space<hbm>>) target(%arg9 : memref<2x512xi32, #tpu.memory_space<vmem>>) target_semaphore(%run_scoped3A_31 : memref<!tpu.dma_semaphore, #tpu.memory_space<semaphore_mem>>)
        %dma_wait3A = arith.constant 0 : i32
        %dma_wait3A_37 = tpu.memref_slice %arg2[%run_scoped3A_20, %multiple_of3A_19, %dma_wait3A] : memref<2x1600x512xi32, #tpu.memory_space<hbm>> -> memref<1x2x512xi32, #tpu.memory_space<hbm>>
        %dma_wait3A_38 = tpu.memref_squeeze %dma_wait3A_37 : memref<1x2x512xi32, #tpu.memory_space<hbm>> -> memref<2x512xi32, #tpu.memory_space<hbm>>
        %dma_wait3A_39 = arith.constant 0 : i32
        %dma_wait3A_40 = tpu.memref_slice %arg2[%run_scoped3A_20, %multiple_of3A_19, %dma_wait3A_39] : memref<2x1600x512xi32, #tpu.memory_space<hbm>> -> memref<1x2x512xi32, #tpu.memory_space<hbm>>
        %dma_wait3A_41 = tpu.memref_squeeze %dma_wait3A_40 : memref<1x2x512xi32, #tpu.memory_space<hbm>> -> memref<2x512xi32, #tpu.memory_space<hbm>>
        tpu.wait_dma2 semaphore(%run_scoped3A_31 : memref<!tpu.dma_semaphore, #tpu.memory_space<semaphore_mem>>) src(%dma_wait3A_41 : memref<2x512xi32, #tpu.memory_space<hbm>>) dst(%arg9 : memref<2x512xi32, #tpu.memory_space<vmem>>)
        tpu.yield
      }) : () -> ()
      %eq3A_21 = arith.constant 0 : i32
      %eq3A_22 = arith.cmpi eq, %arg0, %eq3A_21 : i32
      %convert_element_type3A_23 = arith.extui %eq3A_22 : i1 to i32
      %cond3A_24 = arith.constant 0 : i32
      %cond3A_25 = arith.cmpi ne, %convert_element_type3A_23, %cond3A_24 : i32
      scf.if %cond3A_25 {
        %dma_start3A = arith.constant 0 : i32
        %dma_start3A_31 = arith.constant 0 : i32
        %dma_start3A_32 = arith.constant 0 : i32
        %dma_start3A_33 = arith.constant 0 : i32
        %dma_start3A_34 = tpu.memref_slice %arg10[%dma_start3A_31, %dma_start3A_32, %dma_start3A_33] : memref<2x512x16xf32, #tpu.memory_space<vmem>> -> memref<1x512x16xf32, #tpu.memory_space<vmem>>
        %dma_start3A_35 = tpu.memref_squeeze %dma_start3A_34 : memref<1x512x16xf32, #tpu.memory_space<vmem>> -> memref<512x16xf32, #tpu.memory_space<vmem>>
        %dma_start3A_36 = arith.constant 0 : i32
        %dma_start3A_37 = tpu.memref_slice %arg8[%dma_start3A, %dma_start3A_36] : memref<2x512xi32, #tpu.memory_space<vmem>> -> memref<1x512xi32, #tpu.memory_space<vmem>>
        %dma_start3A_38 = tpu.memref_squeeze %dma_start3A_37 : memref<1x512xi32, #tpu.memory_space<vmem>> -> memref<512xi32, #tpu.memory_space<vmem>>
        %dma_start3A_39 = arith.constant 0 : i32
        %dma_start3A_40 = arith.constant 0 : i32
        %dma_start3A_41 = tpu.memref_slice %arg3[%dma_start3A_39, %dma_start3A_40] : memref<50176x16xf32, #tpu.memory_space<hbm>> -> memref<50176x16xf32, #tpu.memory_space<hbm>>
        tpu.enqueue_indirect_dma source(%dma_start3A_41 : memref<50176x16xf32, #tpu.memory_space<hbm>>) target(%dma_start3A_35 : memref<512x16xf32, #tpu.memory_space<vmem>>) offsets(%dma_start3A_38 : memref<512xi32, #tpu.memory_space<vmem>>) semaphore(%arg13 : memref<!tpu.dma_semaphore, #tpu.memory_space<semaphore_mem>>)
        %dma_start3A_42 = arith.constant 1 : i32
        %dma_start3A_43 = arith.constant 1 : i32
        %dma_start3A_44 = arith.constant 0 : i32
        %dma_start3A_45 = arith.constant 0 : i32
        %dma_start3A_46 = tpu.memref_slice %arg10[%dma_start3A_43, %dma_start3A_44, %dma_start3A_45] : memref<2x512x16xf32, #tpu.memory_space<vmem>> -> memref<1x512x16xf32, #tpu.memory_space<vmem>>
        %dma_start3A_47 = tpu.memref_squeeze %dma_start3A_46 : memref<1x512x16xf32, #tpu.memory_space<vmem>> -> memref<512x16xf32, #tpu.memory_space<vmem>>
        %dma_start3A_48 = arith.constant 0 : i32
        %dma_start3A_49 = tpu.memref_slice %arg8[%dma_start3A_42, %dma_start3A_48] : memref<2x512xi32, #tpu.memory_space<vmem>> -> memref<1x512xi32, #tpu.memory_space<vmem>>
        %dma_start3A_50 = tpu.memref_squeeze %dma_start3A_49 : memref<1x512xi32, #tpu.memory_space<vmem>> -> memref<512xi32, #tpu.memory_space<vmem>>
        %dma_start3A_51 = arith.constant 0 : i32
        %dma_start3A_52 = arith.constant 0 : i32
        %dma_start3A_53 = tpu.memref_slice %arg3[%dma_start3A_51, %dma_start3A_52] : memref<50176x16xf32, #tpu.memory_space<hbm>> -> memref<50176x16xf32, #tpu.memory_space<hbm>>
        tpu.enqueue_indirect_dma source(%dma_start3A_53 : memref<50176x16xf32, #tpu.memory_space<hbm>>) target(%dma_start3A_47 : memref<512x16xf32, #tpu.memory_space<vmem>>) offsets(%dma_start3A_50 : memref<512xi32, #tpu.memory_space<vmem>>) semaphore(%arg13 : memref<!tpu.dma_semaphore, #tpu.memory_space<semaphore_mem>>)
        %dma_wait3A = arith.constant 0 : i32
        %dma_wait3A_54 = arith.constant 0 : i32
        %dma_wait3A_55 = arith.constant 0 : i32
        %dma_wait3A_56 = arith.constant 0 : i32
        %dma_wait3A_57 = tpu.memref_slice %arg10[%dma_wait3A_54, %dma_wait3A_55, %dma_wait3A_56] : memref<2x512x16xf32, #tpu.memory_space<vmem>> -> memref<1x512x16xf32, #tpu.memory_space<vmem>>
        %dma_wait3A_58 = tpu.memref_squeeze %dma_wait3A_57 : memref<1x512x16xf32, #tpu.memory_space<vmem>> -> memref<512x16xf32, #tpu.memory_space<vmem>>
        %dma_wait3A_59 = arith.constant 0 : i32
        %dma_wait3A_60 = tpu.memref_slice %arg8[%dma_wait3A, %dma_wait3A_59] : memref<2x512xi32, #tpu.memory_space<vmem>> -> memref<1x512xi32, #tpu.memory_space<vmem>>
        %dma_wait3A_61 = tpu.memref_squeeze %dma_wait3A_60 : memref<1x512xi32, #tpu.memory_space<vmem>> -> memref<512xi32, #tpu.memory_space<vmem>>
        %dma_wait3A_62 = arith.constant 0 : i32
        %dma_wait3A_63 = arith.constant 0 : i32
        %dma_wait3A_64 = tpu.memref_slice %arg3[%dma_wait3A_62, %dma_wait3A_63] : memref<50176x16xf32, #tpu.memory_space<hbm>> -> memref<50176x16xf32, #tpu.memory_space<hbm>>
        tpu.wait_indirect_dma semaphore(%arg13 : memref<!tpu.dma_semaphore, #tpu.memory_space<semaphore_mem>>) src(%dma_wait3A_64 : memref<50176x16xf32, #tpu.memory_space<hbm>>) dst(%dma_wait3A_58 : memref<512x16xf32, #tpu.memory_space<vmem>>)
        %dma_start3A_65 = arith.constant 0 : i32
        %dma_start3A_66 = arith.constant 0 : i32
        %dma_start3A_67 = arith.constant 0 : i32
        %dma_start3A_68 = arith.constant 0 : i32
        %dma_start3A_69 = tpu.memref_slice %arg10[%dma_start3A_65, %dma_start3A_67, %dma_start3A_68] : memref<2x512x16xf32, #tpu.memory_space<vmem>> -> memref<1x512x16xf32, #tpu.memory_space<vmem>>
        %dma_start3A_70 = tpu.memref_squeeze %dma_start3A_69 : memref<1x512x16xf32, #tpu.memory_space<vmem>> -> memref<512x16xf32, #tpu.memory_space<vmem>>
        %dma_start3A_71 = arith.constant 0 : i32
        %dma_start3A_72 = tpu.memref_slice %arg9[%dma_start3A_66, %dma_start3A_71] : memref<2x512xi32, #tpu.memory_space<vmem>> -> memref<1x512xi32, #tpu.memory_space<vmem>>
        %dma_start3A_73 = tpu.memref_squeeze %dma_start3A_72 : memref<1x512xi32, #tpu.memory_space<vmem>> -> memref<512xi32, #tpu.memory_space<vmem>>
        %dma_start3A_74 = arith.constant 0 : i32
        %dma_start3A_75 = arith.constant 0 : i32
        %dma_start3A_76 = tpu.memref_slice %arg12[%dma_start3A_74, %dma_start3A_75] : memref<50176x16xf32, #tpu.memory_space<vmem_shared>> -> memref<50176x16xf32, #tpu.memory_space<vmem_shared>>
        tpu.enqueue_indirect_dma source(%dma_start3A_70 : memref<512x16xf32, #tpu.memory_space<vmem>>) target(%dma_start3A_76 : memref<50176x16xf32, #tpu.memory_space<vmem_shared>>) offsets(%dma_start3A_73 : memref<512xi32, #tpu.memory_space<vmem>>) semaphore(%arg14 : memref<!tpu.dma_semaphore, #tpu.memory_space<semaphore_mem>>) {add = true}
        %dma_wait3A_77 = arith.constant 1 : i32
        %dma_wait3A_78 = arith.constant 1 : i32
        %dma_wait3A_79 = arith.constant 0 : i32
        %dma_wait3A_80 = arith.constant 0 : i32
        %dma_wait3A_81 = tpu.memref_slice %arg10[%dma_wait3A_78, %dma_wait3A_79, %dma_wait3A_80] : memref<2x512x16xf32, #tpu.memory_space<vmem>> -> memref<1x512x16xf32, #tpu.memory_space<vmem>>
        %dma_wait3A_82 = tpu.memref_squeeze %dma_wait3A_81 : memref<1x512x16xf32, #tpu.memory_space<vmem>> -> memref<512x16xf32, #tpu.memory_space<vmem>>
        %dma_wait3A_83 = arith.constant 0 : i32
        %dma_wait3A_84 = tpu.memref_slice %arg8[%dma_wait3A_77, %dma_wait3A_83] : memref<2x512xi32, #tpu.memory_space<vmem>> -> memref<1x512xi32, #tpu.memory_space<vmem>>
        %dma_wait3A_85 = tpu.memref_squeeze %dma_wait3A_84 : memref<1x512xi32, #tpu.memory_space<vmem>> -> memref<512xi32, #tpu.memory_space<vmem>>
        %dma_wait3A_86 = arith.constant 0 : i32
        %dma_wait3A_87 = arith.constant 0 : i32
        %dma_wait3A_88 = tpu.memref_slice %arg3[%dma_wait3A_86, %dma_wait3A_87] : memref<50176x16xf32, #tpu.memory_space<hbm>> -> memref<50176x16xf32, #tpu.memory_space<hbm>>
        tpu.wait_indirect_dma semaphore(%arg13 : memref<!tpu.dma_semaphore, #tpu.memory_space<semaphore_mem>>) src(%dma_wait3A_88 : memref<50176x16xf32, #tpu.memory_space<hbm>>) dst(%dma_wait3A_82 : memref<512x16xf32, #tpu.memory_space<vmem>>)
        %dma_start3A_89 = arith.constant 1 : i32
        %dma_start3A_90 = arith.constant 1 : i32
        %dma_start3A_91 = arith.constant 0 : i32
        %dma_start3A_92 = arith.constant 0 : i32
        %dma_start3A_93 = tpu.memref_slice %arg10[%dma_start3A_89, %dma_start3A_91, %dma_start3A_92] : memref<2x512x16xf32, #tpu.memory_space<vmem>> -> memref<1x512x16xf32, #tpu.memory_space<vmem>>
        %dma_start3A_94 = tpu.memref_squeeze %dma_start3A_93 : memref<1x512x16xf32, #tpu.memory_space<vmem>> -> memref<512x16xf32, #tpu.memory_space<vmem>>
        %dma_start3A_95 = arith.constant 0 : i32
        %dma_start3A_96 = tpu.memref_slice %arg9[%dma_start3A_90, %dma_start3A_95] : memref<2x512xi32, #tpu.memory_space<vmem>> -> memref<1x512xi32, #tpu.memory_space<vmem>>
        %dma_start3A_97 = tpu.memref_squeeze %dma_start3A_96 : memref<1x512xi32, #tpu.memory_space<vmem>> -> memref<512xi32, #tpu.memory_space<vmem>>
        %dma_start3A_98 = arith.constant 0 : i32
        %dma_start3A_99 = arith.constant 0 : i32
        %dma_start3A_100 = tpu.memref_slice %arg12[%dma_start3A_98, %dma_start3A_99] : memref<50176x16xf32, #tpu.memory_space<vmem_shared>> -> memref<50176x16xf32, #tpu.memory_space<vmem_shared>>
        tpu.enqueue_indirect_dma source(%dma_start3A_94 : memref<512x16xf32, #tpu.memory_space<vmem>>) target(%dma_start3A_100 : memref<50176x16xf32, #tpu.memory_space<vmem_shared>>) offsets(%dma_start3A_97 : memref<512xi32, #tpu.memory_space<vmem>>) semaphore(%arg14 : memref<!tpu.dma_semaphore, #tpu.memory_space<semaphore_mem>>) {add = true}
        %dma_wait3A_101 = arith.constant 0 : i32
        %dma_wait3A_102 = arith.constant 0 : i32
        %dma_wait3A_103 = arith.constant 0 : i32
        %dma_wait3A_104 = arith.constant 0 : i32
        %dma_wait3A_105 = tpu.memref_slice %arg10[%dma_wait3A_101, %dma_wait3A_103, %dma_wait3A_104] : memref<2x512x16xf32, #tpu.memory_space<vmem>> -> memref<1x512x16xf32, #tpu.memory_space<vmem>>
        %dma_wait3A_106 = tpu.memref_squeeze %dma_wait3A_105 : memref<1x512x16xf32, #tpu.memory_space<vmem>> -> memref<512x16xf32, #tpu.memory_space<vmem>>
        %dma_wait3A_107 = arith.constant 0 : i32
        %dma_wait3A_108 = tpu.memref_slice %arg9[%dma_wait3A_102, %dma_wait3A_107] : memref<2x512xi32, #tpu.memory_space<vmem>> -> memref<1x512xi32, #tpu.memory_space<vmem>>
        %dma_wait3A_109 = tpu.memref_squeeze %dma_wait3A_108 : memref<1x512xi32, #tpu.memory_space<vmem>> -> memref<512xi32, #tpu.memory_space<vmem>>
        %dma_wait3A_110 = arith.constant 0 : i32
        %dma_wait3A_111 = arith.constant 0 : i32
        %dma_wait3A_112 = tpu.memref_slice %arg12[%dma_wait3A_110, %dma_wait3A_111] : memref<50176x16xf32, #tpu.memory_space<vmem_shared>> -> memref<50176x16xf32, #tpu.memory_space<vmem_shared>>
        tpu.wait_indirect_dma semaphore(%arg14 : memref<!tpu.dma_semaphore, #tpu.memory_space<semaphore_mem>>) src(%dma_wait3A_106 : memref<512x16xf32, #tpu.memory_space<vmem>>) dst(%dma_wait3A_112 : memref<50176x16xf32, #tpu.memory_space<vmem_shared>>)
        %dma_wait3A_113 = arith.constant 1 : i32
        %dma_wait3A_114 = arith.constant 1 : i32
        %dma_wait3A_115 = arith.constant 0 : i32
        %dma_wait3A_116 = arith.constant 0 : i32
        %dma_wait3A_117 = tpu.memref_slice %arg10[%dma_wait3A_113, %dma_wait3A_115, %dma_wait3A_116] : memref<2x512x16xf32, #tpu.memory_space<vmem>> -> memref<1x512x16xf32, #tpu.memory_space<vmem>>
        %dma_wait3A_118 = tpu.memref_squeeze %dma_wait3A_117 : memref<1x512x16xf32, #tpu.memory_space<vmem>> -> memref<512x16xf32, #tpu.memory_space<vmem>>
        %dma_wait3A_119 = arith.constant 0 : i32
        %dma_wait3A_120 = tpu.memref_slice %arg9[%dma_wait3A_114, %dma_wait3A_119] : memref<2x512xi32, #tpu.memory_space<vmem>> -> memref<1x512xi32, #tpu.memory_space<vmem>>
        %dma_wait3A_121 = tpu.memref_squeeze %dma_wait3A_120 : memref<1x512xi32, #tpu.memory_space<vmem>> -> memref<512xi32, #tpu.memory_space<vmem>>
        %dma_wait3A_122 = arith.constant 0 : i32
        %dma_wait3A_123 = arith.constant 0 : i32
        %dma_wait3A_124 = tpu.memref_slice %arg12[%dma_wait3A_122, %dma_wait3A_123] : memref<50176x16xf32, #tpu.memory_space<vmem_shared>> -> memref<50176x16xf32, #tpu.memory_space<vmem_shared>>
        tpu.wait_indirect_dma semaphore(%arg14 : memref<!tpu.dma_semaphore, #tpu.memory_space<semaphore_mem>>) src(%dma_wait3A_118 : memref<512x16xf32, #tpu.memory_space<vmem>>) dst(%dma_wait3A_124 : memref<50176x16xf32, #tpu.memory_space<vmem_shared>>)
      } else {
      }
      %eq3A_26 = arith.constant 1 : i32
      %eq3A_27 = arith.cmpi eq, %arg0, %eq3A_26 : i32
      %convert_element_type3A_28 = arith.extui %eq3A_27 : i1 to i32
      %cond3A_29 = arith.constant 0 : i32
      %cond3A_30 = arith.cmpi ne, %convert_element_type3A_28, %cond3A_29 : i32
      scf.if %cond3A_30 {
        %dma_start3A = arith.constant 0 : i32
        %dma_start3A_31 = arith.constant 0 : i32
        %dma_start3A_32 = arith.constant 0 : i32
        %dma_start3A_33 = arith.constant 0 : i32
        %dma_start3A_34 = tpu.memref_slice %arg10[%dma_start3A_31, %dma_start3A_32, %dma_start3A_33] : memref<2x512x16xf32, #tpu.memory_space<vmem>> -> memref<1x512x16xf32, #tpu.memory_space<vmem>>
        %dma_start3A_35 = tpu.memref_squeeze %dma_start3A_34 : memref<1x512x16xf32, #tpu.memory_space<vmem>> -> memref<512x16xf32, #tpu.memory_space<vmem>>
        %dma_start3A_36 = arith.constant 0 : i32
        %dma_start3A_37 = tpu.memref_slice %arg8[%dma_start3A, %dma_start3A_36] : memref<2x512xi32, #tpu.memory_space<vmem>> -> memref<1x512xi32, #tpu.memory_space<vmem>>
        %dma_start3A_38 = tpu.memref_squeeze %dma_start3A_37 : memref<1x512xi32, #tpu.memory_space<vmem>> -> memref<512xi32, #tpu.memory_space<vmem>>
        %dma_start3A_39 = arith.constant 0 : i32
        %dma_start3A_40 = arith.constant 0 : i32
        %dma_start3A_41 = tpu.memref_slice %arg4[%dma_start3A_39, %dma_start3A_40] : memref<50176x16xf32, #tpu.memory_space<hbm>> -> memref<50176x16xf32, #tpu.memory_space<hbm>>
        tpu.enqueue_indirect_dma source(%dma_start3A_41 : memref<50176x16xf32, #tpu.memory_space<hbm>>) target(%dma_start3A_35 : memref<512x16xf32, #tpu.memory_space<vmem>>) offsets(%dma_start3A_38 : memref<512xi32, #tpu.memory_space<vmem>>) semaphore(%arg13 : memref<!tpu.dma_semaphore, #tpu.memory_space<semaphore_mem>>)
        %dma_start3A_42 = arith.constant 1 : i32
        %dma_start3A_43 = arith.constant 1 : i32
        %dma_start3A_44 = arith.constant 0 : i32
        %dma_start3A_45 = arith.constant 0 : i32
        %dma_start3A_46 = tpu.memref_slice %arg10[%dma_start3A_43, %dma_start3A_44, %dma_start3A_45] : memref<2x512x16xf32, #tpu.memory_space<vmem>> -> memref<1x512x16xf32, #tpu.memory_space<vmem>>
        %dma_start3A_47 = tpu.memref_squeeze %dma_start3A_46 : memref<1x512x16xf32, #tpu.memory_space<vmem>> -> memref<512x16xf32, #tpu.memory_space<vmem>>
        %dma_start3A_48 = arith.constant 0 : i32
        %dma_start3A_49 = tpu.memref_slice %arg8[%dma_start3A_42, %dma_start3A_48] : memref<2x512xi32, #tpu.memory_space<vmem>> -> memref<1x512xi32, #tpu.memory_space<vmem>>
        %dma_start3A_50 = tpu.memref_squeeze %dma_start3A_49 : memref<1x512xi32, #tpu.memory_space<vmem>> -> memref<512xi32, #tpu.memory_space<vmem>>
        %dma_start3A_51 = arith.constant 0 : i32
        %dma_start3A_52 = arith.constant 0 : i32
        %dma_start3A_53 = tpu.memref_slice %arg4[%dma_start3A_51, %dma_start3A_52] : memref<50176x16xf32, #tpu.memory_space<hbm>> -> memref<50176x16xf32, #tpu.memory_space<hbm>>
        tpu.enqueue_indirect_dma source(%dma_start3A_53 : memref<50176x16xf32, #tpu.memory_space<hbm>>) target(%dma_start3A_47 : memref<512x16xf32, #tpu.memory_space<vmem>>) offsets(%dma_start3A_50 : memref<512xi32, #tpu.memory_space<vmem>>) semaphore(%arg13 : memref<!tpu.dma_semaphore, #tpu.memory_space<semaphore_mem>>)
        %dma_wait3A = arith.constant 0 : i32
        %dma_wait3A_54 = arith.constant 0 : i32
        %dma_wait3A_55 = arith.constant 0 : i32
        %dma_wait3A_56 = arith.constant 0 : i32
        %dma_wait3A_57 = tpu.memref_slice %arg10[%dma_wait3A_54, %dma_wait3A_55, %dma_wait3A_56] : memref<2x512x16xf32, #tpu.memory_space<vmem>> -> memref<1x512x16xf32, #tpu.memory_space<vmem>>
        %dma_wait3A_58 = tpu.memref_squeeze %dma_wait3A_57 : memref<1x512x16xf32, #tpu.memory_space<vmem>> -> memref<512x16xf32, #tpu.memory_space<vmem>>
        %dma_wait3A_59 = arith.constant 0 : i32
        %dma_wait3A_60 = tpu.memref_slice %arg8[%dma_wait3A, %dma_wait3A_59] : memref<2x512xi32, #tpu.memory_space<vmem>> -> memref<1x512xi32, #tpu.memory_space<vmem>>
        %dma_wait3A_61 = tpu.memref_squeeze %dma_wait3A_60 : memref<1x512xi32, #tpu.memory_space<vmem>> -> memref<512xi32, #tpu.memory_space<vmem>>
        %dma_wait3A_62 = arith.constant 0 : i32
        %dma_wait3A_63 = arith.constant 0 : i32
        %dma_wait3A_64 = tpu.memref_slice %arg4[%dma_wait3A_62, %dma_wait3A_63] : memref<50176x16xf32, #tpu.memory_space<hbm>> -> memref<50176x16xf32, #tpu.memory_space<hbm>>
        tpu.wait_indirect_dma semaphore(%arg13 : memref<!tpu.dma_semaphore, #tpu.memory_space<semaphore_mem>>) src(%dma_wait3A_64 : memref<50176x16xf32, #tpu.memory_space<hbm>>) dst(%dma_wait3A_58 : memref<512x16xf32, #tpu.memory_space<vmem>>)
        %dma_start3A_65 = arith.constant 0 : i32
        %dma_start3A_66 = arith.constant 0 : i32
        %dma_start3A_67 = arith.constant 0 : i32
        %dma_start3A_68 = arith.constant 0 : i32
        %dma_start3A_69 = tpu.memref_slice %arg10[%dma_start3A_65, %dma_start3A_67, %dma_start3A_68] : memref<2x512x16xf32, #tpu.memory_space<vmem>> -> memref<1x512x16xf32, #tpu.memory_space<vmem>>
        %dma_start3A_70 = tpu.memref_squeeze %dma_start3A_69 : memref<1x512x16xf32, #tpu.memory_space<vmem>> -> memref<512x16xf32, #tpu.memory_space<vmem>>
        %dma_start3A_71 = arith.constant 0 : i32
        %dma_start3A_72 = tpu.memref_slice %arg9[%dma_start3A_66, %dma_start3A_71] : memref<2x512xi32, #tpu.memory_space<vmem>> -> memref<1x512xi32, #tpu.memory_space<vmem>>
        %dma_start3A_73 = tpu.memref_squeeze %dma_start3A_72 : memref<1x512xi32, #tpu.memory_space<vmem>> -> memref<512xi32, #tpu.memory_space<vmem>>
        %dma_start3A_74 = arith.constant 0 : i32
        %dma_start3A_75 = arith.constant 0 : i32
        %dma_start3A_76 = tpu.memref_slice %arg12[%dma_start3A_74, %dma_start3A_75] : memref<50176x16xf32, #tpu.memory_space<vmem_shared>> -> memref<50176x16xf32, #tpu.memory_space<vmem_shared>>
        tpu.enqueue_indirect_dma source(%dma_start3A_70 : memref<512x16xf32, #tpu.memory_space<vmem>>) target(%dma_start3A_76 : memref<50176x16xf32, #tpu.memory_space<vmem_shared>>) offsets(%dma_start3A_73 : memref<512xi32, #tpu.memory_space<vmem>>) semaphore(%arg14 : memref<!tpu.dma_semaphore, #tpu.memory_space<semaphore_mem>>) {add = true}
        %dma_wait3A_77 = arith.constant 1 : i32
        %dma_wait3A_78 = arith.constant 1 : i32
        %dma_wait3A_79 = arith.constant 0 : i32
        %dma_wait3A_80 = arith.constant 0 : i32
        %dma_wait3A_81 = tpu.memref_slice %arg10[%dma_wait3A_78, %dma_wait3A_79, %dma_wait3A_80] : memref<2x512x16xf32, #tpu.memory_space<vmem>> -> memref<1x512x16xf32, #tpu.memory_space<vmem>>
        %dma_wait3A_82 = tpu.memref_squeeze %dma_wait3A_81 : memref<1x512x16xf32, #tpu.memory_space<vmem>> -> memref<512x16xf32, #tpu.memory_space<vmem>>
        %dma_wait3A_83 = arith.constant 0 : i32
        %dma_wait3A_84 = tpu.memref_slice %arg8[%dma_wait3A_77, %dma_wait3A_83] : memref<2x512xi32, #tpu.memory_space<vmem>> -> memref<1x512xi32, #tpu.memory_space<vmem>>
        %dma_wait3A_85 = tpu.memref_squeeze %dma_wait3A_84 : memref<1x512xi32, #tpu.memory_space<vmem>> -> memref<512xi32, #tpu.memory_space<vmem>>
        %dma_wait3A_86 = arith.constant 0 : i32
        %dma_wait3A_87 = arith.constant 0 : i32
        %dma_wait3A_88 = tpu.memref_slice %arg4[%dma_wait3A_86, %dma_wait3A_87] : memref<50176x16xf32, #tpu.memory_space<hbm>> -> memref<50176x16xf32, #tpu.memory_space<hbm>>
        tpu.wait_indirect_dma semaphore(%arg13 : memref<!tpu.dma_semaphore, #tpu.memory_space<semaphore_mem>>) src(%dma_wait3A_88 : memref<50176x16xf32, #tpu.memory_space<hbm>>) dst(%dma_wait3A_82 : memref<512x16xf32, #tpu.memory_space<vmem>>)
        %dma_start3A_89 = arith.constant 1 : i32
        %dma_start3A_90 = arith.constant 1 : i32
        %dma_start3A_91 = arith.constant 0 : i32
        %dma_start3A_92 = arith.constant 0 : i32
        %dma_start3A_93 = tpu.memref_slice %arg10[%dma_start3A_89, %dma_start3A_91, %dma_start3A_92] : memref<2x512x16xf32, #tpu.memory_space<vmem>> -> memref<1x512x16xf32, #tpu.memory_space<vmem>>
        %dma_start3A_94 = tpu.memref_squeeze %dma_start3A_93 : memref<1x512x16xf32, #tpu.memory_space<vmem>> -> memref<512x16xf32, #tpu.memory_space<vmem>>
        %dma_start3A_95 = arith.constant 0 : i32
        %dma_start3A_96 = tpu.memref_slice %arg9[%dma_start3A_90, %dma_start3A_95] : memref<2x512xi32, #tpu.memory_space<vmem>> -> memref<1x512xi32, #tpu.memory_space<vmem>>
        %dma_start3A_97 = tpu.memref_squeeze %dma_start3A_96 : memref<1x512xi32, #tpu.memory_space<vmem>> -> memref<512xi32, #tpu.memory_space<vmem>>
        %dma_start3A_98 = arith.constant 0 : i32
        %dma_start3A_99 = arith.constant 0 : i32
        %dma_start3A_100 = tpu.memref_slice %arg12[%dma_start3A_98, %dma_start3A_99] : memref<50176x16xf32, #tpu.memory_space<vmem_shared>> -> memref<50176x16xf32, #tpu.memory_space<vmem_shared>>
        tpu.enqueue_indirect_dma source(%dma_start3A_94 : memref<512x16xf32, #tpu.memory_space<vmem>>) target(%dma_start3A_100 : memref<50176x16xf32, #tpu.memory_space<vmem_shared>>) offsets(%dma_start3A_97 : memref<512xi32, #tpu.memory_space<vmem>>) semaphore(%arg14 : memref<!tpu.dma_semaphore, #tpu.memory_space<semaphore_mem>>) {add = true}
        %dma_wait3A_101 = arith.constant 0 : i32
        %dma_wait3A_102 = arith.constant 0 : i32
        %dma_wait3A_103 = arith.constant 0 : i32
        %dma_wait3A_104 = arith.constant 0 : i32
        %dma_wait3A_105 = tpu.memref_slice %arg10[%dma_wait3A_101, %dma_wait3A_103, %dma_wait3A_104] : memref<2x512x16xf32, #tpu.memory_space<vmem>> -> memref<1x512x16xf32, #tpu.memory_space<vmem>>
        %dma_wait3A_106 = tpu.memref_squeeze %dma_wait3A_105 : memref<1x512x16xf32, #tpu.memory_space<vmem>> -> memref<512x16xf32, #tpu.memory_space<vmem>>
        %dma_wait3A_107 = arith.constant 0 : i32
        %dma_wait3A_108 = tpu.memref_slice %arg9[%dma_wait3A_102, %dma_wait3A_107] : memref<2x512xi32, #tpu.memory_space<vmem>> -> memref<1x512xi32, #tpu.memory_space<vmem>>
        %dma_wait3A_109 = tpu.memref_squeeze %dma_wait3A_108 : memref<1x512xi32, #tpu.memory_space<vmem>> -> memref<512xi32, #tpu.memory_space<vmem>>
        %dma_wait3A_110 = arith.constant 0 : i32
        %dma_wait3A_111 = arith.constant 0 : i32
        %dma_wait3A_112 = tpu.memref_slice %arg12[%dma_wait3A_110, %dma_wait3A_111] : memref<50176x16xf32, #tpu.memory_space<vmem_shared>> -> memref<50176x16xf32, #tpu.memory_space<vmem_shared>>
        tpu.wait_indirect_dma semaphore(%arg14 : memref<!tpu.dma_semaphore, #tpu.memory_space<semaphore_mem>>) src(%dma_wait3A_106 : memref<512x16xf32, #tpu.memory_space<vmem>>) dst(%dma_wait3A_112 : memref<50176x16xf32, #tpu.memory_space<vmem_shared>>)
        %dma_wait3A_113 = arith.constant 1 : i32
        %dma_wait3A_114 = arith.constant 1 : i32
        %dma_wait3A_115 = arith.constant 0 : i32
        %dma_wait3A_116 = arith.constant 0 : i32
        %dma_wait3A_117 = tpu.memref_slice %arg10[%dma_wait3A_113, %dma_wait3A_115, %dma_wait3A_116] : memref<2x512x16xf32, #tpu.memory_space<vmem>> -> memref<1x512x16xf32, #tpu.memory_space<vmem>>
        %dma_wait3A_118 = tpu.memref_squeeze %dma_wait3A_117 : memref<1x512x16xf32, #tpu.memory_space<vmem>> -> memref<512x16xf32, #tpu.memory_space<vmem>>
        %dma_wait3A_119 = arith.constant 0 : i32
        %dma_wait3A_120 = tpu.memref_slice %arg9[%dma_wait3A_114, %dma_wait3A_119] : memref<2x512xi32, #tpu.memory_space<vmem>> -> memref<1x512xi32, #tpu.memory_space<vmem>>
        %dma_wait3A_121 = tpu.memref_squeeze %dma_wait3A_120 : memref<1x512xi32, #tpu.memory_space<vmem>> -> memref<512xi32, #tpu.memory_space<vmem>>
        %dma_wait3A_122 = arith.constant 0 : i32
        %dma_wait3A_123 = arith.constant 0 : i32
        %dma_wait3A_124 = tpu.memref_slice %arg12[%dma_wait3A_122, %dma_wait3A_123] : memref<50176x16xf32, #tpu.memory_space<vmem_shared>> -> memref<50176x16xf32, #tpu.memory_space<vmem_shared>>
        tpu.wait_indirect_dma semaphore(%arg14 : memref<!tpu.dma_semaphore, #tpu.memory_space<semaphore_mem>>) src(%dma_wait3A_118 : memref<512x16xf32, #tpu.memory_space<vmem>>) dst(%dma_wait3A_124 : memref<50176x16xf32, #tpu.memory_space<vmem_shared>>)
      } else {
      }
    }
    %scan3A_7 = arith.constant 50 : i32
    %barrier3A_8 = arith.constant 0 : index
    tpu.barrier barrier_id(%barrier3A_8)
    "tpu.region"() ({
      %run_scoped3A = tpu.sem_alloc : memref<!tpu.dma_semaphore, #tpu.memory_space<semaphore_mem>>
      %dma_start3A = arith.constant 0 : i32
      %dma_start3A_16 = tpu.memref_slice %arg12[%multiple_of3A, %dma_start3A] : memref<50176x16xf32, #tpu.memory_space<vmem_shared>> -> memref<3136x16xf32, #tpu.memory_space<vmem_shared>>
      %dma_start3A_17 = arith.constant 0 : i32
      %dma_start3A_18 = tpu.memref_slice %arg12[%multiple_of3A, %dma_start3A_17] : memref<50176x16xf32, #tpu.memory_space<vmem_shared>> -> memref<3136x16xf32, #tpu.memory_space<vmem_shared>>
      tpu.enqueue_dma source(%dma_start3A_18 : memref<3136x16xf32, #tpu.memory_space<vmem_shared>>) target(%arg11 : memref<3136x16xf32, #tpu.memory_space<vmem>>) target_semaphore(%run_scoped3A : memref<!tpu.dma_semaphore, #tpu.memory_space<semaphore_mem>>)
      %dma_wait3A = arith.constant 0 : i32
      %dma_wait3A_19 = tpu.memref_slice %arg12[%multiple_of3A, %dma_wait3A] : memref<50176x16xf32, #tpu.memory_space<vmem_shared>> -> memref<3136x16xf32, #tpu.memory_space<vmem_shared>>
      %dma_wait3A_20 = arith.constant 0 : i32
      %dma_wait3A_21 = tpu.memref_slice %arg12[%multiple_of3A, %dma_wait3A_20] : memref<50176x16xf32, #tpu.memory_space<vmem_shared>> -> memref<3136x16xf32, #tpu.memory_space<vmem_shared>>
      tpu.wait_dma2 semaphore(%run_scoped3A : memref<!tpu.dma_semaphore, #tpu.memory_space<semaphore_mem>>) src(%dma_wait3A_21 : memref<3136x16xf32, #tpu.memory_space<vmem_shared>>) dst(%arg11 : memref<3136x16xf32, #tpu.memory_space<vmem>>)
      tpu.yield
    }) : () -> ()
    %eq3A = arith.constant 0 : i32
    %eq3A_9 = arith.cmpi eq, %arg0, %eq3A : i32
    %convert_element_type3A = arith.extui %eq3A_9 : i1 to i32
    %cond3A = arith.constant 0 : i32
    %cond3A_10 = arith.cmpi ne, %convert_element_type3A, %cond3A : i32
    scf.if %cond3A_10 {
      "tpu.region"() ({
        %run_scoped3A = tpu.sem_alloc : memref<!tpu.dma_semaphore, #tpu.memory_space<semaphore_mem>>
        %dma_start3A = arith.constant 0 : i32
        %dma_start3A_16 = tpu.memref_slice %arg6[%multiple_of3A, %dma_start3A] : memref<50176x16xf32, #tpu.memory_space<hbm>> -> memref<3136x16xf32, #tpu.memory_space<hbm>>
        %dma_start3A_17 = arith.constant 0 : i32
        %dma_start3A_18 = tpu.memref_slice %arg6[%multiple_of3A, %dma_start3A_17] : memref<50176x16xf32, #tpu.memory_space<hbm>> -> memref<3136x16xf32, #tpu.memory_space<hbm>>
        tpu.enqueue_dma source(%arg11 : memref<3136x16xf32, #tpu.memory_space<vmem>>) target(%dma_start3A_18 : memref<3136x16xf32, #tpu.memory_space<hbm>>) target_semaphore(%run_scoped3A : memref<!tpu.dma_semaphore, #tpu.memory_space<semaphore_mem>>)
        %dma_wait3A = arith.constant 0 : i32
        %dma_wait3A_19 = tpu.memref_slice %arg6[%multiple_of3A, %dma_wait3A] : memref<50176x16xf32, #tpu.memory_space<hbm>> -> memref<3136x16xf32, #tpu.memory_space<hbm>>
        %dma_wait3A_20 = arith.constant 0 : i32
        %dma_wait3A_21 = tpu.memref_slice %arg6[%multiple_of3A, %dma_wait3A_20] : memref<50176x16xf32, #tpu.memory_space<hbm>> -> memref<3136x16xf32, #tpu.memory_space<hbm>>
        tpu.wait_dma2 semaphore(%run_scoped3A : memref<!tpu.dma_semaphore, #tpu.memory_space<semaphore_mem>>) src(%arg11 : memref<3136x16xf32, #tpu.memory_space<vmem>>) dst(%dma_wait3A_21 : memref<3136x16xf32, #tpu.memory_space<hbm>>)
        tpu.yield
      }) : () -> ()
    } else {
    }
    %eq3A_11 = arith.constant 1 : i32
    %eq3A_12 = arith.cmpi eq, %arg0, %eq3A_11 : i32
    %convert_element_type3A_13 = arith.extui %eq3A_12 : i1 to i32
    %cond3A_14 = arith.constant 0 : i32
    %cond3A_15 = arith.cmpi ne, %convert_element_type3A_13, %cond3A_14 : i32
    scf.if %cond3A_15 {
      "tpu.region"() ({
        %run_scoped3A = tpu.sem_alloc : memref<!tpu.dma_semaphore, #tpu.memory_space<semaphore_mem>>
        %dma_start3A = arith.constant 0 : i32
        %dma_start3A_16 = tpu.memref_slice %arg7[%multiple_of3A, %dma_start3A] : memref<50176x16xf32, #tpu.memory_space<hbm>> -> memref<3136x16xf32, #tpu.memory_space<hbm>>
        %dma_start3A_17 = arith.constant 0 : i32
        %dma_start3A_18 = tpu.memref_slice %arg7[%multiple_of3A, %dma_start3A_17] : memref<50176x16xf32, #tpu.memory_space<hbm>> -> memref<3136x16xf32, #tpu.memory_space<hbm>>
        tpu.enqueue_dma source(%arg11 : memref<3136x16xf32, #tpu.memory_space<vmem>>) target(%dma_start3A_18 : memref<3136x16xf32, #tpu.memory_space<hbm>>) target_semaphore(%run_scoped3A : memref<!tpu.dma_semaphore, #tpu.memory_space<semaphore_mem>>)
        %dma_wait3A = arith.constant 0 : i32
        %dma_wait3A_19 = tpu.memref_slice %arg7[%multiple_of3A, %dma_wait3A] : memref<50176x16xf32, #tpu.memory_space<hbm>> -> memref<3136x16xf32, #tpu.memory_space<hbm>>
        %dma_wait3A_20 = arith.constant 0 : i32
        %dma_wait3A_21 = tpu.memref_slice %arg7[%multiple_of3A, %dma_wait3A_20] : memref<50176x16xf32, #tpu.memory_space<hbm>> -> memref<3136x16xf32, #tpu.memory_space<hbm>>
        tpu.wait_dma2 semaphore(%run_scoped3A : memref<!tpu.dma_semaphore, #tpu.memory_space<semaphore_mem>>) src(%arg11 : memref<3136x16xf32, #tpu.memory_space<vmem>>) dst(%dma_wait3A_21 : memref<3136x16xf32, #tpu.memory_space<hbm>>)
        tpu.yield
      }) : () -> ()
    } else {
    }
    return
  }
}

#map = affine_map<(d0, d1) -> (0, 0, 0)>
#map1 = affine_map<(d0, d1) -> (0)>
module attributes {stable_mosaic.version = 14 : i64} {
  func.func @k(%arg0: i32, %arg1: i32, %arg2: memref<2x1600x512xi32, #tpu.memory_space<hbm>>, %arg3: memref<50176xf32, #tpu.memory_space<hbm>>, %arg4: memref<50176xf32, #tpu.memory_space<hbm>>, %arg5: memref<100352xf32, #tpu.memory_space<hbm>>, %arg6: memref<5x512xi32, #tpu.memory_space<vmem>>, %arg7: memref<50176xf32, #tpu.memory_space<vmem>>, %arg8: memref<5x512xi32, #tpu.memory_space<vmem>>, %arg9: memref<5x512xf32, #tpu.memory_space<vmem>>, %arg10: memref<3136xf32, #tpu.memory_space<vmem>>, %arg11: memref<50176xf32, #tpu.memory_space<vmem_shared>>, %arg12: memref<!tpu.dma_semaphore, #tpu.memory_space<semaphore_mem>>) attributes {dimension_semantics = [#tpu.dimension_semantics<core_parallel>, #tpu.dimension_semantics<subcore_parallel>], iteration_bounds = array<i64: 2, 16>, scalar_prefetch = 0 : i64, scratch_operands = 7 : i64, tpu.core_type = #tpu.core_type<sc_vector_subcore>, window_params = [{transform_indices = #map}, {transform_indices = #map1}, {transform_indices = #map1}, {transform_indices = #map1}]} {
    %mul3A = arith.constant 16 : i32
    %mul3A_0 = arith.muli %arg0, %mul3A : i32
    %add3A = arith.addi %mul3A_0, %arg1 : i32
    %mul3A_1 = arith.constant 3136 : i32
    %mul3A_2 = arith.muli %arg1, %mul3A_1 : i32
    %multiple_of3A = tpu.assume_multiple %mul3A_2, 8 : i32
    "tpu.region"() ({
      %run_scoped3A = tpu.sem_alloc : memref<!tpu.dma_semaphore, #tpu.memory_space<semaphore_mem>>
      %dma_start3A = tpu.memref_slice %arg4[%multiple_of3A] : memref<50176xf32, #tpu.memory_space<hbm>> -> memref<3136xf32, #tpu.memory_space<hbm>>
      %dma_start3A_17 = tpu.memref_slice %arg4[%multiple_of3A] : memref<50176xf32, #tpu.memory_space<hbm>> -> memref<3136xf32, #tpu.memory_space<hbm>>
      tpu.enqueue_dma source(%dma_start3A_17 : memref<3136xf32, #tpu.memory_space<hbm>>) target(%arg10 : memref<3136xf32, #tpu.memory_space<vmem>>) target_semaphore(%run_scoped3A : memref<!tpu.dma_semaphore, #tpu.memory_space<semaphore_mem>>)
      %dma_wait3A = tpu.memref_slice %arg4[%multiple_of3A] : memref<50176xf32, #tpu.memory_space<hbm>> -> memref<3136xf32, #tpu.memory_space<hbm>>
      %dma_wait3A_18 = tpu.memref_slice %arg4[%multiple_of3A] : memref<50176xf32, #tpu.memory_space<hbm>> -> memref<3136xf32, #tpu.memory_space<hbm>>
      tpu.wait_dma2 semaphore(%run_scoped3A : memref<!tpu.dma_semaphore, #tpu.memory_space<semaphore_mem>>) src(%dma_wait3A_18 : memref<3136xf32, #tpu.memory_space<hbm>>) dst(%arg10 : memref<3136xf32, #tpu.memory_space<vmem>>)
      tpu.yield
    }) : () -> ()
    "tpu.region"() ({
      %run_scoped3A = tpu.sem_alloc : memref<!tpu.dma_semaphore, #tpu.memory_space<semaphore_mem>>
      %dma_start3A = tpu.memref_slice %arg11[%multiple_of3A] : memref<50176xf32, #tpu.memory_space<vmem_shared>> -> memref<3136xf32, #tpu.memory_space<vmem_shared>>
      %dma_start3A_17 = tpu.memref_slice %arg11[%multiple_of3A] : memref<50176xf32, #tpu.memory_space<vmem_shared>> -> memref<3136xf32, #tpu.memory_space<vmem_shared>>
      tpu.enqueue_dma source(%arg10 : memref<3136xf32, #tpu.memory_space<vmem>>) target(%dma_start3A_17 : memref<3136xf32, #tpu.memory_space<vmem_shared>>) target_semaphore(%run_scoped3A : memref<!tpu.dma_semaphore, #tpu.memory_space<semaphore_mem>>)
      %dma_wait3A = tpu.memref_slice %arg11[%multiple_of3A] : memref<50176xf32, #tpu.memory_space<vmem_shared>> -> memref<3136xf32, #tpu.memory_space<vmem_shared>>
      %dma_wait3A_18 = tpu.memref_slice %arg11[%multiple_of3A] : memref<50176xf32, #tpu.memory_space<vmem_shared>> -> memref<3136xf32, #tpu.memory_space<vmem_shared>>
      tpu.wait_dma2 semaphore(%run_scoped3A : memref<!tpu.dma_semaphore, #tpu.memory_space<semaphore_mem>>) src(%arg10 : memref<3136xf32, #tpu.memory_space<vmem>>) dst(%dma_wait3A_18 : memref<3136xf32, #tpu.memory_space<vmem_shared>>)
      tpu.yield
    }) : () -> ()
    "tpu.region"() ({
      %run_scoped3A = tpu.sem_alloc : memref<!tpu.dma_semaphore, #tpu.memory_space<semaphore_mem>>
      tpu.enqueue_dma source(%arg3 : memref<50176xf32, #tpu.memory_space<hbm>>) target(%arg7 : memref<50176xf32, #tpu.memory_space<vmem>>) target_semaphore(%run_scoped3A : memref<!tpu.dma_semaphore, #tpu.memory_space<semaphore_mem>>)
      tpu.wait_dma2 semaphore(%run_scoped3A : memref<!tpu.dma_semaphore, #tpu.memory_space<semaphore_mem>>) src(%arg3 : memref<50176xf32, #tpu.memory_space<hbm>>) dst(%arg7 : memref<50176xf32, #tpu.memory_space<vmem>>)
      tpu.yield
    }) : () -> ()
    %barrier3A = arith.constant 0 : index
    tpu.barrier barrier_id(%barrier3A)
    %mul3A_3 = arith.constant 50 : i32
    %mul3A_4 = arith.muli %add3A, %mul3A_3 : i32
    %scan3A = arith.constant 0 : i32
    %scan3A_5 = arith.constant 0 : i32
    %scan3A_6 = arith.constant 10 : i32
    %scan3A_7 = arith.addi %scan3A_5, %scan3A_6 : i32
    %scan3A_8 = arith.constant 1 : i32
    scf.for %scan3A_17 = %scan3A_5 to %scan3A_7 step %scan3A_8  : i32 {
      %mul3A_18 = arith.constant 5 : i32
      %mul3A_19 = arith.muli %scan3A_17, %mul3A_18 : i32
      %add3A_20 = arith.addi %mul3A_4, %mul3A_19 : i32
      %multiple_of3A_21 = tpu.assume_multiple %add3A_20, 8 : i32
      %run_scoped3A = arith.constant 1 : i32
      "tpu.region"() ({
        %run_scoped3A_1558 = tpu.sem_alloc : memref<!tpu.dma_semaphore, #tpu.memory_space<semaphore_mem>>
        %dma_start3A_1559 = arith.constant 0 : i32
        %dma_start3A_1560 = tpu.memref_slice %arg2[%run_scoped3A, %multiple_of3A_21, %dma_start3A_1559] : memref<2x1600x512xi32, #tpu.memory_space<hbm>> -> memref<1x5x512xi32, #tpu.memory_space<hbm>>
        %dma_start3A_1561 = tpu.memref_squeeze %dma_start3A_1560 : memref<1x5x512xi32, #tpu.memory_space<hbm>> -> memref<5x512xi32, #tpu.memory_space<hbm>>
        %dma_start3A_1562 = arith.constant 0 : i32
        %dma_start3A_1563 = tpu.memref_slice %arg2[%run_scoped3A, %multiple_of3A_21, %dma_start3A_1562] : memref<2x1600x512xi32, #tpu.memory_space<hbm>> -> memref<1x5x512xi32, #tpu.memory_space<hbm>>
        %dma_start3A_1564 = tpu.memref_squeeze %dma_start3A_1563 : memref<1x5x512xi32, #tpu.memory_space<hbm>> -> memref<5x512xi32, #tpu.memory_space<hbm>>
        tpu.enqueue_dma source(%dma_start3A_1564 : memref<5x512xi32, #tpu.memory_space<hbm>>) target(%arg8 : memref<5x512xi32, #tpu.memory_space<vmem>>) target_semaphore(%run_scoped3A_1558 : memref<!tpu.dma_semaphore, #tpu.memory_space<semaphore_mem>>)
        %dma_wait3A_1565 = arith.constant 0 : i32
        %dma_wait3A_1566 = tpu.memref_slice %arg2[%run_scoped3A, %multiple_of3A_21, %dma_wait3A_1565] : memref<2x1600x512xi32, #tpu.memory_space<hbm>> -> memref<1x5x512xi32, #tpu.memory_space<hbm>>
        %dma_wait3A_1567 = tpu.memref_squeeze %dma_wait3A_1566 : memref<1x5x512xi32, #tpu.memory_space<hbm>> -> memref<5x512xi32, #tpu.memory_space<hbm>>
        %dma_wait3A_1568 = arith.constant 0 : i32
        %dma_wait3A_1569 = tpu.memref_slice %arg2[%run_scoped3A, %multiple_of3A_21, %dma_wait3A_1568] : memref<2x1600x512xi32, #tpu.memory_space<hbm>> -> memref<1x5x512xi32, #tpu.memory_space<hbm>>
        %dma_wait3A_1570 = tpu.memref_squeeze %dma_wait3A_1569 : memref<1x5x512xi32, #tpu.memory_space<hbm>> -> memref<5x512xi32, #tpu.memory_space<hbm>>
        tpu.wait_dma2 semaphore(%run_scoped3A_1558 : memref<!tpu.dma_semaphore, #tpu.memory_space<semaphore_mem>>) src(%dma_wait3A_1570 : memref<5x512xi32, #tpu.memory_space<hbm>>) dst(%arg8 : memref<5x512xi32, #tpu.memory_space<vmem>>)
        tpu.yield
      }) : () -> ()
      %run_scoped3A_22 = arith.constant 0 : i32
      "tpu.region"() ({
        %run_scoped3A_1558 = tpu.sem_alloc : memref<!tpu.dma_semaphore, #tpu.memory_space<semaphore_mem>>
        %dma_start3A_1559 = arith.constant 0 : i32
        %dma_start3A_1560 = tpu.memref_slice %arg2[%run_scoped3A_22, %multiple_of3A_21, %dma_start3A_1559] : memref<2x1600x512xi32, #tpu.memory_space<hbm>> -> memref<1x5x512xi32, #tpu.memory_space<hbm>>
        %dma_start3A_1561 = tpu.memref_squeeze %dma_start3A_1560 : memref<1x5x512xi32, #tpu.memory_space<hbm>> -> memref<5x512xi32, #tpu.memory_space<hbm>>
        %dma_start3A_1562 = arith.constant 0 : i32
        %dma_start3A_1563 = tpu.memref_slice %arg2[%run_scoped3A_22, %multiple_of3A_21, %dma_start3A_1562] : memref<2x1600x512xi32, #tpu.memory_space<hbm>> -> memref<1x5x512xi32, #tpu.memory_space<hbm>>
        %dma_start3A_1564 = tpu.memref_squeeze %dma_start3A_1563 : memref<1x5x512xi32, #tpu.memory_space<hbm>> -> memref<5x512xi32, #tpu.memory_space<hbm>>
        tpu.enqueue_dma source(%dma_start3A_1564 : memref<5x512xi32, #tpu.memory_space<hbm>>) target(%arg6 : memref<5x512xi32, #tpu.memory_space<vmem>>) target_semaphore(%run_scoped3A_1558 : memref<!tpu.dma_semaphore, #tpu.memory_space<semaphore_mem>>)
        %dma_wait3A_1565 = arith.constant 0 : i32
        %dma_wait3A_1566 = tpu.memref_slice %arg2[%run_scoped3A_22, %multiple_of3A_21, %dma_wait3A_1565] : memref<2x1600x512xi32, #tpu.memory_space<hbm>> -> memref<1x5x512xi32, #tpu.memory_space<hbm>>
        %dma_wait3A_1567 = tpu.memref_squeeze %dma_wait3A_1566 : memref<1x5x512xi32, #tpu.memory_space<hbm>> -> memref<5x512xi32, #tpu.memory_space<hbm>>
        %dma_wait3A_1568 = arith.constant 0 : i32
        %dma_wait3A_1569 = tpu.memref_slice %arg2[%run_scoped3A_22, %multiple_of3A_21, %dma_wait3A_1568] : memref<2x1600x512xi32, #tpu.memory_space<hbm>> -> memref<1x5x512xi32, #tpu.memory_space<hbm>>
        %dma_wait3A_1570 = tpu.memref_squeeze %dma_wait3A_1569 : memref<1x5x512xi32, #tpu.memory_space<hbm>> -> memref<5x512xi32, #tpu.memory_space<hbm>>
        tpu.wait_dma2 semaphore(%run_scoped3A_1558 : memref<!tpu.dma_semaphore, #tpu.memory_space<semaphore_mem>>) src(%dma_wait3A_1570 : memref<5x512xi32, #tpu.memory_space<hbm>>) dst(%arg6 : memref<5x512xi32, #tpu.memory_space<vmem>>)
        tpu.yield
      }) : () -> ()
      %get3A = arith.constant 0 : i32
      %get3A_23 = arith.index_cast %get3A : i32 to index
      %get3A_24 = arith.constant 0 : index
      %get3A_25 = tpu.vector_load %arg6[%get3A_23, %get3A_24] {strides = array<i32>} : memref<5x512xi32, #tpu.memory_space<vmem>>, vector<16xi32>,
      %gather3A = tpu.vector_load_idx %arg7[%get3A_25] : memref<50176xf32, #tpu.memory_space<vmem>>[vector<16xi32>], vector<16xf32>,
      %swap3A = arith.constant 0 : i32
      %swap3A_26 = arith.index_cast %swap3A : i32 to index
      %swap3A_27 = arith.constant 0 : index
      %swap3A_28 = tpu.vector_load %arg9[%swap3A_26, %swap3A_27] {strides = array<i32>} : memref<5x512xf32, #tpu.memory_space<vmem>>, vector<16xf32>,
      tpu.vector_store %arg9[%swap3A_26, %swap3A_27], %gather3A {strides = array<i32>} : memref<5x512xf32, #tpu.memory_space<vmem>>, vector<16xf32>,
      %get3A_29 = arith.constant 0 : i32
      %get3A_30 = arith.index_cast %get3A_29 : i32 to index
      %get3A_31 = arith.constant 16 : index
      %get3A_32 = tpu.vector_load %arg6[%get3A_30, %get3A_31] {strides = array<i32>} : memref<5x512xi32, #tpu.memory_space<vmem>>, vector<16xi32>,
      %gather3A_33 = tpu.vector_load_idx %arg7[%get3A_32] : memref<50176xf32, #tpu.memory_space<vmem>>[vector<16xi32>], vector<16xf32>,
      %swap3A_34 = arith.constant 0 : i32
      %swap3A_35 = arith.index_cast %swap3A_34 : i32 to index
      %swap3A_36 = arith.constant 16 : index
      %swap3A_37 = tpu.vector_load %arg9[%swap3A_35, %swap3A_36] {strides = array<i32>} : memref<5x512xf32, #tpu.memory_space<vmem>>, vector<16xf32>,
      tpu.vector_store %arg9[%swap3A_35, %swap3A_36], %gather3A_33 {strides = array<i32>} : memref<5x512xf32, #tpu.memory_space<vmem>>, vector<16xf32>,
      %get3A_38 = arith.constant 0 : i32
      %get3A_39 = arith.index_cast %get3A_38 : i32 to index
      %get3A_40 = arith.constant 32 : index
      %get3A_41 = tpu.vector_load %arg6[%get3A_39, %get3A_40] {strides = array<i32>} : memref<5x512xi32, #tpu.memory_space<vmem>>, vector<16xi32>,
      %gather3A_42 = tpu.vector_load_idx %arg7[%get3A_41] : memref<50176xf32, #tpu.memory_space<vmem>>[vector<16xi32>], vector<16xf32>,
      %swap3A_43 = arith.constant 0 : i32
      %swap3A_44 = arith.index_cast %swap3A_43 : i32 to index
      %swap3A_45 = arith.constant 32 : index
      %swap3A_46 = tpu.vector_load %arg9[%swap3A_44, %swap3A_45] {strides = array<i32>} : memref<5x512xf32, #tpu.memory_space<vmem>>, vector<16xf32>,
      tpu.vector_store %arg9[%swap3A_44, %swap3A_45], %gather3A_42 {strides = array<i32>} : memref<5x512xf32, #tpu.memory_space<vmem>>, vector<16xf32>,
      %get3A_47 = arith.constant 0 : i32
      %get3A_48 = arith.index_cast %get3A_47 : i32 to index
      %get3A_49 = arith.constant 48 : index
      %get3A_50 = tpu.vector_load %arg6[%get3A_48, %get3A_49] {strides = array<i32>} : memref<5x512xi32, #tpu.memory_space<vmem>>, vector<16xi32>,
      %gather3A_51 = tpu.vector_load_idx %arg7[%get3A_50] : memref<50176xf32, #tpu.memory_space<vmem>>[vector<16xi32>], vector<16xf32>,
      %swap3A_52 = arith.constant 0 : i32
      %swap3A_53 = arith.index_cast %swap3A_52 : i32 to index
      %swap3A_54 = arith.constant 48 : index
      %swap3A_55 = tpu.vector_load %arg9[%swap3A_53, %swap3A_54] {strides = array<i32>} : memref<5x512xf32, #tpu.memory_space<vmem>>, vector<16xf32>,
      tpu.vector_store %arg9[%swap3A_53, %swap3A_54], %gather3A_51 {strides = array<i32>} : memref<5x512xf32, #tpu.memory_space<vmem>>, vector<16xf32>,
      %get3A_56 = arith.constant 0 : i32
      %get3A_57 = arith.index_cast %get3A_56 : i32 to index
      %get3A_58 = arith.constant 64 : index
      %get3A_59 = tpu.vector_load %arg6[%get3A_57, %get3A_58] {strides = array<i32>} : memref<5x512xi32, #tpu.memory_space<vmem>>, vector<16xi32>,
      %gather3A_60 = tpu.vector_load_idx %arg7[%get3A_59] : memref<50176xf32, #tpu.memory_space<vmem>>[vector<16xi32>], vector<16xf32>,
      %swap3A_61 = arith.constant 0 : i32
      %swap3A_62 = arith.index_cast %swap3A_61 : i32 to index
      %swap3A_63 = arith.constant 64 : index
      %swap3A_64 = tpu.vector_load %arg9[%swap3A_62, %swap3A_63] {strides = array<i32>} : memref<5x512xf32, #tpu.memory_space<vmem>>, vector<16xf32>,
      tpu.vector_store %arg9[%swap3A_62, %swap3A_63], %gather3A_60 {strides = array<i32>} : memref<5x512xf32, #tpu.memory_space<vmem>>, vector<16xf32>,
      %get3A_65 = arith.constant 0 : i32
      %get3A_66 = arith.index_cast %get3A_65 : i32 to index
      %get3A_67 = arith.constant 80 : index
      %get3A_68 = tpu.vector_load %arg6[%get3A_66, %get3A_67] {strides = array<i32>} : memref<5x512xi32, #tpu.memory_space<vmem>>, vector<16xi32>,
      %gather3A_69 = tpu.vector_load_idx %arg7[%get3A_68] : memref<50176xf32, #tpu.memory_space<vmem>>[vector<16xi32>], vector<16xf32>,
      %swap3A_70 = arith.constant 0 : i32
      %swap3A_71 = arith.index_cast %swap3A_70 : i32 to index
      %swap3A_72 = arith.constant 80 : index
      %swap3A_73 = tpu.vector_load %arg9[%swap3A_71, %swap3A_72] {strides = array<i32>} : memref<5x512xf32, #tpu.memory_space<vmem>>, vector<16xf32>,
      tpu.vector_store %arg9[%swap3A_71, %swap3A_72], %gather3A_69 {strides = array<i32>} : memref<5x512xf32, #tpu.memory_space<vmem>>, vector<16xf32>,
      %get3A_74 = arith.constant 0 : i32
      %get3A_75 = arith.index_cast %get3A_74 : i32 to index
      %get3A_76 = arith.constant 96 : index
      %get3A_77 = tpu.vector_load %arg6[%get3A_75, %get3A_76] {strides = array<i32>} : memref<5x512xi32, #tpu.memory_space<vmem>>, vector<16xi32>,
      %gather3A_78 = tpu.vector_load_idx %arg7[%get3A_77] : memref<50176xf32, #tpu.memory_space<vmem>>[vector<16xi32>], vector<16xf32>,
      %swap3A_79 = arith.constant 0 : i32
      %swap3A_80 = arith.index_cast %swap3A_79 : i32 to index
      %swap3A_81 = arith.constant 96 : index
      %swap3A_82 = tpu.vector_load %arg9[%swap3A_80, %swap3A_81] {strides = array<i32>} : memref<5x512xf32, #tpu.memory_space<vmem>>, vector<16xf32>,
      tpu.vector_store %arg9[%swap3A_80, %swap3A_81], %gather3A_78 {strides = array<i32>} : memref<5x512xf32, #tpu.memory_space<vmem>>, vector<16xf32>,
      %get3A_83 = arith.constant 0 : i32
      %get3A_84 = arith.index_cast %get3A_83 : i32 to index
      %get3A_85 = arith.constant 112 : index
      %get3A_86 = tpu.vector_load %arg6[%get3A_84, %get3A_85] {strides = array<i32>} : memref<5x512xi32, #tpu.memory_space<vmem>>, vector<16xi32>,
      %gather3A_87 = tpu.vector_load_idx %arg7[%get3A_86] : memref<50176xf32, #tpu.memory_space<vmem>>[vector<16xi32>], vector<16xf32>,
      %swap3A_88 = arith.constant 0 : i32
      %swap3A_89 = arith.index_cast %swap3A_88 : i32 to index
      %swap3A_90 = arith.constant 112 : index
      %swap3A_91 = tpu.vector_load %arg9[%swap3A_89, %swap3A_90] {strides = array<i32>} : memref<5x512xf32, #tpu.memory_space<vmem>>, vector<16xf32>,
      tpu.vector_store %arg9[%swap3A_89, %swap3A_90], %gather3A_87 {strides = array<i32>} : memref<5x512xf32, #tpu.memory_space<vmem>>, vector<16xf32>,
      %get3A_92 = arith.constant 0 : i32
      %get3A_93 = arith.index_cast %get3A_92 : i32 to index
      %get3A_94 = arith.constant 128 : index
      %get3A_95 = tpu.vector_load %arg6[%get3A_93, %get3A_94] {strides = array<i32>} : memref<5x512xi32, #tpu.memory_space<vmem>>, vector<16xi32>,
      %gather3A_96 = tpu.vector_load_idx %arg7[%get3A_95] : memref<50176xf32, #tpu.memory_space<vmem>>[vector<16xi32>], vector<16xf32>,
      %swap3A_97 = arith.constant 0 : i32
      %swap3A_98 = arith.index_cast %swap3A_97 : i32 to index
      %swap3A_99 = arith.constant 128 : index
      %swap3A_100 = tpu.vector_load %arg9[%swap3A_98, %swap3A_99] {strides = array<i32>} : memref<5x512xf32, #tpu.memory_space<vmem>>, vector<16xf32>,
      tpu.vector_store %arg9[%swap3A_98, %swap3A_99], %gather3A_96 {strides = array<i32>} : memref<5x512xf32, #tpu.memory_space<vmem>>, vector<16xf32>,
      %get3A_101 = arith.constant 0 : i32
      %get3A_102 = arith.index_cast %get3A_101 : i32 to index
      %get3A_103 = arith.constant 144 : index
      %get3A_104 = tpu.vector_load %arg6[%get3A_102, %get3A_103] {strides = array<i32>} : memref<5x512xi32, #tpu.memory_space<vmem>>, vector<16xi32>,
      %gather3A_105 = tpu.vector_load_idx %arg7[%get3A_104] : memref<50176xf32, #tpu.memory_space<vmem>>[vector<16xi32>], vector<16xf32>,
      %swap3A_106 = arith.constant 0 : i32
      %swap3A_107 = arith.index_cast %swap3A_106 : i32 to index
      %swap3A_108 = arith.constant 144 : index
      %swap3A_109 = tpu.vector_load %arg9[%swap3A_107, %swap3A_108] {strides = array<i32>} : memref<5x512xf32, #tpu.memory_space<vmem>>, vector<16xf32>,
      tpu.vector_store %arg9[%swap3A_107, %swap3A_108], %gather3A_105 {strides = array<i32>} : memref<5x512xf32, #tpu.memory_space<vmem>>, vector<16xf32>,
      %get3A_110 = arith.constant 0 : i32
      %get3A_111 = arith.index_cast %get3A_110 : i32 to index
      %get3A_112 = arith.constant 160 : index
      %get3A_113 = tpu.vector_load %arg6[%get3A_111, %get3A_112] {strides = array<i32>} : memref<5x512xi32, #tpu.memory_space<vmem>>, vector<16xi32>,
      %gather3A_114 = tpu.vector_load_idx %arg7[%get3A_113] : memref<50176xf32, #tpu.memory_space<vmem>>[vector<16xi32>], vector<16xf32>,
      %swap3A_115 = arith.constant 0 : i32
      %swap3A_116 = arith.index_cast %swap3A_115 : i32 to index
      %swap3A_117 = arith.constant 160 : index
      %swap3A_118 = tpu.vector_load %arg9[%swap3A_116, %swap3A_117] {strides = array<i32>} : memref<5x512xf32, #tpu.memory_space<vmem>>, vector<16xf32>,
      tpu.vector_store %arg9[%swap3A_116, %swap3A_117], %gather3A_114 {strides = array<i32>} : memref<5x512xf32, #tpu.memory_space<vmem>>, vector<16xf32>,
      %get3A_119 = arith.constant 0 : i32
      %get3A_120 = arith.index_cast %get3A_119 : i32 to index
      %get3A_121 = arith.constant 176 : index
      %get3A_122 = tpu.vector_load %arg6[%get3A_120, %get3A_121] {strides = array<i32>} : memref<5x512xi32, #tpu.memory_space<vmem>>, vector<16xi32>,
      %gather3A_123 = tpu.vector_load_idx %arg7[%get3A_122] : memref<50176xf32, #tpu.memory_space<vmem>>[vector<16xi32>], vector<16xf32>,
      %swap3A_124 = arith.constant 0 : i32
      %swap3A_125 = arith.index_cast %swap3A_124 : i32 to index
      %swap3A_126 = arith.constant 176 : index
      %swap3A_127 = tpu.vector_load %arg9[%swap3A_125, %swap3A_126] {strides = array<i32>} : memref<5x512xf32, #tpu.memory_space<vmem>>, vector<16xf32>,
      tpu.vector_store %arg9[%swap3A_125, %swap3A_126], %gather3A_123 {strides = array<i32>} : memref<5x512xf32, #tpu.memory_space<vmem>>, vector<16xf32>,
      %get3A_128 = arith.constant 0 : i32
      %get3A_129 = arith.index_cast %get3A_128 : i32 to index
      %get3A_130 = arith.constant 192 : index
      %get3A_131 = tpu.vector_load %arg6[%get3A_129, %get3A_130] {strides = array<i32>} : memref<5x512xi32, #tpu.memory_space<vmem>>, vector<16xi32>,
      %gather3A_132 = tpu.vector_load_idx %arg7[%get3A_131] : memref<50176xf32, #tpu.memory_space<vmem>>[vector<16xi32>], vector<16xf32>,
      %swap3A_133 = arith.constant 0 : i32
      %swap3A_134 = arith.index_cast %swap3A_133 : i32 to index
      %swap3A_135 = arith.constant 192 : index
      %swap3A_136 = tpu.vector_load %arg9[%swap3A_134, %swap3A_135] {strides = array<i32>} : memref<5x512xf32, #tpu.memory_space<vmem>>, vector<16xf32>,
      tpu.vector_store %arg9[%swap3A_134, %swap3A_135], %gather3A_132 {strides = array<i32>} : memref<5x512xf32, #tpu.memory_space<vmem>>, vector<16xf32>,
      %get3A_137 = arith.constant 0 : i32
      %get3A_138 = arith.index_cast %get3A_137 : i32 to index
      %get3A_139 = arith.constant 208 : index
      %get3A_140 = tpu.vector_load %arg6[%get3A_138, %get3A_139] {strides = array<i32>} : memref<5x512xi32, #tpu.memory_space<vmem>>, vector<16xi32>,
      %gather3A_141 = tpu.vector_load_idx %arg7[%get3A_140] : memref<50176xf32, #tpu.memory_space<vmem>>[vector<16xi32>], vector<16xf32>,
      %swap3A_142 = arith.constant 0 : i32
      %swap3A_143 = arith.index_cast %swap3A_142 : i32 to index
      %swap3A_144 = arith.constant 208 : index
      %swap3A_145 = tpu.vector_load %arg9[%swap3A_143, %swap3A_144] {strides = array<i32>} : memref<5x512xf32, #tpu.memory_space<vmem>>, vector<16xf32>,
      tpu.vector_store %arg9[%swap3A_143, %swap3A_144], %gather3A_141 {strides = array<i32>} : memref<5x512xf32, #tpu.memory_space<vmem>>, vector<16xf32>,
      %get3A_146 = arith.constant 0 : i32
      %get3A_147 = arith.index_cast %get3A_146 : i32 to index
      %get3A_148 = arith.constant 224 : index
      %get3A_149 = tpu.vector_load %arg6[%get3A_147, %get3A_148] {strides = array<i32>} : memref<5x512xi32, #tpu.memory_space<vmem>>, vector<16xi32>,
      %gather3A_150 = tpu.vector_load_idx %arg7[%get3A_149] : memref<50176xf32, #tpu.memory_space<vmem>>[vector<16xi32>], vector<16xf32>,
      %swap3A_151 = arith.constant 0 : i32
      %swap3A_152 = arith.index_cast %swap3A_151 : i32 to index
      %swap3A_153 = arith.constant 224 : index
      %swap3A_154 = tpu.vector_load %arg9[%swap3A_152, %swap3A_153] {strides = array<i32>} : memref<5x512xf32, #tpu.memory_space<vmem>>, vector<16xf32>,
      tpu.vector_store %arg9[%swap3A_152, %swap3A_153], %gather3A_150 {strides = array<i32>} : memref<5x512xf32, #tpu.memory_space<vmem>>, vector<16xf32>,
      %get3A_155 = arith.constant 0 : i32
      %get3A_156 = arith.index_cast %get3A_155 : i32 to index
      %get3A_157 = arith.constant 240 : index
      %get3A_158 = tpu.vector_load %arg6[%get3A_156, %get3A_157] {strides = array<i32>} : memref<5x512xi32, #tpu.memory_space<vmem>>, vector<16xi32>,
      %gather3A_159 = tpu.vector_load_idx %arg7[%get3A_158] : memref<50176xf32, #tpu.memory_space<vmem>>[vector<16xi32>], vector<16xf32>,
      %swap3A_160 = arith.constant 0 : i32
      %swap3A_161 = arith.index_cast %swap3A_160 : i32 to index
      %swap3A_162 = arith.constant 240 : index
      %swap3A_163 = tpu.vector_load %arg9[%swap3A_161, %swap3A_162] {strides = array<i32>} : memref<5x512xf32, #tpu.memory_space<vmem>>, vector<16xf32>,
      tpu.vector_store %arg9[%swap3A_161, %swap3A_162], %gather3A_159 {strides = array<i32>} : memref<5x512xf32, #tpu.memory_space<vmem>>, vector<16xf32>,
      %get3A_164 = arith.constant 0 : i32
      %get3A_165 = arith.index_cast %get3A_164 : i32 to index
      %get3A_166 = arith.constant 256 : index
      %get3A_167 = tpu.vector_load %arg6[%get3A_165, %get3A_166] {strides = array<i32>} : memref<5x512xi32, #tpu.memory_space<vmem>>, vector<16xi32>,
      %gather3A_168 = tpu.vector_load_idx %arg7[%get3A_167] : memref<50176xf32, #tpu.memory_space<vmem>>[vector<16xi32>], vector<16xf32>,
      %swap3A_169 = arith.constant 0 : i32
      %swap3A_170 = arith.index_cast %swap3A_169 : i32 to index
      %swap3A_171 = arith.constant 256 : index
      %swap3A_172 = tpu.vector_load %arg9[%swap3A_170, %swap3A_171] {strides = array<i32>} : memref<5x512xf32, #tpu.memory_space<vmem>>, vector<16xf32>,
      tpu.vector_store %arg9[%swap3A_170, %swap3A_171], %gather3A_168 {strides = array<i32>} : memref<5x512xf32, #tpu.memory_space<vmem>>, vector<16xf32>,
      %get3A_173 = arith.constant 0 : i32
      %get3A_174 = arith.index_cast %get3A_173 : i32 to index
      %get3A_175 = arith.constant 272 : index
      %get3A_176 = tpu.vector_load %arg6[%get3A_174, %get3A_175] {strides = array<i32>} : memref<5x512xi32, #tpu.memory_space<vmem>>, vector<16xi32>,
      %gather3A_177 = tpu.vector_load_idx %arg7[%get3A_176] : memref<50176xf32, #tpu.memory_space<vmem>>[vector<16xi32>], vector<16xf32>,
      %swap3A_178 = arith.constant 0 : i32
      %swap3A_179 = arith.index_cast %swap3A_178 : i32 to index
      %swap3A_180 = arith.constant 272 : index
      %swap3A_181 = tpu.vector_load %arg9[%swap3A_179, %swap3A_180] {strides = array<i32>} : memref<5x512xf32, #tpu.memory_space<vmem>>, vector<16xf32>,
      tpu.vector_store %arg9[%swap3A_179, %swap3A_180], %gather3A_177 {strides = array<i32>} : memref<5x512xf32, #tpu.memory_space<vmem>>, vector<16xf32>,
      %get3A_182 = arith.constant 0 : i32
      %get3A_183 = arith.index_cast %get3A_182 : i32 to index
      %get3A_184 = arith.constant 288 : index
      %get3A_185 = tpu.vector_load %arg6[%get3A_183, %get3A_184] {strides = array<i32>} : memref<5x512xi32, #tpu.memory_space<vmem>>, vector<16xi32>,
      %gather3A_186 = tpu.vector_load_idx %arg7[%get3A_185] : memref<50176xf32, #tpu.memory_space<vmem>>[vector<16xi32>], vector<16xf32>,
      %swap3A_187 = arith.constant 0 : i32
      %swap3A_188 = arith.index_cast %swap3A_187 : i32 to index
      %swap3A_189 = arith.constant 288 : index
      %swap3A_190 = tpu.vector_load %arg9[%swap3A_188, %swap3A_189] {strides = array<i32>} : memref<5x512xf32, #tpu.memory_space<vmem>>, vector<16xf32>,
      tpu.vector_store %arg9[%swap3A_188, %swap3A_189], %gather3A_186 {strides = array<i32>} : memref<5x512xf32, #tpu.memory_space<vmem>>, vector<16xf32>,
      %get3A_191 = arith.constant 0 : i32
      %get3A_192 = arith.index_cast %get3A_191 : i32 to index
      %get3A_193 = arith.constant 304 : index
      %get3A_194 = tpu.vector_load %arg6[%get3A_192, %get3A_193] {strides = array<i32>} : memref<5x512xi32, #tpu.memory_space<vmem>>, vector<16xi32>,
      %gather3A_195 = tpu.vector_load_idx %arg7[%get3A_194] : memref<50176xf32, #tpu.memory_space<vmem>>[vector<16xi32>], vector<16xf32>,
      %swap3A_196 = arith.constant 0 : i32
      %swap3A_197 = arith.index_cast %swap3A_196 : i32 to index
      %swap3A_198 = arith.constant 304 : index
      %swap3A_199 = tpu.vector_load %arg9[%swap3A_197, %swap3A_198] {strides = array<i32>} : memref<5x512xf32, #tpu.memory_space<vmem>>, vector<16xf32>,
      tpu.vector_store %arg9[%swap3A_197, %swap3A_198], %gather3A_195 {strides = array<i32>} : memref<5x512xf32, #tpu.memory_space<vmem>>, vector<16xf32>,
      %get3A_200 = arith.constant 0 : i32
      %get3A_201 = arith.index_cast %get3A_200 : i32 to index
      %get3A_202 = arith.constant 320 : index
      %get3A_203 = tpu.vector_load %arg6[%get3A_201, %get3A_202] {strides = array<i32>} : memref<5x512xi32, #tpu.memory_space<vmem>>, vector<16xi32>,
      %gather3A_204 = tpu.vector_load_idx %arg7[%get3A_203] : memref<50176xf32, #tpu.memory_space<vmem>>[vector<16xi32>], vector<16xf32>,
      %swap3A_205 = arith.constant 0 : i32
      %swap3A_206 = arith.index_cast %swap3A_205 : i32 to index
      %swap3A_207 = arith.constant 320 : index
      %swap3A_208 = tpu.vector_load %arg9[%swap3A_206, %swap3A_207] {strides = array<i32>} : memref<5x512xf32, #tpu.memory_space<vmem>>, vector<16xf32>,
      tpu.vector_store %arg9[%swap3A_206, %swap3A_207], %gather3A_204 {strides = array<i32>} : memref<5x512xf32, #tpu.memory_space<vmem>>, vector<16xf32>,
      %get3A_209 = arith.constant 0 : i32
      %get3A_210 = arith.index_cast %get3A_209 : i32 to index
      %get3A_211 = arith.constant 336 : index
      %get3A_212 = tpu.vector_load %arg6[%get3A_210, %get3A_211] {strides = array<i32>} : memref<5x512xi32, #tpu.memory_space<vmem>>, vector<16xi32>,
      %gather3A_213 = tpu.vector_load_idx %arg7[%get3A_212] : memref<50176xf32, #tpu.memory_space<vmem>>[vector<16xi32>], vector<16xf32>,
      %swap3A_214 = arith.constant 0 : i32
      %swap3A_215 = arith.index_cast %swap3A_214 : i32 to index
      %swap3A_216 = arith.constant 336 : index
      %swap3A_217 = tpu.vector_load %arg9[%swap3A_215, %swap3A_216] {strides = array<i32>} : memref<5x512xf32, #tpu.memory_space<vmem>>, vector<16xf32>,
      tpu.vector_store %arg9[%swap3A_215, %swap3A_216], %gather3A_213 {strides = array<i32>} : memref<5x512xf32, #tpu.memory_space<vmem>>, vector<16xf32>,
      %get3A_218 = arith.constant 0 : i32
      %get3A_219 = arith.index_cast %get3A_218 : i32 to index
      %get3A_220 = arith.constant 352 : index
      %get3A_221 = tpu.vector_load %arg6[%get3A_219, %get3A_220] {strides = array<i32>} : memref<5x512xi32, #tpu.memory_space<vmem>>, vector<16xi32>,
      %gather3A_222 = tpu.vector_load_idx %arg7[%get3A_221] : memref<50176xf32, #tpu.memory_space<vmem>>[vector<16xi32>], vector<16xf32>,
      %swap3A_223 = arith.constant 0 : i32
      %swap3A_224 = arith.index_cast %swap3A_223 : i32 to index
      %swap3A_225 = arith.constant 352 : index
      %swap3A_226 = tpu.vector_load %arg9[%swap3A_224, %swap3A_225] {strides = array<i32>} : memref<5x512xf32, #tpu.memory_space<vmem>>, vector<16xf32>,
      tpu.vector_store %arg9[%swap3A_224, %swap3A_225], %gather3A_222 {strides = array<i32>} : memref<5x512xf32, #tpu.memory_space<vmem>>, vector<16xf32>,
      %get3A_227 = arith.constant 0 : i32
      %get3A_228 = arith.index_cast %get3A_227 : i32 to index
      %get3A_229 = arith.constant 368 : index
      %get3A_230 = tpu.vector_load %arg6[%get3A_228, %get3A_229] {strides = array<i32>} : memref<5x512xi32, #tpu.memory_space<vmem>>, vector<16xi32>,
      %gather3A_231 = tpu.vector_load_idx %arg7[%get3A_230] : memref<50176xf32, #tpu.memory_space<vmem>>[vector<16xi32>], vector<16xf32>,
      %swap3A_232 = arith.constant 0 : i32
      %swap3A_233 = arith.index_cast %swap3A_232 : i32 to index
      %swap3A_234 = arith.constant 368 : index
      %swap3A_235 = tpu.vector_load %arg9[%swap3A_233, %swap3A_234] {strides = array<i32>} : memref<5x512xf32, #tpu.memory_space<vmem>>, vector<16xf32>,
      tpu.vector_store %arg9[%swap3A_233, %swap3A_234], %gather3A_231 {strides = array<i32>} : memref<5x512xf32, #tpu.memory_space<vmem>>, vector<16xf32>,
      %get3A_236 = arith.constant 0 : i32
      %get3A_237 = arith.index_cast %get3A_236 : i32 to index
      %get3A_238 = arith.constant 384 : index
      %get3A_239 = tpu.vector_load %arg6[%get3A_237, %get3A_238] {strides = array<i32>} : memref<5x512xi32, #tpu.memory_space<vmem>>, vector<16xi32>,
      %gather3A_240 = tpu.vector_load_idx %arg7[%get3A_239] : memref<50176xf32, #tpu.memory_space<vmem>>[vector<16xi32>], vector<16xf32>,
      %swap3A_241 = arith.constant 0 : i32
      %swap3A_242 = arith.index_cast %swap3A_241 : i32 to index
      %swap3A_243 = arith.constant 384 : index
      %swap3A_244 = tpu.vector_load %arg9[%swap3A_242, %swap3A_243] {strides = array<i32>} : memref<5x512xf32, #tpu.memory_space<vmem>>, vector<16xf32>,
      tpu.vector_store %arg9[%swap3A_242, %swap3A_243], %gather3A_240 {strides = array<i32>} : memref<5x512xf32, #tpu.memory_space<vmem>>, vector<16xf32>,
      %get3A_245 = arith.constant 0 : i32
      %get3A_246 = arith.index_cast %get3A_245 : i32 to index
      %get3A_247 = arith.constant 400 : index
      %get3A_248 = tpu.vector_load %arg6[%get3A_246, %get3A_247] {strides = array<i32>} : memref<5x512xi32, #tpu.memory_space<vmem>>, vector<16xi32>,
      %gather3A_249 = tpu.vector_load_idx %arg7[%get3A_248] : memref<50176xf32, #tpu.memory_space<vmem>>[vector<16xi32>], vector<16xf32>,
      %swap3A_250 = arith.constant 0 : i32
      %swap3A_251 = arith.index_cast %swap3A_250 : i32 to index
      %swap3A_252 = arith.constant 400 : index
      %swap3A_253 = tpu.vector_load %arg9[%swap3A_251, %swap3A_252] {strides = array<i32>} : memref<5x512xf32, #tpu.memory_space<vmem>>, vector<16xf32>,
      tpu.vector_store %arg9[%swap3A_251, %swap3A_252], %gather3A_249 {strides = array<i32>} : memref<5x512xf32, #tpu.memory_space<vmem>>, vector<16xf32>,
      %get3A_254 = arith.constant 0 : i32
      %get3A_255 = arith.index_cast %get3A_254 : i32 to index
      %get3A_256 = arith.constant 416 : index
      %get3A_257 = tpu.vector_load %arg6[%get3A_255, %get3A_256] {strides = array<i32>} : memref<5x512xi32, #tpu.memory_space<vmem>>, vector<16xi32>,
      %gather3A_258 = tpu.vector_load_idx %arg7[%get3A_257] : memref<50176xf32, #tpu.memory_space<vmem>>[vector<16xi32>], vector<16xf32>,
      %swap3A_259 = arith.constant 0 : i32
      %swap3A_260 = arith.index_cast %swap3A_259 : i32 to index
      %swap3A_261 = arith.constant 416 : index
      %swap3A_262 = tpu.vector_load %arg9[%swap3A_260, %swap3A_261] {strides = array<i32>} : memref<5x512xf32, #tpu.memory_space<vmem>>, vector<16xf32>,
      tpu.vector_store %arg9[%swap3A_260, %swap3A_261], %gather3A_258 {strides = array<i32>} : memref<5x512xf32, #tpu.memory_space<vmem>>, vector<16xf32>,
      %get3A_263 = arith.constant 0 : i32
      %get3A_264 = arith.index_cast %get3A_263 : i32 to index
      %get3A_265 = arith.constant 432 : index
      %get3A_266 = tpu.vector_load %arg6[%get3A_264, %get3A_265] {strides = array<i32>} : memref<5x512xi32, #tpu.memory_space<vmem>>, vector<16xi32>,
      %gather3A_267 = tpu.vector_load_idx %arg7[%get3A_266] : memref<50176xf32, #tpu.memory_space<vmem>>[vector<16xi32>], vector<16xf32>,
      %swap3A_268 = arith.constant 0 : i32
      %swap3A_269 = arith.index_cast %swap3A_268 : i32 to index
      %swap3A_270 = arith.constant 432 : index
      %swap3A_271 = tpu.vector_load %arg9[%swap3A_269, %swap3A_270] {strides = array<i32>} : memref<5x512xf32, #tpu.memory_space<vmem>>, vector<16xf32>,
      tpu.vector_store %arg9[%swap3A_269, %swap3A_270], %gather3A_267 {strides = array<i32>} : memref<5x512xf32, #tpu.memory_space<vmem>>, vector<16xf32>,
      %get3A_272 = arith.constant 0 : i32
      %get3A_273 = arith.index_cast %get3A_272 : i32 to index
      %get3A_274 = arith.constant 448 : index
      %get3A_275 = tpu.vector_load %arg6[%get3A_273, %get3A_274] {strides = array<i32>} : memref<5x512xi32, #tpu.memory_space<vmem>>, vector<16xi32>,
      %gather3A_276 = tpu.vector_load_idx %arg7[%get3A_275] : memref<50176xf32, #tpu.memory_space<vmem>>[vector<16xi32>], vector<16xf32>,
      %swap3A_277 = arith.constant 0 : i32
      %swap3A_278 = arith.index_cast %swap3A_277 : i32 to index
      %swap3A_279 = arith.constant 448 : index
      %swap3A_280 = tpu.vector_load %arg9[%swap3A_278, %swap3A_279] {strides = array<i32>} : memref<5x512xf32, #tpu.memory_space<vmem>>, vector<16xf32>,
      tpu.vector_store %arg9[%swap3A_278, %swap3A_279], %gather3A_276 {strides = array<i32>} : memref<5x512xf32, #tpu.memory_space<vmem>>, vector<16xf32>,
      %get3A_281 = arith.constant 0 : i32
      %get3A_282 = arith.index_cast %get3A_281 : i32 to index
      %get3A_283 = arith.constant 464 : index
      %get3A_284 = tpu.vector_load %arg6[%get3A_282, %get3A_283] {strides = array<i32>} : memref<5x512xi32, #tpu.memory_space<vmem>>, vector<16xi32>,
      %gather3A_285 = tpu.vector_load_idx %arg7[%get3A_284] : memref<50176xf32, #tpu.memory_space<vmem>>[vector<16xi32>], vector<16xf32>,
      %swap3A_286 = arith.constant 0 : i32
      %swap3A_287 = arith.index_cast %swap3A_286 : i32 to index
      %swap3A_288 = arith.constant 464 : index
      %swap3A_289 = tpu.vector_load %arg9[%swap3A_287, %swap3A_288] {strides = array<i32>} : memref<5x512xf32, #tpu.memory_space<vmem>>, vector<16xf32>,
      tpu.vector_store %arg9[%swap3A_287, %swap3A_288], %gather3A_285 {strides = array<i32>} : memref<5x512xf32, #tpu.memory_space<vmem>>, vector<16xf32>,
      %get3A_290 = arith.constant 0 : i32
      %get3A_291 = arith.index_cast %get3A_290 : i32 to index
      %get3A_292 = arith.constant 480 : index
      %get3A_293 = tpu.vector_load %arg6[%get3A_291, %get3A_292] {strides = array<i32>} : memref<5x512xi32, #tpu.memory_space<vmem>>, vector<16xi32>,
      %gather3A_294 = tpu.vector_load_idx %arg7[%get3A_293] : memref<50176xf32, #tpu.memory_space<vmem>>[vector<16xi32>], vector<16xf32>,
      %swap3A_295 = arith.constant 0 : i32
      %swap3A_296 = arith.index_cast %swap3A_295 : i32 to index
      %swap3A_297 = arith.constant 480 : index
      %swap3A_298 = tpu.vector_load %arg9[%swap3A_296, %swap3A_297] {strides = array<i32>} : memref<5x512xf32, #tpu.memory_space<vmem>>, vector<16xf32>,
      tpu.vector_store %arg9[%swap3A_296, %swap3A_297], %gather3A_294 {strides = array<i32>} : memref<5x512xf32, #tpu.memory_space<vmem>>, vector<16xf32>,
      %get3A_299 = arith.constant 0 : i32
      %get3A_300 = arith.index_cast %get3A_299 : i32 to index
      %get3A_301 = arith.constant 496 : index
      %get3A_302 = tpu.vector_load %arg6[%get3A_300, %get3A_301] {strides = array<i32>} : memref<5x512xi32, #tpu.memory_space<vmem>>, vector<16xi32>,
      %gather3A_303 = tpu.vector_load_idx %arg7[%get3A_302] : memref<50176xf32, #tpu.memory_space<vmem>>[vector<16xi32>], vector<16xf32>,
      %swap3A_304 = arith.constant 0 : i32
      %swap3A_305 = arith.index_cast %swap3A_304 : i32 to index
      %swap3A_306 = arith.constant 496 : index
      %swap3A_307 = tpu.vector_load %arg9[%swap3A_305, %swap3A_306] {strides = array<i32>} : memref<5x512xf32, #tpu.memory_space<vmem>>, vector<16xf32>,
      tpu.vector_store %arg9[%swap3A_305, %swap3A_306], %gather3A_303 {strides = array<i32>} : memref<5x512xf32, #tpu.memory_space<vmem>>, vector<16xf32>,
      %get3A_308 = arith.constant 1 : i32
      %get3A_309 = arith.index_cast %get3A_308 : i32 to index
      %get3A_310 = arith.constant 0 : index
      %get3A_311 = tpu.vector_load %arg6[%get3A_309, %get3A_310] {strides = array<i32>} : memref<5x512xi32, #tpu.memory_space<vmem>>, vector<16xi32>,
      %gather3A_312 = tpu.vector_load_idx %arg7[%get3A_311] : memref<50176xf32, #tpu.memory_space<vmem>>[vector<16xi32>], vector<16xf32>,
      %swap3A_313 = arith.constant 1 : i32
      %swap3A_314 = arith.index_cast %swap3A_313 : i32 to index
      %swap3A_315 = arith.constant 0 : index
      %swap3A_316 = tpu.vector_load %arg9[%swap3A_314, %swap3A_315] {strides = array<i32>} : memref<5x512xf32, #tpu.memory_space<vmem>>, vector<16xf32>,
      tpu.vector_store %arg9[%swap3A_314, %swap3A_315], %gather3A_312 {strides = array<i32>} : memref<5x512xf32, #tpu.memory_space<vmem>>, vector<16xf32>,
      %get3A_317 = arith.constant 1 : i32
      %get3A_318 = arith.index_cast %get3A_317 : i32 to index
      %get3A_319 = arith.constant 16 : index
      %get3A_320 = tpu.vector_load %arg6[%get3A_318, %get3A_319] {strides = array<i32>} : memref<5x512xi32, #tpu.memory_space<vmem>>, vector<16xi32>,
      %gather3A_321 = tpu.vector_load_idx %arg7[%get3A_320] : memref<50176xf32, #tpu.memory_space<vmem>>[vector<16xi32>], vector<16xf32>,
      %swap3A_322 = arith.constant 1 : i32
      %swap3A_323 = arith.index_cast %swap3A_322 : i32 to index
      %swap3A_324 = arith.constant 16 : index
      %swap3A_325 = tpu.vector_load %arg9[%swap3A_323, %swap3A_324] {strides = array<i32>} : memref<5x512xf32, #tpu.memory_space<vmem>>, vector<16xf32>,
      tpu.vector_store %arg9[%swap3A_323, %swap3A_324], %gather3A_321 {strides = array<i32>} : memref<5x512xf32, #tpu.memory_space<vmem>>, vector<16xf32>,
      %get3A_326 = arith.constant 1 : i32
      %get3A_327 = arith.index_cast %get3A_326 : i32 to index
      %get3A_328 = arith.constant 32 : index
      %get3A_329 = tpu.vector_load %arg6[%get3A_327, %get3A_328] {strides = array<i32>} : memref<5x512xi32, #tpu.memory_space<vmem>>, vector<16xi32>,
      %gather3A_330 = tpu.vector_load_idx %arg7[%get3A_329] : memref<50176xf32, #tpu.memory_space<vmem>>[vector<16xi32>], vector<16xf32>,
      %swap3A_331 = arith.constant 1 : i32
      %swap3A_332 = arith.index_cast %swap3A_331 : i32 to index
      %swap3A_333 = arith.constant 32 : index
      %swap3A_334 = tpu.vector_load %arg9[%swap3A_332, %swap3A_333] {strides = array<i32>} : memref<5x512xf32, #tpu.memory_space<vmem>>, vector<16xf32>,
      tpu.vector_store %arg9[%swap3A_332, %swap3A_333], %gather3A_330 {strides = array<i32>} : memref<5x512xf32, #tpu.memory_space<vmem>>, vector<16xf32>,
      %get3A_335 = arith.constant 1 : i32
      %get3A_336 = arith.index_cast %get3A_335 : i32 to index
      %get3A_337 = arith.constant 48 : index
      %get3A_338 = tpu.vector_load %arg6[%get3A_336, %get3A_337] {strides = array<i32>} : memref<5x512xi32, #tpu.memory_space<vmem>>, vector<16xi32>,
      %gather3A_339 = tpu.vector_load_idx %arg7[%get3A_338] : memref<50176xf32, #tpu.memory_space<vmem>>[vector<16xi32>], vector<16xf32>,
      %swap3A_340 = arith.constant 1 : i32
      %swap3A_341 = arith.index_cast %swap3A_340 : i32 to index
      %swap3A_342 = arith.constant 48 : index
      %swap3A_343 = tpu.vector_load %arg9[%swap3A_341, %swap3A_342] {strides = array<i32>} : memref<5x512xf32, #tpu.memory_space<vmem>>, vector<16xf32>,
      tpu.vector_store %arg9[%swap3A_341, %swap3A_342], %gather3A_339 {strides = array<i32>} : memref<5x512xf32, #tpu.memory_space<vmem>>, vector<16xf32>,
      %get3A_344 = arith.constant 1 : i32
      %get3A_345 = arith.index_cast %get3A_344 : i32 to index
      %get3A_346 = arith.constant 64 : index
      %get3A_347 = tpu.vector_load %arg6[%get3A_345, %get3A_346] {strides = array<i32>} : memref<5x512xi32, #tpu.memory_space<vmem>>, vector<16xi32>,
      %gather3A_348 = tpu.vector_load_idx %arg7[%get3A_347] : memref<50176xf32, #tpu.memory_space<vmem>>[vector<16xi32>], vector<16xf32>,
      %swap3A_349 = arith.constant 1 : i32
      %swap3A_350 = arith.index_cast %swap3A_349 : i32 to index
      %swap3A_351 = arith.constant 64 : index
      %swap3A_352 = tpu.vector_load %arg9[%swap3A_350, %swap3A_351] {strides = array<i32>} : memref<5x512xf32, #tpu.memory_space<vmem>>, vector<16xf32>,
      tpu.vector_store %arg9[%swap3A_350, %swap3A_351], %gather3A_348 {strides = array<i32>} : memref<5x512xf32, #tpu.memory_space<vmem>>, vector<16xf32>,
      %get3A_353 = arith.constant 1 : i32
      %get3A_354 = arith.index_cast %get3A_353 : i32 to index
      %get3A_355 = arith.constant 80 : index
      %get3A_356 = tpu.vector_load %arg6[%get3A_354, %get3A_355] {strides = array<i32>} : memref<5x512xi32, #tpu.memory_space<vmem>>, vector<16xi32>,
      %gather3A_357 = tpu.vector_load_idx %arg7[%get3A_356] : memref<50176xf32, #tpu.memory_space<vmem>>[vector<16xi32>], vector<16xf32>,
      %swap3A_358 = arith.constant 1 : i32
      %swap3A_359 = arith.index_cast %swap3A_358 : i32 to index
      %swap3A_360 = arith.constant 80 : index
      %swap3A_361 = tpu.vector_load %arg9[%swap3A_359, %swap3A_360] {strides = array<i32>} : memref<5x512xf32, #tpu.memory_space<vmem>>, vector<16xf32>,
      tpu.vector_store %arg9[%swap3A_359, %swap3A_360], %gather3A_357 {strides = array<i32>} : memref<5x512xf32, #tpu.memory_space<vmem>>, vector<16xf32>,
      %get3A_362 = arith.constant 1 : i32
      %get3A_363 = arith.index_cast %get3A_362 : i32 to index
      %get3A_364 = arith.constant 96 : index
      %get3A_365 = tpu.vector_load %arg6[%get3A_363, %get3A_364] {strides = array<i32>} : memref<5x512xi32, #tpu.memory_space<vmem>>, vector<16xi32>,
      %gather3A_366 = tpu.vector_load_idx %arg7[%get3A_365] : memref<50176xf32, #tpu.memory_space<vmem>>[vector<16xi32>], vector<16xf32>,
      %swap3A_367 = arith.constant 1 : i32
      %swap3A_368 = arith.index_cast %swap3A_367 : i32 to index
      %swap3A_369 = arith.constant 96 : index
      %swap3A_370 = tpu.vector_load %arg9[%swap3A_368, %swap3A_369] {strides = array<i32>} : memref<5x512xf32, #tpu.memory_space<vmem>>, vector<16xf32>,
      tpu.vector_store %arg9[%swap3A_368, %swap3A_369], %gather3A_366 {strides = array<i32>} : memref<5x512xf32, #tpu.memory_space<vmem>>, vector<16xf32>,
      %get3A_371 = arith.constant 1 : i32
      %get3A_372 = arith.index_cast %get3A_371 : i32 to index
      %get3A_373 = arith.constant 112 : index
      %get3A_374 = tpu.vector_load %arg6[%get3A_372, %get3A_373] {strides = array<i32>} : memref<5x512xi32, #tpu.memory_space<vmem>>, vector<16xi32>,
      %gather3A_375 = tpu.vector_load_idx %arg7[%get3A_374] : memref<50176xf32, #tpu.memory_space<vmem>>[vector<16xi32>], vector<16xf32>,
      %swap3A_376 = arith.constant 1 : i32
      %swap3A_377 = arith.index_cast %swap3A_376 : i32 to index
      %swap3A_378 = arith.constant 112 : index
      %swap3A_379 = tpu.vector_load %arg9[%swap3A_377, %swap3A_378] {strides = array<i32>} : memref<5x512xf32, #tpu.memory_space<vmem>>, vector<16xf32>,
      tpu.vector_store %arg9[%swap3A_377, %swap3A_378], %gather3A_375 {strides = array<i32>} : memref<5x512xf32, #tpu.memory_space<vmem>>, vector<16xf32>,
      %get3A_380 = arith.constant 1 : i32
      %get3A_381 = arith.index_cast %get3A_380 : i32 to index
      %get3A_382 = arith.constant 128 : index
      %get3A_383 = tpu.vector_load %arg6[%get3A_381, %get3A_382] {strides = array<i32>} : memref<5x512xi32, #tpu.memory_space<vmem>>, vector<16xi32>,
      %gather3A_384 = tpu.vector_load_idx %arg7[%get3A_383] : memref<50176xf32, #tpu.memory_space<vmem>>[vector<16xi32>], vector<16xf32>,
      %swap3A_385 = arith.constant 1 : i32
      %swap3A_386 = arith.index_cast %swap3A_385 : i32 to index
      %swap3A_387 = arith.constant 128 : index
      %swap3A_388 = tpu.vector_load %arg9[%swap3A_386, %swap3A_387] {strides = array<i32>} : memref<5x512xf32, #tpu.memory_space<vmem>>, vector<16xf32>,
      tpu.vector_store %arg9[%swap3A_386, %swap3A_387], %gather3A_384 {strides = array<i32>} : memref<5x512xf32, #tpu.memory_space<vmem>>, vector<16xf32>,
      %get3A_389 = arith.constant 1 : i32
      %get3A_390 = arith.index_cast %get3A_389 : i32 to index
      %get3A_391 = arith.constant 144 : index
      %get3A_392 = tpu.vector_load %arg6[%get3A_390, %get3A_391] {strides = array<i32>} : memref<5x512xi32, #tpu.memory_space<vmem>>, vector<16xi32>,
      %gather3A_393 = tpu.vector_load_idx %arg7[%get3A_392] : memref<50176xf32, #tpu.memory_space<vmem>>[vector<16xi32>], vector<16xf32>,
      %swap3A_394 = arith.constant 1 : i32
      %swap3A_395 = arith.index_cast %swap3A_394 : i32 to index
      %swap3A_396 = arith.constant 144 : index
      %swap3A_397 = tpu.vector_load %arg9[%swap3A_395, %swap3A_396] {strides = array<i32>} : memref<5x512xf32, #tpu.memory_space<vmem>>, vector<16xf32>,
      tpu.vector_store %arg9[%swap3A_395, %swap3A_396], %gather3A_393 {strides = array<i32>} : memref<5x512xf32, #tpu.memory_space<vmem>>, vector<16xf32>,
      %get3A_398 = arith.constant 1 : i32
      %get3A_399 = arith.index_cast %get3A_398 : i32 to index
      %get3A_400 = arith.constant 160 : index
      %get3A_401 = tpu.vector_load %arg6[%get3A_399, %get3A_400] {strides = array<i32>} : memref<5x512xi32, #tpu.memory_space<vmem>>, vector<16xi32>,
      %gather3A_402 = tpu.vector_load_idx %arg7[%get3A_401] : memref<50176xf32, #tpu.memory_space<vmem>>[vector<16xi32>], vector<16xf32>,
      %swap3A_403 = arith.constant 1 : i32
      %swap3A_404 = arith.index_cast %swap3A_403 : i32 to index
      %swap3A_405 = arith.constant 160 : index
      %swap3A_406 = tpu.vector_load %arg9[%swap3A_404, %swap3A_405] {strides = array<i32>} : memref<5x512xf32, #tpu.memory_space<vmem>>, vector<16xf32>,
      tpu.vector_store %arg9[%swap3A_404, %swap3A_405], %gather3A_402 {strides = array<i32>} : memref<5x512xf32, #tpu.memory_space<vmem>>, vector<16xf32>,
      %get3A_407 = arith.constant 1 : i32
      %get3A_408 = arith.index_cast %get3A_407 : i32 to index
      %get3A_409 = arith.constant 176 : index
      %get3A_410 = tpu.vector_load %arg6[%get3A_408, %get3A_409] {strides = array<i32>} : memref<5x512xi32, #tpu.memory_space<vmem>>, vector<16xi32>,
      %gather3A_411 = tpu.vector_load_idx %arg7[%get3A_410] : memref<50176xf32, #tpu.memory_space<vmem>>[vector<16xi32>], vector<16xf32>,
      %swap3A_412 = arith.constant 1 : i32
      %swap3A_413 = arith.index_cast %swap3A_412 : i32 to index
      %swap3A_414 = arith.constant 176 : index
      %swap3A_415 = tpu.vector_load %arg9[%swap3A_413, %swap3A_414] {strides = array<i32>} : memref<5x512xf32, #tpu.memory_space<vmem>>, vector<16xf32>,
      tpu.vector_store %arg9[%swap3A_413, %swap3A_414], %gather3A_411 {strides = array<i32>} : memref<5x512xf32, #tpu.memory_space<vmem>>, vector<16xf32>,
      %get3A_416 = arith.constant 1 : i32
      %get3A_417 = arith.index_cast %get3A_416 : i32 to index
      %get3A_418 = arith.constant 192 : index
      %get3A_419 = tpu.vector_load %arg6[%get3A_417, %get3A_418] {strides = array<i32>} : memref<5x512xi32, #tpu.memory_space<vmem>>, vector<16xi32>,
      %gather3A_420 = tpu.vector_load_idx %arg7[%get3A_419] : memref<50176xf32, #tpu.memory_space<vmem>>[vector<16xi32>], vector<16xf32>,
      %swap3A_421 = arith.constant 1 : i32
      %swap3A_422 = arith.index_cast %swap3A_421 : i32 to index
      %swap3A_423 = arith.constant 192 : index
      %swap3A_424 = tpu.vector_load %arg9[%swap3A_422, %swap3A_423] {strides = array<i32>} : memref<5x512xf32, #tpu.memory_space<vmem>>, vector<16xf32>,
      tpu.vector_store %arg9[%swap3A_422, %swap3A_423], %gather3A_420 {strides = array<i32>} : memref<5x512xf32, #tpu.memory_space<vmem>>, vector<16xf32>,
      %get3A_425 = arith.constant 1 : i32
      %get3A_426 = arith.index_cast %get3A_425 : i32 to index
      %get3A_427 = arith.constant 208 : index
      %get3A_428 = tpu.vector_load %arg6[%get3A_426, %get3A_427] {strides = array<i32>} : memref<5x512xi32, #tpu.memory_space<vmem>>, vector<16xi32>,
      %gather3A_429 = tpu.vector_load_idx %arg7[%get3A_428] : memref<50176xf32, #tpu.memory_space<vmem>>[vector<16xi32>], vector<16xf32>,
      %swap3A_430 = arith.constant 1 : i32
      %swap3A_431 = arith.index_cast %swap3A_430 : i32 to index
      %swap3A_432 = arith.constant 208 : index
      %swap3A_433 = tpu.vector_load %arg9[%swap3A_431, %swap3A_432] {strides = array<i32>} : memref<5x512xf32, #tpu.memory_space<vmem>>, vector<16xf32>,
      tpu.vector_store %arg9[%swap3A_431, %swap3A_432], %gather3A_429 {strides = array<i32>} : memref<5x512xf32, #tpu.memory_space<vmem>>, vector<16xf32>,
      %get3A_434 = arith.constant 1 : i32
      %get3A_435 = arith.index_cast %get3A_434 : i32 to index
      %get3A_436 = arith.constant 224 : index
      %get3A_437 = tpu.vector_load %arg6[%get3A_435, %get3A_436] {strides = array<i32>} : memref<5x512xi32, #tpu.memory_space<vmem>>, vector<16xi32>,
      %gather3A_438 = tpu.vector_load_idx %arg7[%get3A_437] : memref<50176xf32, #tpu.memory_space<vmem>>[vector<16xi32>], vector<16xf32>,
      %swap3A_439 = arith.constant 1 : i32
      %swap3A_440 = arith.index_cast %swap3A_439 : i32 to index
      %swap3A_441 = arith.constant 224 : index
      %swap3A_442 = tpu.vector_load %arg9[%swap3A_440, %swap3A_441] {strides = array<i32>} : memref<5x512xf32, #tpu.memory_space<vmem>>, vector<16xf32>,
      tpu.vector_store %arg9[%swap3A_440, %swap3A_441], %gather3A_438 {strides = array<i32>} : memref<5x512xf32, #tpu.memory_space<vmem>>, vector<16xf32>,
      %get3A_443 = arith.constant 1 : i32
      %get3A_444 = arith.index_cast %get3A_443 : i32 to index
      %get3A_445 = arith.constant 240 : index
      %get3A_446 = tpu.vector_load %arg6[%get3A_444, %get3A_445] {strides = array<i32>} : memref<5x512xi32, #tpu.memory_space<vmem>>, vector<16xi32>,
      %gather3A_447 = tpu.vector_load_idx %arg7[%get3A_446] : memref<50176xf32, #tpu.memory_space<vmem>>[vector<16xi32>], vector<16xf32>,
      %swap3A_448 = arith.constant 1 : i32
      %swap3A_449 = arith.index_cast %swap3A_448 : i32 to index
      %swap3A_450 = arith.constant 240 : index
      %swap3A_451 = tpu.vector_load %arg9[%swap3A_449, %swap3A_450] {strides = array<i32>} : memref<5x512xf32, #tpu.memory_space<vmem>>, vector<16xf32>,
      tpu.vector_store %arg9[%swap3A_449, %swap3A_450], %gather3A_447 {strides = array<i32>} : memref<5x512xf32, #tpu.memory_space<vmem>>, vector<16xf32>,
      %get3A_452 = arith.constant 1 : i32
      %get3A_453 = arith.index_cast %get3A_452 : i32 to index
      %get3A_454 = arith.constant 256 : index
      %get3A_455 = tpu.vector_load %arg6[%get3A_453, %get3A_454] {strides = array<i32>} : memref<5x512xi32, #tpu.memory_space<vmem>>, vector<16xi32>,
      %gather3A_456 = tpu.vector_load_idx %arg7[%get3A_455] : memref<50176xf32, #tpu.memory_space<vmem>>[vector<16xi32>], vector<16xf32>,
      %swap3A_457 = arith.constant 1 : i32
      %swap3A_458 = arith.index_cast %swap3A_457 : i32 to index
      %swap3A_459 = arith.constant 256 : index
      %swap3A_460 = tpu.vector_load %arg9[%swap3A_458, %swap3A_459] {strides = array<i32>} : memref<5x512xf32, #tpu.memory_space<vmem>>, vector<16xf32>,
      tpu.vector_store %arg9[%swap3A_458, %swap3A_459], %gather3A_456 {strides = array<i32>} : memref<5x512xf32, #tpu.memory_space<vmem>>, vector<16xf32>,
      %get3A_461 = arith.constant 1 : i32
      %get3A_462 = arith.index_cast %get3A_461 : i32 to index
      %get3A_463 = arith.constant 272 : index
      %get3A_464 = tpu.vector_load %arg6[%get3A_462, %get3A_463] {strides = array<i32>} : memref<5x512xi32, #tpu.memory_space<vmem>>, vector<16xi32>,
      %gather3A_465 = tpu.vector_load_idx %arg7[%get3A_464] : memref<50176xf32, #tpu.memory_space<vmem>>[vector<16xi32>], vector<16xf32>,
      %swap3A_466 = arith.constant 1 : i32
      %swap3A_467 = arith.index_cast %swap3A_466 : i32 to index
      %swap3A_468 = arith.constant 272 : index
      %swap3A_469 = tpu.vector_load %arg9[%swap3A_467, %swap3A_468] {strides = array<i32>} : memref<5x512xf32, #tpu.memory_space<vmem>>, vector<16xf32>,
      tpu.vector_store %arg9[%swap3A_467, %swap3A_468], %gather3A_465 {strides = array<i32>} : memref<5x512xf32, #tpu.memory_space<vmem>>, vector<16xf32>,
      %get3A_470 = arith.constant 1 : i32
      %get3A_471 = arith.index_cast %get3A_470 : i32 to index
      %get3A_472 = arith.constant 288 : index
      %get3A_473 = tpu.vector_load %arg6[%get3A_471, %get3A_472] {strides = array<i32>} : memref<5x512xi32, #tpu.memory_space<vmem>>, vector<16xi32>,
      %gather3A_474 = tpu.vector_load_idx %arg7[%get3A_473] : memref<50176xf32, #tpu.memory_space<vmem>>[vector<16xi32>], vector<16xf32>,
      %swap3A_475 = arith.constant 1 : i32
      %swap3A_476 = arith.index_cast %swap3A_475 : i32 to index
      %swap3A_477 = arith.constant 288 : index
      %swap3A_478 = tpu.vector_load %arg9[%swap3A_476, %swap3A_477] {strides = array<i32>} : memref<5x512xf32, #tpu.memory_space<vmem>>, vector<16xf32>,
      tpu.vector_store %arg9[%swap3A_476, %swap3A_477], %gather3A_474 {strides = array<i32>} : memref<5x512xf32, #tpu.memory_space<vmem>>, vector<16xf32>,
      %get3A_479 = arith.constant 1 : i32
      %get3A_480 = arith.index_cast %get3A_479 : i32 to index
      %get3A_481 = arith.constant 304 : index
      %get3A_482 = tpu.vector_load %arg6[%get3A_480, %get3A_481] {strides = array<i32>} : memref<5x512xi32, #tpu.memory_space<vmem>>, vector<16xi32>,
      %gather3A_483 = tpu.vector_load_idx %arg7[%get3A_482] : memref<50176xf32, #tpu.memory_space<vmem>>[vector<16xi32>], vector<16xf32>,
      %swap3A_484 = arith.constant 1 : i32
      %swap3A_485 = arith.index_cast %swap3A_484 : i32 to index
      %swap3A_486 = arith.constant 304 : index
      %swap3A_487 = tpu.vector_load %arg9[%swap3A_485, %swap3A_486] {strides = array<i32>} : memref<5x512xf32, #tpu.memory_space<vmem>>, vector<16xf32>,
      tpu.vector_store %arg9[%swap3A_485, %swap3A_486], %gather3A_483 {strides = array<i32>} : memref<5x512xf32, #tpu.memory_space<vmem>>, vector<16xf32>,
      %get3A_488 = arith.constant 1 : i32
      %get3A_489 = arith.index_cast %get3A_488 : i32 to index
      %get3A_490 = arith.constant 320 : index
      %get3A_491 = tpu.vector_load %arg6[%get3A_489, %get3A_490] {strides = array<i32>} : memref<5x512xi32, #tpu.memory_space<vmem>>, vector<16xi32>,
      %gather3A_492 = tpu.vector_load_idx %arg7[%get3A_491] : memref<50176xf32, #tpu.memory_space<vmem>>[vector<16xi32>], vector<16xf32>,
      %swap3A_493 = arith.constant 1 : i32
      %swap3A_494 = arith.index_cast %swap3A_493 : i32 to index
      %swap3A_495 = arith.constant 320 : index
      %swap3A_496 = tpu.vector_load %arg9[%swap3A_494, %swap3A_495] {strides = array<i32>} : memref<5x512xf32, #tpu.memory_space<vmem>>, vector<16xf32>,
      tpu.vector_store %arg9[%swap3A_494, %swap3A_495], %gather3A_492 {strides = array<i32>} : memref<5x512xf32, #tpu.memory_space<vmem>>, vector<16xf32>,
      %get3A_497 = arith.constant 1 : i32
      %get3A_498 = arith.index_cast %get3A_497 : i32 to index
      %get3A_499 = arith.constant 336 : index
      %get3A_500 = tpu.vector_load %arg6[%get3A_498, %get3A_499] {strides = array<i32>} : memref<5x512xi32, #tpu.memory_space<vmem>>, vector<16xi32>,
      %gather3A_501 = tpu.vector_load_idx %arg7[%get3A_500] : memref<50176xf32, #tpu.memory_space<vmem>>[vector<16xi32>], vector<16xf32>,
      %swap3A_502 = arith.constant 1 : i32
      %swap3A_503 = arith.index_cast %swap3A_502 : i32 to index
      %swap3A_504 = arith.constant 336 : index
      %swap3A_505 = tpu.vector_load %arg9[%swap3A_503, %swap3A_504] {strides = array<i32>} : memref<5x512xf32, #tpu.memory_space<vmem>>, vector<16xf32>,
      tpu.vector_store %arg9[%swap3A_503, %swap3A_504], %gather3A_501 {strides = array<i32>} : memref<5x512xf32, #tpu.memory_space<vmem>>, vector<16xf32>,
      %get3A_506 = arith.constant 1 : i32
      %get3A_507 = arith.index_cast %get3A_506 : i32 to index
      %get3A_508 = arith.constant 352 : index
      %get3A_509 = tpu.vector_load %arg6[%get3A_507, %get3A_508] {strides = array<i32>} : memref<5x512xi32, #tpu.memory_space<vmem>>, vector<16xi32>,
      %gather3A_510 = tpu.vector_load_idx %arg7[%get3A_509] : memref<50176xf32, #tpu.memory_space<vmem>>[vector<16xi32>], vector<16xf32>,
      %swap3A_511 = arith.constant 1 : i32
      %swap3A_512 = arith.index_cast %swap3A_511 : i32 to index
      %swap3A_513 = arith.constant 352 : index
      %swap3A_514 = tpu.vector_load %arg9[%swap3A_512, %swap3A_513] {strides = array<i32>} : memref<5x512xf32, #tpu.memory_space<vmem>>, vector<16xf32>,
      tpu.vector_store %arg9[%swap3A_512, %swap3A_513], %gather3A_510 {strides = array<i32>} : memref<5x512xf32, #tpu.memory_space<vmem>>, vector<16xf32>,
      %get3A_515 = arith.constant 1 : i32
      %get3A_516 = arith.index_cast %get3A_515 : i32 to index
      %get3A_517 = arith.constant 368 : index
      %get3A_518 = tpu.vector_load %arg6[%get3A_516, %get3A_517] {strides = array<i32>} : memref<5x512xi32, #tpu.memory_space<vmem>>, vector<16xi32>,
      %gather3A_519 = tpu.vector_load_idx %arg7[%get3A_518] : memref<50176xf32, #tpu.memory_space<vmem>>[vector<16xi32>], vector<16xf32>,
      %swap3A_520 = arith.constant 1 : i32
      %swap3A_521 = arith.index_cast %swap3A_520 : i32 to index
      %swap3A_522 = arith.constant 368 : index
      %swap3A_523 = tpu.vector_load %arg9[%swap3A_521, %swap3A_522] {strides = array<i32>} : memref<5x512xf32, #tpu.memory_space<vmem>>, vector<16xf32>,
      tpu.vector_store %arg9[%swap3A_521, %swap3A_522], %gather3A_519 {strides = array<i32>} : memref<5x512xf32, #tpu.memory_space<vmem>>, vector<16xf32>,
      %get3A_524 = arith.constant 1 : i32
      %get3A_525 = arith.index_cast %get3A_524 : i32 to index
      %get3A_526 = arith.constant 384 : index
      %get3A_527 = tpu.vector_load %arg6[%get3A_525, %get3A_526] {strides = array<i32>} : memref<5x512xi32, #tpu.memory_space<vmem>>, vector<16xi32>,
      %gather3A_528 = tpu.vector_load_idx %arg7[%get3A_527] : memref<50176xf32, #tpu.memory_space<vmem>>[vector<16xi32>], vector<16xf32>,
      %swap3A_529 = arith.constant 1 : i32
      %swap3A_530 = arith.index_cast %swap3A_529 : i32 to index
      %swap3A_531 = arith.constant 384 : index
      %swap3A_532 = tpu.vector_load %arg9[%swap3A_530, %swap3A_531] {strides = array<i32>} : memref<5x512xf32, #tpu.memory_space<vmem>>, vector<16xf32>,
      tpu.vector_store %arg9[%swap3A_530, %swap3A_531], %gather3A_528 {strides = array<i32>} : memref<5x512xf32, #tpu.memory_space<vmem>>, vector<16xf32>,
      %get3A_533 = arith.constant 1 : i32
      %get3A_534 = arith.index_cast %get3A_533 : i32 to index
      %get3A_535 = arith.constant 400 : index
      %get3A_536 = tpu.vector_load %arg6[%get3A_534, %get3A_535] {strides = array<i32>} : memref<5x512xi32, #tpu.memory_space<vmem>>, vector<16xi32>,
      %gather3A_537 = tpu.vector_load_idx %arg7[%get3A_536] : memref<50176xf32, #tpu.memory_space<vmem>>[vector<16xi32>], vector<16xf32>,
      %swap3A_538 = arith.constant 1 : i32
      %swap3A_539 = arith.index_cast %swap3A_538 : i32 to index
      %swap3A_540 = arith.constant 400 : index
      %swap3A_541 = tpu.vector_load %arg9[%swap3A_539, %swap3A_540] {strides = array<i32>} : memref<5x512xf32, #tpu.memory_space<vmem>>, vector<16xf32>,
      tpu.vector_store %arg9[%swap3A_539, %swap3A_540], %gather3A_537 {strides = array<i32>} : memref<5x512xf32, #tpu.memory_space<vmem>>, vector<16xf32>,
      %get3A_542 = arith.constant 1 : i32
      %get3A_543 = arith.index_cast %get3A_542 : i32 to index
      %get3A_544 = arith.constant 416 : index
      %get3A_545 = tpu.vector_load %arg6[%get3A_543, %get3A_544] {strides = array<i32>} : memref<5x512xi32, #tpu.memory_space<vmem>>, vector<16xi32>,
      %gather3A_546 = tpu.vector_load_idx %arg7[%get3A_545] : memref<50176xf32, #tpu.memory_space<vmem>>[vector<16xi32>], vector<16xf32>,
      %swap3A_547 = arith.constant 1 : i32
      %swap3A_548 = arith.index_cast %swap3A_547 : i32 to index
      %swap3A_549 = arith.constant 416 : index
      %swap3A_550 = tpu.vector_load %arg9[%swap3A_548, %swap3A_549] {strides = array<i32>} : memref<5x512xf32, #tpu.memory_space<vmem>>, vector<16xf32>,
      tpu.vector_store %arg9[%swap3A_548, %swap3A_549], %gather3A_546 {strides = array<i32>} : memref<5x512xf32, #tpu.memory_space<vmem>>, vector<16xf32>,
      %get3A_551 = arith.constant 1 : i32
      %get3A_552 = arith.index_cast %get3A_551 : i32 to index
      %get3A_553 = arith.constant 432 : index
      %get3A_554 = tpu.vector_load %arg6[%get3A_552, %get3A_553] {strides = array<i32>} : memref<5x512xi32, #tpu.memory_space<vmem>>, vector<16xi32>,
      %gather3A_555 = tpu.vector_load_idx %arg7[%get3A_554] : memref<50176xf32, #tpu.memory_space<vmem>>[vector<16xi32>], vector<16xf32>,
      %swap3A_556 = arith.constant 1 : i32
      %swap3A_557 = arith.index_cast %swap3A_556 : i32 to index
      %swap3A_558 = arith.constant 432 : index
      %swap3A_559 = tpu.vector_load %arg9[%swap3A_557, %swap3A_558] {strides = array<i32>} : memref<5x512xf32, #tpu.memory_space<vmem>>, vector<16xf32>,
      tpu.vector_store %arg9[%swap3A_557, %swap3A_558], %gather3A_555 {strides = array<i32>} : memref<5x512xf32, #tpu.memory_space<vmem>>, vector<16xf32>,
      %get3A_560 = arith.constant 1 : i32
      %get3A_561 = arith.index_cast %get3A_560 : i32 to index
      %get3A_562 = arith.constant 448 : index
      %get3A_563 = tpu.vector_load %arg6[%get3A_561, %get3A_562] {strides = array<i32>} : memref<5x512xi32, #tpu.memory_space<vmem>>, vector<16xi32>,
      %gather3A_564 = tpu.vector_load_idx %arg7[%get3A_563] : memref<50176xf32, #tpu.memory_space<vmem>>[vector<16xi32>], vector<16xf32>,
      %swap3A_565 = arith.constant 1 : i32
      %swap3A_566 = arith.index_cast %swap3A_565 : i32 to index
      %swap3A_567 = arith.constant 448 : index
      %swap3A_568 = tpu.vector_load %arg9[%swap3A_566, %swap3A_567] {strides = array<i32>} : memref<5x512xf32, #tpu.memory_space<vmem>>, vector<16xf32>,
      tpu.vector_store %arg9[%swap3A_566, %swap3A_567], %gather3A_564 {strides = array<i32>} : memref<5x512xf32, #tpu.memory_space<vmem>>, vector<16xf32>,
      %get3A_569 = arith.constant 1 : i32
      %get3A_570 = arith.index_cast %get3A_569 : i32 to index
      %get3A_571 = arith.constant 464 : index
      %get3A_572 = tpu.vector_load %arg6[%get3A_570, %get3A_571] {strides = array<i32>} : memref<5x512xi32, #tpu.memory_space<vmem>>, vector<16xi32>,
      %gather3A_573 = tpu.vector_load_idx %arg7[%get3A_572] : memref<50176xf32, #tpu.memory_space<vmem>>[vector<16xi32>], vector<16xf32>,
      %swap3A_574 = arith.constant 1 : i32
      %swap3A_575 = arith.index_cast %swap3A_574 : i32 to index
      %swap3A_576 = arith.constant 464 : index
      %swap3A_577 = tpu.vector_load %arg9[%swap3A_575, %swap3A_576] {strides = array<i32>} : memref<5x512xf32, #tpu.memory_space<vmem>>, vector<16xf32>,
      tpu.vector_store %arg9[%swap3A_575, %swap3A_576], %gather3A_573 {strides = array<i32>} : memref<5x512xf32, #tpu.memory_space<vmem>>, vector<16xf32>,
      %get3A_578 = arith.constant 1 : i32
      %get3A_579 = arith.index_cast %get3A_578 : i32 to index
      %get3A_580 = arith.constant 480 : index
      %get3A_581 = tpu.vector_load %arg6[%get3A_579, %get3A_580] {strides = array<i32>} : memref<5x512xi32, #tpu.memory_space<vmem>>, vector<16xi32>,
      %gather3A_582 = tpu.vector_load_idx %arg7[%get3A_581] : memref<50176xf32, #tpu.memory_space<vmem>>[vector<16xi32>], vector<16xf32>,
      %swap3A_583 = arith.constant 1 : i32
      %swap3A_584 = arith.index_cast %swap3A_583 : i32 to index
      %swap3A_585 = arith.constant 480 : index
      %swap3A_586 = tpu.vector_load %arg9[%swap3A_584, %swap3A_585] {strides = array<i32>} : memref<5x512xf32, #tpu.memory_space<vmem>>, vector<16xf32>,
      tpu.vector_store %arg9[%swap3A_584, %swap3A_585], %gather3A_582 {strides = array<i32>} : memref<5x512xf32, #tpu.memory_space<vmem>>, vector<16xf32>,
      %get3A_587 = arith.constant 1 : i32
      %get3A_588 = arith.index_cast %get3A_587 : i32 to index
      %get3A_589 = arith.constant 496 : index
      %get3A_590 = tpu.vector_load %arg6[%get3A_588, %get3A_589] {strides = array<i32>} : memref<5x512xi32, #tpu.memory_space<vmem>>, vector<16xi32>,
      %gather3A_591 = tpu.vector_load_idx %arg7[%get3A_590] : memref<50176xf32, #tpu.memory_space<vmem>>[vector<16xi32>], vector<16xf32>,
      %swap3A_592 = arith.constant 1 : i32
      %swap3A_593 = arith.index_cast %swap3A_592 : i32 to index
      %swap3A_594 = arith.constant 496 : index
      %swap3A_595 = tpu.vector_load %arg9[%swap3A_593, %swap3A_594] {strides = array<i32>} : memref<5x512xf32, #tpu.memory_space<vmem>>, vector<16xf32>,
      tpu.vector_store %arg9[%swap3A_593, %swap3A_594], %gather3A_591 {strides = array<i32>} : memref<5x512xf32, #tpu.memory_space<vmem>>, vector<16xf32>,
      %get3A_596 = arith.constant 2 : i32
      %get3A_597 = arith.index_cast %get3A_596 : i32 to index
      %get3A_598 = arith.constant 0 : index
      %get3A_599 = tpu.vector_load %arg6[%get3A_597, %get3A_598] {strides = array<i32>} : memref<5x512xi32, #tpu.memory_space<vmem>>, vector<16xi32>,
      %gather3A_600 = tpu.vector_load_idx %arg7[%get3A_599] : memref<50176xf32, #tpu.memory_space<vmem>>[vector<16xi32>], vector<16xf32>,
      %swap3A_601 = arith.constant 2 : i32
      %swap3A_602 = arith.index_cast %swap3A_601 : i32 to index
      %swap3A_603 = arith.constant 0 : index
      %swap3A_604 = tpu.vector_load %arg9[%swap3A_602, %swap3A_603] {strides = array<i32>} : memref<5x512xf32, #tpu.memory_space<vmem>>, vector<16xf32>,
      tpu.vector_store %arg9[%swap3A_602, %swap3A_603], %gather3A_600 {strides = array<i32>} : memref<5x512xf32, #tpu.memory_space<vmem>>, vector<16xf32>,
      %get3A_605 = arith.constant 2 : i32
      %get3A_606 = arith.index_cast %get3A_605 : i32 to index
      %get3A_607 = arith.constant 16 : index
      %get3A_608 = tpu.vector_load %arg6[%get3A_606, %get3A_607] {strides = array<i32>} : memref<5x512xi32, #tpu.memory_space<vmem>>, vector<16xi32>,
      %gather3A_609 = tpu.vector_load_idx %arg7[%get3A_608] : memref<50176xf32, #tpu.memory_space<vmem>>[vector<16xi32>], vector<16xf32>,
      %swap3A_610 = arith.constant 2 : i32
      %swap3A_611 = arith.index_cast %swap3A_610 : i32 to index
      %swap3A_612 = arith.constant 16 : index
      %swap3A_613 = tpu.vector_load %arg9[%swap3A_611, %swap3A_612] {strides = array<i32>} : memref<5x512xf32, #tpu.memory_space<vmem>>, vector<16xf32>,
      tpu.vector_store %arg9[%swap3A_611, %swap3A_612], %gather3A_609 {strides = array<i32>} : memref<5x512xf32, #tpu.memory_space<vmem>>, vector<16xf32>,
      %get3A_614 = arith.constant 2 : i32
      %get3A_615 = arith.index_cast %get3A_614 : i32 to index
      %get3A_616 = arith.constant 32 : index
      %get3A_617 = tpu.vector_load %arg6[%get3A_615, %get3A_616] {strides = array<i32>} : memref<5x512xi32, #tpu.memory_space<vmem>>, vector<16xi32>,
      %gather3A_618 = tpu.vector_load_idx %arg7[%get3A_617] : memref<50176xf32, #tpu.memory_space<vmem>>[vector<16xi32>], vector<16xf32>,
      %swap3A_619 = arith.constant 2 : i32
      %swap3A_620 = arith.index_cast %swap3A_619 : i32 to index
      %swap3A_621 = arith.constant 32 : index
      %swap3A_622 = tpu.vector_load %arg9[%swap3A_620, %swap3A_621] {strides = array<i32>} : memref<5x512xf32, #tpu.memory_space<vmem>>, vector<16xf32>,
      tpu.vector_store %arg9[%swap3A_620, %swap3A_621], %gather3A_618 {strides = array<i32>} : memref<5x512xf32, #tpu.memory_space<vmem>>, vector<16xf32>,
      %get3A_623 = arith.constant 2 : i32
      %get3A_624 = arith.index_cast %get3A_623 : i32 to index
      %get3A_625 = arith.constant 48 : index
      %get3A_626 = tpu.vector_load %arg6[%get3A_624, %get3A_625] {strides = array<i32>} : memref<5x512xi32, #tpu.memory_space<vmem>>, vector<16xi32>,
      %gather3A_627 = tpu.vector_load_idx %arg7[%get3A_626] : memref<50176xf32, #tpu.memory_space<vmem>>[vector<16xi32>], vector<16xf32>,
      %swap3A_628 = arith.constant 2 : i32
      %swap3A_629 = arith.index_cast %swap3A_628 : i32 to index
      %swap3A_630 = arith.constant 48 : index
      %swap3A_631 = tpu.vector_load %arg9[%swap3A_629, %swap3A_630] {strides = array<i32>} : memref<5x512xf32, #tpu.memory_space<vmem>>, vector<16xf32>,
      tpu.vector_store %arg9[%swap3A_629, %swap3A_630], %gather3A_627 {strides = array<i32>} : memref<5x512xf32, #tpu.memory_space<vmem>>, vector<16xf32>,
      %get3A_632 = arith.constant 2 : i32
      %get3A_633 = arith.index_cast %get3A_632 : i32 to index
      %get3A_634 = arith.constant 64 : index
      %get3A_635 = tpu.vector_load %arg6[%get3A_633, %get3A_634] {strides = array<i32>} : memref<5x512xi32, #tpu.memory_space<vmem>>, vector<16xi32>,
      %gather3A_636 = tpu.vector_load_idx %arg7[%get3A_635] : memref<50176xf32, #tpu.memory_space<vmem>>[vector<16xi32>], vector<16xf32>,
      %swap3A_637 = arith.constant 2 : i32
      %swap3A_638 = arith.index_cast %swap3A_637 : i32 to index
      %swap3A_639 = arith.constant 64 : index
      %swap3A_640 = tpu.vector_load %arg9[%swap3A_638, %swap3A_639] {strides = array<i32>} : memref<5x512xf32, #tpu.memory_space<vmem>>, vector<16xf32>,
      tpu.vector_store %arg9[%swap3A_638, %swap3A_639], %gather3A_636 {strides = array<i32>} : memref<5x512xf32, #tpu.memory_space<vmem>>, vector<16xf32>,
      %get3A_641 = arith.constant 2 : i32
      %get3A_642 = arith.index_cast %get3A_641 : i32 to index
      %get3A_643 = arith.constant 80 : index
      %get3A_644 = tpu.vector_load %arg6[%get3A_642, %get3A_643] {strides = array<i32>} : memref<5x512xi32, #tpu.memory_space<vmem>>, vector<16xi32>,
      %gather3A_645 = tpu.vector_load_idx %arg7[%get3A_644] : memref<50176xf32, #tpu.memory_space<vmem>>[vector<16xi32>], vector<16xf32>,
      %swap3A_646 = arith.constant 2 : i32
      %swap3A_647 = arith.index_cast %swap3A_646 : i32 to index
      %swap3A_648 = arith.constant 80 : index
      %swap3A_649 = tpu.vector_load %arg9[%swap3A_647, %swap3A_648] {strides = array<i32>} : memref<5x512xf32, #tpu.memory_space<vmem>>, vector<16xf32>,
      tpu.vector_store %arg9[%swap3A_647, %swap3A_648], %gather3A_645 {strides = array<i32>} : memref<5x512xf32, #tpu.memory_space<vmem>>, vector<16xf32>,
      %get3A_650 = arith.constant 2 : i32
      %get3A_651 = arith.index_cast %get3A_650 : i32 to index
      %get3A_652 = arith.constant 96 : index
      %get3A_653 = tpu.vector_load %arg6[%get3A_651, %get3A_652] {strides = array<i32>} : memref<5x512xi32, #tpu.memory_space<vmem>>, vector<16xi32>,
      %gather3A_654 = tpu.vector_load_idx %arg7[%get3A_653] : memref<50176xf32, #tpu.memory_space<vmem>>[vector<16xi32>], vector<16xf32>,
      %swap3A_655 = arith.constant 2 : i32
      %swap3A_656 = arith.index_cast %swap3A_655 : i32 to index
      %swap3A_657 = arith.constant 96 : index
      %swap3A_658 = tpu.vector_load %arg9[%swap3A_656, %swap3A_657] {strides = array<i32>} : memref<5x512xf32, #tpu.memory_space<vmem>>, vector<16xf32>,
      tpu.vector_store %arg9[%swap3A_656, %swap3A_657], %gather3A_654 {strides = array<i32>} : memref<5x512xf32, #tpu.memory_space<vmem>>, vector<16xf32>,
      %get3A_659 = arith.constant 2 : i32
      %get3A_660 = arith.index_cast %get3A_659 : i32 to index
      %get3A_661 = arith.constant 112 : index
      %get3A_662 = tpu.vector_load %arg6[%get3A_660, %get3A_661] {strides = array<i32>} : memref<5x512xi32, #tpu.memory_space<vmem>>, vector<16xi32>,
      %gather3A_663 = tpu.vector_load_idx %arg7[%get3A_662] : memref<50176xf32, #tpu.memory_space<vmem>>[vector<16xi32>], vector<16xf32>,
      %swap3A_664 = arith.constant 2 : i32
      %swap3A_665 = arith.index_cast %swap3A_664 : i32 to index
      %swap3A_666 = arith.constant 112 : index
      %swap3A_667 = tpu.vector_load %arg9[%swap3A_665, %swap3A_666] {strides = array<i32>} : memref<5x512xf32, #tpu.memory_space<vmem>>, vector<16xf32>,
      tpu.vector_store %arg9[%swap3A_665, %swap3A_666], %gather3A_663 {strides = array<i32>} : memref<5x512xf32, #tpu.memory_space<vmem>>, vector<16xf32>,
      %get3A_668 = arith.constant 2 : i32
      %get3A_669 = arith.index_cast %get3A_668 : i32 to index
      %get3A_670 = arith.constant 128 : index
      %get3A_671 = tpu.vector_load %arg6[%get3A_669, %get3A_670] {strides = array<i32>} : memref<5x512xi32, #tpu.memory_space<vmem>>, vector<16xi32>,
      %gather3A_672 = tpu.vector_load_idx %arg7[%get3A_671] : memref<50176xf32, #tpu.memory_space<vmem>>[vector<16xi32>], vector<16xf32>,
      %swap3A_673 = arith.constant 2 : i32
      %swap3A_674 = arith.index_cast %swap3A_673 : i32 to index
      %swap3A_675 = arith.constant 128 : index
      %swap3A_676 = tpu.vector_load %arg9[%swap3A_674, %swap3A_675] {strides = array<i32>} : memref<5x512xf32, #tpu.memory_space<vmem>>, vector<16xf32>,
      tpu.vector_store %arg9[%swap3A_674, %swap3A_675], %gather3A_672 {strides = array<i32>} : memref<5x512xf32, #tpu.memory_space<vmem>>, vector<16xf32>,
      %get3A_677 = arith.constant 2 : i32
      %get3A_678 = arith.index_cast %get3A_677 : i32 to index
      %get3A_679 = arith.constant 144 : index
      %get3A_680 = tpu.vector_load %arg6[%get3A_678, %get3A_679] {strides = array<i32>} : memref<5x512xi32, #tpu.memory_space<vmem>>, vector<16xi32>,
      %gather3A_681 = tpu.vector_load_idx %arg7[%get3A_680] : memref<50176xf32, #tpu.memory_space<vmem>>[vector<16xi32>], vector<16xf32>,
      %swap3A_682 = arith.constant 2 : i32
      %swap3A_683 = arith.index_cast %swap3A_682 : i32 to index
      %swap3A_684 = arith.constant 144 : index
      %swap3A_685 = tpu.vector_load %arg9[%swap3A_683, %swap3A_684] {strides = array<i32>} : memref<5x512xf32, #tpu.memory_space<vmem>>, vector<16xf32>,
      tpu.vector_store %arg9[%swap3A_683, %swap3A_684], %gather3A_681 {strides = array<i32>} : memref<5x512xf32, #tpu.memory_space<vmem>>, vector<16xf32>,
      %get3A_686 = arith.constant 2 : i32
      %get3A_687 = arith.index_cast %get3A_686 : i32 to index
      %get3A_688 = arith.constant 160 : index
      %get3A_689 = tpu.vector_load %arg6[%get3A_687, %get3A_688] {strides = array<i32>} : memref<5x512xi32, #tpu.memory_space<vmem>>, vector<16xi32>,
      %gather3A_690 = tpu.vector_load_idx %arg7[%get3A_689] : memref<50176xf32, #tpu.memory_space<vmem>>[vector<16xi32>], vector<16xf32>,
      %swap3A_691 = arith.constant 2 : i32
      %swap3A_692 = arith.index_cast %swap3A_691 : i32 to index
      %swap3A_693 = arith.constant 160 : index
      %swap3A_694 = tpu.vector_load %arg9[%swap3A_692, %swap3A_693] {strides = array<i32>} : memref<5x512xf32, #tpu.memory_space<vmem>>, vector<16xf32>,
      tpu.vector_store %arg9[%swap3A_692, %swap3A_693], %gather3A_690 {strides = array<i32>} : memref<5x512xf32, #tpu.memory_space<vmem>>, vector<16xf32>,
      %get3A_695 = arith.constant 2 : i32
      %get3A_696 = arith.index_cast %get3A_695 : i32 to index
      %get3A_697 = arith.constant 176 : index
      %get3A_698 = tpu.vector_load %arg6[%get3A_696, %get3A_697] {strides = array<i32>} : memref<5x512xi32, #tpu.memory_space<vmem>>, vector<16xi32>,
      %gather3A_699 = tpu.vector_load_idx %arg7[%get3A_698] : memref<50176xf32, #tpu.memory_space<vmem>>[vector<16xi32>], vector<16xf32>,
      %swap3A_700 = arith.constant 2 : i32
      %swap3A_701 = arith.index_cast %swap3A_700 : i32 to index
      %swap3A_702 = arith.constant 176 : index
      %swap3A_703 = tpu.vector_load %arg9[%swap3A_701, %swap3A_702] {strides = array<i32>} : memref<5x512xf32, #tpu.memory_space<vmem>>, vector<16xf32>,
      tpu.vector_store %arg9[%swap3A_701, %swap3A_702], %gather3A_699 {strides = array<i32>} : memref<5x512xf32, #tpu.memory_space<vmem>>, vector<16xf32>,
      %get3A_704 = arith.constant 2 : i32
      %get3A_705 = arith.index_cast %get3A_704 : i32 to index
      %get3A_706 = arith.constant 192 : index
      %get3A_707 = tpu.vector_load %arg6[%get3A_705, %get3A_706] {strides = array<i32>} : memref<5x512xi32, #tpu.memory_space<vmem>>, vector<16xi32>,
      %gather3A_708 = tpu.vector_load_idx %arg7[%get3A_707] : memref<50176xf32, #tpu.memory_space<vmem>>[vector<16xi32>], vector<16xf32>,
      %swap3A_709 = arith.constant 2 : i32
      %swap3A_710 = arith.index_cast %swap3A_709 : i32 to index
      %swap3A_711 = arith.constant 192 : index
      %swap3A_712 = tpu.vector_load %arg9[%swap3A_710, %swap3A_711] {strides = array<i32>} : memref<5x512xf32, #tpu.memory_space<vmem>>, vector<16xf32>,
      tpu.vector_store %arg9[%swap3A_710, %swap3A_711], %gather3A_708 {strides = array<i32>} : memref<5x512xf32, #tpu.memory_space<vmem>>, vector<16xf32>,
      %get3A_713 = arith.constant 2 : i32
      %get3A_714 = arith.index_cast %get3A_713 : i32 to index
      %get3A_715 = arith.constant 208 : index
      %get3A_716 = tpu.vector_load %arg6[%get3A_714, %get3A_715] {strides = array<i32>} : memref<5x512xi32, #tpu.memory_space<vmem>>, vector<16xi32>,
      %gather3A_717 = tpu.vector_load_idx %arg7[%get3A_716] : memref<50176xf32, #tpu.memory_space<vmem>>[vector<16xi32>], vector<16xf32>,
      %swap3A_718 = arith.constant 2 : i32
      %swap3A_719 = arith.index_cast %swap3A_718 : i32 to index
      %swap3A_720 = arith.constant 208 : index
      %swap3A_721 = tpu.vector_load %arg9[%swap3A_719, %swap3A_720] {strides = array<i32>} : memref<5x512xf32, #tpu.memory_space<vmem>>, vector<16xf32>,
      tpu.vector_store %arg9[%swap3A_719, %swap3A_720], %gather3A_717 {strides = array<i32>} : memref<5x512xf32, #tpu.memory_space<vmem>>, vector<16xf32>,
      %get3A_722 = arith.constant 2 : i32
      %get3A_723 = arith.index_cast %get3A_722 : i32 to index
      %get3A_724 = arith.constant 224 : index
      %get3A_725 = tpu.vector_load %arg6[%get3A_723, %get3A_724] {strides = array<i32>} : memref<5x512xi32, #tpu.memory_space<vmem>>, vector<16xi32>,
      %gather3A_726 = tpu.vector_load_idx %arg7[%get3A_725] : memref<50176xf32, #tpu.memory_space<vmem>>[vector<16xi32>], vector<16xf32>,
      %swap3A_727 = arith.constant 2 : i32
      %swap3A_728 = arith.index_cast %swap3A_727 : i32 to index
      %swap3A_729 = arith.constant 224 : index
      %swap3A_730 = tpu.vector_load %arg9[%swap3A_728, %swap3A_729] {strides = array<i32>} : memref<5x512xf32, #tpu.memory_space<vmem>>, vector<16xf32>,
      tpu.vector_store %arg9[%swap3A_728, %swap3A_729], %gather3A_726 {strides = array<i32>} : memref<5x512xf32, #tpu.memory_space<vmem>>, vector<16xf32>,
      %get3A_731 = arith.constant 2 : i32
      %get3A_732 = arith.index_cast %get3A_731 : i32 to index
      %get3A_733 = arith.constant 240 : index
      %get3A_734 = tpu.vector_load %arg6[%get3A_732, %get3A_733] {strides = array<i32>} : memref<5x512xi32, #tpu.memory_space<vmem>>, vector<16xi32>,
      %gather3A_735 = tpu.vector_load_idx %arg7[%get3A_734] : memref<50176xf32, #tpu.memory_space<vmem>>[vector<16xi32>], vector<16xf32>,
      %swap3A_736 = arith.constant 2 : i32
      %swap3A_737 = arith.index_cast %swap3A_736 : i32 to index
      %swap3A_738 = arith.constant 240 : index
      %swap3A_739 = tpu.vector_load %arg9[%swap3A_737, %swap3A_738] {strides = array<i32>} : memref<5x512xf32, #tpu.memory_space<vmem>>, vector<16xf32>,
      tpu.vector_store %arg9[%swap3A_737, %swap3A_738], %gather3A_735 {strides = array<i32>} : memref<5x512xf32, #tpu.memory_space<vmem>>, vector<16xf32>,
      %get3A_740 = arith.constant 2 : i32
      %get3A_741 = arith.index_cast %get3A_740 : i32 to index
      %get3A_742 = arith.constant 256 : index
      %get3A_743 = tpu.vector_load %arg6[%get3A_741, %get3A_742] {strides = array<i32>} : memref<5x512xi32, #tpu.memory_space<vmem>>, vector<16xi32>,
      %gather3A_744 = tpu.vector_load_idx %arg7[%get3A_743] : memref<50176xf32, #tpu.memory_space<vmem>>[vector<16xi32>], vector<16xf32>,
      %swap3A_745 = arith.constant 2 : i32
      %swap3A_746 = arith.index_cast %swap3A_745 : i32 to index
      %swap3A_747 = arith.constant 256 : index
      %swap3A_748 = tpu.vector_load %arg9[%swap3A_746, %swap3A_747] {strides = array<i32>} : memref<5x512xf32, #tpu.memory_space<vmem>>, vector<16xf32>,
      tpu.vector_store %arg9[%swap3A_746, %swap3A_747], %gather3A_744 {strides = array<i32>} : memref<5x512xf32, #tpu.memory_space<vmem>>, vector<16xf32>,
      %get3A_749 = arith.constant 2 : i32
      %get3A_750 = arith.index_cast %get3A_749 : i32 to index
      %get3A_751 = arith.constant 272 : index
      %get3A_752 = tpu.vector_load %arg6[%get3A_750, %get3A_751] {strides = array<i32>} : memref<5x512xi32, #tpu.memory_space<vmem>>, vector<16xi32>,
      %gather3A_753 = tpu.vector_load_idx %arg7[%get3A_752] : memref<50176xf32, #tpu.memory_space<vmem>>[vector<16xi32>], vector<16xf32>,
      %swap3A_754 = arith.constant 2 : i32
      %swap3A_755 = arith.index_cast %swap3A_754 : i32 to index
      %swap3A_756 = arith.constant 272 : index
      %swap3A_757 = tpu.vector_load %arg9[%swap3A_755, %swap3A_756] {strides = array<i32>} : memref<5x512xf32, #tpu.memory_space<vmem>>, vector<16xf32>,
      tpu.vector_store %arg9[%swap3A_755, %swap3A_756], %gather3A_753 {strides = array<i32>} : memref<5x512xf32, #tpu.memory_space<vmem>>, vector<16xf32>,
      %get3A_758 = arith.constant 2 : i32
      %get3A_759 = arith.index_cast %get3A_758 : i32 to index
      %get3A_760 = arith.constant 288 : index
      %get3A_761 = tpu.vector_load %arg6[%get3A_759, %get3A_760] {strides = array<i32>} : memref<5x512xi32, #tpu.memory_space<vmem>>, vector<16xi32>,
      %gather3A_762 = tpu.vector_load_idx %arg7[%get3A_761] : memref<50176xf32, #tpu.memory_space<vmem>>[vector<16xi32>], vector<16xf32>,
      %swap3A_763 = arith.constant 2 : i32
      %swap3A_764 = arith.index_cast %swap3A_763 : i32 to index
      %swap3A_765 = arith.constant 288 : index
      %swap3A_766 = tpu.vector_load %arg9[%swap3A_764, %swap3A_765] {strides = array<i32>} : memref<5x512xf32, #tpu.memory_space<vmem>>, vector<16xf32>,
      tpu.vector_store %arg9[%swap3A_764, %swap3A_765], %gather3A_762 {strides = array<i32>} : memref<5x512xf32, #tpu.memory_space<vmem>>, vector<16xf32>,
      %get3A_767 = arith.constant 2 : i32
      %get3A_768 = arith.index_cast %get3A_767 : i32 to index
      %get3A_769 = arith.constant 304 : index
      %get3A_770 = tpu.vector_load %arg6[%get3A_768, %get3A_769] {strides = array<i32>} : memref<5x512xi32, #tpu.memory_space<vmem>>, vector<16xi32>,
      %gather3A_771 = tpu.vector_load_idx %arg7[%get3A_770] : memref<50176xf32, #tpu.memory_space<vmem>>[vector<16xi32>], vector<16xf32>,
      %swap3A_772 = arith.constant 2 : i32
      %swap3A_773 = arith.index_cast %swap3A_772 : i32 to index
      %swap3A_774 = arith.constant 304 : index
      %swap3A_775 = tpu.vector_load %arg9[%swap3A_773, %swap3A_774] {strides = array<i32>} : memref<5x512xf32, #tpu.memory_space<vmem>>, vector<16xf32>,
      tpu.vector_store %arg9[%swap3A_773, %swap3A_774], %gather3A_771 {strides = array<i32>} : memref<5x512xf32, #tpu.memory_space<vmem>>, vector<16xf32>,
      %get3A_776 = arith.constant 2 : i32
      %get3A_777 = arith.index_cast %get3A_776 : i32 to index
      %get3A_778 = arith.constant 320 : index
      %get3A_779 = tpu.vector_load %arg6[%get3A_777, %get3A_778] {strides = array<i32>} : memref<5x512xi32, #tpu.memory_space<vmem>>, vector<16xi32>,
      %gather3A_780 = tpu.vector_load_idx %arg7[%get3A_779] : memref<50176xf32, #tpu.memory_space<vmem>>[vector<16xi32>], vector<16xf32>,
      %swap3A_781 = arith.constant 2 : i32
      %swap3A_782 = arith.index_cast %swap3A_781 : i32 to index
      %swap3A_783 = arith.constant 320 : index
      %swap3A_784 = tpu.vector_load %arg9[%swap3A_782, %swap3A_783] {strides = array<i32>} : memref<5x512xf32, #tpu.memory_space<vmem>>, vector<16xf32>,
      tpu.vector_store %arg9[%swap3A_782, %swap3A_783], %gather3A_780 {strides = array<i32>} : memref<5x512xf32, #tpu.memory_space<vmem>>, vector<16xf32>,
      %get3A_785 = arith.constant 2 : i32
      %get3A_786 = arith.index_cast %get3A_785 : i32 to index
      %get3A_787 = arith.constant 336 : index
      %get3A_788 = tpu.vector_load %arg6[%get3A_786, %get3A_787] {strides = array<i32>} : memref<5x512xi32, #tpu.memory_space<vmem>>, vector<16xi32>,
      %gather3A_789 = tpu.vector_load_idx %arg7[%get3A_788] : memref<50176xf32, #tpu.memory_space<vmem>>[vector<16xi32>], vector<16xf32>,
      %swap3A_790 = arith.constant 2 : i32
      %swap3A_791 = arith.index_cast %swap3A_790 : i32 to index
      %swap3A_792 = arith.constant 336 : index
      %swap3A_793 = tpu.vector_load %arg9[%swap3A_791, %swap3A_792] {strides = array<i32>} : memref<5x512xf32, #tpu.memory_space<vmem>>, vector<16xf32>,
      tpu.vector_store %arg9[%swap3A_791, %swap3A_792], %gather3A_789 {strides = array<i32>} : memref<5x512xf32, #tpu.memory_space<vmem>>, vector<16xf32>,
      %get3A_794 = arith.constant 2 : i32
      %get3A_795 = arith.index_cast %get3A_794 : i32 to index
      %get3A_796 = arith.constant 352 : index
      %get3A_797 = tpu.vector_load %arg6[%get3A_795, %get3A_796] {strides = array<i32>} : memref<5x512xi32, #tpu.memory_space<vmem>>, vector<16xi32>,
      %gather3A_798 = tpu.vector_load_idx %arg7[%get3A_797] : memref<50176xf32, #tpu.memory_space<vmem>>[vector<16xi32>], vector<16xf32>,
      %swap3A_799 = arith.constant 2 : i32
      %swap3A_800 = arith.index_cast %swap3A_799 : i32 to index
      %swap3A_801 = arith.constant 352 : index
      %swap3A_802 = tpu.vector_load %arg9[%swap3A_800, %swap3A_801] {strides = array<i32>} : memref<5x512xf32, #tpu.memory_space<vmem>>, vector<16xf32>,
      tpu.vector_store %arg9[%swap3A_800, %swap3A_801], %gather3A_798 {strides = array<i32>} : memref<5x512xf32, #tpu.memory_space<vmem>>, vector<16xf32>,
      %get3A_803 = arith.constant 2 : i32
      %get3A_804 = arith.index_cast %get3A_803 : i32 to index
      %get3A_805 = arith.constant 368 : index
      %get3A_806 = tpu.vector_load %arg6[%get3A_804, %get3A_805] {strides = array<i32>} : memref<5x512xi32, #tpu.memory_space<vmem>>, vector<16xi32>,
      %gather3A_807 = tpu.vector_load_idx %arg7[%get3A_806] : memref<50176xf32, #tpu.memory_space<vmem>>[vector<16xi32>], vector<16xf32>,
      %swap3A_808 = arith.constant 2 : i32
      %swap3A_809 = arith.index_cast %swap3A_808 : i32 to index
      %swap3A_810 = arith.constant 368 : index
      %swap3A_811 = tpu.vector_load %arg9[%swap3A_809, %swap3A_810] {strides = array<i32>} : memref<5x512xf32, #tpu.memory_space<vmem>>, vector<16xf32>,
      tpu.vector_store %arg9[%swap3A_809, %swap3A_810], %gather3A_807 {strides = array<i32>} : memref<5x512xf32, #tpu.memory_space<vmem>>, vector<16xf32>,
      %get3A_812 = arith.constant 2 : i32
      %get3A_813 = arith.index_cast %get3A_812 : i32 to index
      %get3A_814 = arith.constant 384 : index
      %get3A_815 = tpu.vector_load %arg6[%get3A_813, %get3A_814] {strides = array<i32>} : memref<5x512xi32, #tpu.memory_space<vmem>>, vector<16xi32>,
      %gather3A_816 = tpu.vector_load_idx %arg7[%get3A_815] : memref<50176xf32, #tpu.memory_space<vmem>>[vector<16xi32>], vector<16xf32>,
      %swap3A_817 = arith.constant 2 : i32
      %swap3A_818 = arith.index_cast %swap3A_817 : i32 to index
      %swap3A_819 = arith.constant 384 : index
      %swap3A_820 = tpu.vector_load %arg9[%swap3A_818, %swap3A_819] {strides = array<i32>} : memref<5x512xf32, #tpu.memory_space<vmem>>, vector<16xf32>,
      tpu.vector_store %arg9[%swap3A_818, %swap3A_819], %gather3A_816 {strides = array<i32>} : memref<5x512xf32, #tpu.memory_space<vmem>>, vector<16xf32>,
      %get3A_821 = arith.constant 2 : i32
      %get3A_822 = arith.index_cast %get3A_821 : i32 to index
      %get3A_823 = arith.constant 400 : index
      %get3A_824 = tpu.vector_load %arg6[%get3A_822, %get3A_823] {strides = array<i32>} : memref<5x512xi32, #tpu.memory_space<vmem>>, vector<16xi32>,
      %gather3A_825 = tpu.vector_load_idx %arg7[%get3A_824] : memref<50176xf32, #tpu.memory_space<vmem>>[vector<16xi32>], vector<16xf32>,
      %swap3A_826 = arith.constant 2 : i32
      %swap3A_827 = arith.index_cast %swap3A_826 : i32 to index
      %swap3A_828 = arith.constant 400 : index
      %swap3A_829 = tpu.vector_load %arg9[%swap3A_827, %swap3A_828] {strides = array<i32>} : memref<5x512xf32, #tpu.memory_space<vmem>>, vector<16xf32>,
      tpu.vector_store %arg9[%swap3A_827, %swap3A_828], %gather3A_825 {strides = array<i32>} : memref<5x512xf32, #tpu.memory_space<vmem>>, vector<16xf32>,
      %get3A_830 = arith.constant 2 : i32
      %get3A_831 = arith.index_cast %get3A_830 : i32 to index
      %get3A_832 = arith.constant 416 : index
      %get3A_833 = tpu.vector_load %arg6[%get3A_831, %get3A_832] {strides = array<i32>} : memref<5x512xi32, #tpu.memory_space<vmem>>, vector<16xi32>,
      %gather3A_834 = tpu.vector_load_idx %arg7[%get3A_833] : memref<50176xf32, #tpu.memory_space<vmem>>[vector<16xi32>], vector<16xf32>,
      %swap3A_835 = arith.constant 2 : i32
      %swap3A_836 = arith.index_cast %swap3A_835 : i32 to index
      %swap3A_837 = arith.constant 416 : index
      %swap3A_838 = tpu.vector_load %arg9[%swap3A_836, %swap3A_837] {strides = array<i32>} : memref<5x512xf32, #tpu.memory_space<vmem>>, vector<16xf32>,
      tpu.vector_store %arg9[%swap3A_836, %swap3A_837], %gather3A_834 {strides = array<i32>} : memref<5x512xf32, #tpu.memory_space<vmem>>, vector<16xf32>,
      %get3A_839 = arith.constant 2 : i32
      %get3A_840 = arith.index_cast %get3A_839 : i32 to index
      %get3A_841 = arith.constant 432 : index
      %get3A_842 = tpu.vector_load %arg6[%get3A_840, %get3A_841] {strides = array<i32>} : memref<5x512xi32, #tpu.memory_space<vmem>>, vector<16xi32>,
      %gather3A_843 = tpu.vector_load_idx %arg7[%get3A_842] : memref<50176xf32, #tpu.memory_space<vmem>>[vector<16xi32>], vector<16xf32>,
      %swap3A_844 = arith.constant 2 : i32
      %swap3A_845 = arith.index_cast %swap3A_844 : i32 to index
      %swap3A_846 = arith.constant 432 : index
      %swap3A_847 = tpu.vector_load %arg9[%swap3A_845, %swap3A_846] {strides = array<i32>} : memref<5x512xf32, #tpu.memory_space<vmem>>, vector<16xf32>,
      tpu.vector_store %arg9[%swap3A_845, %swap3A_846], %gather3A_843 {strides = array<i32>} : memref<5x512xf32, #tpu.memory_space<vmem>>, vector<16xf32>,
      %get3A_848 = arith.constant 2 : i32
      %get3A_849 = arith.index_cast %get3A_848 : i32 to index
      %get3A_850 = arith.constant 448 : index
      %get3A_851 = tpu.vector_load %arg6[%get3A_849, %get3A_850] {strides = array<i32>} : memref<5x512xi32, #tpu.memory_space<vmem>>, vector<16xi32>,
      %gather3A_852 = tpu.vector_load_idx %arg7[%get3A_851] : memref<50176xf32, #tpu.memory_space<vmem>>[vector<16xi32>], vector<16xf32>,
      %swap3A_853 = arith.constant 2 : i32
      %swap3A_854 = arith.index_cast %swap3A_853 : i32 to index
      %swap3A_855 = arith.constant 448 : index
      %swap3A_856 = tpu.vector_load %arg9[%swap3A_854, %swap3A_855] {strides = array<i32>} : memref<5x512xf32, #tpu.memory_space<vmem>>, vector<16xf32>,
      tpu.vector_store %arg9[%swap3A_854, %swap3A_855], %gather3A_852 {strides = array<i32>} : memref<5x512xf32, #tpu.memory_space<vmem>>, vector<16xf32>,
      %get3A_857 = arith.constant 2 : i32
      %get3A_858 = arith.index_cast %get3A_857 : i32 to index
      %get3A_859 = arith.constant 464 : index
      %get3A_860 = tpu.vector_load %arg6[%get3A_858, %get3A_859] {strides = array<i32>} : memref<5x512xi32, #tpu.memory_space<vmem>>, vector<16xi32>,
      %gather3A_861 = tpu.vector_load_idx %arg7[%get3A_860] : memref<50176xf32, #tpu.memory_space<vmem>>[vector<16xi32>], vector<16xf32>,
      %swap3A_862 = arith.constant 2 : i32
      %swap3A_863 = arith.index_cast %swap3A_862 : i32 to index
      %swap3A_864 = arith.constant 464 : index
      %swap3A_865 = tpu.vector_load %arg9[%swap3A_863, %swap3A_864] {strides = array<i32>} : memref<5x512xf32, #tpu.memory_space<vmem>>, vector<16xf32>,
      tpu.vector_store %arg9[%swap3A_863, %swap3A_864], %gather3A_861 {strides = array<i32>} : memref<5x512xf32, #tpu.memory_space<vmem>>, vector<16xf32>,
      %get3A_866 = arith.constant 2 : i32
      %get3A_867 = arith.index_cast %get3A_866 : i32 to index
      %get3A_868 = arith.constant 480 : index
      %get3A_869 = tpu.vector_load %arg6[%get3A_867, %get3A_868] {strides = array<i32>} : memref<5x512xi32, #tpu.memory_space<vmem>>, vector<16xi32>,
      %gather3A_870 = tpu.vector_load_idx %arg7[%get3A_869] : memref<50176xf32, #tpu.memory_space<vmem>>[vector<16xi32>], vector<16xf32>,
      %swap3A_871 = arith.constant 2 : i32
      %swap3A_872 = arith.index_cast %swap3A_871 : i32 to index
      %swap3A_873 = arith.constant 480 : index
      %swap3A_874 = tpu.vector_load %arg9[%swap3A_872, %swap3A_873] {strides = array<i32>} : memref<5x512xf32, #tpu.memory_space<vmem>>, vector<16xf32>,
      tpu.vector_store %arg9[%swap3A_872, %swap3A_873], %gather3A_870 {strides = array<i32>} : memref<5x512xf32, #tpu.memory_space<vmem>>, vector<16xf32>,
      %get3A_875 = arith.constant 2 : i32
      %get3A_876 = arith.index_cast %get3A_875 : i32 to index
      %get3A_877 = arith.constant 496 : index
      %get3A_878 = tpu.vector_load %arg6[%get3A_876, %get3A_877] {strides = array<i32>} : memref<5x512xi32, #tpu.memory_space<vmem>>, vector<16xi32>,
      %gather3A_879 = tpu.vector_load_idx %arg7[%get3A_878] : memref<50176xf32, #tpu.memory_space<vmem>>[vector<16xi32>], vector<16xf32>,
      %swap3A_880 = arith.constant 2 : i32
      %swap3A_881 = arith.index_cast %swap3A_880 : i32 to index
      %swap3A_882 = arith.constant 496 : index
      %swap3A_883 = tpu.vector_load %arg9[%swap3A_881, %swap3A_882] {strides = array<i32>} : memref<5x512xf32, #tpu.memory_space<vmem>>, vector<16xf32>,
      tpu.vector_store %arg9[%swap3A_881, %swap3A_882], %gather3A_879 {strides = array<i32>} : memref<5x512xf32, #tpu.memory_space<vmem>>, vector<16xf32>,
      %get3A_884 = arith.constant 3 : i32
      %get3A_885 = arith.index_cast %get3A_884 : i32 to index
      %get3A_886 = arith.constant 0 : index
      %get3A_887 = tpu.vector_load %arg6[%get3A_885, %get3A_886] {strides = array<i32>} : memref<5x512xi32, #tpu.memory_space<vmem>>, vector<16xi32>,
      %gather3A_888 = tpu.vector_load_idx %arg7[%get3A_887] : memref<50176xf32, #tpu.memory_space<vmem>>[vector<16xi32>], vector<16xf32>,
      %swap3A_889 = arith.constant 3 : i32
      %swap3A_890 = arith.index_cast %swap3A_889 : i32 to index
      %swap3A_891 = arith.constant 0 : index
      %swap3A_892 = tpu.vector_load %arg9[%swap3A_890, %swap3A_891] {strides = array<i32>} : memref<5x512xf32, #tpu.memory_space<vmem>>, vector<16xf32>,
      tpu.vector_store %arg9[%swap3A_890, %swap3A_891], %gather3A_888 {strides = array<i32>} : memref<5x512xf32, #tpu.memory_space<vmem>>, vector<16xf32>,
      %get3A_893 = arith.constant 3 : i32
      %get3A_894 = arith.index_cast %get3A_893 : i32 to index
      %get3A_895 = arith.constant 16 : index
      %get3A_896 = tpu.vector_load %arg6[%get3A_894, %get3A_895] {strides = array<i32>} : memref<5x512xi32, #tpu.memory_space<vmem>>, vector<16xi32>,
      %gather3A_897 = tpu.vector_load_idx %arg7[%get3A_896] : memref<50176xf32, #tpu.memory_space<vmem>>[vector<16xi32>], vector<16xf32>,
      %swap3A_898 = arith.constant 3 : i32
      %swap3A_899 = arith.index_cast %swap3A_898 : i32 to index
      %swap3A_900 = arith.constant 16 : index
      %swap3A_901 = tpu.vector_load %arg9[%swap3A_899, %swap3A_900] {strides = array<i32>} : memref<5x512xf32, #tpu.memory_space<vmem>>, vector<16xf32>,
      tpu.vector_store %arg9[%swap3A_899, %swap3A_900], %gather3A_897 {strides = array<i32>} : memref<5x512xf32, #tpu.memory_space<vmem>>, vector<16xf32>,
      %get3A_902 = arith.constant 3 : i32
      %get3A_903 = arith.index_cast %get3A_902 : i32 to index
      %get3A_904 = arith.constant 32 : index
      %get3A_905 = tpu.vector_load %arg6[%get3A_903, %get3A_904] {strides = array<i32>} : memref<5x512xi32, #tpu.memory_space<vmem>>, vector<16xi32>,
      %gather3A_906 = tpu.vector_load_idx %arg7[%get3A_905] : memref<50176xf32, #tpu.memory_space<vmem>>[vector<16xi32>], vector<16xf32>,
      %swap3A_907 = arith.constant 3 : i32
      %swap3A_908 = arith.index_cast %swap3A_907 : i32 to index
      %swap3A_909 = arith.constant 32 : index
      %swap3A_910 = tpu.vector_load %arg9[%swap3A_908, %swap3A_909] {strides = array<i32>} : memref<5x512xf32, #tpu.memory_space<vmem>>, vector<16xf32>,
      tpu.vector_store %arg9[%swap3A_908, %swap3A_909], %gather3A_906 {strides = array<i32>} : memref<5x512xf32, #tpu.memory_space<vmem>>, vector<16xf32>,
      %get3A_911 = arith.constant 3 : i32
      %get3A_912 = arith.index_cast %get3A_911 : i32 to index
      %get3A_913 = arith.constant 48 : index
      %get3A_914 = tpu.vector_load %arg6[%get3A_912, %get3A_913] {strides = array<i32>} : memref<5x512xi32, #tpu.memory_space<vmem>>, vector<16xi32>,
      %gather3A_915 = tpu.vector_load_idx %arg7[%get3A_914] : memref<50176xf32, #tpu.memory_space<vmem>>[vector<16xi32>], vector<16xf32>,
      %swap3A_916 = arith.constant 3 : i32
      %swap3A_917 = arith.index_cast %swap3A_916 : i32 to index
      %swap3A_918 = arith.constant 48 : index
      %swap3A_919 = tpu.vector_load %arg9[%swap3A_917, %swap3A_918] {strides = array<i32>} : memref<5x512xf32, #tpu.memory_space<vmem>>, vector<16xf32>,
      tpu.vector_store %arg9[%swap3A_917, %swap3A_918], %gather3A_915 {strides = array<i32>} : memref<5x512xf32, #tpu.memory_space<vmem>>, vector<16xf32>,
      %get3A_920 = arith.constant 3 : i32
      %get3A_921 = arith.index_cast %get3A_920 : i32 to index
      %get3A_922 = arith.constant 64 : index
      %get3A_923 = tpu.vector_load %arg6[%get3A_921, %get3A_922] {strides = array<i32>} : memref<5x512xi32, #tpu.memory_space<vmem>>, vector<16xi32>,
      %gather3A_924 = tpu.vector_load_idx %arg7[%get3A_923] : memref<50176xf32, #tpu.memory_space<vmem>>[vector<16xi32>], vector<16xf32>,
      %swap3A_925 = arith.constant 3 : i32
      %swap3A_926 = arith.index_cast %swap3A_925 : i32 to index
      %swap3A_927 = arith.constant 64 : index
      %swap3A_928 = tpu.vector_load %arg9[%swap3A_926, %swap3A_927] {strides = array<i32>} : memref<5x512xf32, #tpu.memory_space<vmem>>, vector<16xf32>,
      tpu.vector_store %arg9[%swap3A_926, %swap3A_927], %gather3A_924 {strides = array<i32>} : memref<5x512xf32, #tpu.memory_space<vmem>>, vector<16xf32>,
      %get3A_929 = arith.constant 3 : i32
      %get3A_930 = arith.index_cast %get3A_929 : i32 to index
      %get3A_931 = arith.constant 80 : index
      %get3A_932 = tpu.vector_load %arg6[%get3A_930, %get3A_931] {strides = array<i32>} : memref<5x512xi32, #tpu.memory_space<vmem>>, vector<16xi32>,
      %gather3A_933 = tpu.vector_load_idx %arg7[%get3A_932] : memref<50176xf32, #tpu.memory_space<vmem>>[vector<16xi32>], vector<16xf32>,
      %swap3A_934 = arith.constant 3 : i32
      %swap3A_935 = arith.index_cast %swap3A_934 : i32 to index
      %swap3A_936 = arith.constant 80 : index
      %swap3A_937 = tpu.vector_load %arg9[%swap3A_935, %swap3A_936] {strides = array<i32>} : memref<5x512xf32, #tpu.memory_space<vmem>>, vector<16xf32>,
      tpu.vector_store %arg9[%swap3A_935, %swap3A_936], %gather3A_933 {strides = array<i32>} : memref<5x512xf32, #tpu.memory_space<vmem>>, vector<16xf32>,
      %get3A_938 = arith.constant 3 : i32
      %get3A_939 = arith.index_cast %get3A_938 : i32 to index
      %get3A_940 = arith.constant 96 : index
      %get3A_941 = tpu.vector_load %arg6[%get3A_939, %get3A_940] {strides = array<i32>} : memref<5x512xi32, #tpu.memory_space<vmem>>, vector<16xi32>,
      %gather3A_942 = tpu.vector_load_idx %arg7[%get3A_941] : memref<50176xf32, #tpu.memory_space<vmem>>[vector<16xi32>], vector<16xf32>,
      %swap3A_943 = arith.constant 3 : i32
      %swap3A_944 = arith.index_cast %swap3A_943 : i32 to index
      %swap3A_945 = arith.constant 96 : index
      %swap3A_946 = tpu.vector_load %arg9[%swap3A_944, %swap3A_945] {strides = array<i32>} : memref<5x512xf32, #tpu.memory_space<vmem>>, vector<16xf32>,
      tpu.vector_store %arg9[%swap3A_944, %swap3A_945], %gather3A_942 {strides = array<i32>} : memref<5x512xf32, #tpu.memory_space<vmem>>, vector<16xf32>,
      %get3A_947 = arith.constant 3 : i32
      %get3A_948 = arith.index_cast %get3A_947 : i32 to index
      %get3A_949 = arith.constant 112 : index
      %get3A_950 = tpu.vector_load %arg6[%get3A_948, %get3A_949] {strides = array<i32>} : memref<5x512xi32, #tpu.memory_space<vmem>>, vector<16xi32>,
      %gather3A_951 = tpu.vector_load_idx %arg7[%get3A_950] : memref<50176xf32, #tpu.memory_space<vmem>>[vector<16xi32>], vector<16xf32>,
      %swap3A_952 = arith.constant 3 : i32
      %swap3A_953 = arith.index_cast %swap3A_952 : i32 to index
      %swap3A_954 = arith.constant 112 : index
      %swap3A_955 = tpu.vector_load %arg9[%swap3A_953, %swap3A_954] {strides = array<i32>} : memref<5x512xf32, #tpu.memory_space<vmem>>, vector<16xf32>,
      tpu.vector_store %arg9[%swap3A_953, %swap3A_954], %gather3A_951 {strides = array<i32>} : memref<5x512xf32, #tpu.memory_space<vmem>>, vector<16xf32>,
      %get3A_956 = arith.constant 3 : i32
      %get3A_957 = arith.index_cast %get3A_956 : i32 to index
      %get3A_958 = arith.constant 128 : index
      %get3A_959 = tpu.vector_load %arg6[%get3A_957, %get3A_958] {strides = array<i32>} : memref<5x512xi32, #tpu.memory_space<vmem>>, vector<16xi32>,
      %gather3A_960 = tpu.vector_load_idx %arg7[%get3A_959] : memref<50176xf32, #tpu.memory_space<vmem>>[vector<16xi32>], vector<16xf32>,
      %swap3A_961 = arith.constant 3 : i32
      %swap3A_962 = arith.index_cast %swap3A_961 : i32 to index
      %swap3A_963 = arith.constant 128 : index
      %swap3A_964 = tpu.vector_load %arg9[%swap3A_962, %swap3A_963] {strides = array<i32>} : memref<5x512xf32, #tpu.memory_space<vmem>>, vector<16xf32>,
      tpu.vector_store %arg9[%swap3A_962, %swap3A_963], %gather3A_960 {strides = array<i32>} : memref<5x512xf32, #tpu.memory_space<vmem>>, vector<16xf32>,
      %get3A_965 = arith.constant 3 : i32
      %get3A_966 = arith.index_cast %get3A_965 : i32 to index
      %get3A_967 = arith.constant 144 : index
      %get3A_968 = tpu.vector_load %arg6[%get3A_966, %get3A_967] {strides = array<i32>} : memref<5x512xi32, #tpu.memory_space<vmem>>, vector<16xi32>,
      %gather3A_969 = tpu.vector_load_idx %arg7[%get3A_968] : memref<50176xf32, #tpu.memory_space<vmem>>[vector<16xi32>], vector<16xf32>,
      %swap3A_970 = arith.constant 3 : i32
      %swap3A_971 = arith.index_cast %swap3A_970 : i32 to index
      %swap3A_972 = arith.constant 144 : index
      %swap3A_973 = tpu.vector_load %arg9[%swap3A_971, %swap3A_972] {strides = array<i32>} : memref<5x512xf32, #tpu.memory_space<vmem>>, vector<16xf32>,
      tpu.vector_store %arg9[%swap3A_971, %swap3A_972], %gather3A_969 {strides = array<i32>} : memref<5x512xf32, #tpu.memory_space<vmem>>, vector<16xf32>,
      %get3A_974 = arith.constant 3 : i32
      %get3A_975 = arith.index_cast %get3A_974 : i32 to index
      %get3A_976 = arith.constant 160 : index
      %get3A_977 = tpu.vector_load %arg6[%get3A_975, %get3A_976] {strides = array<i32>} : memref<5x512xi32, #tpu.memory_space<vmem>>, vector<16xi32>,
      %gather3A_978 = tpu.vector_load_idx %arg7[%get3A_977] : memref<50176xf32, #tpu.memory_space<vmem>>[vector<16xi32>], vector<16xf32>,
      %swap3A_979 = arith.constant 3 : i32
      %swap3A_980 = arith.index_cast %swap3A_979 : i32 to index
      %swap3A_981 = arith.constant 160 : index
      %swap3A_982 = tpu.vector_load %arg9[%swap3A_980, %swap3A_981] {strides = array<i32>} : memref<5x512xf32, #tpu.memory_space<vmem>>, vector<16xf32>,
      tpu.vector_store %arg9[%swap3A_980, %swap3A_981], %gather3A_978 {strides = array<i32>} : memref<5x512xf32, #tpu.memory_space<vmem>>, vector<16xf32>,
      %get3A_983 = arith.constant 3 : i32
      %get3A_984 = arith.index_cast %get3A_983 : i32 to index
      %get3A_985 = arith.constant 176 : index
      %get3A_986 = tpu.vector_load %arg6[%get3A_984, %get3A_985] {strides = array<i32>} : memref<5x512xi32, #tpu.memory_space<vmem>>, vector<16xi32>,
      %gather3A_987 = tpu.vector_load_idx %arg7[%get3A_986] : memref<50176xf32, #tpu.memory_space<vmem>>[vector<16xi32>], vector<16xf32>,
      %swap3A_988 = arith.constant 3 : i32
      %swap3A_989 = arith.index_cast %swap3A_988 : i32 to index
      %swap3A_990 = arith.constant 176 : index
      %swap3A_991 = tpu.vector_load %arg9[%swap3A_989, %swap3A_990] {strides = array<i32>} : memref<5x512xf32, #tpu.memory_space<vmem>>, vector<16xf32>,
      tpu.vector_store %arg9[%swap3A_989, %swap3A_990], %gather3A_987 {strides = array<i32>} : memref<5x512xf32, #tpu.memory_space<vmem>>, vector<16xf32>,
      %get3A_992 = arith.constant 3 : i32
      %get3A_993 = arith.index_cast %get3A_992 : i32 to index
      %get3A_994 = arith.constant 192 : index
      %get3A_995 = tpu.vector_load %arg6[%get3A_993, %get3A_994] {strides = array<i32>} : memref<5x512xi32, #tpu.memory_space<vmem>>, vector<16xi32>,
      %gather3A_996 = tpu.vector_load_idx %arg7[%get3A_995] : memref<50176xf32, #tpu.memory_space<vmem>>[vector<16xi32>], vector<16xf32>,
      %swap3A_997 = arith.constant 3 : i32
      %swap3A_998 = arith.index_cast %swap3A_997 : i32 to index
      %swap3A_999 = arith.constant 192 : index
      %swap3A_1000 = tpu.vector_load %arg9[%swap3A_998, %swap3A_999] {strides = array<i32>} : memref<5x512xf32, #tpu.memory_space<vmem>>, vector<16xf32>,
      tpu.vector_store %arg9[%swap3A_998, %swap3A_999], %gather3A_996 {strides = array<i32>} : memref<5x512xf32, #tpu.memory_space<vmem>>, vector<16xf32>,
      %get3A_1001 = arith.constant 3 : i32
      %get3A_1002 = arith.index_cast %get3A_1001 : i32 to index
      %get3A_1003 = arith.constant 208 : index
      %get3A_1004 = tpu.vector_load %arg6[%get3A_1002, %get3A_1003] {strides = array<i32>} : memref<5x512xi32, #tpu.memory_space<vmem>>, vector<16xi32>,
      %gather3A_1005 = tpu.vector_load_idx %arg7[%get3A_1004] : memref<50176xf32, #tpu.memory_space<vmem>>[vector<16xi32>], vector<16xf32>,
      %swap3A_1006 = arith.constant 3 : i32
      %swap3A_1007 = arith.index_cast %swap3A_1006 : i32 to index
      %swap3A_1008 = arith.constant 208 : index
      %swap3A_1009 = tpu.vector_load %arg9[%swap3A_1007, %swap3A_1008] {strides = array<i32>} : memref<5x512xf32, #tpu.memory_space<vmem>>, vector<16xf32>,
      tpu.vector_store %arg9[%swap3A_1007, %swap3A_1008], %gather3A_1005 {strides = array<i32>} : memref<5x512xf32, #tpu.memory_space<vmem>>, vector<16xf32>,
      %get3A_1010 = arith.constant 3 : i32
      %get3A_1011 = arith.index_cast %get3A_1010 : i32 to index
      %get3A_1012 = arith.constant 224 : index
      %get3A_1013 = tpu.vector_load %arg6[%get3A_1011, %get3A_1012] {strides = array<i32>} : memref<5x512xi32, #tpu.memory_space<vmem>>, vector<16xi32>,
      %gather3A_1014 = tpu.vector_load_idx %arg7[%get3A_1013] : memref<50176xf32, #tpu.memory_space<vmem>>[vector<16xi32>], vector<16xf32>,
      %swap3A_1015 = arith.constant 3 : i32
      %swap3A_1016 = arith.index_cast %swap3A_1015 : i32 to index
      %swap3A_1017 = arith.constant 224 : index
      %swap3A_1018 = tpu.vector_load %arg9[%swap3A_1016, %swap3A_1017] {strides = array<i32>} : memref<5x512xf32, #tpu.memory_space<vmem>>, vector<16xf32>,
      tpu.vector_store %arg9[%swap3A_1016, %swap3A_1017], %gather3A_1014 {strides = array<i32>} : memref<5x512xf32, #tpu.memory_space<vmem>>, vector<16xf32>,
      %get3A_1019 = arith.constant 3 : i32
      %get3A_1020 = arith.index_cast %get3A_1019 : i32 to index
      %get3A_1021 = arith.constant 240 : index
      %get3A_1022 = tpu.vector_load %arg6[%get3A_1020, %get3A_1021] {strides = array<i32>} : memref<5x512xi32, #tpu.memory_space<vmem>>, vector<16xi32>,
      %gather3A_1023 = tpu.vector_load_idx %arg7[%get3A_1022] : memref<50176xf32, #tpu.memory_space<vmem>>[vector<16xi32>], vector<16xf32>,
      %swap3A_1024 = arith.constant 3 : i32
      %swap3A_1025 = arith.index_cast %swap3A_1024 : i32 to index
      %swap3A_1026 = arith.constant 240 : index
      %swap3A_1027 = tpu.vector_load %arg9[%swap3A_1025, %swap3A_1026] {strides = array<i32>} : memref<5x512xf32, #tpu.memory_space<vmem>>, vector<16xf32>,
      tpu.vector_store %arg9[%swap3A_1025, %swap3A_1026], %gather3A_1023 {strides = array<i32>} : memref<5x512xf32, #tpu.memory_space<vmem>>, vector<16xf32>,
      %get3A_1028 = arith.constant 3 : i32
      %get3A_1029 = arith.index_cast %get3A_1028 : i32 to index
      %get3A_1030 = arith.constant 256 : index
      %get3A_1031 = tpu.vector_load %arg6[%get3A_1029, %get3A_1030] {strides = array<i32>} : memref<5x512xi32, #tpu.memory_space<vmem>>, vector<16xi32>,
      %gather3A_1032 = tpu.vector_load_idx %arg7[%get3A_1031] : memref<50176xf32, #tpu.memory_space<vmem>>[vector<16xi32>], vector<16xf32>,
      %swap3A_1033 = arith.constant 3 : i32
      %swap3A_1034 = arith.index_cast %swap3A_1033 : i32 to index
      %swap3A_1035 = arith.constant 256 : index
      %swap3A_1036 = tpu.vector_load %arg9[%swap3A_1034, %swap3A_1035] {strides = array<i32>} : memref<5x512xf32, #tpu.memory_space<vmem>>, vector<16xf32>,
      tpu.vector_store %arg9[%swap3A_1034, %swap3A_1035], %gather3A_1032 {strides = array<i32>} : memref<5x512xf32, #tpu.memory_space<vmem>>, vector<16xf32>,
      %get3A_1037 = arith.constant 3 : i32
      %get3A_1038 = arith.index_cast %get3A_1037 : i32 to index
      %get3A_1039 = arith.constant 272 : index
      %get3A_1040 = tpu.vector_load %arg6[%get3A_1038, %get3A_1039] {strides = array<i32>} : memref<5x512xi32, #tpu.memory_space<vmem>>, vector<16xi32>,
      %gather3A_1041 = tpu.vector_load_idx %arg7[%get3A_1040] : memref<50176xf32, #tpu.memory_space<vmem>>[vector<16xi32>], vector<16xf32>,
      %swap3A_1042 = arith.constant 3 : i32
      %swap3A_1043 = arith.index_cast %swap3A_1042 : i32 to index
      %swap3A_1044 = arith.constant 272 : index
      %swap3A_1045 = tpu.vector_load %arg9[%swap3A_1043, %swap3A_1044] {strides = array<i32>} : memref<5x512xf32, #tpu.memory_space<vmem>>, vector<16xf32>,
      tpu.vector_store %arg9[%swap3A_1043, %swap3A_1044], %gather3A_1041 {strides = array<i32>} : memref<5x512xf32, #tpu.memory_space<vmem>>, vector<16xf32>,
      %get3A_1046 = arith.constant 3 : i32
      %get3A_1047 = arith.index_cast %get3A_1046 : i32 to index
      %get3A_1048 = arith.constant 288 : index
      %get3A_1049 = tpu.vector_load %arg6[%get3A_1047, %get3A_1048] {strides = array<i32>} : memref<5x512xi32, #tpu.memory_space<vmem>>, vector<16xi32>,
      %gather3A_1050 = tpu.vector_load_idx %arg7[%get3A_1049] : memref<50176xf32, #tpu.memory_space<vmem>>[vector<16xi32>], vector<16xf32>,
      %swap3A_1051 = arith.constant 3 : i32
      %swap3A_1052 = arith.index_cast %swap3A_1051 : i32 to index
      %swap3A_1053 = arith.constant 288 : index
      %swap3A_1054 = tpu.vector_load %arg9[%swap3A_1052, %swap3A_1053] {strides = array<i32>} : memref<5x512xf32, #tpu.memory_space<vmem>>, vector<16xf32>,
      tpu.vector_store %arg9[%swap3A_1052, %swap3A_1053], %gather3A_1050 {strides = array<i32>} : memref<5x512xf32, #tpu.memory_space<vmem>>, vector<16xf32>,
      %get3A_1055 = arith.constant 3 : i32
      %get3A_1056 = arith.index_cast %get3A_1055 : i32 to index
      %get3A_1057 = arith.constant 304 : index
      %get3A_1058 = tpu.vector_load %arg6[%get3A_1056, %get3A_1057] {strides = array<i32>} : memref<5x512xi32, #tpu.memory_space<vmem>>, vector<16xi32>,
      %gather3A_1059 = tpu.vector_load_idx %arg7[%get3A_1058] : memref<50176xf32, #tpu.memory_space<vmem>>[vector<16xi32>], vector<16xf32>,
      %swap3A_1060 = arith.constant 3 : i32
      %swap3A_1061 = arith.index_cast %swap3A_1060 : i32 to index
      %swap3A_1062 = arith.constant 304 : index
      %swap3A_1063 = tpu.vector_load %arg9[%swap3A_1061, %swap3A_1062] {strides = array<i32>} : memref<5x512xf32, #tpu.memory_space<vmem>>, vector<16xf32>,
      tpu.vector_store %arg9[%swap3A_1061, %swap3A_1062], %gather3A_1059 {strides = array<i32>} : memref<5x512xf32, #tpu.memory_space<vmem>>, vector<16xf32>,
      %get3A_1064 = arith.constant 3 : i32
      %get3A_1065 = arith.index_cast %get3A_1064 : i32 to index
      %get3A_1066 = arith.constant 320 : index
      %get3A_1067 = tpu.vector_load %arg6[%get3A_1065, %get3A_1066] {strides = array<i32>} : memref<5x512xi32, #tpu.memory_space<vmem>>, vector<16xi32>,
      %gather3A_1068 = tpu.vector_load_idx %arg7[%get3A_1067] : memref<50176xf32, #tpu.memory_space<vmem>>[vector<16xi32>], vector<16xf32>,
      %swap3A_1069 = arith.constant 3 : i32
      %swap3A_1070 = arith.index_cast %swap3A_1069 : i32 to index
      %swap3A_1071 = arith.constant 320 : index
      %swap3A_1072 = tpu.vector_load %arg9[%swap3A_1070, %swap3A_1071] {strides = array<i32>} : memref<5x512xf32, #tpu.memory_space<vmem>>, vector<16xf32>,
      tpu.vector_store %arg9[%swap3A_1070, %swap3A_1071], %gather3A_1068 {strides = array<i32>} : memref<5x512xf32, #tpu.memory_space<vmem>>, vector<16xf32>,
      %get3A_1073 = arith.constant 3 : i32
      %get3A_1074 = arith.index_cast %get3A_1073 : i32 to index
      %get3A_1075 = arith.constant 336 : index
      %get3A_1076 = tpu.vector_load %arg6[%get3A_1074, %get3A_1075] {strides = array<i32>} : memref<5x512xi32, #tpu.memory_space<vmem>>, vector<16xi32>,
      %gather3A_1077 = tpu.vector_load_idx %arg7[%get3A_1076] : memref<50176xf32, #tpu.memory_space<vmem>>[vector<16xi32>], vector<16xf32>,
      %swap3A_1078 = arith.constant 3 : i32
      %swap3A_1079 = arith.index_cast %swap3A_1078 : i32 to index
      %swap3A_1080 = arith.constant 336 : index
      %swap3A_1081 = tpu.vector_load %arg9[%swap3A_1079, %swap3A_1080] {strides = array<i32>} : memref<5x512xf32, #tpu.memory_space<vmem>>, vector<16xf32>,
      tpu.vector_store %arg9[%swap3A_1079, %swap3A_1080], %gather3A_1077 {strides = array<i32>} : memref<5x512xf32, #tpu.memory_space<vmem>>, vector<16xf32>,
      %get3A_1082 = arith.constant 3 : i32
      %get3A_1083 = arith.index_cast %get3A_1082 : i32 to index
      %get3A_1084 = arith.constant 352 : index
      %get3A_1085 = tpu.vector_load %arg6[%get3A_1083, %get3A_1084] {strides = array<i32>} : memref<5x512xi32, #tpu.memory_space<vmem>>, vector<16xi32>,
      %gather3A_1086 = tpu.vector_load_idx %arg7[%get3A_1085] : memref<50176xf32, #tpu.memory_space<vmem>>[vector<16xi32>], vector<16xf32>,
      %swap3A_1087 = arith.constant 3 : i32
      %swap3A_1088 = arith.index_cast %swap3A_1087 : i32 to index
      %swap3A_1089 = arith.constant 352 : index
      %swap3A_1090 = tpu.vector_load %arg9[%swap3A_1088, %swap3A_1089] {strides = array<i32>} : memref<5x512xf32, #tpu.memory_space<vmem>>, vector<16xf32>,
      tpu.vector_store %arg9[%swap3A_1088, %swap3A_1089], %gather3A_1086 {strides = array<i32>} : memref<5x512xf32, #tpu.memory_space<vmem>>, vector<16xf32>,
      %get3A_1091 = arith.constant 3 : i32
      %get3A_1092 = arith.index_cast %get3A_1091 : i32 to index
      %get3A_1093 = arith.constant 368 : index
      %get3A_1094 = tpu.vector_load %arg6[%get3A_1092, %get3A_1093] {strides = array<i32>} : memref<5x512xi32, #tpu.memory_space<vmem>>, vector<16xi32>,
      %gather3A_1095 = tpu.vector_load_idx %arg7[%get3A_1094] : memref<50176xf32, #tpu.memory_space<vmem>>[vector<16xi32>], vector<16xf32>,
      %swap3A_1096 = arith.constant 3 : i32
      %swap3A_1097 = arith.index_cast %swap3A_1096 : i32 to index
      %swap3A_1098 = arith.constant 368 : index
      %swap3A_1099 = tpu.vector_load %arg9[%swap3A_1097, %swap3A_1098] {strides = array<i32>} : memref<5x512xf32, #tpu.memory_space<vmem>>, vector<16xf32>,
      tpu.vector_store %arg9[%swap3A_1097, %swap3A_1098], %gather3A_1095 {strides = array<i32>} : memref<5x512xf32, #tpu.memory_space<vmem>>, vector<16xf32>,
      %get3A_1100 = arith.constant 3 : i32
      %get3A_1101 = arith.index_cast %get3A_1100 : i32 to index
      %get3A_1102 = arith.constant 384 : index
      %get3A_1103 = tpu.vector_load %arg6[%get3A_1101, %get3A_1102] {strides = array<i32>} : memref<5x512xi32, #tpu.memory_space<vmem>>, vector<16xi32>,
      %gather3A_1104 = tpu.vector_load_idx %arg7[%get3A_1103] : memref<50176xf32, #tpu.memory_space<vmem>>[vector<16xi32>], vector<16xf32>,
      %swap3A_1105 = arith.constant 3 : i32
      %swap3A_1106 = arith.index_cast %swap3A_1105 : i32 to index
      %swap3A_1107 = arith.constant 384 : index
      %swap3A_1108 = tpu.vector_load %arg9[%swap3A_1106, %swap3A_1107] {strides = array<i32>} : memref<5x512xf32, #tpu.memory_space<vmem>>, vector<16xf32>,
      tpu.vector_store %arg9[%swap3A_1106, %swap3A_1107], %gather3A_1104 {strides = array<i32>} : memref<5x512xf32, #tpu.memory_space<vmem>>, vector<16xf32>,
      %get3A_1109 = arith.constant 3 : i32
      %get3A_1110 = arith.index_cast %get3A_1109 : i32 to index
      %get3A_1111 = arith.constant 400 : index
      %get3A_1112 = tpu.vector_load %arg6[%get3A_1110, %get3A_1111] {strides = array<i32>} : memref<5x512xi32, #tpu.memory_space<vmem>>, vector<16xi32>,
      %gather3A_1113 = tpu.vector_load_idx %arg7[%get3A_1112] : memref<50176xf32, #tpu.memory_space<vmem>>[vector<16xi32>], vector<16xf32>,
      %swap3A_1114 = arith.constant 3 : i32
      %swap3A_1115 = arith.index_cast %swap3A_1114 : i32 to index
      %swap3A_1116 = arith.constant 400 : index
      %swap3A_1117 = tpu.vector_load %arg9[%swap3A_1115, %swap3A_1116] {strides = array<i32>} : memref<5x512xf32, #tpu.memory_space<vmem>>, vector<16xf32>,
      tpu.vector_store %arg9[%swap3A_1115, %swap3A_1116], %gather3A_1113 {strides = array<i32>} : memref<5x512xf32, #tpu.memory_space<vmem>>, vector<16xf32>,
      %get3A_1118 = arith.constant 3 : i32
      %get3A_1119 = arith.index_cast %get3A_1118 : i32 to index
      %get3A_1120 = arith.constant 416 : index
      %get3A_1121 = tpu.vector_load %arg6[%get3A_1119, %get3A_1120] {strides = array<i32>} : memref<5x512xi32, #tpu.memory_space<vmem>>, vector<16xi32>,
      %gather3A_1122 = tpu.vector_load_idx %arg7[%get3A_1121] : memref<50176xf32, #tpu.memory_space<vmem>>[vector<16xi32>], vector<16xf32>,
      %swap3A_1123 = arith.constant 3 : i32
      %swap3A_1124 = arith.index_cast %swap3A_1123 : i32 to index
      %swap3A_1125 = arith.constant 416 : index
      %swap3A_1126 = tpu.vector_load %arg9[%swap3A_1124, %swap3A_1125] {strides = array<i32>} : memref<5x512xf32, #tpu.memory_space<vmem>>, vector<16xf32>,
      tpu.vector_store %arg9[%swap3A_1124, %swap3A_1125], %gather3A_1122 {strides = array<i32>} : memref<5x512xf32, #tpu.memory_space<vmem>>, vector<16xf32>,
      %get3A_1127 = arith.constant 3 : i32
      %get3A_1128 = arith.index_cast %get3A_1127 : i32 to index
      %get3A_1129 = arith.constant 432 : index
      %get3A_1130 = tpu.vector_load %arg6[%get3A_1128, %get3A_1129] {strides = array<i32>} : memref<5x512xi32, #tpu.memory_space<vmem>>, vector<16xi32>,
      %gather3A_1131 = tpu.vector_load_idx %arg7[%get3A_1130] : memref<50176xf32, #tpu.memory_space<vmem>>[vector<16xi32>], vector<16xf32>,
      %swap3A_1132 = arith.constant 3 : i32
      %swap3A_1133 = arith.index_cast %swap3A_1132 : i32 to index
      %swap3A_1134 = arith.constant 432 : index
      %swap3A_1135 = tpu.vector_load %arg9[%swap3A_1133, %swap3A_1134] {strides = array<i32>} : memref<5x512xf32, #tpu.memory_space<vmem>>, vector<16xf32>,
      tpu.vector_store %arg9[%swap3A_1133, %swap3A_1134], %gather3A_1131 {strides = array<i32>} : memref<5x512xf32, #tpu.memory_space<vmem>>, vector<16xf32>,
      %get3A_1136 = arith.constant 3 : i32
      %get3A_1137 = arith.index_cast %get3A_1136 : i32 to index
      %get3A_1138 = arith.constant 448 : index
      %get3A_1139 = tpu.vector_load %arg6[%get3A_1137, %get3A_1138] {strides = array<i32>} : memref<5x512xi32, #tpu.memory_space<vmem>>, vector<16xi32>,
      %gather3A_1140 = tpu.vector_load_idx %arg7[%get3A_1139] : memref<50176xf32, #tpu.memory_space<vmem>>[vector<16xi32>], vector<16xf32>,
      %swap3A_1141 = arith.constant 3 : i32
      %swap3A_1142 = arith.index_cast %swap3A_1141 : i32 to index
      %swap3A_1143 = arith.constant 448 : index
      %swap3A_1144 = tpu.vector_load %arg9[%swap3A_1142, %swap3A_1143] {strides = array<i32>} : memref<5x512xf32, #tpu.memory_space<vmem>>, vector<16xf32>,
      tpu.vector_store %arg9[%swap3A_1142, %swap3A_1143], %gather3A_1140 {strides = array<i32>} : memref<5x512xf32, #tpu.memory_space<vmem>>, vector<16xf32>,
      %get3A_1145 = arith.constant 3 : i32
      %get3A_1146 = arith.index_cast %get3A_1145 : i32 to index
      %get3A_1147 = arith.constant 464 : index
      %get3A_1148 = tpu.vector_load %arg6[%get3A_1146, %get3A_1147] {strides = array<i32>} : memref<5x512xi32, #tpu.memory_space<vmem>>, vector<16xi32>,
      %gather3A_1149 = tpu.vector_load_idx %arg7[%get3A_1148] : memref<50176xf32, #tpu.memory_space<vmem>>[vector<16xi32>], vector<16xf32>,
      %swap3A_1150 = arith.constant 3 : i32
      %swap3A_1151 = arith.index_cast %swap3A_1150 : i32 to index
      %swap3A_1152 = arith.constant 464 : index
      %swap3A_1153 = tpu.vector_load %arg9[%swap3A_1151, %swap3A_1152] {strides = array<i32>} : memref<5x512xf32, #tpu.memory_space<vmem>>, vector<16xf32>,
      tpu.vector_store %arg9[%swap3A_1151, %swap3A_1152], %gather3A_1149 {strides = array<i32>} : memref<5x512xf32, #tpu.memory_space<vmem>>, vector<16xf32>,
      %get3A_1154 = arith.constant 3 : i32
      %get3A_1155 = arith.index_cast %get3A_1154 : i32 to index
      %get3A_1156 = arith.constant 480 : index
      %get3A_1157 = tpu.vector_load %arg6[%get3A_1155, %get3A_1156] {strides = array<i32>} : memref<5x512xi32, #tpu.memory_space<vmem>>, vector<16xi32>,
      %gather3A_1158 = tpu.vector_load_idx %arg7[%get3A_1157] : memref<50176xf32, #tpu.memory_space<vmem>>[vector<16xi32>], vector<16xf32>,
      %swap3A_1159 = arith.constant 3 : i32
      %swap3A_1160 = arith.index_cast %swap3A_1159 : i32 to index
      %swap3A_1161 = arith.constant 480 : index
      %swap3A_1162 = tpu.vector_load %arg9[%swap3A_1160, %swap3A_1161] {strides = array<i32>} : memref<5x512xf32, #tpu.memory_space<vmem>>, vector<16xf32>,
      tpu.vector_store %arg9[%swap3A_1160, %swap3A_1161], %gather3A_1158 {strides = array<i32>} : memref<5x512xf32, #tpu.memory_space<vmem>>, vector<16xf32>,
      %get3A_1163 = arith.constant 3 : i32
      %get3A_1164 = arith.index_cast %get3A_1163 : i32 to index
      %get3A_1165 = arith.constant 496 : index
      %get3A_1166 = tpu.vector_load %arg6[%get3A_1164, %get3A_1165] {strides = array<i32>} : memref<5x512xi32, #tpu.memory_space<vmem>>, vector<16xi32>,
      %gather3A_1167 = tpu.vector_load_idx %arg7[%get3A_1166] : memref<50176xf32, #tpu.memory_space<vmem>>[vector<16xi32>], vector<16xf32>,
      %swap3A_1168 = arith.constant 3 : i32
      %swap3A_1169 = arith.index_cast %swap3A_1168 : i32 to index
      %swap3A_1170 = arith.constant 496 : index
      %swap3A_1171 = tpu.vector_load %arg9[%swap3A_1169, %swap3A_1170] {strides = array<i32>} : memref<5x512xf32, #tpu.memory_space<vmem>>, vector<16xf32>,
      tpu.vector_store %arg9[%swap3A_1169, %swap3A_1170], %gather3A_1167 {strides = array<i32>} : memref<5x512xf32, #tpu.memory_space<vmem>>, vector<16xf32>,
      %get3A_1172 = arith.constant 4 : i32
      %get3A_1173 = arith.index_cast %get3A_1172 : i32 to index
      %get3A_1174 = arith.constant 0 : index
      %get3A_1175 = tpu.vector_load %arg6[%get3A_1173, %get3A_1174] {strides = array<i32>} : memref<5x512xi32, #tpu.memory_space<vmem>>, vector<16xi32>,
      %gather3A_1176 = tpu.vector_load_idx %arg7[%get3A_1175] : memref<50176xf32, #tpu.memory_space<vmem>>[vector<16xi32>], vector<16xf32>,
      %swap3A_1177 = arith.constant 4 : i32
      %swap3A_1178 = arith.index_cast %swap3A_1177 : i32 to index
      %swap3A_1179 = arith.constant 0 : index
      %swap3A_1180 = tpu.vector_load %arg9[%swap3A_1178, %swap3A_1179] {strides = array<i32>} : memref<5x512xf32, #tpu.memory_space<vmem>>, vector<16xf32>,
      tpu.vector_store %arg9[%swap3A_1178, %swap3A_1179], %gather3A_1176 {strides = array<i32>} : memref<5x512xf32, #tpu.memory_space<vmem>>, vector<16xf32>,
      %get3A_1181 = arith.constant 4 : i32
      %get3A_1182 = arith.index_cast %get3A_1181 : i32 to index
      %get3A_1183 = arith.constant 16 : index
      %get3A_1184 = tpu.vector_load %arg6[%get3A_1182, %get3A_1183] {strides = array<i32>} : memref<5x512xi32, #tpu.memory_space<vmem>>, vector<16xi32>,
      %gather3A_1185 = tpu.vector_load_idx %arg7[%get3A_1184] : memref<50176xf32, #tpu.memory_space<vmem>>[vector<16xi32>], vector<16xf32>,
      %swap3A_1186 = arith.constant 4 : i32
      %swap3A_1187 = arith.index_cast %swap3A_1186 : i32 to index
      %swap3A_1188 = arith.constant 16 : index
      %swap3A_1189 = tpu.vector_load %arg9[%swap3A_1187, %swap3A_1188] {strides = array<i32>} : memref<5x512xf32, #tpu.memory_space<vmem>>, vector<16xf32>,
      tpu.vector_store %arg9[%swap3A_1187, %swap3A_1188], %gather3A_1185 {strides = array<i32>} : memref<5x512xf32, #tpu.memory_space<vmem>>, vector<16xf32>,
      %get3A_1190 = arith.constant 4 : i32
      %get3A_1191 = arith.index_cast %get3A_1190 : i32 to index
      %get3A_1192 = arith.constant 32 : index
      %get3A_1193 = tpu.vector_load %arg6[%get3A_1191, %get3A_1192] {strides = array<i32>} : memref<5x512xi32, #tpu.memory_space<vmem>>, vector<16xi32>,
      %gather3A_1194 = tpu.vector_load_idx %arg7[%get3A_1193] : memref<50176xf32, #tpu.memory_space<vmem>>[vector<16xi32>], vector<16xf32>,
      %swap3A_1195 = arith.constant 4 : i32
      %swap3A_1196 = arith.index_cast %swap3A_1195 : i32 to index
      %swap3A_1197 = arith.constant 32 : index
      %swap3A_1198 = tpu.vector_load %arg9[%swap3A_1196, %swap3A_1197] {strides = array<i32>} : memref<5x512xf32, #tpu.memory_space<vmem>>, vector<16xf32>,
      tpu.vector_store %arg9[%swap3A_1196, %swap3A_1197], %gather3A_1194 {strides = array<i32>} : memref<5x512xf32, #tpu.memory_space<vmem>>, vector<16xf32>,
      %get3A_1199 = arith.constant 4 : i32
      %get3A_1200 = arith.index_cast %get3A_1199 : i32 to index
      %get3A_1201 = arith.constant 48 : index
      %get3A_1202 = tpu.vector_load %arg6[%get3A_1200, %get3A_1201] {strides = array<i32>} : memref<5x512xi32, #tpu.memory_space<vmem>>, vector<16xi32>,
      %gather3A_1203 = tpu.vector_load_idx %arg7[%get3A_1202] : memref<50176xf32, #tpu.memory_space<vmem>>[vector<16xi32>], vector<16xf32>,
      %swap3A_1204 = arith.constant 4 : i32
      %swap3A_1205 = arith.index_cast %swap3A_1204 : i32 to index
      %swap3A_1206 = arith.constant 48 : index
      %swap3A_1207 = tpu.vector_load %arg9[%swap3A_1205, %swap3A_1206] {strides = array<i32>} : memref<5x512xf32, #tpu.memory_space<vmem>>, vector<16xf32>,
      tpu.vector_store %arg9[%swap3A_1205, %swap3A_1206], %gather3A_1203 {strides = array<i32>} : memref<5x512xf32, #tpu.memory_space<vmem>>, vector<16xf32>,
      %get3A_1208 = arith.constant 4 : i32
      %get3A_1209 = arith.index_cast %get3A_1208 : i32 to index
      %get3A_1210 = arith.constant 64 : index
      %get3A_1211 = tpu.vector_load %arg6[%get3A_1209, %get3A_1210] {strides = array<i32>} : memref<5x512xi32, #tpu.memory_space<vmem>>, vector<16xi32>,
      %gather3A_1212 = tpu.vector_load_idx %arg7[%get3A_1211] : memref<50176xf32, #tpu.memory_space<vmem>>[vector<16xi32>], vector<16xf32>,
      %swap3A_1213 = arith.constant 4 : i32
      %swap3A_1214 = arith.index_cast %swap3A_1213 : i32 to index
      %swap3A_1215 = arith.constant 64 : index
      %swap3A_1216 = tpu.vector_load %arg9[%swap3A_1214, %swap3A_1215] {strides = array<i32>} : memref<5x512xf32, #tpu.memory_space<vmem>>, vector<16xf32>,
      tpu.vector_store %arg9[%swap3A_1214, %swap3A_1215], %gather3A_1212 {strides = array<i32>} : memref<5x512xf32, #tpu.memory_space<vmem>>, vector<16xf32>,
      %get3A_1217 = arith.constant 4 : i32
      %get3A_1218 = arith.index_cast %get3A_1217 : i32 to index
      %get3A_1219 = arith.constant 80 : index
      %get3A_1220 = tpu.vector_load %arg6[%get3A_1218, %get3A_1219] {strides = array<i32>} : memref<5x512xi32, #tpu.memory_space<vmem>>, vector<16xi32>,
      %gather3A_1221 = tpu.vector_load_idx %arg7[%get3A_1220] : memref<50176xf32, #tpu.memory_space<vmem>>[vector<16xi32>], vector<16xf32>,
      %swap3A_1222 = arith.constant 4 : i32
      %swap3A_1223 = arith.index_cast %swap3A_1222 : i32 to index
      %swap3A_1224 = arith.constant 80 : index
      %swap3A_1225 = tpu.vector_load %arg9[%swap3A_1223, %swap3A_1224] {strides = array<i32>} : memref<5x512xf32, #tpu.memory_space<vmem>>, vector<16xf32>,
      tpu.vector_store %arg9[%swap3A_1223, %swap3A_1224], %gather3A_1221 {strides = array<i32>} : memref<5x512xf32, #tpu.memory_space<vmem>>, vector<16xf32>,
      %get3A_1226 = arith.constant 4 : i32
      %get3A_1227 = arith.index_cast %get3A_1226 : i32 to index
      %get3A_1228 = arith.constant 96 : index
      %get3A_1229 = tpu.vector_load %arg6[%get3A_1227, %get3A_1228] {strides = array<i32>} : memref<5x512xi32, #tpu.memory_space<vmem>>, vector<16xi32>,
      %gather3A_1230 = tpu.vector_load_idx %arg7[%get3A_1229] : memref<50176xf32, #tpu.memory_space<vmem>>[vector<16xi32>], vector<16xf32>,
      %swap3A_1231 = arith.constant 4 : i32
      %swap3A_1232 = arith.index_cast %swap3A_1231 : i32 to index
      %swap3A_1233 = arith.constant 96 : index
      %swap3A_1234 = tpu.vector_load %arg9[%swap3A_1232, %swap3A_1233] {strides = array<i32>} : memref<5x512xf32, #tpu.memory_space<vmem>>, vector<16xf32>,
      tpu.vector_store %arg9[%swap3A_1232, %swap3A_1233], %gather3A_1230 {strides = array<i32>} : memref<5x512xf32, #tpu.memory_space<vmem>>, vector<16xf32>,
      %get3A_1235 = arith.constant 4 : i32
      %get3A_1236 = arith.index_cast %get3A_1235 : i32 to index
      %get3A_1237 = arith.constant 112 : index
      %get3A_1238 = tpu.vector_load %arg6[%get3A_1236, %get3A_1237] {strides = array<i32>} : memref<5x512xi32, #tpu.memory_space<vmem>>, vector<16xi32>,
      %gather3A_1239 = tpu.vector_load_idx %arg7[%get3A_1238] : memref<50176xf32, #tpu.memory_space<vmem>>[vector<16xi32>], vector<16xf32>,
      %swap3A_1240 = arith.constant 4 : i32
      %swap3A_1241 = arith.index_cast %swap3A_1240 : i32 to index
      %swap3A_1242 = arith.constant 112 : index
      %swap3A_1243 = tpu.vector_load %arg9[%swap3A_1241, %swap3A_1242] {strides = array<i32>} : memref<5x512xf32, #tpu.memory_space<vmem>>, vector<16xf32>,
      tpu.vector_store %arg9[%swap3A_1241, %swap3A_1242], %gather3A_1239 {strides = array<i32>} : memref<5x512xf32, #tpu.memory_space<vmem>>, vector<16xf32>,
      %get3A_1244 = arith.constant 4 : i32
      %get3A_1245 = arith.index_cast %get3A_1244 : i32 to index
      %get3A_1246 = arith.constant 128 : index
      %get3A_1247 = tpu.vector_load %arg6[%get3A_1245, %get3A_1246] {strides = array<i32>} : memref<5x512xi32, #tpu.memory_space<vmem>>, vector<16xi32>,
      %gather3A_1248 = tpu.vector_load_idx %arg7[%get3A_1247] : memref<50176xf32, #tpu.memory_space<vmem>>[vector<16xi32>], vector<16xf32>,
      %swap3A_1249 = arith.constant 4 : i32
      %swap3A_1250 = arith.index_cast %swap3A_1249 : i32 to index
      %swap3A_1251 = arith.constant 128 : index
      %swap3A_1252 = tpu.vector_load %arg9[%swap3A_1250, %swap3A_1251] {strides = array<i32>} : memref<5x512xf32, #tpu.memory_space<vmem>>, vector<16xf32>,
      tpu.vector_store %arg9[%swap3A_1250, %swap3A_1251], %gather3A_1248 {strides = array<i32>} : memref<5x512xf32, #tpu.memory_space<vmem>>, vector<16xf32>,
      %get3A_1253 = arith.constant 4 : i32
      %get3A_1254 = arith.index_cast %get3A_1253 : i32 to index
      %get3A_1255 = arith.constant 144 : index
      %get3A_1256 = tpu.vector_load %arg6[%get3A_1254, %get3A_1255] {strides = array<i32>} : memref<5x512xi32, #tpu.memory_space<vmem>>, vector<16xi32>,
      %gather3A_1257 = tpu.vector_load_idx %arg7[%get3A_1256] : memref<50176xf32, #tpu.memory_space<vmem>>[vector<16xi32>], vector<16xf32>,
      %swap3A_1258 = arith.constant 4 : i32
      %swap3A_1259 = arith.index_cast %swap3A_1258 : i32 to index
      %swap3A_1260 = arith.constant 144 : index
      %swap3A_1261 = tpu.vector_load %arg9[%swap3A_1259, %swap3A_1260] {strides = array<i32>} : memref<5x512xf32, #tpu.memory_space<vmem>>, vector<16xf32>,
      tpu.vector_store %arg9[%swap3A_1259, %swap3A_1260], %gather3A_1257 {strides = array<i32>} : memref<5x512xf32, #tpu.memory_space<vmem>>, vector<16xf32>,
      %get3A_1262 = arith.constant 4 : i32
      %get3A_1263 = arith.index_cast %get3A_1262 : i32 to index
      %get3A_1264 = arith.constant 160 : index
      %get3A_1265 = tpu.vector_load %arg6[%get3A_1263, %get3A_1264] {strides = array<i32>} : memref<5x512xi32, #tpu.memory_space<vmem>>, vector<16xi32>,
      %gather3A_1266 = tpu.vector_load_idx %arg7[%get3A_1265] : memref<50176xf32, #tpu.memory_space<vmem>>[vector<16xi32>], vector<16xf32>,
      %swap3A_1267 = arith.constant 4 : i32
      %swap3A_1268 = arith.index_cast %swap3A_1267 : i32 to index
      %swap3A_1269 = arith.constant 160 : index
      %swap3A_1270 = tpu.vector_load %arg9[%swap3A_1268, %swap3A_1269] {strides = array<i32>} : memref<5x512xf32, #tpu.memory_space<vmem>>, vector<16xf32>,
      tpu.vector_store %arg9[%swap3A_1268, %swap3A_1269], %gather3A_1266 {strides = array<i32>} : memref<5x512xf32, #tpu.memory_space<vmem>>, vector<16xf32>,
      %get3A_1271 = arith.constant 4 : i32
      %get3A_1272 = arith.index_cast %get3A_1271 : i32 to index
      %get3A_1273 = arith.constant 176 : index
      %get3A_1274 = tpu.vector_load %arg6[%get3A_1272, %get3A_1273] {strides = array<i32>} : memref<5x512xi32, #tpu.memory_space<vmem>>, vector<16xi32>,
      %gather3A_1275 = tpu.vector_load_idx %arg7[%get3A_1274] : memref<50176xf32, #tpu.memory_space<vmem>>[vector<16xi32>], vector<16xf32>,
      %swap3A_1276 = arith.constant 4 : i32
      %swap3A_1277 = arith.index_cast %swap3A_1276 : i32 to index
      %swap3A_1278 = arith.constant 176 : index
      %swap3A_1279 = tpu.vector_load %arg9[%swap3A_1277, %swap3A_1278] {strides = array<i32>} : memref<5x512xf32, #tpu.memory_space<vmem>>, vector<16xf32>,
      tpu.vector_store %arg9[%swap3A_1277, %swap3A_1278], %gather3A_1275 {strides = array<i32>} : memref<5x512xf32, #tpu.memory_space<vmem>>, vector<16xf32>,
      %get3A_1280 = arith.constant 4 : i32
      %get3A_1281 = arith.index_cast %get3A_1280 : i32 to index
      %get3A_1282 = arith.constant 192 : index
      %get3A_1283 = tpu.vector_load %arg6[%get3A_1281, %get3A_1282] {strides = array<i32>} : memref<5x512xi32, #tpu.memory_space<vmem>>, vector<16xi32>,
      %gather3A_1284 = tpu.vector_load_idx %arg7[%get3A_1283] : memref<50176xf32, #tpu.memory_space<vmem>>[vector<16xi32>], vector<16xf32>,
      %swap3A_1285 = arith.constant 4 : i32
      %swap3A_1286 = arith.index_cast %swap3A_1285 : i32 to index
      %swap3A_1287 = arith.constant 192 : index
      %swap3A_1288 = tpu.vector_load %arg9[%swap3A_1286, %swap3A_1287] {strides = array<i32>} : memref<5x512xf32, #tpu.memory_space<vmem>>, vector<16xf32>,
      tpu.vector_store %arg9[%swap3A_1286, %swap3A_1287], %gather3A_1284 {strides = array<i32>} : memref<5x512xf32, #tpu.memory_space<vmem>>, vector<16xf32>,
      %get3A_1289 = arith.constant 4 : i32
      %get3A_1290 = arith.index_cast %get3A_1289 : i32 to index
      %get3A_1291 = arith.constant 208 : index
      %get3A_1292 = tpu.vector_load %arg6[%get3A_1290, %get3A_1291] {strides = array<i32>} : memref<5x512xi32, #tpu.memory_space<vmem>>, vector<16xi32>,
      %gather3A_1293 = tpu.vector_load_idx %arg7[%get3A_1292] : memref<50176xf32, #tpu.memory_space<vmem>>[vector<16xi32>], vector<16xf32>,
      %swap3A_1294 = arith.constant 4 : i32
      %swap3A_1295 = arith.index_cast %swap3A_1294 : i32 to index
      %swap3A_1296 = arith.constant 208 : index
      %swap3A_1297 = tpu.vector_load %arg9[%swap3A_1295, %swap3A_1296] {strides = array<i32>} : memref<5x512xf32, #tpu.memory_space<vmem>>, vector<16xf32>,
      tpu.vector_store %arg9[%swap3A_1295, %swap3A_1296], %gather3A_1293 {strides = array<i32>} : memref<5x512xf32, #tpu.memory_space<vmem>>, vector<16xf32>,
      %get3A_1298 = arith.constant 4 : i32
      %get3A_1299 = arith.index_cast %get3A_1298 : i32 to index
      %get3A_1300 = arith.constant 224 : index
      %get3A_1301 = tpu.vector_load %arg6[%get3A_1299, %get3A_1300] {strides = array<i32>} : memref<5x512xi32, #tpu.memory_space<vmem>>, vector<16xi32>,
      %gather3A_1302 = tpu.vector_load_idx %arg7[%get3A_1301] : memref<50176xf32, #tpu.memory_space<vmem>>[vector<16xi32>], vector<16xf32>,
      %swap3A_1303 = arith.constant 4 : i32
      %swap3A_1304 = arith.index_cast %swap3A_1303 : i32 to index
      %swap3A_1305 = arith.constant 224 : index
      %swap3A_1306 = tpu.vector_load %arg9[%swap3A_1304, %swap3A_1305] {strides = array<i32>} : memref<5x512xf32, #tpu.memory_space<vmem>>, vector<16xf32>,
      tpu.vector_store %arg9[%swap3A_1304, %swap3A_1305], %gather3A_1302 {strides = array<i32>} : memref<5x512xf32, #tpu.memory_space<vmem>>, vector<16xf32>,
      %get3A_1307 = arith.constant 4 : i32
      %get3A_1308 = arith.index_cast %get3A_1307 : i32 to index
      %get3A_1309 = arith.constant 240 : index
      %get3A_1310 = tpu.vector_load %arg6[%get3A_1308, %get3A_1309] {strides = array<i32>} : memref<5x512xi32, #tpu.memory_space<vmem>>, vector<16xi32>,
      %gather3A_1311 = tpu.vector_load_idx %arg7[%get3A_1310] : memref<50176xf32, #tpu.memory_space<vmem>>[vector<16xi32>], vector<16xf32>,
      %swap3A_1312 = arith.constant 4 : i32
      %swap3A_1313 = arith.index_cast %swap3A_1312 : i32 to index
      %swap3A_1314 = arith.constant 240 : index
      %swap3A_1315 = tpu.vector_load %arg9[%swap3A_1313, %swap3A_1314] {strides = array<i32>} : memref<5x512xf32, #tpu.memory_space<vmem>>, vector<16xf32>,
      tpu.vector_store %arg9[%swap3A_1313, %swap3A_1314], %gather3A_1311 {strides = array<i32>} : memref<5x512xf32, #tpu.memory_space<vmem>>, vector<16xf32>,
      %get3A_1316 = arith.constant 4 : i32
      %get3A_1317 = arith.index_cast %get3A_1316 : i32 to index
      %get3A_1318 = arith.constant 256 : index
      %get3A_1319 = tpu.vector_load %arg6[%get3A_1317, %get3A_1318] {strides = array<i32>} : memref<5x512xi32, #tpu.memory_space<vmem>>, vector<16xi32>,
      %gather3A_1320 = tpu.vector_load_idx %arg7[%get3A_1319] : memref<50176xf32, #tpu.memory_space<vmem>>[vector<16xi32>], vector<16xf32>,
      %swap3A_1321 = arith.constant 4 : i32
      %swap3A_1322 = arith.index_cast %swap3A_1321 : i32 to index
      %swap3A_1323 = arith.constant 256 : index
      %swap3A_1324 = tpu.vector_load %arg9[%swap3A_1322, %swap3A_1323] {strides = array<i32>} : memref<5x512xf32, #tpu.memory_space<vmem>>, vector<16xf32>,
      tpu.vector_store %arg9[%swap3A_1322, %swap3A_1323], %gather3A_1320 {strides = array<i32>} : memref<5x512xf32, #tpu.memory_space<vmem>>, vector<16xf32>,
      %get3A_1325 = arith.constant 4 : i32
      %get3A_1326 = arith.index_cast %get3A_1325 : i32 to index
      %get3A_1327 = arith.constant 272 : index
      %get3A_1328 = tpu.vector_load %arg6[%get3A_1326, %get3A_1327] {strides = array<i32>} : memref<5x512xi32, #tpu.memory_space<vmem>>, vector<16xi32>,
      %gather3A_1329 = tpu.vector_load_idx %arg7[%get3A_1328] : memref<50176xf32, #tpu.memory_space<vmem>>[vector<16xi32>], vector<16xf32>,
      %swap3A_1330 = arith.constant 4 : i32
      %swap3A_1331 = arith.index_cast %swap3A_1330 : i32 to index
      %swap3A_1332 = arith.constant 272 : index
      %swap3A_1333 = tpu.vector_load %arg9[%swap3A_1331, %swap3A_1332] {strides = array<i32>} : memref<5x512xf32, #tpu.memory_space<vmem>>, vector<16xf32>,
      tpu.vector_store %arg9[%swap3A_1331, %swap3A_1332], %gather3A_1329 {strides = array<i32>} : memref<5x512xf32, #tpu.memory_space<vmem>>, vector<16xf32>,
      %get3A_1334 = arith.constant 4 : i32
      %get3A_1335 = arith.index_cast %get3A_1334 : i32 to index
      %get3A_1336 = arith.constant 288 : index
      %get3A_1337 = tpu.vector_load %arg6[%get3A_1335, %get3A_1336] {strides = array<i32>} : memref<5x512xi32, #tpu.memory_space<vmem>>, vector<16xi32>,
      %gather3A_1338 = tpu.vector_load_idx %arg7[%get3A_1337] : memref<50176xf32, #tpu.memory_space<vmem>>[vector<16xi32>], vector<16xf32>,
      %swap3A_1339 = arith.constant 4 : i32
      %swap3A_1340 = arith.index_cast %swap3A_1339 : i32 to index
      %swap3A_1341 = arith.constant 288 : index
      %swap3A_1342 = tpu.vector_load %arg9[%swap3A_1340, %swap3A_1341] {strides = array<i32>} : memref<5x512xf32, #tpu.memory_space<vmem>>, vector<16xf32>,
      tpu.vector_store %arg9[%swap3A_1340, %swap3A_1341], %gather3A_1338 {strides = array<i32>} : memref<5x512xf32, #tpu.memory_space<vmem>>, vector<16xf32>,
      %get3A_1343 = arith.constant 4 : i32
      %get3A_1344 = arith.index_cast %get3A_1343 : i32 to index
      %get3A_1345 = arith.constant 304 : index
      %get3A_1346 = tpu.vector_load %arg6[%get3A_1344, %get3A_1345] {strides = array<i32>} : memref<5x512xi32, #tpu.memory_space<vmem>>, vector<16xi32>,
      %gather3A_1347 = tpu.vector_load_idx %arg7[%get3A_1346] : memref<50176xf32, #tpu.memory_space<vmem>>[vector<16xi32>], vector<16xf32>,
      %swap3A_1348 = arith.constant 4 : i32
      %swap3A_1349 = arith.index_cast %swap3A_1348 : i32 to index
      %swap3A_1350 = arith.constant 304 : index
      %swap3A_1351 = tpu.vector_load %arg9[%swap3A_1349, %swap3A_1350] {strides = array<i32>} : memref<5x512xf32, #tpu.memory_space<vmem>>, vector<16xf32>,
      tpu.vector_store %arg9[%swap3A_1349, %swap3A_1350], %gather3A_1347 {strides = array<i32>} : memref<5x512xf32, #tpu.memory_space<vmem>>, vector<16xf32>,
      %get3A_1352 = arith.constant 4 : i32
      %get3A_1353 = arith.index_cast %get3A_1352 : i32 to index
      %get3A_1354 = arith.constant 320 : index
      %get3A_1355 = tpu.vector_load %arg6[%get3A_1353, %get3A_1354] {strides = array<i32>} : memref<5x512xi32, #tpu.memory_space<vmem>>, vector<16xi32>,
      %gather3A_1356 = tpu.vector_load_idx %arg7[%get3A_1355] : memref<50176xf32, #tpu.memory_space<vmem>>[vector<16xi32>], vector<16xf32>,
      %swap3A_1357 = arith.constant 4 : i32
      %swap3A_1358 = arith.index_cast %swap3A_1357 : i32 to index
      %swap3A_1359 = arith.constant 320 : index
      %swap3A_1360 = tpu.vector_load %arg9[%swap3A_1358, %swap3A_1359] {strides = array<i32>} : memref<5x512xf32, #tpu.memory_space<vmem>>, vector<16xf32>,
      tpu.vector_store %arg9[%swap3A_1358, %swap3A_1359], %gather3A_1356 {strides = array<i32>} : memref<5x512xf32, #tpu.memory_space<vmem>>, vector<16xf32>,
      %get3A_1361 = arith.constant 4 : i32
      %get3A_1362 = arith.index_cast %get3A_1361 : i32 to index
      %get3A_1363 = arith.constant 336 : index
      %get3A_1364 = tpu.vector_load %arg6[%get3A_1362, %get3A_1363] {strides = array<i32>} : memref<5x512xi32, #tpu.memory_space<vmem>>, vector<16xi32>,
      %gather3A_1365 = tpu.vector_load_idx %arg7[%get3A_1364] : memref<50176xf32, #tpu.memory_space<vmem>>[vector<16xi32>], vector<16xf32>,
      %swap3A_1366 = arith.constant 4 : i32
      %swap3A_1367 = arith.index_cast %swap3A_1366 : i32 to index
      %swap3A_1368 = arith.constant 336 : index
      %swap3A_1369 = tpu.vector_load %arg9[%swap3A_1367, %swap3A_1368] {strides = array<i32>} : memref<5x512xf32, #tpu.memory_space<vmem>>, vector<16xf32>,
      tpu.vector_store %arg9[%swap3A_1367, %swap3A_1368], %gather3A_1365 {strides = array<i32>} : memref<5x512xf32, #tpu.memory_space<vmem>>, vector<16xf32>,
      %get3A_1370 = arith.constant 4 : i32
      %get3A_1371 = arith.index_cast %get3A_1370 : i32 to index
      %get3A_1372 = arith.constant 352 : index
      %get3A_1373 = tpu.vector_load %arg6[%get3A_1371, %get3A_1372] {strides = array<i32>} : memref<5x512xi32, #tpu.memory_space<vmem>>, vector<16xi32>,
      %gather3A_1374 = tpu.vector_load_idx %arg7[%get3A_1373] : memref<50176xf32, #tpu.memory_space<vmem>>[vector<16xi32>], vector<16xf32>,
      %swap3A_1375 = arith.constant 4 : i32
      %swap3A_1376 = arith.index_cast %swap3A_1375 : i32 to index
      %swap3A_1377 = arith.constant 352 : index
      %swap3A_1378 = tpu.vector_load %arg9[%swap3A_1376, %swap3A_1377] {strides = array<i32>} : memref<5x512xf32, #tpu.memory_space<vmem>>, vector<16xf32>,
      tpu.vector_store %arg9[%swap3A_1376, %swap3A_1377], %gather3A_1374 {strides = array<i32>} : memref<5x512xf32, #tpu.memory_space<vmem>>, vector<16xf32>,
      %get3A_1379 = arith.constant 4 : i32
      %get3A_1380 = arith.index_cast %get3A_1379 : i32 to index
      %get3A_1381 = arith.constant 368 : index
      %get3A_1382 = tpu.vector_load %arg6[%get3A_1380, %get3A_1381] {strides = array<i32>} : memref<5x512xi32, #tpu.memory_space<vmem>>, vector<16xi32>,
      %gather3A_1383 = tpu.vector_load_idx %arg7[%get3A_1382] : memref<50176xf32, #tpu.memory_space<vmem>>[vector<16xi32>], vector<16xf32>,
      %swap3A_1384 = arith.constant 4 : i32
      %swap3A_1385 = arith.index_cast %swap3A_1384 : i32 to index
      %swap3A_1386 = arith.constant 368 : index
      %swap3A_1387 = tpu.vector_load %arg9[%swap3A_1385, %swap3A_1386] {strides = array<i32>} : memref<5x512xf32, #tpu.memory_space<vmem>>, vector<16xf32>,
      tpu.vector_store %arg9[%swap3A_1385, %swap3A_1386], %gather3A_1383 {strides = array<i32>} : memref<5x512xf32, #tpu.memory_space<vmem>>, vector<16xf32>,
      %get3A_1388 = arith.constant 4 : i32
      %get3A_1389 = arith.index_cast %get3A_1388 : i32 to index
      %get3A_1390 = arith.constant 384 : index
      %get3A_1391 = tpu.vector_load %arg6[%get3A_1389, %get3A_1390] {strides = array<i32>} : memref<5x512xi32, #tpu.memory_space<vmem>>, vector<16xi32>,
      %gather3A_1392 = tpu.vector_load_idx %arg7[%get3A_1391] : memref<50176xf32, #tpu.memory_space<vmem>>[vector<16xi32>], vector<16xf32>,
      %swap3A_1393 = arith.constant 4 : i32
      %swap3A_1394 = arith.index_cast %swap3A_1393 : i32 to index
      %swap3A_1395 = arith.constant 384 : index
      %swap3A_1396 = tpu.vector_load %arg9[%swap3A_1394, %swap3A_1395] {strides = array<i32>} : memref<5x512xf32, #tpu.memory_space<vmem>>, vector<16xf32>,
      tpu.vector_store %arg9[%swap3A_1394, %swap3A_1395], %gather3A_1392 {strides = array<i32>} : memref<5x512xf32, #tpu.memory_space<vmem>>, vector<16xf32>,
      %get3A_1397 = arith.constant 4 : i32
      %get3A_1398 = arith.index_cast %get3A_1397 : i32 to index
      %get3A_1399 = arith.constant 400 : index
      %get3A_1400 = tpu.vector_load %arg6[%get3A_1398, %get3A_1399] {strides = array<i32>} : memref<5x512xi32, #tpu.memory_space<vmem>>, vector<16xi32>,
      %gather3A_1401 = tpu.vector_load_idx %arg7[%get3A_1400] : memref<50176xf32, #tpu.memory_space<vmem>>[vector<16xi32>], vector<16xf32>,
      %swap3A_1402 = arith.constant 4 : i32
      %swap3A_1403 = arith.index_cast %swap3A_1402 : i32 to index
      %swap3A_1404 = arith.constant 400 : index
      %swap3A_1405 = tpu.vector_load %arg9[%swap3A_1403, %swap3A_1404] {strides = array<i32>} : memref<5x512xf32, #tpu.memory_space<vmem>>, vector<16xf32>,
      tpu.vector_store %arg9[%swap3A_1403, %swap3A_1404], %gather3A_1401 {strides = array<i32>} : memref<5x512xf32, #tpu.memory_space<vmem>>, vector<16xf32>,
      %get3A_1406 = arith.constant 4 : i32
      %get3A_1407 = arith.index_cast %get3A_1406 : i32 to index
      %get3A_1408 = arith.constant 416 : index
      %get3A_1409 = tpu.vector_load %arg6[%get3A_1407, %get3A_1408] {strides = array<i32>} : memref<5x512xi32, #tpu.memory_space<vmem>>, vector<16xi32>,
      %gather3A_1410 = tpu.vector_load_idx %arg7[%get3A_1409] : memref<50176xf32, #tpu.memory_space<vmem>>[vector<16xi32>], vector<16xf32>,
      %swap3A_1411 = arith.constant 4 : i32
      %swap3A_1412 = arith.index_cast %swap3A_1411 : i32 to index
      %swap3A_1413 = arith.constant 416 : index
      %swap3A_1414 = tpu.vector_load %arg9[%swap3A_1412, %swap3A_1413] {strides = array<i32>} : memref<5x512xf32, #tpu.memory_space<vmem>>, vector<16xf32>,
      tpu.vector_store %arg9[%swap3A_1412, %swap3A_1413], %gather3A_1410 {strides = array<i32>} : memref<5x512xf32, #tpu.memory_space<vmem>>, vector<16xf32>,
      %get3A_1415 = arith.constant 4 : i32
      %get3A_1416 = arith.index_cast %get3A_1415 : i32 to index
      %get3A_1417 = arith.constant 432 : index
      %get3A_1418 = tpu.vector_load %arg6[%get3A_1416, %get3A_1417] {strides = array<i32>} : memref<5x512xi32, #tpu.memory_space<vmem>>, vector<16xi32>,
      %gather3A_1419 = tpu.vector_load_idx %arg7[%get3A_1418] : memref<50176xf32, #tpu.memory_space<vmem>>[vector<16xi32>], vector<16xf32>,
      %swap3A_1420 = arith.constant 4 : i32
      %swap3A_1421 = arith.index_cast %swap3A_1420 : i32 to index
      %swap3A_1422 = arith.constant 432 : index
      %swap3A_1423 = tpu.vector_load %arg9[%swap3A_1421, %swap3A_1422] {strides = array<i32>} : memref<5x512xf32, #tpu.memory_space<vmem>>, vector<16xf32>,
      tpu.vector_store %arg9[%swap3A_1421, %swap3A_1422], %gather3A_1419 {strides = array<i32>} : memref<5x512xf32, #tpu.memory_space<vmem>>, vector<16xf32>,
      %get3A_1424 = arith.constant 4 : i32
      %get3A_1425 = arith.index_cast %get3A_1424 : i32 to index
      %get3A_1426 = arith.constant 448 : index
      %get3A_1427 = tpu.vector_load %arg6[%get3A_1425, %get3A_1426] {strides = array<i32>} : memref<5x512xi32, #tpu.memory_space<vmem>>, vector<16xi32>,
      %gather3A_1428 = tpu.vector_load_idx %arg7[%get3A_1427] : memref<50176xf32, #tpu.memory_space<vmem>>[vector<16xi32>], vector<16xf32>,
      %swap3A_1429 = arith.constant 4 : i32
      %swap3A_1430 = arith.index_cast %swap3A_1429 : i32 to index
      %swap3A_1431 = arith.constant 448 : index
      %swap3A_1432 = tpu.vector_load %arg9[%swap3A_1430, %swap3A_1431] {strides = array<i32>} : memref<5x512xf32, #tpu.memory_space<vmem>>, vector<16xf32>,
      tpu.vector_store %arg9[%swap3A_1430, %swap3A_1431], %gather3A_1428 {strides = array<i32>} : memref<5x512xf32, #tpu.memory_space<vmem>>, vector<16xf32>,
      %get3A_1433 = arith.constant 4 : i32
      %get3A_1434 = arith.index_cast %get3A_1433 : i32 to index
      %get3A_1435 = arith.constant 464 : index
      %get3A_1436 = tpu.vector_load %arg6[%get3A_1434, %get3A_1435] {strides = array<i32>} : memref<5x512xi32, #tpu.memory_space<vmem>>, vector<16xi32>,
      %gather3A_1437 = tpu.vector_load_idx %arg7[%get3A_1436] : memref<50176xf32, #tpu.memory_space<vmem>>[vector<16xi32>], vector<16xf32>,
      %swap3A_1438 = arith.constant 4 : i32
      %swap3A_1439 = arith.index_cast %swap3A_1438 : i32 to index
      %swap3A_1440 = arith.constant 464 : index
      %swap3A_1441 = tpu.vector_load %arg9[%swap3A_1439, %swap3A_1440] {strides = array<i32>} : memref<5x512xf32, #tpu.memory_space<vmem>>, vector<16xf32>,
      tpu.vector_store %arg9[%swap3A_1439, %swap3A_1440], %gather3A_1437 {strides = array<i32>} : memref<5x512xf32, #tpu.memory_space<vmem>>, vector<16xf32>,
      %get3A_1442 = arith.constant 4 : i32
      %get3A_1443 = arith.index_cast %get3A_1442 : i32 to index
      %get3A_1444 = arith.constant 480 : index
      %get3A_1445 = tpu.vector_load %arg6[%get3A_1443, %get3A_1444] {strides = array<i32>} : memref<5x512xi32, #tpu.memory_space<vmem>>, vector<16xi32>,
      %gather3A_1446 = tpu.vector_load_idx %arg7[%get3A_1445] : memref<50176xf32, #tpu.memory_space<vmem>>[vector<16xi32>], vector<16xf32>,
      %swap3A_1447 = arith.constant 4 : i32
      %swap3A_1448 = arith.index_cast %swap3A_1447 : i32 to index
      %swap3A_1449 = arith.constant 480 : index
      %swap3A_1450 = tpu.vector_load %arg9[%swap3A_1448, %swap3A_1449] {strides = array<i32>} : memref<5x512xf32, #tpu.memory_space<vmem>>, vector<16xf32>,
      tpu.vector_store %arg9[%swap3A_1448, %swap3A_1449], %gather3A_1446 {strides = array<i32>} : memref<5x512xf32, #tpu.memory_space<vmem>>, vector<16xf32>,
      %get3A_1451 = arith.constant 4 : i32
      %get3A_1452 = arith.index_cast %get3A_1451 : i32 to index
      %get3A_1453 = arith.constant 496 : index
      %get3A_1454 = tpu.vector_load %arg6[%get3A_1452, %get3A_1453] {strides = array<i32>} : memref<5x512xi32, #tpu.memory_space<vmem>>, vector<16xi32>,
      %gather3A_1455 = tpu.vector_load_idx %arg7[%get3A_1454] : memref<50176xf32, #tpu.memory_space<vmem>>[vector<16xi32>], vector<16xf32>,
      %swap3A_1456 = arith.constant 4 : i32
      %swap3A_1457 = arith.index_cast %swap3A_1456 : i32 to index
      %swap3A_1458 = arith.constant 496 : index
      %swap3A_1459 = tpu.vector_load %arg9[%swap3A_1457, %swap3A_1458] {strides = array<i32>} : memref<5x512xf32, #tpu.memory_space<vmem>>, vector<16xf32>,
      tpu.vector_store %arg9[%swap3A_1457, %swap3A_1458], %gather3A_1455 {strides = array<i32>} : memref<5x512xf32, #tpu.memory_space<vmem>>, vector<16xf32>,
      %dma_start3A = arith.constant 0 : i32
      %dma_start3A_1460 = arith.constant 0 : i32
      %dma_start3A_1461 = arith.constant 0 : i32
      %dma_start3A_1462 = tpu.memref_slice %arg9[%dma_start3A, %dma_start3A_1461] : memref<5x512xf32, #tpu.memory_space<vmem>> -> memref<1x512xf32, #tpu.memory_space<vmem>>
      %dma_start3A_1463 = tpu.memref_squeeze %dma_start3A_1462 : memref<1x512xf32, #tpu.memory_space<vmem>> -> memref<512xf32, #tpu.memory_space<vmem>>
      %dma_start3A_1464 = arith.constant 0 : i32
      %dma_start3A_1465 = tpu.memref_slice %arg8[%dma_start3A_1460, %dma_start3A_1464] : memref<5x512xi32, #tpu.memory_space<vmem>> -> memref<1x512xi32, #tpu.memory_space<vmem>>
      %dma_start3A_1466 = tpu.memref_squeeze %dma_start3A_1465 : memref<1x512xi32, #tpu.memory_space<vmem>> -> memref<512xi32, #tpu.memory_space<vmem>>
      %dma_start3A_1467 = arith.constant 0 : i32
      %dma_start3A_1468 = tpu.memref_slice %arg11[%dma_start3A_1467] : memref<50176xf32, #tpu.memory_space<vmem_shared>> -> memref<50176xf32, #tpu.memory_space<vmem_shared>>
      tpu.enqueue_indirect_dma source(%dma_start3A_1463 : memref<512xf32, #tpu.memory_space<vmem>>) target(%dma_start3A_1468 : memref<50176xf32, #tpu.memory_space<vmem_shared>>) offsets(%dma_start3A_1466 : memref<512xi32, #tpu.memory_space<vmem>>) semaphore(%arg12 : memref<!tpu.dma_semaphore, #tpu.memory_space<semaphore_mem>>) {add = true}
      %dma_start3A_1469 = arith.constant 1 : i32
      %dma_start3A_1470 = arith.constant 1 : i32
      %dma_start3A_1471 = arith.constant 0 : i32
      %dma_start3A_1472 = tpu.memref_slice %arg9[%dma_start3A_1469, %dma_start3A_1471] : memref<5x512xf32, #tpu.memory_space<vmem>> -> memref<1x512xf32, #tpu.memory_space<vmem>>
      %dma_start3A_1473 = tpu.memref_squeeze %dma_start3A_1472 : memref<1x512xf32, #tpu.memory_space<vmem>> -> memref<512xf32, #tpu.memory_space<vmem>>
      %dma_start3A_1474 = arith.constant 0 : i32
      %dma_start3A_1475 = tpu.memref_slice %arg8[%dma_start3A_1470, %dma_start3A_1474] : memref<5x512xi32, #tpu.memory_space<vmem>> -> memref<1x512xi32, #tpu.memory_space<vmem>>
      %dma_start3A_1476 = tpu.memref_squeeze %dma_start3A_1475 : memref<1x512xi32, #tpu.memory_space<vmem>> -> memref<512xi32, #tpu.memory_space<vmem>>
      %dma_start3A_1477 = arith.constant 0 : i32
      %dma_start3A_1478 = tpu.memref_slice %arg11[%dma_start3A_1477] : memref<50176xf32, #tpu.memory_space<vmem_shared>> -> memref<50176xf32, #tpu.memory_space<vmem_shared>>
      tpu.enqueue_indirect_dma source(%dma_start3A_1473 : memref<512xf32, #tpu.memory_space<vmem>>) target(%dma_start3A_1478 : memref<50176xf32, #tpu.memory_space<vmem_shared>>) offsets(%dma_start3A_1476 : memref<512xi32, #tpu.memory_space<vmem>>) semaphore(%arg12 : memref<!tpu.dma_semaphore, #tpu.memory_space<semaphore_mem>>) {add = true}
      %dma_start3A_1479 = arith.constant 2 : i32
      %dma_start3A_1480 = arith.constant 2 : i32
      %dma_start3A_1481 = arith.constant 0 : i32
      %dma_start3A_1482 = tpu.memref_slice %arg9[%dma_start3A_1479, %dma_start3A_1481] : memref<5x512xf32, #tpu.memory_space<vmem>> -> memref<1x512xf32, #tpu.memory_space<vmem>>
      %dma_start3A_1483 = tpu.memref_squeeze %dma_start3A_1482 : memref<1x512xf32, #tpu.memory_space<vmem>> -> memref<512xf32, #tpu.memory_space<vmem>>
      %dma_start3A_1484 = arith.constant 0 : i32
      %dma_start3A_1485 = tpu.memref_slice %arg8[%dma_start3A_1480, %dma_start3A_1484] : memref<5x512xi32, #tpu.memory_space<vmem>> -> memref<1x512xi32, #tpu.memory_space<vmem>>
      %dma_start3A_1486 = tpu.memref_squeeze %dma_start3A_1485 : memref<1x512xi32, #tpu.memory_space<vmem>> -> memref<512xi32, #tpu.memory_space<vmem>>
      %dma_start3A_1487 = arith.constant 0 : i32
      %dma_start3A_1488 = tpu.memref_slice %arg11[%dma_start3A_1487] : memref<50176xf32, #tpu.memory_space<vmem_shared>> -> memref<50176xf32, #tpu.memory_space<vmem_shared>>
      tpu.enqueue_indirect_dma source(%dma_start3A_1483 : memref<512xf32, #tpu.memory_space<vmem>>) target(%dma_start3A_1488 : memref<50176xf32, #tpu.memory_space<vmem_shared>>) offsets(%dma_start3A_1486 : memref<512xi32, #tpu.memory_space<vmem>>) semaphore(%arg12 : memref<!tpu.dma_semaphore, #tpu.memory_space<semaphore_mem>>) {add = true}
      %dma_start3A_1489 = arith.constant 3 : i32
      %dma_start3A_1490 = arith.constant 3 : i32
      %dma_start3A_1491 = arith.constant 0 : i32
      %dma_start3A_1492 = tpu.memref_slice %arg9[%dma_start3A_1489, %dma_start3A_1491] : memref<5x512xf32, #tpu.memory_space<vmem>> -> memref<1x512xf32, #tpu.memory_space<vmem>>
      %dma_start3A_1493 = tpu.memref_squeeze %dma_start3A_1492 : memref<1x512xf32, #tpu.memory_space<vmem>> -> memref<512xf32, #tpu.memory_space<vmem>>
      %dma_start3A_1494 = arith.constant 0 : i32
      %dma_start3A_1495 = tpu.memref_slice %arg8[%dma_start3A_1490, %dma_start3A_1494] : memref<5x512xi32, #tpu.memory_space<vmem>> -> memref<1x512xi32, #tpu.memory_space<vmem>>
      %dma_start3A_1496 = tpu.memref_squeeze %dma_start3A_1495 : memref<1x512xi32, #tpu.memory_space<vmem>> -> memref<512xi32, #tpu.memory_space<vmem>>
      %dma_start3A_1497 = arith.constant 0 : i32
      %dma_start3A_1498 = tpu.memref_slice %arg11[%dma_start3A_1497] : memref<50176xf32, #tpu.memory_space<vmem_shared>> -> memref<50176xf32, #tpu.memory_space<vmem_shared>>
      tpu.enqueue_indirect_dma source(%dma_start3A_1493 : memref<512xf32, #tpu.memory_space<vmem>>) target(%dma_start3A_1498 : memref<50176xf32, #tpu.memory_space<vmem_shared>>) offsets(%dma_start3A_1496 : memref<512xi32, #tpu.memory_space<vmem>>) semaphore(%arg12 : memref<!tpu.dma_semaphore, #tpu.memory_space<semaphore_mem>>) {add = true}
      %dma_start3A_1499 = arith.constant 4 : i32
      %dma_start3A_1500 = arith.constant 4 : i32
      %dma_start3A_1501 = arith.constant 0 : i32
      %dma_start3A_1502 = tpu.memref_slice %arg9[%dma_start3A_1499, %dma_start3A_1501] : memref<5x512xf32, #tpu.memory_space<vmem>> -> memref<1x512xf32, #tpu.memory_space<vmem>>
      %dma_start3A_1503 = tpu.memref_squeeze %dma_start3A_1502 : memref<1x512xf32, #tpu.memory_space<vmem>> -> memref<512xf32, #tpu.memory_space<vmem>>
      %dma_start3A_1504 = arith.constant 0 : i32
      %dma_start3A_1505 = tpu.memref_slice %arg8[%dma_start3A_1500, %dma_start3A_1504] : memref<5x512xi32, #tpu.memory_space<vmem>> -> memref<1x512xi32, #tpu.memory_space<vmem>>
      %dma_start3A_1506 = tpu.memref_squeeze %dma_start3A_1505 : memref<1x512xi32, #tpu.memory_space<vmem>> -> memref<512xi32, #tpu.memory_space<vmem>>
      %dma_start3A_1507 = arith.constant 0 : i32
      %dma_start3A_1508 = tpu.memref_slice %arg11[%dma_start3A_1507] : memref<50176xf32, #tpu.memory_space<vmem_shared>> -> memref<50176xf32, #tpu.memory_space<vmem_shared>>
      tpu.enqueue_indirect_dma source(%dma_start3A_1503 : memref<512xf32, #tpu.memory_space<vmem>>) target(%dma_start3A_1508 : memref<50176xf32, #tpu.memory_space<vmem_shared>>) offsets(%dma_start3A_1506 : memref<512xi32, #tpu.memory_space<vmem>>) semaphore(%arg12 : memref<!tpu.dma_semaphore, #tpu.memory_space<semaphore_mem>>) {add = true}
      %dma_wait3A = arith.constant 0 : i32
      %dma_wait3A_1509 = arith.constant 0 : i32
      %dma_wait3A_1510 = arith.constant 0 : i32
      %dma_wait3A_1511 = tpu.memref_slice %arg9[%dma_wait3A, %dma_wait3A_1510] : memref<5x512xf32, #tpu.memory_space<vmem>> -> memref<1x512xf32, #tpu.memory_space<vmem>>
      %dma_wait3A_1512 = tpu.memref_squeeze %dma_wait3A_1511 : memref<1x512xf32, #tpu.memory_space<vmem>> -> memref<512xf32, #tpu.memory_space<vmem>>
      %dma_wait3A_1513 = arith.constant 0 : i32
      %dma_wait3A_1514 = tpu.memref_slice %arg8[%dma_wait3A_1509, %dma_wait3A_1513] : memref<5x512xi32, #tpu.memory_space<vmem>> -> memref<1x512xi32, #tpu.memory_space<vmem>>
      %dma_wait3A_1515 = tpu.memref_squeeze %dma_wait3A_1514 : memref<1x512xi32, #tpu.memory_space<vmem>> -> memref<512xi32, #tpu.memory_space<vmem>>
      %dma_wait3A_1516 = arith.constant 0 : i32
      %dma_wait3A_1517 = tpu.memref_slice %arg11[%dma_wait3A_1516] : memref<50176xf32, #tpu.memory_space<vmem_shared>> -> memref<50176xf32, #tpu.memory_space<vmem_shared>>
      tpu.wait_indirect_dma semaphore(%arg12 : memref<!tpu.dma_semaphore, #tpu.memory_space<semaphore_mem>>) src(%dma_wait3A_1512 : memref<512xf32, #tpu.memory_space<vmem>>) dst(%dma_wait3A_1517 : memref<50176xf32, #tpu.memory_space<vmem_shared>>)
      %dma_wait3A_1518 = arith.constant 1 : i32
      %dma_wait3A_1519 = arith.constant 1 : i32
      %dma_wait3A_1520 = arith.constant 0 : i32
      %dma_wait3A_1521 = tpu.memref_slice %arg9[%dma_wait3A_1518, %dma_wait3A_1520] : memref<5x512xf32, #tpu.memory_space<vmem>> -> memref<1x512xf32, #tpu.memory_space<vmem>>
      %dma_wait3A_1522 = tpu.memref_squeeze %dma_wait3A_1521 : memref<1x512xf32, #tpu.memory_space<vmem>> -> memref<512xf32, #tpu.memory_space<vmem>>
      %dma_wait3A_1523 = arith.constant 0 : i32
      %dma_wait3A_1524 = tpu.memref_slice %arg8[%dma_wait3A_1519, %dma_wait3A_1523] : memref<5x512xi32, #tpu.memory_space<vmem>> -> memref<1x512xi32, #tpu.memory_space<vmem>>
      %dma_wait3A_1525 = tpu.memref_squeeze %dma_wait3A_1524 : memref<1x512xi32, #tpu.memory_space<vmem>> -> memref<512xi32, #tpu.memory_space<vmem>>
      %dma_wait3A_1526 = arith.constant 0 : i32
      %dma_wait3A_1527 = tpu.memref_slice %arg11[%dma_wait3A_1526] : memref<50176xf32, #tpu.memory_space<vmem_shared>> -> memref<50176xf32, #tpu.memory_space<vmem_shared>>
      tpu.wait_indirect_dma semaphore(%arg12 : memref<!tpu.dma_semaphore, #tpu.memory_space<semaphore_mem>>) src(%dma_wait3A_1522 : memref<512xf32, #tpu.memory_space<vmem>>) dst(%dma_wait3A_1527 : memref<50176xf32, #tpu.memory_space<vmem_shared>>)
      %dma_wait3A_1528 = arith.constant 2 : i32
      %dma_wait3A_1529 = arith.constant 2 : i32
      %dma_wait3A_1530 = arith.constant 0 : i32
      %dma_wait3A_1531 = tpu.memref_slice %arg9[%dma_wait3A_1528, %dma_wait3A_1530] : memref<5x512xf32, #tpu.memory_space<vmem>> -> memref<1x512xf32, #tpu.memory_space<vmem>>
      %dma_wait3A_1532 = tpu.memref_squeeze %dma_wait3A_1531 : memref<1x512xf32, #tpu.memory_space<vmem>> -> memref<512xf32, #tpu.memory_space<vmem>>
      %dma_wait3A_1533 = arith.constant 0 : i32
      %dma_wait3A_1534 = tpu.memref_slice %arg8[%dma_wait3A_1529, %dma_wait3A_1533] : memref<5x512xi32, #tpu.memory_space<vmem>> -> memref<1x512xi32, #tpu.memory_space<vmem>>
      %dma_wait3A_1535 = tpu.memref_squeeze %dma_wait3A_1534 : memref<1x512xi32, #tpu.memory_space<vmem>> -> memref<512xi32, #tpu.memory_space<vmem>>
      %dma_wait3A_1536 = arith.constant 0 : i32
      %dma_wait3A_1537 = tpu.memref_slice %arg11[%dma_wait3A_1536] : memref<50176xf32, #tpu.memory_space<vmem_shared>> -> memref<50176xf32, #tpu.memory_space<vmem_shared>>
      tpu.wait_indirect_dma semaphore(%arg12 : memref<!tpu.dma_semaphore, #tpu.memory_space<semaphore_mem>>) src(%dma_wait3A_1532 : memref<512xf32, #tpu.memory_space<vmem>>) dst(%dma_wait3A_1537 : memref<50176xf32, #tpu.memory_space<vmem_shared>>)
      %dma_wait3A_1538 = arith.constant 3 : i32
      %dma_wait3A_1539 = arith.constant 3 : i32
      %dma_wait3A_1540 = arith.constant 0 : i32
      %dma_wait3A_1541 = tpu.memref_slice %arg9[%dma_wait3A_1538, %dma_wait3A_1540] : memref<5x512xf32, #tpu.memory_space<vmem>> -> memref<1x512xf32, #tpu.memory_space<vmem>>
      %dma_wait3A_1542 = tpu.memref_squeeze %dma_wait3A_1541 : memref<1x512xf32, #tpu.memory_space<vmem>> -> memref<512xf32, #tpu.memory_space<vmem>>
      %dma_wait3A_1543 = arith.constant 0 : i32
      %dma_wait3A_1544 = tpu.memref_slice %arg8[%dma_wait3A_1539, %dma_wait3A_1543] : memref<5x512xi32, #tpu.memory_space<vmem>> -> memref<1x512xi32, #tpu.memory_space<vmem>>
      %dma_wait3A_1545 = tpu.memref_squeeze %dma_wait3A_1544 : memref<1x512xi32, #tpu.memory_space<vmem>> -> memref<512xi32, #tpu.memory_space<vmem>>
      %dma_wait3A_1546 = arith.constant 0 : i32
      %dma_wait3A_1547 = tpu.memref_slice %arg11[%dma_wait3A_1546] : memref<50176xf32, #tpu.memory_space<vmem_shared>> -> memref<50176xf32, #tpu.memory_space<vmem_shared>>
      tpu.wait_indirect_dma semaphore(%arg12 : memref<!tpu.dma_semaphore, #tpu.memory_space<semaphore_mem>>) src(%dma_wait3A_1542 : memref<512xf32, #tpu.memory_space<vmem>>) dst(%dma_wait3A_1547 : memref<50176xf32, #tpu.memory_space<vmem_shared>>)
      %dma_wait3A_1548 = arith.constant 4 : i32
      %dma_wait3A_1549 = arith.constant 4 : i32
      %dma_wait3A_1550 = arith.constant 0 : i32
      %dma_wait3A_1551 = tpu.memref_slice %arg9[%dma_wait3A_1548, %dma_wait3A_1550] : memref<5x512xf32, #tpu.memory_space<vmem>> -> memref<1x512xf32, #tpu.memory_space<vmem>>
      %dma_wait3A_1552 = tpu.memref_squeeze %dma_wait3A_1551 : memref<1x512xf32, #tpu.memory_space<vmem>> -> memref<512xf32, #tpu.memory_space<vmem>>
      %dma_wait3A_1553 = arith.constant 0 : i32
      %dma_wait3A_1554 = tpu.memref_slice %arg8[%dma_wait3A_1549, %dma_wait3A_1553] : memref<5x512xi32, #tpu.memory_space<vmem>> -> memref<1x512xi32, #tpu.memory_space<vmem>>
      %dma_wait3A_1555 = tpu.memref_squeeze %dma_wait3A_1554 : memref<1x512xi32, #tpu.memory_space<vmem>> -> memref<512xi32, #tpu.memory_space<vmem>>
      %dma_wait3A_1556 = arith.constant 0 : i32
      %dma_wait3A_1557 = tpu.memref_slice %arg11[%dma_wait3A_1556] : memref<50176xf32, #tpu.memory_space<vmem_shared>> -> memref<50176xf32, #tpu.memory_space<vmem_shared>>
      tpu.wait_indirect_dma semaphore(%arg12 : memref<!tpu.dma_semaphore, #tpu.memory_space<semaphore_mem>>) src(%dma_wait3A_1552 : memref<512xf32, #tpu.memory_space<vmem>>) dst(%dma_wait3A_1557 : memref<50176xf32, #tpu.memory_space<vmem_shared>>)
    }
    %scan3A_9 = arith.constant 10 : i32
    %barrier3A_10 = arith.constant 0 : index
    tpu.barrier barrier_id(%barrier3A_10)
    %mul3A_11 = arith.constant 50176 : i32
    %mul3A_12 = arith.muli %arg0, %mul3A_11 : i32
    %mul3A_13 = arith.constant 3136 : i32
    %mul3A_14 = arith.muli %arg1, %mul3A_13 : i32
    %add3A_15 = arith.addi %mul3A_12, %mul3A_14 : i32
    %multiple_of3A_16 = tpu.assume_multiple %add3A_15, 8 : i32
    "tpu.region"() ({
      %run_scoped3A = tpu.sem_alloc : memref<!tpu.dma_semaphore, #tpu.memory_space<semaphore_mem>>
      %dma_start3A = tpu.memref_slice %arg11[%multiple_of3A] : memref<50176xf32, #tpu.memory_space<vmem_shared>> -> memref<3136xf32, #tpu.memory_space<vmem_shared>>
      %dma_start3A_17 = tpu.memref_slice %arg11[%multiple_of3A] : memref<50176xf32, #tpu.memory_space<vmem_shared>> -> memref<3136xf32, #tpu.memory_space<vmem_shared>>
      tpu.enqueue_dma source(%dma_start3A_17 : memref<3136xf32, #tpu.memory_space<vmem_shared>>) target(%arg10 : memref<3136xf32, #tpu.memory_space<vmem>>) target_semaphore(%run_scoped3A : memref<!tpu.dma_semaphore, #tpu.memory_space<semaphore_mem>>)
      %dma_wait3A = tpu.memref_slice %arg11[%multiple_of3A] : memref<50176xf32, #tpu.memory_space<vmem_shared>> -> memref<3136xf32, #tpu.memory_space<vmem_shared>>
      %dma_wait3A_18 = tpu.memref_slice %arg11[%multiple_of3A] : memref<50176xf32, #tpu.memory_space<vmem_shared>> -> memref<3136xf32, #tpu.memory_space<vmem_shared>>
      tpu.wait_dma2 semaphore(%run_scoped3A : memref<!tpu.dma_semaphore, #tpu.memory_space<semaphore_mem>>) src(%dma_wait3A_18 : memref<3136xf32, #tpu.memory_space<vmem_shared>>) dst(%arg10 : memref<3136xf32, #tpu.memory_space<vmem>>)
      tpu.yield
    }) : () -> ()
    "tpu.region"() ({
      %run_scoped3A = tpu.sem_alloc : memref<!tpu.dma_semaphore, #tpu.memory_space<semaphore_mem>>
      %dma_start3A = tpu.memref_slice %arg5[%multiple_of3A_16] : memref<100352xf32, #tpu.memory_space<hbm>> -> memref<3136xf32, #tpu.memory_space<hbm>>
      %dma_start3A_17 = tpu.memref_slice %arg5[%multiple_of3A_16] : memref<100352xf32, #tpu.memory_space<hbm>> -> memref<3136xf32, #tpu.memory_space<hbm>>
      tpu.enqueue_dma source(%arg10 : memref<3136xf32, #tpu.memory_space<vmem>>) target(%dma_start3A_17 : memref<3136xf32, #tpu.memory_space<hbm>>) target_semaphore(%run_scoped3A : memref<!tpu.dma_semaphore, #tpu.memory_space<semaphore_mem>>)
      %dma_wait3A = tpu.memref_slice %arg5[%multiple_of3A_16] : memref<100352xf32, #tpu.memory_space<hbm>> -> memref<3136xf32, #tpu.memory_space<hbm>>
      %dma_wait3A_18 = tpu.memref_slice %arg5[%multiple_of3A_16] : memref<100352xf32, #tpu.memory_space<hbm>> -> memref<3136xf32, #tpu.memory_space<hbm>>
      tpu.wait_dma2 semaphore(%run_scoped3A : memref<!tpu.dma_semaphore, #tpu.memory_space<semaphore_mem>>) src(%arg10 : memref<3136xf32, #tpu.memory_space<vmem>>) dst(%dma_wait3A_18 : memref<3136xf32, #tpu.memory_space<hbm>>)
      tpu.yield
    }) : () -> ()
    return
  }
}

module attributes {stable_mosaic.version = 14 : i64} {
  func.func @body(%arg0: i32, %arg1: memref<1x12544xf32, #tpu.memory_space<vmem>>, %arg2: memref<1x12544xf32, #tpu.memory_space<vmem>>, %arg3: memref<1x12544xf32, #tpu.memory_space<vmem>>, %arg4: memref<32x1xf32, #tpu.memory_space<vmem>>, %arg5: memref<32x1xf32, #tpu.memory_space<vmem>>, %arg6: memref<32x1xf32, #tpu.memory_space<vmem>>, %arg7: memref<32x12544xf32, #tpu.memory_space<vmem>>, %arg8: memref<12544x16xf32, #tpu.memory_space<vmem>>, %arg9: memref<12544x16xf32, #tpu.memory_space<vmem>>) attributes {dimension_semantics = [#tpu.dimension_semantics<arbitrary>], iteration_bounds = array<i64: 4>, scalar_prefetch = 0 : i64, scratch_operands = 0 : i64, tpu.core_type = #tpu.core_type<tc>, window_params = [{transform_indices = @transform_0, window_bounds = array<i64: 1, 12544>}, {transform_indices = @transform_1, window_bounds = array<i64: 1, 12544>}, {transform_indices = @transform_2, window_bounds = array<i64: 1, 12544>}, {pipeline_mode = #tpu.pipeline_mode<synchronous>, transform_indices = @transform_3, window_bounds = array<i64: 32, 1>}, {pipeline_mode = #tpu.pipeline_mode<synchronous>, transform_indices = @transform_4, window_bounds = array<i64: 32, 1>}, {pipeline_mode = #tpu.pipeline_mode<synchronous>, transform_indices = @transform_5, window_bounds = array<i64: 32, 1>}, {transform_indices = @transform_6, window_bounds = array<i64: 32, 12544>}, {transform_indices = @transform_7, window_bounds = array<i64: 12544, 16>}, {transform_indices = @transform_8, window_bounds = array<i64: 12544, 16>}]} {
    %get3A = arith.constant 0 : index
    %get3A_0 = arith.constant 0 : index
    %get3A_1 = vector.load %arg4[%get3A, %get3A_0] : memref<32x1xf32, #tpu.memory_space<vmem>>, vector<32x1xf32>
    %get3A_2 = arith.constant 0 : index
    %get3A_3 = arith.constant 0 : index
    %get3A_4 = vector.load %arg1[%get3A_2, %get3A_3] : memref<1x12544xf32, #tpu.memory_space<vmem>>, vector<1x12544xf32>
    %mul3A = vector.broadcast %get3A_1 : vector<32x1xf32> to vector<32x12544xf32>
    %mul3A_5 = vector.broadcast %get3A_4 : vector<1x12544xf32> to vector<32x12544xf32>
    %mul3A_6 = arith.mulf %mul3A, %mul3A_5 : vector<32x12544xf32>
    %get3A_7 = arith.constant 0 : index
    %get3A_8 = arith.constant 0 : index
    %get3A_9 = vector.load %arg5[%get3A_7, %get3A_8] : memref<32x1xf32, #tpu.memory_space<vmem>>, vector<32x1xf32>
    %get3A_10 = arith.constant 0 : index
    %get3A_11 = arith.constant 0 : index
    %get3A_12 = vector.load %arg2[%get3A_10, %get3A_11] : memref<1x12544xf32, #tpu.memory_space<vmem>>, vector<1x12544xf32>
    %mul3A_13 = vector.broadcast %get3A_9 : vector<32x1xf32> to vector<32x12544xf32>
    %mul3A_14 = vector.broadcast %get3A_12 : vector<1x12544xf32> to vector<32x12544xf32>
    %mul3A_15 = arith.mulf %mul3A_13, %mul3A_14 : vector<32x12544xf32>
    %add3A = arith.addf %mul3A_6, %mul3A_15 : vector<32x12544xf32>
    %get3A_16 = arith.constant 0 : index
    %get3A_17 = arith.constant 0 : index
    %get3A_18 = vector.load %arg6[%get3A_16, %get3A_17] : memref<32x1xf32, #tpu.memory_space<vmem>>, vector<32x1xf32>
    %add3A_19 = vector.broadcast %get3A_18 : vector<32x1xf32> to vector<32x12544xf32>
    %add3A_20 = arith.addf %add3A, %add3A_19 : vector<32x12544xf32>
    %max3A = arith.constant 0.000000e+00 : f32
    %max3A_21 = vector.broadcast %max3A : f32 to vector<32x12544xf32>
    %max3A_22 = arith.maximumf %add3A_20, %max3A_21 : vector<32x12544xf32>
    %swap3A = arith.constant 0 : index
    %swap3A_23 = arith.constant 0 : index
    %swap3A_24 = vector.load %arg7[%swap3A, %swap3A_23] : memref<32x12544xf32, #tpu.memory_space<vmem>>, vector<32x12544xf32>
    tpu.vector_store %arg7[%swap3A, %swap3A_23], %max3A_22 {strides = array<i32>} : memref<32x12544xf32, #tpu.memory_space<vmem>>, vector<32x12544xf32>,
    %get3A_25 = arith.constant 0 : index
    %get3A_26 = arith.constant 0 : index
    %get3A_27 = vector.load %arg3[%get3A_25, %get3A_26] : memref<1x12544xf32, #tpu.memory_space<vmem>>, vector<1x12544xf32>
    %mul3A_28 = vector.broadcast %get3A_27 : vector<1x12544xf32> to vector<32x12544xf32>
    %mul3A_29 = arith.mulf %max3A_22, %mul3A_28 : vector<32x12544xf32>
    %slice3A = vector.extract_strided_slice %mul3A_29 {offsets = [0, 0], sizes = [16, 12544], strides = [1, 1]} : vector<32x12544xf32> to vector<16x12544xf32>
    %transpose3A = tpu.transpose %slice3A, [1, 0] : vector<16x12544xf32> -> vector<12544x16xf32>
    %swap3A_30 = arith.constant 0 : index
    %swap3A_31 = arith.constant 0 : index
    %swap3A_32 = vector.load %arg8[%swap3A_30, %swap3A_31] : memref<12544x16xf32, #tpu.memory_space<vmem>>, vector<12544x16xf32>
    tpu.vector_store %arg8[%swap3A_30, %swap3A_31], %transpose3A {strides = array<i32>} : memref<12544x16xf32, #tpu.memory_space<vmem>>, vector<12544x16xf32>,
    %slice3A_33 = vector.extract_strided_slice %mul3A_29 {offsets = [16, 0], sizes = [16, 12544], strides = [1, 1]} : vector<32x12544xf32> to vector<16x12544xf32>
    %transpose3A_34 = tpu.transpose %slice3A_33, [1, 0] : vector<16x12544xf32> -> vector<12544x16xf32>
    %swap3A_35 = arith.constant 0 : index
    %swap3A_36 = arith.constant 0 : index
    %swap3A_37 = vector.load %arg9[%swap3A_35, %swap3A_36] : memref<12544x16xf32, #tpu.memory_space<vmem>>, vector<12544x16xf32>
    tpu.vector_store %arg9[%swap3A_35, %swap3A_36], %transpose3A_34 {strides = array<i32>} : memref<12544x16xf32, #tpu.memory_space<vmem>>, vector<12544x16xf32>,
    return
  }
  func.func @transform_0(%arg0: i32) -> (i32, i32) {
    %c0_i32 = arith.constant 0 : i32
    %c0_i32_0 = arith.constant 0 : i32
    return %c0_i32, %arg0 : i32, i32
  }
  func.func @transform_1(%arg0: i32) -> (i32, i32) {
    %c0_i32 = arith.constant 0 : i32
    %c0_i32_0 = arith.constant 0 : i32
    return %c0_i32, %arg0 : i32, i32
  }
  func.func @transform_2(%arg0: i32) -> (i32, i32) {
    %c0_i32 = arith.constant 0 : i32
    %c0_i32_0 = arith.constant 0 : i32
    return %c0_i32, %arg0 : i32, i32
  }
  func.func @transform_3(%arg0: i32) -> (i32, i32) {
    %c0_i32 = arith.constant 0 : i32
    %c0_i32_0 = arith.constant 0 : i32
    %c0_i32_1 = arith.constant 0 : i32
    return %c0_i32, %c0_i32_0 : i32, i32
  }
  func.func @transform_4(%arg0: i32) -> (i32, i32) {
    %c0_i32 = arith.constant 0 : i32
    %c0_i32_0 = arith.constant 0 : i32
    %c0_i32_1 = arith.constant 0 : i32
    return %c0_i32, %c0_i32_0 : i32, i32
  }
  func.func @transform_5(%arg0: i32) -> (i32, i32) {
    %c0_i32 = arith.constant 0 : i32
    %c0_i32_0 = arith.constant 0 : i32
    %c0_i32_1 = arith.constant 0 : i32
    return %c0_i32, %c0_i32_0 : i32, i32
  }
  func.func @transform_6(%arg0: i32) -> (i32, i32) {
    %c0_i32 = arith.constant 0 : i32
    %c0_i32_0 = arith.constant 0 : i32
    return %c0_i32, %arg0 : i32, i32
  }
  func.func @transform_7(%arg0: i32) -> (i32, i32) {
    %c0_i32 = arith.constant 0 : i32
    %c0_i32_0 = arith.constant 0 : i32
    return %arg0, %c0_i32 : i32, i32
  }
  func.func @transform_8(%arg0: i32) -> (i32, i32) {
    %c0_i32 = arith.constant 0 : i32
    %c0_i32_0 = arith.constant 0 : i32
    return %arg0, %c0_i32 : i32, i32
  }
}

module attributes {stable_mosaic.version = 14 : i64} {
  func.func @body(%arg0: i32, %arg1: memref<12544x16xf32, #tpu.memory_space<vmem>>, %arg2: memref<12544x16xf32, #tpu.memory_space<vmem>>, %arg3: memref<1x12544xf32, #tpu.memory_space<vmem>>, %arg4: memref<32x12544xf32, #tpu.memory_space<vmem>>, %arg5: memref<64x32xf32, #tpu.memory_space<vmem>>, %arg6: memref<64x32xf32, #tpu.memory_space<vmem>>, %arg7: memref<64x1xf32, #tpu.memory_space<vmem>>, %arg8: memref<1x64xf32, #tpu.memory_space<vmem>>, %arg9: memref<1x1xf32, #tpu.memory_space<vmem>>, %arg10: memref<1x12544xf32, #tpu.memory_space<vmem>>) attributes {dimension_semantics = [#tpu.dimension_semantics<arbitrary>], iteration_bounds = array<i64: 4>, scalar_prefetch = 0 : i64, scratch_operands = 0 : i64, tpu.core_type = #tpu.core_type<tc>, window_params = [{transform_indices = @transform_0, window_bounds = array<i64: 12544, 16>}, {transform_indices = @transform_1, window_bounds = array<i64: 12544, 16>}, {transform_indices = @transform_2, window_bounds = array<i64: 1, 12544>}, {transform_indices = @transform_3, window_bounds = array<i64: 32, 12544>}, {pipeline_mode = #tpu.pipeline_mode<synchronous>, transform_indices = @transform_4, window_bounds = array<i64: 64, 32>}, {pipeline_mode = #tpu.pipeline_mode<synchronous>, transform_indices = @transform_5, window_bounds = array<i64: 64, 32>}, {pipeline_mode = #tpu.pipeline_mode<synchronous>, transform_indices = @transform_6, window_bounds = array<i64: 64, 1>}, {pipeline_mode = #tpu.pipeline_mode<synchronous>, transform_indices = @transform_7, window_bounds = array<i64: 1, 64>}, {pipeline_mode = #tpu.pipeline_mode<synchronous>, transform_indices = @transform_8, window_bounds = array<i64: 1, 1>}, {transform_indices = @transform_9, window_bounds = array<i64: 1, 12544>}]} {
    %get3A = arith.constant 0 : index
    %get3A_0 = arith.constant 0 : index
    %get3A_1 = vector.load %arg1[%get3A, %get3A_0] : memref<12544x16xf32, #tpu.memory_space<vmem>>, vector<12544x16xf32>
    %transpose3A = tpu.transpose %get3A_1, [1, 0] : vector<12544x16xf32> -> vector<16x12544xf32>
    %get3A_2 = arith.constant 0 : index
    %get3A_3 = arith.constant 0 : index
    %get3A_4 = vector.load %arg2[%get3A_2, %get3A_3] : memref<12544x16xf32, #tpu.memory_space<vmem>>, vector<12544x16xf32>
    %transpose3A_5 = tpu.transpose %get3A_4, [1, 0] : vector<12544x16xf32> -> vector<16x12544xf32>
    %concatenate3A = tpu.concatenate %transpose3A, %transpose3A_5 in 0 : vector<16x12544xf32>, vector<16x12544xf32> -> vector<32x12544xf32>
    %get3A_6 = arith.constant 0 : index
    %get3A_7 = arith.constant 0 : index
    %get3A_8 = vector.load %arg3[%get3A_6, %get3A_7] : memref<1x12544xf32, #tpu.memory_space<vmem>>, vector<1x12544xf32>
    %mul3A = vector.broadcast %get3A_8 : vector<1x12544xf32> to vector<32x12544xf32>
    %mul3A_9 = arith.mulf %concatenate3A, %mul3A : vector<32x12544xf32>
    %get3A_10 = arith.constant 0 : index
    %get3A_11 = arith.constant 0 : index
    %get3A_12 = vector.load %arg5[%get3A_10, %get3A_11] : memref<64x32xf32, #tpu.memory_space<vmem>>, vector<64x32xf32>
    %dot_general3A = arith.constant dense<0.000000e+00> : vector<64x12544xf32>
    %dot_general3A_13 = tpu.matmul %get3A_12, %mul3A_9, %dot_general3A {dimension_numbers = #tpu.dot_dimension_numbers<[1], [0], [0], [1], [0, 0, 1, 1], [], []>, transpose_lhs_hint = false} : vector<64x32xf32>, vector<32x12544xf32>, vector<64x12544xf32> -> vector<64x12544xf32>
    %get3A_14 = arith.constant 0 : index
    %get3A_15 = arith.constant 0 : index
    %get3A_16 = vector.load %arg6[%get3A_14, %get3A_15] : memref<64x32xf32, #tpu.memory_space<vmem>>, vector<64x32xf32>
    %get3A_17 = arith.constant 0 : index
    %get3A_18 = arith.constant 0 : index
    %get3A_19 = vector.load %arg4[%get3A_17, %get3A_18] : memref<32x12544xf32, #tpu.memory_space<vmem>>, vector<32x12544xf32>
    %dot_general3A_20 = arith.constant dense<0.000000e+00> : vector<64x12544xf32>
    %dot_general3A_21 = tpu.matmul %get3A_16, %get3A_19, %dot_general3A_20 {dimension_numbers = #tpu.dot_dimension_numbers<[1], [0], [0], [1], [0, 0, 1, 1], [], []>, transpose_lhs_hint = false} : vector<64x32xf32>, vector<32x12544xf32>, vector<64x12544xf32> -> vector<64x12544xf32>
    %add3A = arith.addf %dot_general3A_13, %dot_general3A_21 : vector<64x12544xf32>
    %get3A_22 = arith.constant 0 : index
    %get3A_23 = arith.constant 0 : index
    %get3A_24 = vector.load %arg7[%get3A_22, %get3A_23] : memref<64x1xf32, #tpu.memory_space<vmem>>, vector<64x1xf32>
    %add3A_25 = vector.broadcast %get3A_24 : vector<64x1xf32> to vector<64x12544xf32>
    %add3A_26 = arith.addf %add3A, %add3A_25 : vector<64x12544xf32>
    %max3A = arith.constant 0.000000e+00 : f32
    %max3A_27 = vector.broadcast %max3A : f32 to vector<64x12544xf32>
    %max3A_28 = arith.maximumf %add3A_26, %max3A_27 : vector<64x12544xf32>
    %get3A_29 = arith.constant 0 : index
    %get3A_30 = arith.constant 0 : index
    %get3A_31 = vector.load %arg8[%get3A_29, %get3A_30] : memref<1x64xf32, #tpu.memory_space<vmem>>, vector<1x64xf32>
    %dot_general3A_32 = arith.constant dense<0.000000e+00> : vector<1x12544xf32>
    %dot_general3A_33 = tpu.matmul %get3A_31, %max3A_28, %dot_general3A_32 {dimension_numbers = #tpu.dot_dimension_numbers<[1], [0], [0], [1], [0, 0, 1, 1], [], []>, transpose_lhs_hint = false} : vector<1x64xf32>, vector<64x12544xf32>, vector<1x12544xf32> -> vector<1x12544xf32>
    %get3A_34 = arith.constant 0 : index
    %get3A_35 = arith.constant 0 : index
    %get3A_36 = vector.load %arg9[%get3A_34, %get3A_35] : memref<1x1xf32, #tpu.memory_space<vmem>>, vector<1x1xf32>
    %add3A_37 = vector.broadcast %get3A_36 : vector<1x1xf32> to vector<1x12544xf32>
    %add3A_38 = arith.addf %dot_general3A_33, %add3A_37 : vector<1x12544xf32>
    %swap3A = arith.constant 0 : index
    %swap3A_39 = arith.constant 0 : index
    %swap3A_40 = vector.load %arg10[%swap3A, %swap3A_39] : memref<1x12544xf32, #tpu.memory_space<vmem>>, vector<1x12544xf32>
    tpu.vector_store %arg10[%swap3A, %swap3A_39], %add3A_38 {strides = array<i32>} : memref<1x12544xf32, #tpu.memory_space<vmem>>, vector<1x12544xf32>,
    return
  }
  func.func @transform_0(%arg0: i32) -> (i32, i32) {
    %c0_i32 = arith.constant 0 : i32
    %c0_i32_0 = arith.constant 0 : i32
    return %arg0, %c0_i32 : i32, i32
  }
  func.func @transform_1(%arg0: i32) -> (i32, i32) {
    %c0_i32 = arith.constant 0 : i32
    %c0_i32_0 = arith.constant 0 : i32
    return %arg0, %c0_i32 : i32, i32
  }
  func.func @transform_2(%arg0: i32) -> (i32, i32) {
    %c0_i32 = arith.constant 0 : i32
    %c0_i32_0 = arith.constant 0 : i32
    return %c0_i32, %arg0 : i32, i32
  }
  func.func @transform_3(%arg0: i32) -> (i32, i32) {
    %c0_i32 = arith.constant 0 : i32
    %c0_i32_0 = arith.constant 0 : i32
    return %c0_i32, %arg0 : i32, i32
  }
  func.func @transform_4(%arg0: i32) -> (i32, i32) {
    %c0_i32 = arith.constant 0 : i32
    %c0_i32_0 = arith.constant 0 : i32
    %c0_i32_1 = arith.constant 0 : i32
    return %c0_i32, %c0_i32_0 : i32, i32
  }
  func.func @transform_5(%arg0: i32) -> (i32, i32) {
    %c0_i32 = arith.constant 0 : i32
    %c0_i32_0 = arith.constant 0 : i32
    %c0_i32_1 = arith.constant 0 : i32
    return %c0_i32, %c0_i32_0 : i32, i32
  }
  func.func @transform_6(%arg0: i32) -> (i32, i32) {
    %c0_i32 = arith.constant 0 : i32
    %c0_i32_0 = arith.constant 0 : i32
    %c0_i32_1 = arith.constant 0 : i32
    return %c0_i32, %c0_i32_0 : i32, i32
  }
  func.func @transform_7(%arg0: i32) -> (i32, i32) {
    %c0_i32 = arith.constant 0 : i32
    %c0_i32_0 = arith.constant 0 : i32
    %c0_i32_1 = arith.constant 0 : i32
    return %c0_i32, %c0_i32_0 : i32, i32
  }
  func.func @transform_8(%arg0: i32) -> (i32, i32) {
    %c0_i32 = arith.constant 0 : i32
    %c0_i32_0 = arith.constant 0 : i32
    %c0_i32_1 = arith.constant 0 : i32
    return %c0_i32, %c0_i32_0 : i32, i32
  }
  func.func @transform_9(%arg0: i32) -> (i32, i32) {
    %c0_i32 = arith.constant 0 : i32
    %c0_i32_0 = arith.constant 0 : i32
    return %c0_i32, %arg0 : i32, i32
  }
}

</mosaic_0001>

<sc_bundles>
// kernel: kernel.10.cloned.1.call-start
scs
__scs_entry_jumppad:
0x0: {  	(pc) =	sbr.rel $0x88, $3  }
0x1: {  	(tag) =	ssettag $0x0;
	lr =	simm.s32 $0x1  }
0x2: {  	[smem:$0x3F97] =	sst lr;
	_ =	strace $0xD0000000  }
0x3: {  	_ = 	snop  }
0x4: {  	_ = 	snop  }
0x5: {  	_ = 	snop  }
0x6: {  	_ = 	snop  }
0x7: {  	_ = 	snop  }
__scs_overlays_trampoline_lowered:
0x8: {  	[smem:$0x3FA6] =	sst s0  }
0x9: {  	[smem:$0x3FA7] =	sst s1  }
0xa: {  	[smem:$0x3FA8] =	sst s2  }
0xb: {  	[smem:$0x3FA9] =	sst s3  }
0xc: {  	[smem:$0x3FAA] =	sst s4  }
0xd: {  	[smem:$0x3FAB] =	sst s5  }
0xe: {  	[smem:$0x3FAC] =	sst s6  }
0xf: {  	[smem:$0x3FAD] =	sst s7  }
0x10: {  	[smem:$0x3FAE] =	sst s8  }
0x11: {  	[smem:$0x3FAF] =	sst s9;
	s0 =	simm.s32 @!p0 $0x0  }
0x12: {  	s1 =	sld [smem:$0x3F95];
	s0 =	simm.s32 @p0 $0x1  }
0x13: {  	[smem:$0x3FB0] =	sst s0;
	s0 =	simm.s32 @!p1 $0x0  }
0x14: {  	s2 =	sld [smem:$0x3F94];
	s0 =	simm.s32 @p1 $0x1  }
0x15: {  	[smem:$0x3FB1] =	sst s0;
	s0 =	simm.s32 @!p2 $0x0  }
0x16: {  	s3 =	sld [smem:$0x3FDB];
	s0 =	simm.s32 @p2 $0x1  }
0x17: {  	s4 =	simm.s32 $0x1BF5;
	[smem:$0x3FB3] =	sst s0  }
0x18: {  	s0 =	sld [smem:$0x3F96];
	_ =	swait.ge [sflag:s4], $0x0  }
0x19: {  	s7 =	sld [smem:$0x3F97]  }
0x1a: {  	s8 =	sadd.s32 $0xFFFFE003, lr  }
0x1b: {  	s9 =	sadd.s32 $0xFFFFFEF7, lr;
	s5 =	simm.s32 $0xFFFFFFFF;
	p2 =	slt.u32 s8, $0xFFFFF086  }
0x1c: {  	p1 =	slt.u32 s9, $0xF7A;
	s5 =	simm.s32 @!p2 $0x0  }
0x1d: {  	s5 =	simm.s32 @p1 $0x1;
	p0 =	seq.s32 s7, s2  }
0x1e: {  	s7 =	smul.u32 @!p0 $0xF7A, s2;
	p2 =	seq.s32 @!p0 s5, $0x0  }
0x1f: {  	s9 =	smul.u32 $0xF7A, s1;
	s8 =	simm.s32 @!p0 $0x1BF5;
	p2 =	por !p2, p0  }
0x20: {  	[sflag:s8] =	ssyncset.s32 @!p0 $0xFFFFF086;
	s6 =	sadd.s32 @!p0 s3, s7;
	s7 =	simm.s32 @!p0 $0x108  }
0x21: {  	s3 =	sadd.s32 s3, s9;
	s6 =	sadd.s32 @!p0 $0x88, s6;
	s7 =	simm.s32 @p2 $0x1082  }
0x22: {  	[simem:s7], [sflag:s8] =	dma.local @!p0 [hbm:s6], $0xF7A  }
0x23: {  	s9 =	sor.u32 $0xD0000000, s2;
	s6 =	simm.s32 $0x108;
	_ =	swait.ge @!p0 [sflag:s8], $0x0  }
0x24: {  	s3 =	sadd.s32 $0x88, s3;
	s6 =	simm.s32 @!p1 $0x1082;
	[sflag:s4] =	ssyncset.s32 $0xFFFFF086  }
0x25: {  	[simem:s6], [sflag:s4] =	dma.local [hbm:s3], $0xF7A  }
0x26: {  	[smem:$0x3F97] =	sst s1;
	(tag) =	ssettag s2;
	_ =	strace s9  }
0x27: {  	s1 =	sld [smem:$0x3FA7]  }
0x28: {  	s2 =	sld [smem:$0x3FA8]  }
0x29: {  	s4 =	sld [smem:$0x3FAA]  }
0x2a: {  	p0 =	seq.s32 s5, $0x0;
	s5 =	sld [smem:$0x3FAB]  }
0x2b: {  	s6 =	sld [smem:$0x3FAC]  }
0x2c: {  	s7 =	sld [smem:$0x3FAD]  }
0x2d: {  	s3 =	simm.s32 $0x108;
	s8 =	sld [smem:$0x3FAE]  }
0x2e: {  	s3 =	simm.s32 @!p0 $0x1082;
	s9 =	sld [smem:$0x3FAF]  }
0x2f: {  	lr =	sadd.s32 s0, s3;
	s0 =	sld [smem:$0x3FA6]  }
0x30: {  	s3 =	sld [smem:$0x3FA9]  }
0x31: {  	[smem:$0x3FB2] =	sst s10  }
0x32: {  	s10 =	sld [smem:$0x3FB0];
	_ =	sdelay $0x3  }
0x33: {  	p0 =	seq.s32 s10, $0x1;
	s10 =	sld [smem:$0x3FB2];
	_ =	sdelay $0x3  }
0x34: {  	[smem:$0x3FB2] =	sst s10  }
0x35: {  	s10 =	sld [smem:$0x3FB1];
	_ =	sdelay $0x3  }
0x36: {  	p1 =	seq.s32 s10, $0x1;
	s10 =	sld [smem:$0x3FB2];
	_ =	sdelay $0x3  }
0x37: {  	[smem:$0x3FB2] =	sst s10  }
0x38: {  	s10 =	sld [smem:$0x3FB3]  }
0x39: {  	_ = 	snop;
	(pc) =	sbr.ind lr, $3  }
0x3a: {  	_ = 	snop  }
0x3b: {  	_ = 	snop  }
0x3c: {  	p2 =	seq.s32 s10, $0x1;
	s10 =	sld [smem:$0x3FB2]  }
0x3d: {  	_ =	shalt  }
0x3e: {  	_ =	shalt  }
0x3f: {  	_ =	shalt  }
0x40: {  	_ =	shalt  }
0x41: {  	_ =	shalt  }
0x42: {  	_ =	shalt  }
0x43: {  	_ =	shalt  }
0x44: {  	_ =	shalt  }
0x45: {  	_ =	shalt  }
0x46: {  	_ =	shalt  }
0x47: {  	_ =	shalt  }
0x48: {  	_ =	shalt  }
0x49: {  	_ =	shalt  }
0x4a: {  	_ =	shalt  }
0x4b: {  	_ =	shalt  }
0x4c: {  	_ =	shalt  }
0x4d: {  	_ =	shalt  }
0x4e: {  	_ =	shalt  }
0x4f: {  	_ =	shalt  }
0x50: {  	_ =	shalt  }
0x51: {  	_ =	shalt  }
0x52: {  	_ =	shalt  }
0x53: {  	_ =	shalt  }
0x54: {  	_ =	shalt  }
0x55: {  	_ =	shalt  }
0x56: {  	_ =	shalt  }
0x57: {  	_ =	shalt  }
0x58: {  	_ =	shalt  }
0x59: {  	_ =	shalt  }
0x5a: {  	_ =	shalt  }
0x5b: {  	_ =	shalt  }
0x5c: {  	_ =	shalt  }
0x5d: {  	_ =	shalt  }
0x5e: {  	_ =	shalt  }
0x5f: {  	_ =	shalt  }
0x60: {  	_ =	shalt  }
0x61: {  	_ =	shalt  }
0x62: {  	_ =	shalt  }
0x63: {  	_ =	shalt  }
0x64: {  	_ =	shalt  }
0x65: {  	_ =	shalt  }
0x66: {  	_ =	shalt  }
0x67: {  	_ =	shalt  }
0x68: {  	_ =	shalt  }
0x69: {  	_ =	shalt  }
0x6a: {  	_ =	shalt  }
0x6b: {  	_ =	shalt  }
0x6c: {  	_ =	shalt  }
0x6d: {  	_ =	shalt  }
0x6e: {  	_ =	shalt  }
0x6f: {  	_ =	shalt  }
0x70: {  	_ =	shalt  }
0x71: {  	_ =	shalt  }
0x72: {  	_ =	shalt  }
0x73: {  	_ =	shalt  }
0x74: {  	_ =	shalt  }
0x75: {  	_ =	shalt  }
0x76: {  	_ =	shalt  }
0x77: {  	_ =	shalt  }
0x78: {  	_ =	shalt  }
0x79: {  	_ =	shalt  }
0x7a: {  	_ =	shalt  }
0x7b: {  	_ =	shalt  }
0x7c: {  	_ =	shalt  }
0x7d: {  	_ =	shalt  }
0x7e: {  	_ =	shalt  }
0x7f: {  	_ =	shalt  }
0x80: {  	_ =	shalt  }
0x81: {  	_ =	shalt  }
0x82: {  	_ =	shalt  }
0x83: {  	_ =	shalt  }
0x84: {  	_ =	shalt  }
0x85: {  	_ =	shalt  }
0x86: {  	_ =	shalt  }
0x87: {  	_ =	shalt  }
.Lfunc_end0:
.L_simem_size_0:
called_computation.1_lowered:
.L_overlay_start_0:
0x88: {  	s2 =	sld [smem:$0x3FD9]  }
0x89: {  	s3 =	sld [smem:$0x3FFE];
	_ =	sdelay $0x1  }
0x8a: {  	s1 =	srdreg.scid  }
0x8b: {  	s0 =	sand.u32 $0x1, s1  }
0x8c: {  	s16 =	sshll.u32 s0, $0xA;
	s2 =	sadd.s32 s3, s2  }
0x8d: {  	s2 =	sadd.s32 s2, s16  }
0x8e: {  	[smem:$0x3FBE] =	sst s2  }
0x8f: {  	_ = 	snop  }
0x90: {  	(tm) =	ssettm $0x1  }
0x91: {  	s17 =	sld [smem:$0x3FFB];
	_ =	sdelay $0x3  }
0x92: {  	_ =	strace s17  }
0x93: {  	s2 =	sld [smem:$0x3FFC];
	_ =	sdelay $0x3  }
0x94: {  	_ =	strace s2  }
0x95: {  	s2 =	sld [smem:$0x3FFD];
	_ =	sdelay $0x3  }
0x96: {  	_ =	strace s2  }
0x97: {  	_ =	strace $0x8FFFFFFF  }
0x98: {  	s18 =	sld [smem:$0x3FDB];
	_ =	sdelay $0x1  }
0x99: {  	s19 =	simm.s32 $_scs_section_size  }
0x9a: {  	s4 =	simm.s32 $_size__tile_overlayer_lowered;
	s5 =	simm.s32 $_tile_overlayer_lowered  }
0x9b: {  	s22 =	simm.s32 $0x1BFF;
	s21 =	sshll.u32 s5, $0x1;
	s2 =	sadd.s32 s19, s18  }
0x9c: {  	s6 =	simm.s32 $0x0;
	s20 =	sshll.u32 s4, $0x1;
	s4 =	sadd.s32 s21, s2  }
0x9d: {  	[timem:s6], [sflag:s22] =	dma.local [hbm:s4], s20  }
0x9e: {  	_ =	swait.ge [sflag:s22], s20  }
0x9f: {  	s3 =	ssub.s32 $0x0, s20;
	[sflag:s22] =	ssyncset.done $0x0  }
0xa0: {  	[sflag:s22] =	ssyncadd.s32 s3;
	_ =	sdelay $0x1  }
0xa1: {  	s23 =	simm.s32 $0x1B8B  }
0xa2: {  	_ =	swait.ge [sflag:s23], $0x1  }
0xa3: {  	[sflag:s23] =	ssyncset.done $0x0  }
0xa4: {  	s25 =	simm.s32 $0x1B8E;
	s24 =	sld [smem:$0x3FFE];
	[sflag:s23] =	ssyncadd.s32 $0xFFFFFFFF  }
0xa5: {  	s26 =	simm.s32 $execute0_lowered;
	[smem:$0x3FD2] =	sst s25  }
0xa6: {  	s4 =	sshll.u32 s26, $0x1;
	_ =	strace $0x80000049;
	[dreg:$0x1] =	wrdreg $0xFFFFFFFF  }
0xa7: {  	s28 =	simm.s32 $_size_execute0_lowered;
	s2 =	sadd.s32 s2, s4;
	[dreg:$0x0] =	wrdreg $0x0  }
0xa8: {  	s4 =	sshll.u32 s28, $0x1;
	[dreg:$0x2] =	wrdreg s2  }
0xa9: {  	[dreg:$0x3] =	wrdreg s4  }
0xaa: {  	[dreg:$0x4] =	wrdreg $0xC0  }
0xab: {  	_ =	task [dreg:s6], $0x5FFFF  }
0xac: {  	[dreg:$0x1] =	wrdreg $0xFFFFFFFF  }
0xad: {  	[dreg:$0x0] =	wrdreg $0x60  }
0xae: {  	[dreg:$0x2] =	wrdreg s24  }
0xaf: {  	[dreg:$0x3] =	wrdreg $0xEE400  }
0xb0: {  	[dreg:$0x4] =	wrdreg $0x9  }
0xb1: {  	_ =	task.clear_ibuf [dreg:s6], $0x5FFFF;
	_ =	strace $0x90000049  }
0xb2: {  	s29 =	simm.s32 $0x9;
	_ =	strace $0x8000004B  }
0xb3: {  	_ =	swait.ge [sflag:s29], $0x1  }
0xb4: {  	[sflag:s29] =	ssyncadd.s32 $0xFFFFFFFF  }
0xb5: {  	_ =	strace $0x9000004B  }
0xb6: {  	_ =	sfence  }
0xb7: {  	s30 =	sld [smem:$0x0];
	_ =	sdelay $0x2  }
0xb8: {  	s31 =	sshll.u32 s1, $0xD;
	s1 =	sshrl.u32 s1, $0x2  }
0xb9: {  	s3 =	sand.u32 $0x4000, s31;
	s1 =	sadd.s32 s1, s30  }
0xba: {  	s0 =	sor.u32 s3, s0;
	s1 =	sshll.u32 s1, $0x11  }
0xbb: {  	s0 =	sor.u32 s1, s0  }
0xbc: {  	s0 =	sadd.s32 $0x8F2B, s0  }
0xbd: {  	[sflag:s0] =	ssyncadd.remote.s32 $0x1  }
0xbe: {  	_ =	sfence.sel $0xFFFF  }
0xbf: {  	[dreg:$0x0] =	wrdreg $0xFFFFFFFF;
	(pc) =	sbr.abs _section_cstart, $3  }
0xc0: {  	[dreg:$0x1] =	wrdreg $0xFFFFFFFF  }
0xc1: {  	_ =	task.clear_ibuf [dreg:s6], $0x2FFFF;
	_ =	strace $0x9FFFFFFF  }
0xc2: {  	(tm) =	ssettm $0x7FFFFFFF  }
0xc3: {  	_ =	shalt  }
tec
execute0_lowered:
.L_overlay_start_1:
0x0: {  	(tag) =	ssettag $0x1  }
0x1: {  	s5 =	rddreg [dreg:$0x0]  }
0x2: {  	s1 =	rddreg [dreg:$0x1];
	s2 =	srdreg.scid  }
0x3: {  	s0 =	rddreg [dreg:$0x2];
	s3 =	simm.s32 $0x0;
	s13 =	simm.s32 $0xCE00  }
0x4: {  	s14 =	simm.s32 $0x200;
	s15 =	simm.s32 $0xD800;
	s16 =	simm.s32 $0xD000  }
0x5: {  	s17 =	simm.s32 $0xDA00;
	s18 =	simm.s32 $0xD200;
	s19 =	simm.s32 $0xDC00  }
0x6: {  	s20 =	simm.s32 $0xD400;
	s21 =	simm.s32 $0xDE00;
	s6 =	sand.u32 $0x1, s2  }
0x7: {  	s22 =	simm.s32 $0xD600;
	s2 =	stileid.u32;
	s4 =	smul.u32 $0xC800, s6  }
0x8: {  	s23 =	simm.s32 $0xE000;
	s24 =	simm.s32 $0x1;
	s7 =	smul.u32 $0xC40, s2  }
0x9: {  	s25 =	simm.s32 $0x0;
	[smem:$0x7FF] =	sst s3;
	s8 =	smul.u32 $0xC400, s6  }
0xa: {  	_ =	strace $0x8000004A;
	s6 =	ssub.s32 $0x2, s6;
	s12 =	smul.u32 $0xC80, s2  }
0xb: {  	s11 =	sshrl.u32 s6, $0x1;
	s9 =	sadd.s32 s4, s5;
	s4 =	sadd.s32 $0x39000, s5  }
0xc: {  	s10 =	sshrl.u32 s7, $0x3;
	s8 =	sadd.s32 s7, s8;
	s11 =	ssub.s32 s6, s11  }
0xd: {  	s6 =	sadd.s32 s7, s1;
	s10 =	sadd.s32 s10, s5;
	s8 =	sshrl.u32 s8, $0x3  }
0xe: {  	s9 =	sadd.s32 s12, s9;
	s12 =	simm.s32 $0xA00;
	s8 =	sadd.s32 s8, s5  }
0xf: {  	s5 =	sadd.s32 $0x34400, s10;
	s9 =	sadd.s32 $0x2400, s9;
	s10 =	simm.s32 $0xE200  }
0x10: {  	s7 =	sadd.s32 $0x35E00, s8;
	s8 =	smax.u32 s11, $0x1;
	s11 =	simm.s32 $0x2  }
.LBB2_1:
0x11: {  	[tilespmem:s10], [sflag:$0x2] =	stream.linear.gather [hbm4b:s5+s3], $0xC40, $0x38;
	[tilespmem:$0xFA80] =	vst v63  }
0x12: {  	_ =	swait.ge [sflag:s11], $0xC40  }
0x13: {  	[sflag:s11] =	ssyncset.done $0x0  }
0x14: {  	[sflag:s11] =	ssyncadd.s32 $0xFFFFF3C0  }
0x15: {  	[spmem:s6] =	stream.linear.scatter [tilespmem:s10], [sflag:$0x2], $0xC40, $0x38;
	[tilespmem:$0xFA80] =	vst v63  }
0x16: {  	_ =	swait.ge [sflag:s11], $0xC40  }
0x17: {  	[sflag:s11] =	ssyncset.done $0x0  }
0x18: {  	[sflag:s11] =	ssyncadd.s32 $0xFFFFF3C0  }
0x19: {  	[tilespmem:s12], [sflag:$0x2] =	stream.linear.gather [hbm4b:s4+s3], $0xC400, $0x38;
	[tilespmem:$0xFA80] =	vst v63  }
0x1a: {  	_ =	swait.ge [sflag:s11], $0xC400  }
0x1b: {  	[sflag:s11] =	ssyncset.done $0x0  }
0x1c: {  	[sflag:s11] =	ssyncadd.s32 $0xFFFF3C00  }
0x1d: {  	s26 =	smov.u32 s9;
	s28 =	simm.s32 $0x0;
	[bflag:$0x0] =	sbarrier.arrive $0xFFFF  }
.LBB2_2:
0x1e: {  	s29 =	sadd.s32 $0x19000, s26  }
0x1f: {  	[tilespmem:s13], [sflag:$0x2] =	stream.linear.gather [hbm4b:s29+s3], $0xA00, $0x38;
	[tilespmem:$0xFA80] =	vst v63  }
0x20: {  	_ =	swait.ge [sflag:s11], $0xA00  }
0x21: {  	[sflag:s11] =	ssyncset.done $0x0  }
0x22: {  	[sflag:s11] =	ssyncadd.s32 $0xFFFFF600  }
0x23: {  	[tilespmem:s3], [sflag:$0x2] =	stream.linear.gather [hbm4b:s26+s3], $0xA00, $0x38;
	[tilespmem:$0xFA80] =	vst v63  }
0x24: {  	_ =	swait.ge [sflag:s11], $0xA00  }
0x25: {  	[sflag:s11] =	ssyncset.done $0x0  }
0x26: {  	[sflag:s11] =	ssyncadd.s32 $0xFFFFF600  }
0x27: {  	v0 =	vld [tilespmem:$0x0];
	_ =	sdelay $0x5  }
0x28: {  	v1 =	vld [tilespmem:$0x10];
	_ =	sdelay $0x1  }
0x29: {  	v0 =	vld.idx.msk [tilespmem:v0+s12+$0x0], $0xffff;
	_ =	sdelay $0x3  }
0x2a: {  	v2 =	vld [tilespmem:$0x20]  }
0x2b: {  	[tilespmem:$0xD800] =	vst v0  }
0x2c: {  	v0 =	vld.idx.msk [tilespmem:v1+s12+$0x0], $0xffff;
	_ =	sdelay $0x3  }
0x2d: {  	v27 =	vld [tilespmem:$0x30]  }
0x2e: {  	[tilespmem:$0xD810] =	vst v0  }
0x2f: {  	v0 =	vld.idx.msk [tilespmem:v2+s12+$0x0], $0xffff;
	_ =	sdelay $0x3  }
0x30: {  	v28 =	vld [tilespmem:$0x40]  }
0x31: {  	[tilespmem:$0xD820] =	vst v0  }
0x32: {  	v0 =	vld.idx.msk [tilespmem:v27+s12+$0x0], $0xffff;
	_ =	sdelay $0x3  }
0x33: {  	v29 =	vld [tilespmem:$0x50]  }
0x34: {  	[tilespmem:$0xD830] =	vst v0  }
0x35: {  	v0 =	vld.idx.msk [tilespmem:v28+s12+$0x0], $0xffff;
	_ =	sdelay $0x3  }
0x36: {  	v30 =	vld [tilespmem:$0x60]  }
0x37: {  	[tilespmem:$0xD840] =	vst v0  }
0x38: {  	v0 =	vld.idx.msk [tilespmem:v29+s12+$0x0], $0xffff;
	_ =	sdelay $0x3  }
0x39: {  	v31 =	vld [tilespmem:$0x70]  }
0x3a: {  	[tilespmem:$0xD850] =	vst v0  }
0x3b: {  	v0 =	vld.idx.msk [tilespmem:v30+s12+$0x0], $0xffff;
	_ =	sdelay $0x3  }
0x3c: {  	v32 =	vld [tilespmem:$0x80]  }
0x3d: {  	[tilespmem:$0xD860] =	vst v0  }
0x3e: {  	v0 =	vld.idx.msk [tilespmem:v31+s12+$0x0], $0xffff;
	_ =	sdelay $0x3  }
0x3f: {  	v33 =	vld [tilespmem:$0x90]  }
0x40: {  	[tilespmem:$0xD870] =	vst v0  }
0x41: {  	v0 =	vld.idx.msk [tilespmem:v32+s12+$0x0], $0xffff;
	_ =	sdelay $0x3  }
0x42: {  	v34 =	vld [tilespmem:$0xA0]  }
0x43: {  	[tilespmem:$0xD880] =	vst v0  }
0x44: {  	v0 =	vld.idx.msk [tilespmem:v33+s12+$0x0], $0xffff;
	_ =	sdelay $0x3  }
0x45: {  	v35 =	vld [tilespmem:$0xB0]  }
0x46: {  	[tilespmem:$0xD890] =	vst v0  }
0x47: {  	v0 =	vld.idx.msk [tilespmem:v34+s12+$0x0], $0xffff;
	_ =	sdelay $0x3  }
0x48: {  	v36 =	vld [tilespmem:$0xC0]  }
0x49: {  	[tilespmem:$0xD8A0] =	vst v0  }
0x4a: {  	v0 =	vld.idx.msk [tilespmem:v35+s12+$0x0], $0xffff;
	_ =	sdelay $0x3  }
0x4b: {  	v37 =	vld [tilespmem:$0xD0]  }
0x4c: {  	[tilespmem:$0xD8B0] =	vst v0  }
0x4d: {  	v0 =	vld.idx.msk [tilespmem:v36+s12+$0x0], $0xffff;
	_ =	sdelay $0x3  }
0x4e: {  	v38 =	vld [tilespmem:$0xE0]  }
0x4f: {  	[tilespmem:$0xD8C0] =	vst v0  }
0x50: {  	v0 =	vld.idx.msk [tilespmem:v37+s12+$0x0], $0xffff;
	_ =	sdelay $0x3  }
0x51: {  	v39 =	vld [tilespmem:$0xF0]  }
0x52: {  	[tilespmem:$0xD8D0] =	vst v0  }
0x53: {  	v0 =	vld.idx.msk [tilespmem:v38+s12+$0x0], $0xffff;
	_ =	sdelay $0x3  }
0x54: {  	v40 =	vld [tilespmem:$0x100]  }
0x55: {  	[tilespmem:$0xD8E0] =	vst v0  }
0x56: {  	v0 =	vld.idx.msk [tilespmem:v39+s12+$0x0], $0xffff;
	_ =	sdelay $0x3  }
0x57: {  	v41 =	vld [tilespmem:$0x110]  }
0x58: {  	[tilespmem:$0xD8F0] =	vst v0  }
0x59: {  	v0 =	vld.idx.msk [tilespmem:v40+s12+$0x0], $0xffff;
	_ =	sdelay $0x3  }
0x5a: {  	v42 =	vld [tilespmem:$0x120]  }
0x5b: {  	[tilespmem:$0xD900] =	vst v0  }
0x5c: {  	v0 =	vld.idx.msk [tilespmem:v41+s12+$0x0], $0xffff;
	_ =	sdelay $0x3  }
0x5d: {  	v43 =	vld [tilespmem:$0x130]  }
0x5e: {  	[tilespmem:$0xD910] =	vst v0  }
0x5f: {  	v0 =	vld.idx.msk [tilespmem:v42+s12+$0x0], $0xffff;
	_ =	sdelay $0x3  }
0x60: {  	v44 =	vld [tilespmem:$0x140]  }
0x61: {  	[tilespmem:$0xD920] =	vst v0  }
0x62: {  	v0 =	vld.idx.msk [tilespmem:v43+s12+$0x0], $0xffff;
	_ =	sdelay $0x3  }
0x63: {  	v45 =	vld [tilespmem:$0x150]  }
0x64: {  	[tilespmem:$0xD930] =	vst v0  }
0x65: {  	v0 =	vld.idx.msk [tilespmem:v44+s12+$0x0], $0xffff;
	_ =	sdelay $0x3  }
0x66: {  	v46 =	vld [tilespmem:$0x160]  }
0x67: {  	[tilespmem:$0xD940] =	vst v0  }
0x68: {  	v0 =	vld.idx.msk [tilespmem:v45+s12+$0x0], $0xffff;
	_ =	sdelay $0x3  }
0x69: {  	v47 =	vld [tilespmem:$0x170]  }
0x6a: {  	[tilespmem:$0xD950] =	vst v0  }
0x6b: {  	v0 =	vld.idx.msk [tilespmem:v46+s12+$0x0], $0xffff;
	_ =	sdelay $0x3  }
0x6c: {  	v48 =	vld [tilespmem:$0x180]  }
0x6d: {  	[tilespmem:$0xD960] =	vst v0  }
0x6e: {  	v0 =	vld.idx.msk [tilespmem:v47+s12+$0x0], $0xffff;
	_ =	sdelay $0x3  }
0x6f: {  	v49 =	vld [tilespmem:$0x190]  }
0x70: {  	[tilespmem:$0xD970] =	vst v0  }
0x71: {  	v0 =	vld.idx.msk [tilespmem:v48+s12+$0x0], $0xffff;
	_ =	sdelay $0x3  }
0x72: {  	v50 =	vld [tilespmem:$0x1A0]  }
0x73: {  	[tilespmem:$0xD980] =	vst v0  }
0x74: {  	v0 =	vld.idx.msk [tilespmem:v49+s12+$0x0], $0xffff;
	_ =	sdelay $0x3  }
0x75: {  	v51 =	vld [tilespmem:$0x1B0]  }
0x76: {  	[tilespmem:$0xD990] =	vst v0  }
0x77: {  	v0 =	vld.idx.msk [tilespmem:v50+s12+$0x0], $0xffff;
	_ =	sdelay $0x3  }
0x78: {  	v52 =	vld [tilespmem:$0x1C0]  }
0x79: {  	[tilespmem:$0xD9A0] =	vst v0  }
0x7a: {  	v0 =	vld.idx.msk [tilespmem:v51+s12+$0x0], $0xffff;
	_ =	sdelay $0x3  }
0x7b: {  	v53 =	vld [tilespmem:$0x1D0]  }
0x7c: {  	[tilespmem:$0xD9B0] =	vst v0  }
0x7d: {  	v0 =	vld.idx.msk [tilespmem:v52+s12+$0x0], $0xffff;
	_ =	sdelay $0x3  }
0x7e: {  	v54 =	vld [tilespmem:$0x1E0]  }
0x7f: {  	[tilespmem:$0xD9C0] =	vst v0  }
0x80: {  	v0 =	vld.idx.msk [tilespmem:v53+s12+$0x0], $0xffff;
	_ =	sdelay $0x3  }
0x81: {  	v55 =	vld [tilespmem:$0x1F0]  }
0x82: {  	[tilespmem:$0xD9D0] =	vst v0  }
0x83: {  	v0 =	vld.idx.msk [tilespmem:v54+s12+$0x0], $0xffff;
	_ =	sdelay $0x3  }
0x84: {  	v56 =	vld [tilespmem:$0x200]  }
0x85: {  	[tilespmem:$0xD9E0] =	vst v0  }
0x86: {  	v0 =	vld.idx.msk [tilespmem:v55+s12+$0x0], $0xffff;
	_ =	sdelay $0x3  }
0x87: {  	v57 =	vld [tilespmem:$0x210]  }
0x88: {  	[tilespmem:$0xD9F0] =	vst v0  }
0x89: {  	v0 =	vld.idx.msk [tilespmem:v56+s12+$0x0], $0xffff;
	_ =	sdelay $0x3  }
0x8a: {  	v58 =	vld [tilespmem:$0x220]  }
0x8b: {  	[tilespmem:$0xDA00] =	vst v0  }
0x8c: {  	v0 =	vld.idx.msk [tilespmem:v57+s12+$0x0], $0xffff;
	_ =	sdelay $0x3  }
0x8d: {  	v59 =	vld [tilespmem:$0x230]  }
0x8e: {  	[tilespmem:$0xDA10] =	vst v0  }
0x8f: {  	v0 =	vld.idx.msk [tilespmem:v58+s12+$0x0], $0xffff;
	_ =	sdelay $0x3  }
0x90: {  	v60 =	vld [tilespmem:$0x240]  }
0x91: {  	[tilespmem:$0xDA20] =	vst v0  }
0x92: {  	v0 =	vld.idx.msk [tilespmem:v59+s12+$0x0], $0xffff;
	_ =	sdelay $0x3  }
0x93: {  	v61 =	vld [tilespmem:$0x250]  }
0x94: {  	[tilespmem:$0xDA30] =	vst v0  }
0x95: {  	v0 =	vld.idx.msk [tilespmem:v60+s12+$0x0], $0xffff;
	_ =	sdelay $0x3  }
0x96: {  	v62 =	vld [tilespmem:$0x260]  }
0x97: {  	[tilespmem:$0xDA40] =	vst v0  }
0x98: {  	v0 =	vld.idx.msk [tilespmem:v61+s12+$0x0], $0xffff;
	_ =	sdelay $0x3  }
0x99: {  	v63 =	vld [tilespmem:$0x270]  }
0x9a: {  	[tilespmem:$0xDA50] =	vst v0  }
0x9b: {  	v0 =	vld.idx.msk [tilespmem:v62+s12+$0x0], $0xffff;
	_ =	sdelay $0x3  }
0x9c: {  	v4 =	vld [tilespmem:$0x280]  }
0x9d: {  	[tilespmem:$0xDA60] =	vst v0  }
0x9e: {  	v0 =	vld.idx.msk [tilespmem:v63+s12+$0x0], $0xffff;
	_ =	sdelay $0x3  }
0x9f: {  	v5 =	vld [tilespmem:$0x290]  }
0xa0: {  	[tilespmem:$0xDA70] =	vst v0  }
0xa1: {  	v0 =	vld.idx.msk [tilespmem:v4+s12+$0x0], $0xffff;
	_ =	sdelay $0x3  }
0xa2: {  	v6 =	vld [tilespmem:$0x2A0]  }
0xa3: {  	[tilespmem:$0xDA80] =	vst v0  }
0xa4: {  	v0 =	vld.idx.msk [tilespmem:v5+s12+$0x0], $0xffff;
	_ =	sdelay $0x3  }
0xa5: {  	v7 =	vld [tilespmem:$0x2B0]  }
0xa6: {  	[tilespmem:$0xDA90] =	vst v0  }
0xa7: {  	v0 =	vld.idx.msk [tilespmem:v6+s12+$0x0], $0xffff;
	_ =	sdelay $0x3  }
0xa8: {  	v8 =	vld [tilespmem:$0x2C0]  }
0xa9: {  	[tilespmem:$0xDAA0] =	vst v0  }
0xaa: {  	v0 =	vld.idx.msk [tilespmem:v7+s12+$0x0], $0xffff;
	_ =	sdelay $0x3  }
0xab: {  	v9 =	vld [tilespmem:$0x2D0]  }
0xac: {  	[tilespmem:$0xDAB0] =	vst v0  }
0xad: {  	v0 =	vld.idx.msk [tilespmem:v8+s12+$0x0], $0xffff;
	_ =	sdelay $0x3  }
0xae: {  	v10 =	vld [tilespmem:$0x2E0]  }
0xaf: {  	[tilespmem:$0xDAC0] =	vst v0  }
0xb0: {  	v0 =	vld.idx.msk [tilespmem:v9+s12+$0x0], $0xffff;
	_ =	sdelay $0x3  }
0xb1: {  	v11 =	vld [tilespmem:$0x2F0]  }
0xb2: {  	[tilespmem:$0xDAD0] =	vst v0  }
0xb3: {  	v0 =	vld.idx.msk [tilespmem:v10+s12+$0x0], $0xffff;
	_ =	sdelay $0x3  }
0xb4: {  	v12 =	vld [tilespmem:$0x300]  }
0xb5: {  	[tilespmem:$0xDAE0] =	vst v0  }
0xb6: {  	v0 =	vld.idx.msk [tilespmem:v11+s12+$0x0], $0xffff;
	_ =	sdelay $0x3  }
0xb7: {  	v13 =	vld [tilespmem:$0x310]  }
0xb8: {  	[tilespmem:$0xDAF0] =	vst v0  }
0xb9: {  	v0 =	vld.idx.msk [tilespmem:v12+s12+$0x0], $0xffff;
	_ =	sdelay $0x3  }
0xba: {  	v14 =	vld [tilespmem:$0x320]  }
0xbb: {  	[tilespmem:$0xDB00] =	vst v0  }
0xbc: {  	v0 =	vld.idx.msk [tilespmem:v13+s12+$0x0], $0xffff;
	_ =	sdelay $0x3  }
0xbd: {  	v15 =	vld [tilespmem:$0x330]  }
0xbe: {  	[tilespmem:$0xDB10] =	vst v0  }
0xbf: {  	v0 =	vld.idx.msk [tilespmem:v14+s12+$0x0], $0xffff;
	_ =	sdelay $0x3  }
0xc0: {  	v16 =	vld [tilespmem:$0x340]  }
0xc1: {  	[tilespmem:$0xDB20] =	vst v0  }
0xc2: {  	v0 =	vld.idx.msk [tilespmem:v15+s12+$0x0], $0xffff;
	_ =	sdelay $0x3  }
0xc3: {  	v17 =	vld [tilespmem:$0x350]  }
0xc4: {  	[tilespmem:$0xDB30] =	vst v0  }
0xc5: {  	v0 =	vld.idx.msk [tilespmem:v16+s12+$0x0], $0xffff;
	_ =	sdelay $0x3  }
0xc6: {  	v18 =	vld [tilespmem:$0x360]  }
0xc7: {  	[tilespmem:$0xDB40] =	vst v0  }
0xc8: {  	v0 =	vld.idx.msk [tilespmem:v17+s12+$0x0], $0xffff;
	_ =	sdelay $0x3  }
0xc9: {  	v19 =	vld [tilespmem:$0x370]  }
0xca: {  	[tilespmem:$0xDB50] =	vst v0  }
0xcb: {  	v0 =	vld.idx.msk [tilespmem:v18+s12+$0x0], $0xffff;
	_ =	sdelay $0x3  }
0xcc: {  	v20 =	vld [tilespmem:$0x380]  }
0xcd: {  	[tilespmem:$0xDB60] =	vst v0  }
0xce: {  	v0 =	vld.idx.msk [tilespmem:v19+s12+$0x0], $0xffff;
	_ =	sdelay $0x3  }
0xcf: {  	v21 =	vld [tilespmem:$0x390]  }
0xd0: {  	[tilespmem:$0xDB70] =	vst v0  }
0xd1: {  	v0 =	vld.idx.msk [tilespmem:v20+s12+$0x0], $0xffff;
	_ =	sdelay $0x3  }
0xd2: {  	v22 =	vld [tilespmem:$0x3A0]  }
0xd3: {  	[tilespmem:$0xDB80] =	vst v0  }
0xd4: {  	v0 =	vld.idx.msk [tilespmem:v21+s12+$0x0], $0xffff;
	_ =	sdelay $0x3  }
0xd5: {  	v23 =	vld [tilespmem:$0x3B0]  }
0xd6: {  	[tilespmem:$0xDB90] =	vst v0  }
0xd7: {  	v0 =	vld.idx.msk [tilespmem:v22+s12+$0x0], $0xffff;
	_ =	sdelay $0x3  }
0xd8: {  	v24 =	vld [tilespmem:$0x3C0]  }
0xd9: {  	[tilespmem:$0xDBA0] =	vst v0  }
0xda: {  	v0 =	vld.idx.msk [tilespmem:v23+s12+$0x0], $0xffff;
	_ =	sdelay $0x3  }
0xdb: {  	v25 =	vld [tilespmem:$0x3D0]  }
0xdc: {  	[tilespmem:$0xDBB0] =	vst v0  }
0xdd: {  	v0 =	vld.idx.msk [tilespmem:v24+s12+$0x0], $0xffff;
	_ =	sdelay $0x3  }
0xde: {  	v26 =	vld [tilespmem:$0x3E0]  }
0xdf: {  	[tilespmem:$0xDBC0] =	vst v0  }
0xe0: {  	v0 =	vld.idx.msk [tilespmem:v25+s12+$0x0], $0xffff;
	_ =	sdelay $0x3  }
0xe1: {  	v27 =	vld [tilespmem:$0x3F0]  }
0xe2: {  	[tilespmem:$0xDBD0] =	vst v0  }
0xe3: {  	v0 =	vld.idx.msk [tilespmem:v26+s12+$0x0], $0xffff;
	_ =	sdelay $0x3  }
0xe4: {  	v28 =	vld [tilespmem:$0x400]  }
0xe5: {  	[tilespmem:$0xDBE0] =	vst v0  }
0xe6: {  	v0 =	vld.idx.msk [tilespmem:v27+s12+$0x0], $0xffff;
	_ =	sdelay $0x3  }
0xe7: {  	v29 =	vld [tilespmem:$0x410]  }
0xe8: {  	[tilespmem:$0xDBF0] =	vst v0  }
0xe9: {  	v0 =	vld.idx.msk [tilespmem:v28+s12+$0x0], $0xffff;
	_ =	sdelay $0x3  }
0xea: {  	v30 =	vld [tilespmem:$0x420]  }
0xeb: {  	[tilespmem:$0xDC00] =	vst v0  }
0xec: {  	v0 =	vld.idx.msk [tilespmem:v29+s12+$0x0], $0xffff;
	_ =	sdelay $0x3  }
0xed: {  	v31 =	vld [tilespmem:$0x430]  }
0xee: {  	[tilespmem:$0xDC10] =	vst v0  }
0xef: {  	v0 =	vld.idx.msk [tilespmem:v30+s12+$0x0], $0xffff;
	_ =	sdelay $0x3  }
0xf0: {  	v32 =	vld [tilespmem:$0x440]  }
0xf1: {  	[tilespmem:$0xDC20] =	vst v0  }
0xf2: {  	v0 =	vld.idx.msk [tilespmem:v31+s12+$0x0], $0xffff;
	_ =	sdelay $0x3  }
0xf3: {  	v33 =	vld [tilespmem:$0x450]  }
0xf4: {  	[tilespmem:$0xDC30] =	vst v0  }
0xf5: {  	v0 =	vld.idx.msk [tilespmem:v32+s12+$0x0], $0xffff;
	_ =	sdelay $0x3  }
0xf6: {  	v34 =	vld [tilespmem:$0x460]  }
0xf7: {  	[tilespmem:$0xDC40] =	vst v0  }
0xf8: {  	v0 =	vld.idx.msk [tilespmem:v33+s12+$0x0], $0xffff;
	_ =	sdelay $0x3  }
0xf9: {  	v35 =	vld [tilespmem:$0x470]  }
0xfa: {  	[tilespmem:$0xDC50] =	vst v0  }
0xfb: {  	v0 =	vld.idx.msk [tilespmem:v34+s12+$0x0], $0xffff;
	_ =	sdelay $0x3  }
0xfc: {  	v36 =	vld [tilespmem:$0x480]  }
0xfd: {  	[tilespmem:$0xDC60] =	vst v0  }
0xfe: {  	v0 =	vld.idx.msk [tilespmem:v35+s12+$0x0], $0xffff;
	_ =	sdelay $0x3  }
0xff: {  	v37 =	vld [tilespmem:$0x490]  }
0x100: {  	[tilespmem:$0xDC70] =	vst v0  }
0x101: {  	v0 =	vld.idx.msk [tilespmem:v36+s12+$0x0], $0xffff;
	_ =	sdelay $0x3  }
0x102: {  	v38 =	vld [tilespmem:$0x4A0]  }
0x103: {  	[tilespmem:$0xDC80] =	vst v0  }
0x104: {  	v0 =	vld.idx.msk [tilespmem:v37+s12+$0x0], $0xffff;
	_ =	sdelay $0x3  }
0x105: {  	v39 =	vld [tilespmem:$0x4B0]  }
0x106: {  	[tilespmem:$0xDC90] =	vst v0  }
0x107: {  	v0 =	vld.idx.msk [tilespmem:v38+s12+$0x0], $0xffff;
	_ =	sdelay $0x3  }
0x108: {  	v40 =	vld [tilespmem:$0x4C0]  }
0x109: {  	[tilespmem:$0xDCA0] =	vst v0  }
0x10a: {  	v0 =	vld.idx.msk [tilespmem:v39+s12+$0x0], $0xffff;
	_ =	sdelay $0x3  }
0x10b: {  	v41 =	vld [tilespmem:$0x4D0]  }
0x10c: {  	[tilespmem:$0xDCB0] =	vst v0  }
0x10d: {  	v0 =	vld.idx.msk [tilespmem:v40+s12+$0x0], $0xffff;
	_ =	sdelay $0x3  }
0x10e: {  	v42 =	vld [tilespmem:$0x4E0]  }
0x10f: {  	[tilespmem:$0xDCC0] =	vst v0  }
0x110: {  	v0 =	vld.idx.msk [tilespmem:v41+s12+$0x0], $0xffff;
	_ =	sdelay $0x3  }
0x111: {  	v43 =	vld [tilespmem:$0x4F0]  }
0x112: {  	[tilespmem:$0xDCD0] =	vst v0  }
0x113: {  	v0 =	vld.idx.msk [tilespmem:v42+s12+$0x0], $0xffff;
	_ =	sdelay $0x3  }
0x114: {  	v44 =	vld [tilespmem:$0x500]  }
0x115: {  	[tilespmem:$0xDCE0] =	vst v0  }
0x116: {  	v0 =	vld.idx.msk [tilespmem:v43+s12+$0x0], $0xffff;
	_ =	sdelay $0x3  }
0x117: {  	v45 =	vld [tilespmem:$0x510]  }
0x118: {  	[tilespmem:$0xDCF0] =	vst v0  }
0x119: {  	v0 =	vld.idx.msk [tilespmem:v44+s12+$0x0], $0xffff;
	_ =	sdelay $0x3  }
0x11a: {  	v46 =	vld [tilespmem:$0x520]  }
0x11b: {  	[tilespmem:$0xDD00] =	vst v0  }
0x11c: {  	v0 =	vld.idx.msk [tilespmem:v45+s12+$0x0], $0xffff;
	_ =	sdelay $0x3  }
0x11d: {  	v47 =	vld [tilespmem:$0x530]  }
0x11e: {  	[tilespmem:$0xDD10] =	vst v0  }
0x11f: {  	v0 =	vld.idx.msk [tilespmem:v46+s12+$0x0], $0xffff;
	_ =	sdelay $0x3  }
0x120: {  	v48 =	vld [tilespmem:$0x540]  }
0x121: {  	[tilespmem:$0xDD20] =	vst v0  }
0x122: {  	v0 =	vld.idx.msk [tilespmem:v47+s12+$0x0], $0xffff;
	_ =	sdelay $0x3  }
0x123: {  	v49 =	vld [tilespmem:$0x550]  }
0x124: {  	[tilespmem:$0xDD30] =	vst v0  }
0x125: {  	v0 =	vld.idx.msk [tilespmem:v48+s12+$0x0], $0xffff;
	_ =	sdelay $0x3  }
0x126: {  	v50 =	vld [tilespmem:$0x560]  }
0x127: {  	[tilespmem:$0xDD40] =	vst v0  }
0x128: {  	v0 =	vld.idx.msk [tilespmem:v49+s12+$0x0], $0xffff;
	_ =	sdelay $0x3  }
0x129: {  	v51 =	vld [tilespmem:$0x570]  }
0x12a: {  	[tilespmem:$0xDD50] =	vst v0  }
0x12b: {  	v0 =	vld.idx.msk [tilespmem:v50+s12+$0x0], $0xffff;
	_ =	sdelay $0x3  }
0x12c: {  	v52 =	vld [tilespmem:$0x580]  }
0x12d: {  	[tilespmem:$0xDD60] =	vst v0  }
0x12e: {  	v0 =	vld.idx.msk [tilespmem:v51+s12+$0x0], $0xffff;
	_ =	sdelay $0x3  }
0x12f: {  	v53 =	vld [tilespmem:$0x590]  }
0x130: {  	[tilespmem:$0xDD70] =	vst v0  }
0x131: {  	v0 =	vld.idx.msk [tilespmem:v52+s12+$0x0], $0xffff;
	_ =	sdelay $0x3  }
0x132: {  	v54 =	vld [tilespmem:$0x5A0]  }
0x133: {  	[tilespmem:$0xDD80] =	vst v0  }
0x134: {  	v0 =	vld.idx.msk [tilespmem:v53+s12+$0x0], $0xffff;
	_ =	sdelay $0x3  }
0x135: {  	v55 =	vld [tilespmem:$0x5B0]  }
0x136: {  	[tilespmem:$0xDD90] =	vst v0  }
0x137: {  	v0 =	vld.idx.msk [tilespmem:v54+s12+$0x0], $0xffff;
	_ =	sdelay $0x3  }
0x138: {  	v56 =	vld [tilespmem:$0x5C0]  }
0x139: {  	[tilespmem:$0xDDA0] =	vst v0  }
0x13a: {  	v0 =	vld.idx.msk [tilespmem:v55+s12+$0x0], $0xffff;
	_ =	sdelay $0x3  }
0x13b: {  	v57 =	vld [tilespmem:$0x5D0]  }
0x13c: {  	[tilespmem:$0xDDB0] =	vst v0  }
0x13d: {  	v0 =	vld.idx.msk [tilespmem:v56+s12+$0x0], $0xffff;
	_ =	sdelay $0x3  }
0x13e: {  	v58 =	vld [tilespmem:$0x5E0]  }
0x13f: {  	[tilespmem:$0xDDC0] =	vst v0  }
0x140: {  	v0 =	vld.idx.msk [tilespmem:v57+s12+$0x0], $0xffff;
	_ =	sdelay $0x3  }
0x141: {  	v59 =	vld [tilespmem:$0x5F0]  }
0x142: {  	[tilespmem:$0xDDD0] =	vst v0  }
0x143: {  	v0 =	vld.idx.msk [tilespmem:v58+s12+$0x0], $0xffff;
	_ =	sdelay $0x3  }
0x144: {  	v60 =	vld [tilespmem:$0x600]  }
0x145: {  	[tilespmem:$0xDDE0] =	vst v0  }
0x146: {  	v0 =	vld.idx.msk [tilespmem:v59+s12+$0x0], $0xffff;
	_ =	sdelay $0x3  }
0x147: {  	v61 =	vld [tilespmem:$0x610]  }
0x148: {  	[tilespmem:$0xDDF0] =	vst v0  }
0x149: {  	v0 =	vld.idx.msk [tilespmem:v60+s12+$0x0], $0xffff;
	_ =	sdelay $0x3  }
0x14a: {  	v62 =	vld [tilespmem:$0x620]  }
0x14b: {  	[tilespmem:$0xDE00] =	vst v0  }
0x14c: {  	v0 =	vld.idx.msk [tilespmem:v61+s12+$0x0], $0xffff;
	_ =	sdelay $0x3  }
0x14d: {  	v63 =	vld [tilespmem:$0x630]  }
0x14e: {  	[tilespmem:$0xDE10] =	vst v0  }
0x14f: {  	v0 =	vld.idx.msk [tilespmem:v62+s12+$0x0], $0xffff;
	_ =	sdelay $0x3  }
0x150: {  	v4 =	vld [tilespmem:$0x640]  }
0x151: {  	[tilespmem:$0xDE20] =	vst v0  }
0x152: {  	v0 =	vld.idx.msk [tilespmem:v63+s12+$0x0], $0xffff;
	_ =	sdelay $0x3  }
0x153: {  	v5 =	vld [tilespmem:$0x650]  }
0x154: {  	[tilespmem:$0xDE30] =	vst v0  }
0x155: {  	v0 =	vld.idx.msk [tilespmem:v4+s12+$0x0], $0xffff;
	_ =	sdelay $0x3  }
0x156: {  	v6 =	vld [tilespmem:$0x660]  }
0x157: {  	[tilespmem:$0xDE40] =	vst v0  }
0x158: {  	v0 =	vld.idx.msk [tilespmem:v5+s12+$0x0], $0xffff;
	_ =	sdelay $0x3  }
0x159: {  	v7 =	vld [tilespmem:$0x670]  }
0x15a: {  	[tilespmem:$0xDE50] =	vst v0  }
0x15b: {  	v0 =	vld.idx.msk [tilespmem:v6+s12+$0x0], $0xffff;
	_ =	sdelay $0x3  }
0x15c: {  	v8 =	vld [tilespmem:$0x680]  }
0x15d: {  	[tilespmem:$0xDE60] =	vst v0  }
0x15e: {  	v0 =	vld.idx.msk [tilespmem:v7+s12+$0x0], $0xffff;
	_ =	sdelay $0x3  }
0x15f: {  	v9 =	vld [tilespmem:$0x690]  }
0x160: {  	[tilespmem:$0xDE70] =	vst v0  }
0x161: {  	v0 =	vld.idx.msk [tilespmem:v8+s12+$0x0], $0xffff;
	_ =	sdelay $0x3  }
0x162: {  	v10 =	vld [tilespmem:$0x6A0]  }
0x163: {  	[tilespmem:$0xDE80] =	vst v0  }
0x164: {  	v0 =	vld.idx.msk [tilespmem:v9+s12+$0x0], $0xffff;
	_ =	sdelay $0x3  }
0x165: {  	v11 =	vld [tilespmem:$0x6B0]  }
0x166: {  	[tilespmem:$0xDE90] =	vst v0  }
0x167: {  	v0 =	vld.idx.msk [tilespmem:v10+s12+$0x0], $0xffff;
	_ =	sdelay $0x3  }
0x168: {  	v12 =	vld [tilespmem:$0x6C0]  }
0x169: {  	[tilespmem:$0xDEA0] =	vst v0  }
0x16a: {  	v0 =	vld.idx.msk [tilespmem:v11+s12+$0x0], $0xffff;
	_ =	sdelay $0x3  }
0x16b: {  	v13 =	vld [tilespmem:$0x6D0]  }
0x16c: {  	[tilespmem:$0xDEB0] =	vst v0  }
0x16d: {  	v0 =	vld.idx.msk [tilespmem:v12+s12+$0x0], $0xffff;
	_ =	sdelay $0x3  }
0x16e: {  	v14 =	vld [tilespmem:$0x6E0]  }
0x16f: {  	[tilespmem:$0xDEC0] =	vst v0  }
0x170: {  	v0 =	vld.idx.msk [tilespmem:v13+s12+$0x0], $0xffff;
	_ =	sdelay $0x3  }
0x171: {  	v15 =	vld [tilespmem:$0x6F0]  }
0x172: {  	[tilespmem:$0xDED0] =	vst v0  }
0x173: {  	v0 =	vld.idx.msk [tilespmem:v14+s12+$0x0], $0xffff;
	_ =	sdelay $0x3  }
0x174: {  	v16 =	vld [tilespmem:$0x700]  }
0x175: {  	[tilespmem:$0xDEE0] =	vst v0  }
0x176: {  	v0 =	vld.idx.msk [tilespmem:v15+s12+$0x0], $0xffff;
	_ =	sdelay $0x3  }
0x177: {  	v17 =	vld [tilespmem:$0x710]  }
0x178: {  	[tilespmem:$0xDEF0] =	vst v0  }
0x179: {  	v0 =	vld.idx.msk [tilespmem:v16+s12+$0x0], $0xffff;
	_ =	sdelay $0x3  }
0x17a: {  	v18 =	vld [tilespmem:$0x720]  }
0x17b: {  	[tilespmem:$0xDF00] =	vst v0  }
0x17c: {  	v0 =	vld.idx.msk [tilespmem:v17+s12+$0x0], $0xffff;
	_ =	sdelay $0x3  }
0x17d: {  	v19 =	vld [tilespmem:$0x730]  }
0x17e: {  	[tilespmem:$0xDF10] =	vst v0  }
0x17f: {  	v0 =	vld.idx.msk [tilespmem:v18+s12+$0x0], $0xffff;
	_ =	sdelay $0x3  }
0x180: {  	v20 =	vld [tilespmem:$0x740]  }
0x181: {  	[tilespmem:$0xDF20] =	vst v0  }
0x182: {  	v0 =	vld.idx.msk [tilespmem:v19+s12+$0x0], $0xffff;
	_ =	sdelay $0x3  }
0x183: {  	v21 =	vld [tilespmem:$0x750]  }
0x184: {  	[tilespmem:$0xDF30] =	vst v0  }
0x185: {  	v0 =	vld.idx.msk [tilespmem:v20+s12+$0x0], $0xffff;
	_ =	sdelay $0x3  }
0x186: {  	v22 =	vld [tilespmem:$0x760]  }
0x187: {  	[tilespmem:$0xDF40] =	vst v0  }
0x188: {  	v0 =	vld.idx.msk [tilespmem:v21+s12+$0x0], $0xffff;
	_ =	sdelay $0x3  }
0x189: {  	v23 =	vld [tilespmem:$0x770]  }
0x18a: {  	[tilespmem:$0xDF50] =	vst v0  }
0x18b: {  	v0 =	vld.idx.msk [tilespmem:v22+s12+$0x0], $0xffff;
	_ =	sdelay $0x3  }
0x18c: {  	v24 =	vld [tilespmem:$0x780]  }
0x18d: {  	[tilespmem:$0xDF60] =	vst v0  }
0x18e: {  	v0 =	vld.idx.msk [tilespmem:v23+s12+$0x0], $0xffff;
	_ =	sdelay $0x3  }
0x18f: {  	v25 =	vld [tilespmem:$0x790]  }
0x190: {  	[tilespmem:$0xDF70] =	vst v0  }
0x191: {  	v0 =	vld.idx.msk [tilespmem:v24+s12+$0x0], $0xffff;
	_ =	sdelay $0x3  }
0x192: {  	v26 =	vld [tilespmem:$0x7A0]  }
0x193: {  	[tilespmem:$0xDF80] =	vst v0  }
0x194: {  	v0 =	vld.idx.msk [tilespmem:v25+s12+$0x0], $0xffff;
	_ =	sdelay $0x3  }
0x195: {  	v27 =	vld [tilespmem:$0x7B0]  }
0x196: {  	[tilespmem:$0xDF90] =	vst v0  }
0x197: {  	v0 =	vld.idx.msk [tilespmem:v26+s12+$0x0], $0xffff;
	_ =	sdelay $0x3  }
0x198: {  	v28 =	vld [tilespmem:$0x7C0]  }
0x199: {  	[tilespmem:$0xDFA0] =	vst v0  }
0x19a: {  	v0 =	vld.idx.msk [tilespmem:v27+s12+$0x0], $0xffff;
	_ =	sdelay $0x3  }
0x19b: {  	v29 =	vld [tilespmem:$0x7D0]  }
0x19c: {  	[tilespmem:$0xDFB0] =	vst v0  }
0x19d: {  	v0 =	vld.idx.msk [tilespmem:v28+s12+$0x0], $0xffff;
	_ =	sdelay $0x3  }
0x19e: {  	v30 =	vld [tilespmem:$0x7E0]  }
0x19f: {  	[tilespmem:$0xDFC0] =	vst v0  }
0x1a0: {  	v0 =	vld.idx.msk [tilespmem:v29+s12+$0x0], $0xffff;
	_ =	sdelay $0x3  }
0x1a1: {  	v31 =	vld [tilespmem:$0x7F0]  }
0x1a2: {  	[tilespmem:$0xDFD0] =	vst v0  }
0x1a3: {  	v0 =	vld.idx.msk [tilespmem:v30+s12+$0x0], $0xffff;
	_ =	sdelay $0x3  }
0x1a4: {  	v32 =	vld [tilespmem:$0x800]  }
0x1a5: {  	[tilespmem:$0xDFE0] =	vst v0  }
0x1a6: {  	v0 =	vld.idx.msk [tilespmem:v31+s12+$0x0], $0xffff;
	_ =	sdelay $0x3  }
0x1a7: {  	v33 =	vld [tilespmem:$0x810]  }
0x1a8: {  	[tilespmem:$0xDFF0] =	vst v0  }
0x1a9: {  	v0 =	vld.idx.msk [tilespmem:v32+s12+$0x0], $0xffff;
	_ =	sdelay $0x3  }
0x1aa: {  	v34 =	vld [tilespmem:$0x820]  }
0x1ab: {  	[tilespmem:$0xE000] =	vst v0  }
0x1ac: {  	v0 =	vld.idx.msk [tilespmem:v33+s12+$0x0], $0xffff;
	_ =	sdelay $0x3  }
0x1ad: {  	v35 =	vld [tilespmem:$0x830]  }
0x1ae: {  	[tilespmem:$0xE010] =	vst v0  }
0x1af: {  	v0 =	vld.idx.msk [tilespmem:v34+s12+$0x0], $0xffff;
	_ =	sdelay $0x3  }
0x1b0: {  	v36 =	vld [tilespmem:$0x840]  }
0x1b1: {  	[tilespmem:$0xE020] =	vst v0  }
0x1b2: {  	v0 =	vld.idx.msk [tilespmem:v35+s12+$0x0], $0xffff;
	_ =	sdelay $0x3  }
0x1b3: {  	v37 =	vld [tilespmem:$0x850]  }
0x1b4: {  	[tilespmem:$0xE030] =	vst v0  }
0x1b5: {  	v0 =	vld.idx.msk [tilespmem:v36+s12+$0x0], $0xffff;
	_ =	sdelay $0x3  }
0x1b6: {  	v38 =	vld [tilespmem:$0x860]  }
0x1b7: {  	[tilespmem:$0xE040] =	vst v0  }
0x1b8: {  	v0 =	vld.idx.msk [tilespmem:v37+s12+$0x0], $0xffff;
	_ =	sdelay $0x3  }
0x1b9: {  	v39 =	vld [tilespmem:$0x870]  }
0x1ba: {  	[tilespmem:$0xE050] =	vst v0  }
0x1bb: {  	v0 =	vld.idx.msk [tilespmem:v38+s12+$0x0], $0xffff;
	_ =	sdelay $0x3  }
0x1bc: {  	v40 =	vld [tilespmem:$0x880]  }
0x1bd: {  	[tilespmem:$0xE060] =	vst v0  }
0x1be: {  	v0 =	vld.idx.msk [tilespmem:v39+s12+$0x0], $0xffff;
	_ =	sdelay $0x3  }
0x1bf: {  	v41 =	vld [tilespmem:$0x890]  }
0x1c0: {  	[tilespmem:$0xE070] =	vst v0  }
0x1c1: {  	v0 =	vld.idx.msk [tilespmem:v40+s12+$0x0], $0xffff;
	_ =	sdelay $0x3  }
0x1c2: {  	v42 =	vld [tilespmem:$0x8A0]  }
0x1c3: {  	[tilespmem:$0xE080] =	vst v0  }
0x1c4: {  	v0 =	vld.idx.msk [tilespmem:v41+s12+$0x0], $0xffff;
	_ =	sdelay $0x3  }
0x1c5: {  	v43 =	vld [tilespmem:$0x8B0]  }
0x1c6: {  	[tilespmem:$0xE090] =	vst v0  }
0x1c7: {  	v0 =	vld.idx.msk [tilespmem:v42+s12+$0x0], $0xffff;
	_ =	sdelay $0x3  }
0x1c8: {  	v44 =	vld [tilespmem:$0x8C0]  }
0x1c9: {  	[tilespmem:$0xE0A0] =	vst v0  }
0x1ca: {  	v0 =	vld.idx.msk [tilespmem:v43+s12+$0x0], $0xffff;
	_ =	sdelay $0x3  }
0x1cb: {  	v45 =	vld [tilespmem:$0x8D0]  }
0x1cc: {  	[tilespmem:$0xE0B0] =	vst v0  }
0x1cd: {  	v0 =	vld.idx.msk [tilespmem:v44+s12+$0x0], $0xffff;
	_ =	sdelay $0x3  }
0x1ce: {  	v46 =	vld [tilespmem:$0x8E0]  }
0x1cf: {  	[tilespmem:$0xE0C0] =	vst v0  }
0x1d0: {  	v0 =	vld.idx.msk [tilespmem:v45+s12+$0x0], $0xffff;
	_ =	sdelay $0x3  }
0x1d1: {  	v47 =	vld [tilespmem:$0x8F0]  }
0x1d2: {  	[tilespmem:$0xE0D0] =	vst v0  }
0x1d3: {  	v0 =	vld.idx.msk [tilespmem:v46+s12+$0x0], $0xffff;
	_ =	sdelay $0x3  }
0x1d4: {  	v48 =	vld [tilespmem:$0x900]  }
0x1d5: {  	[tilespmem:$0xE0E0] =	vst v0  }
0x1d6: {  	v0 =	vld.idx.msk [tilespmem:v47+s12+$0x0], $0xffff;
	_ =	sdelay $0x3  }
0x1d7: {  	v49 =	vld [tilespmem:$0x910]  }
0x1d8: {  	[tilespmem:$0xE0F0] =	vst v0  }
0x1d9: {  	v0 =	vld.idx.msk [tilespmem:v48+s12+$0x0], $0xffff;
	_ =	sdelay $0x3  }
0x1da: {  	v50 =	vld [tilespmem:$0x920]  }
0x1db: {  	[tilespmem:$0xE100] =	vst v0  }
0x1dc: {  	v0 =	vld.idx.msk [tilespmem:v49+s12+$0x0], $0xffff;
	_ =	sdelay $0x3  }
0x1dd: {  	v51 =	vld [tilespmem:$0x930]  }
0x1de: {  	[tilespmem:$0xE110] =	vst v0  }
0x1df: {  	v0 =	vld.idx.msk [tilespmem:v50+s12+$0x0], $0xffff;
	_ =	sdelay $0x3  }
0x1e0: {  	v52 =	vld [tilespmem:$0x940]  }
0x1e1: {  	[tilespmem:$0xE120] =	vst v0  }
0x1e2: {  	v0 =	vld.idx.msk [tilespmem:v51+s12+$0x0], $0xffff;
	_ =	sdelay $0x3  }
0x1e3: {  	v53 =	vld [tilespmem:$0x950]  }
0x1e4: {  	[tilespmem:$0xE130] =	vst v0  }
0x1e5: {  	v0 =	vld.idx.msk [tilespmem:v52+s12+$0x0], $0xffff;
	_ =	sdelay $0x3  }
0x1e6: {  	v54 =	vld [tilespmem:$0x960]  }
0x1e7: {  	[tilespmem:$0xE140] =	vst v0  }
0x1e8: {  	v0 =	vld.idx.msk [tilespmem:v53+s12+$0x0], $0xffff;
	_ =	sdelay $0x3  }
0x1e9: {  	v55 =	vld [tilespmem:$0x970]  }
0x1ea: {  	[tilespmem:$0xE150] =	vst v0  }
0x1eb: {  	v0 =	vld.idx.msk [tilespmem:v54+s12+$0x0], $0xffff;
	_ =	sdelay $0x3  }
0x1ec: {  	v56 =	vld [tilespmem:$0x980]  }
0x1ed: {  	[tilespmem:$0xE160] =	vst v0  }
0x1ee: {  	v0 =	vld.idx.msk [tilespmem:v55+s12+$0x0], $0xffff;
	_ =	sdelay $0x3  }
0x1ef: {  	v57 =	vld [tilespmem:$0x990]  }
0x1f0: {  	[tilespmem:$0xE170] =	vst v0  }
0x1f1: {  	v0 =	vld.idx.msk [tilespmem:v56+s12+$0x0], $0xffff;
	_ =	sdelay $0x3  }
0x1f2: {  	v58 =	vld [tilespmem:$0x9A0]  }
0x1f3: {  	[tilespmem:$0xE180] =	vst v0  }
0x1f4: {  	v0 =	vld.idx.msk [tilespmem:v57+s12+$0x0], $0xffff;
	_ =	sdelay $0x3  }
0x1f5: {  	v59 =	vld [tilespmem:$0x9B0]  }
0x1f6: {  	[tilespmem:$0xE190] =	vst v0  }
0x1f7: {  	v0 =	vld.idx.msk [tilespmem:v58+s12+$0x0], $0xffff;
	_ =	sdelay $0x3  }
0x1f8: {  	v60 =	vld [tilespmem:$0x9C0]  }
0x1f9: {  	[tilespmem:$0xE1A0] =	vst v0  }
0x1fa: {  	v0 =	vld.idx.msk [tilespmem:v59+s12+$0x0], $0xffff;
	_ =	sdelay $0x3  }
0x1fb: {  	v61 =	vld [tilespmem:$0x9D0]  }
0x1fc: {  	[tilespmem:$0xE1B0] =	vst v0  }
0x1fd: {  	v0 =	vld.idx.msk [tilespmem:v60+s12+$0x0], $0xffff;
	_ =	sdelay $0x3  }
0x1fe: {  	v62 =	vld [tilespmem:$0x9E0]  }
0x1ff: {  	[tilespmem:$0xE1C0] =	vst v0  }
0x200: {  	v0 =	vld.idx.msk [tilespmem:v61+s12+$0x0], $0xffff;
	_ =	sdelay $0x3  }
0x201: {  	v63 =	vld [tilespmem:$0x9F0]  }
0x202: {  	[tilespmem:$0xE1D0] =	vst v0  }
0x203: {  	v0 =	vld.idx.msk [tilespmem:v62+s12+$0x0], $0xffff;
	_ =	sdelay $0x4  }
0x204: {  	[tilespmem:$0xE1E0] =	vst v0  }
0x205: {  	v0 =	vld.idx.msk [tilespmem:v63+s12+$0x0], $0xffff;
	_ =	sdelay $0x4  }
0x206: {  	[tilespmem:$0xE1F0] =	vst v0  }
0x207: {  	[spmem:s1] =	stream.indirect.scatter.add.f32 [tilespmem:s15], [sflag:$0x1], $0x1, s13, s14, $0xb8;
	[tilespmem:$0xFA80] =	vst v63  }
0x208: {  	_ = 	snop  }
0x209: {  	[spmem:s1] =	stream.indirect.scatter.add.f32 [tilespmem:s17], [sflag:$0x1], $0x1, s16, s14, $0xb8;
	[tilespmem:$0xFA80] =	vst v63  }
0x20a: {  	_ = 	snop  }
0x20b: {  	[spmem:s1] =	stream.indirect.scatter.add.f32 [tilespmem:s19], [sflag:$0x1], $0x1, s18, s14, $0xb8;
	[tilespmem:$0xFA80] =	vst v63  }
0x20c: {  	_ = 	snop  }
0x20d: {  	[spmem:s1] =	stream.indirect.scatter.add.f32 [tilespmem:s21], [sflag:$0x1], $0x1, s20, s14, $0xb8;
	[tilespmem:$0xFA80] =	vst v63  }
0x20e: {  	_ = 	snop  }
0x20f: {  	[spmem:s1] =	stream.indirect.scatter.add.f32 [tilespmem:s23], [sflag:$0x1], $0x1, s22, s14, $0xb8;
	[tilespmem:$0xFA80] =	vst v63  }
0x210: {  	_ =	swait.ge [sflag:s24], $0x200  }
0x211: {  	[sflag:s24] =	ssyncset.done $0x0  }
0x212: {  	[sflag:s24] =	ssyncadd.s32 $0xFFFFFE00  }
0x213: {  	_ =	swait.ge [sflag:s24], $0x200  }
0x214: {  	[sflag:s24] =	ssyncset.done $0x0  }
0x215: {  	[sflag:s24] =	ssyncadd.s32 $0xFFFFFE00  }
0x216: {  	_ =	swait.ge [sflag:s24], $0x200  }
0x217: {  	[sflag:s24] =	ssyncset.done $0x0  }
0x218: {  	[sflag:s24] =	ssyncadd.s32 $0xFFFFFE00  }
0x219: {  	p0 =	sne.s32 s28, $0x2D;
	_ =	swait.ge [sflag:s24], $0x200  }
.Ltmp0:
0x21a: {  	[sflag:s24] =	ssyncset.done $0x0;
	(pc) =	sbr.rel @p0 .LBB2_2-.Ltmp0, $4  }
0x21b: {  	[sflag:s24] =	ssyncadd.s32 $0xFFFFFE00  }
0x21c: {  	_ =	swait.ge [sflag:s24], $0x200  }
0x21d: {  	[sflag:s24] =	ssyncset.done $0x0  }
0x21e: {  	s28 =	sadd.s32 $0x5, s28;
	s26 =	sadd.s32 $0x140, s26;
	[sflag:s24] =	ssyncadd.s32 $0xFFFFFE00  }
0x21f: {  	[bflag:$0x0] =	sbarrier.arrive $0xFFFF  }
0x220: {  	[tilespmem:s10], [sflag:$0x2] =	stream.linear.gather [spmem:s6], $0xC40, $0x38;
	[tilespmem:$0xFA80] =	vst v63  }
0x221: {  	s25 =	sadd.s32 $0x1, s25;
	_ =	swait.ge [sflag:s11], $0xC40  }
0x222: {  	p0 =	sne.s32 s25, s8;
	[sflag:s11] =	ssyncset.done $0x0  }
.Ltmp1:
0x223: {  	[sflag:s11] =	ssyncadd.s32 $0xFFFFF3C0;
	(pc) =	sbr.rel @p0 .LBB2_1-.Ltmp1, $4  }
0x224: {  	[hbm4b:s7+s3] =	stream.linear.scatter [tilespmem:s10], [sflag:$0x2], $0xC40, $0x38;
	[tilespmem:$0xFA80] =	vst v63  }
0x225: {  	_ =	swait.ge [sflag:s11], $0xC40  }
0x226: {  	[sflag:s11] =	ssyncset.done $0x0  }
0x227: {  	[sflag:s11] =	ssyncadd.s32 $0xFFFFF3C0  }
0x228: {  	_ =	sfence.sel $0x180000  }
0x229: {  	[bflag:$0x0] =	sbarrier.arrive $0xFFFF  }
0x22a: {  	p0 =	sne.s32 s2, $0x0;
	_ =	strace $0x9000004A  }
0x22b: {  	s0 =	sadd.s32 @!p0 $0x100000, s0;
	[bflag:$0x2] =	sbarrier.arrive $0xFFFF  }
0x22c: {  	[sflag:s0] =	ssyncadd.tile.s32 @!p0 $0x1;
	_ =	shalt  }
.Lfunc_end2:
_tile_overlayer_lowered:
.L_overlay_start_2:
0x22d: {  	(tag) =	ssettag $0x2  }
0x22e: {  	s0 =	rddreg [dreg:$0x0];
	s2 =	stileid.u32  }
0x22f: {  	s1 =	rddreg [dreg:$0x1];
	p0 =	sne.s32 s2, $0x0  }
0x230: {  	s3 =	rddreg [dreg:$0x2];
	[bflag:$0x3] =	sbarrier.arrive $0xFFFF;
	s2 =	simm.s32 @!p0 $0x1C02  }
0x231: {  	[timem:s3], [sflag:s2] =	dma.local @!p0 [hbm:s0], s1  }
0x232: {  	s0 =	simm.s32 @!p0 $0x2  }
0x233: {  	_ =	swait.ge @!p0 [sflag:s0], s1  }
0x234: {  	s1 =	ssub.s32 @!p0 $0x0, s1;
	[sflag:s0] =	ssyncset.done @!p0 $0x0  }
0x235: {  	[sflag:s0] =	ssyncadd.s32 @!p0 s1  }
0x236: {  	[bflag:$0x3] =	sbarrier.arrive $0xFFFF  }
0x237: {  	_ =	shalt  }

// kernel: kernel.13.cloned.1.call-start
scs
__scs_entry_jumppad:
0x0: {  	(pc) =	sbr.rel $0x88, $3  }
0x1: {  	(tag) =	ssettag $0x0;
	lr =	simm.s32 $0x1  }
0x2: {  	[smem:$0x3F97] =	sst lr;
	_ =	strace $0xD0000000  }
0x3: {  	_ = 	snop  }
0x4: {  	_ = 	snop  }
0x5: {  	_ = 	snop  }
0x6: {  	_ = 	snop  }
0x7: {  	_ = 	snop  }
__scs_overlays_trampoline_lowered:
0x8: {  	[smem:$0x3FA6] =	sst s0  }
0x9: {  	[smem:$0x3FA7] =	sst s1  }
0xa: {  	[smem:$0x3FA8] =	sst s2  }
0xb: {  	[smem:$0x3FA9] =	sst s3  }
0xc: {  	[smem:$0x3FAA] =	sst s4  }
0xd: {  	[smem:$0x3FAB] =	sst s5  }
0xe: {  	[smem:$0x3FAC] =	sst s6  }
0xf: {  	[smem:$0x3FAD] =	sst s7  }
0x10: {  	[smem:$0x3FAE] =	sst s8  }
0x11: {  	[smem:$0x3FAF] =	sst s9;
	s0 =	simm.s32 @!p0 $0x0  }
0x12: {  	s1 =	sld [smem:$0x3F95];
	s0 =	simm.s32 @p0 $0x1  }
0x13: {  	[smem:$0x3FB0] =	sst s0;
	s0 =	simm.s32 @!p1 $0x0  }
0x14: {  	s2 =	sld [smem:$0x3F94];
	s0 =	simm.s32 @p1 $0x1  }
0x15: {  	[smem:$0x3FB1] =	sst s0;
	s0 =	simm.s32 @!p2 $0x0  }
0x16: {  	s3 =	sld [smem:$0x3FDB];
	s0 =	simm.s32 @p2 $0x1  }
0x17: {  	s4 =	simm.s32 $0x1BF5;
	[smem:$0x3FB3] =	sst s0  }
0x18: {  	s0 =	sld [smem:$0x3F96];
	_ =	swait.ge [sflag:s4], $0x0  }
0x19: {  	s7 =	sld [smem:$0x3F97]  }
0x1a: {  	s8 =	sadd.s32 $0xFFFFE003, lr  }
0x1b: {  	s9 =	sadd.s32 $0xFFFFFEF7, lr;
	s5 =	simm.s32 $0xFFFFFFFF;
	p2 =	slt.u32 s8, $0xFFFFF086  }
0x1c: {  	p1 =	slt.u32 s9, $0xF7A;
	s5 =	simm.s32 @!p2 $0x0  }
0x1d: {  	s5 =	simm.s32 @p1 $0x1;
	p0 =	seq.s32 s7, s2  }
0x1e: {  	s7 =	smul.u32 @!p0 $0xF7A, s2;
	p2 =	seq.s32 @!p0 s5, $0x0  }
0x1f: {  	s9 =	smul.u32 $0xF7A, s1;
	s8 =	simm.s32 @!p0 $0x1BF5;
	p2 =	por !p2, p0  }
0x20: {  	[sflag:s8] =	ssyncset.s32 @!p0 $0xFFFFF086;
	s6 =	sadd.s32 @!p0 s3, s7;
	s7 =	simm.s32 @!p0 $0x108  }
0x21: {  	s3 =	sadd.s32 s3, s9;
	s6 =	sadd.s32 @!p0 $0x88, s6;
	s7 =	simm.s32 @p2 $0x1082  }
0x22: {  	[simem:s7], [sflag:s8] =	dma.local @!p0 [hbm:s6], $0xF7A  }
0x23: {  	s9 =	sor.u32 $0xD0000000, s2;
	s6 =	simm.s32 $0x108;
	_ =	swait.ge @!p0 [sflag:s8], $0x0  }
0x24: {  	s3 =	sadd.s32 $0x88, s3;
	s6 =	simm.s32 @!p1 $0x1082;
	[sflag:s4] =	ssyncset.s32 $0xFFFFF086  }
0x25: {  	[simem:s6], [sflag:s4] =	dma.local [hbm:s3], $0xF7A  }
0x26: {  	[smem:$0x3F97] =	sst s1;
	(tag) =	ssettag s2;
	_ =	strace s9  }
0x27: {  	s1 =	sld [smem:$0x3FA7]  }
0x28: {  	s2 =	sld [smem:$0x3FA8]  }
0x29: {  	s4 =	sld [smem:$0x3FAA]  }
0x2a: {  	p0 =	seq.s32 s5, $0x0;
	s5 =	sld [smem:$0x3FAB]  }
0x2b: {  	s6 =	sld [smem:$0x3FAC]  }
0x2c: {  	s7 =	sld [smem:$0x3FAD]  }
0x2d: {  	s3 =	simm.s32 $0x108;
	s8 =	sld [smem:$0x3FAE]  }
0x2e: {  	s3 =	simm.s32 @!p0 $0x1082;
	s9 =	sld [smem:$0x3FAF]  }
0x2f: {  	lr =	sadd.s32 s0, s3;
	s0 =	sld [smem:$0x3FA6]  }
0x30: {  	s3 =	sld [smem:$0x3FA9]  }
0x31: {  	[smem:$0x3FB2] =	sst s10  }
0x32: {  	s10 =	sld [smem:$0x3FB0];
	_ =	sdelay $0x3  }
0x33: {  	p0 =	seq.s32 s10, $0x1;
	s10 =	sld [smem:$0x3FB2];
	_ =	sdelay $0x3  }
0x34: {  	[smem:$0x3FB2] =	sst s10  }
0x35: {  	s10 =	sld [smem:$0x3FB1];
	_ =	sdelay $0x3  }
0x36: {  	p1 =	seq.s32 s10, $0x1;
	s10 =	sld [smem:$0x3FB2];
	_ =	sdelay $0x3  }
0x37: {  	[smem:$0x3FB2] =	sst s10  }
0x38: {  	s10 =	sld [smem:$0x3FB3]  }
0x39: {  	_ = 	snop;
	(pc) =	sbr.ind lr, $3  }
0x3a: {  	_ = 	snop  }
0x3b: {  	_ = 	snop  }
0x3c: {  	p2 =	seq.s32 s10, $0x1;
	s10 =	sld [smem:$0x3FB2]  }
0x3d: {  	_ =	shalt  }
0x3e: {  	_ =	shalt  }
0x3f: {  	_ =	shalt  }
0x40: {  	_ =	shalt  }
0x41: {  	_ =	shalt  }
0x42: {  	_ =	shalt  }
0x43: {  	_ =	shalt  }
0x44: {  	_ =	shalt  }
0x45: {  	_ =	shalt  }
0x46: {  	_ =	shalt  }
0x47: {  	_ =	shalt  }
0x48: {  	_ =	shalt  }
0x49: {  	_ =	shalt  }
0x4a: {  	_ =	shalt  }
0x4b: {  	_ =	shalt  }
0x4c: {  	_ =	shalt  }
0x4d: {  	_ =	shalt  }
0x4e: {  	_ =	shalt  }
0x4f: {  	_ =	shalt  }
0x50: {  	_ =	shalt  }
0x51: {  	_ =	shalt  }
0x52: {  	_ =	shalt  }
0x53: {  	_ =	shalt  }
0x54: {  	_ =	shalt  }
0x55: {  	_ =	shalt  }
0x56: {  	_ =	shalt  }
0x57: {  	_ =	shalt  }
0x58: {  	_ =	shalt  }
0x59: {  	_ =	shalt  }
0x5a: {  	_ =	shalt  }
0x5b: {  	_ =	shalt  }
0x5c: {  	_ =	shalt  }
0x5d: {  	_ =	shalt  }
0x5e: {  	_ =	shalt  }
0x5f: {  	_ =	shalt  }
0x60: {  	_ =	shalt  }
0x61: {  	_ =	shalt  }
0x62: {  	_ =	shalt  }
0x63: {  	_ =	shalt  }
0x64: {  	_ =	shalt  }
0x65: {  	_ =	shalt  }
0x66: {  	_ =	shalt  }
0x67: {  	_ =	shalt  }
0x68: {  	_ =	shalt  }
0x69: {  	_ =	shalt  }
0x6a: {  	_ =	shalt  }
0x6b: {  	_ =	shalt  }
0x6c: {  	_ =	shalt  }
0x6d: {  	_ =	shalt  }
0x6e: {  	_ =	shalt  }
0x6f: {  	_ =	shalt  }
0x70: {  	_ =	shalt  }
0x71: {  	_ =	shalt  }
0x72: {  	_ =	shalt  }
0x73: {  	_ =	shalt  }
0x74: {  	_ =	shalt  }
0x75: {  	_ =	shalt  }
0x76: {  	_ =	shalt  }
0x77: {  	_ =	shalt  }
0x78: {  	_ =	shalt  }
0x79: {  	_ =	shalt  }
0x7a: {  	_ =	shalt  }
0x7b: {  	_ =	shalt  }
0x7c: {  	_ =	shalt  }
0x7d: {  	_ =	shalt  }
0x7e: {  	_ =	shalt  }
0x7f: {  	_ =	shalt  }
0x80: {  	_ =	shalt  }
0x81: {  	_ =	shalt  }
0x82: {  	_ =	shalt  }
0x83: {  	_ =	shalt  }
0x84: {  	_ =	shalt  }
0x85: {  	_ =	shalt  }
0x86: {  	_ =	shalt  }
0x87: {  	_ =	shalt  }
.Lfunc_end0:
.L_simem_size_0:
called_computation.2_lowered:
.L_overlay_start_0:
0x88: {  	s2 =	sld [smem:$0x3FD9]  }
0x89: {  	s3 =	sld [smem:$0x3FFE];
	_ =	sdelay $0x1  }
0x8a: {  	s1 =	srdreg.scid  }
0x8b: {  	s0 =	sand.u32 $0x1, s1  }
0x8c: {  	s16 =	sshll.u32 s0, $0xA;
	s2 =	sadd.s32 s3, s2  }
0x8d: {  	s2 =	sadd.s32 s2, s16  }
0x8e: {  	[smem:$0x3FBE] =	sst s2  }
0x8f: {  	_ = 	snop  }
0x90: {  	(tm) =	ssettm $0x1  }
0x91: {  	s17 =	sld [smem:$0x3FFB];
	_ =	sdelay $0x3  }
0x92: {  	_ =	strace s17  }
0x93: {  	s2 =	sld [smem:$0x3FFC];
	_ =	sdelay $0x3  }
0x94: {  	_ =	strace s2  }
0x95: {  	s2 =	sld [smem:$0x3FFD];
	_ =	sdelay $0x3  }
0x96: {  	_ =	strace s2  }
0x97: {  	_ =	strace $0x8FFFFFFF  }
0x98: {  	s18 =	sld [smem:$0x3FDB];
	_ =	sdelay $0x1  }
0x99: {  	s19 =	simm.s32 $_scs_section_size  }
0x9a: {  	s4 =	simm.s32 $_size__tile_overlayer_lowered;
	s5 =	simm.s32 $_tile_overlayer_lowered  }
0x9b: {  	s22 =	simm.s32 $0x1BFF;
	s21 =	sshll.u32 s5, $0x1;
	s2 =	sadd.s32 s19, s18  }
0x9c: {  	s6 =	simm.s32 $0x0;
	s20 =	sshll.u32 s4, $0x1;
	s4 =	sadd.s32 s21, s2  }
0x9d: {  	[timem:s6], [sflag:s22] =	dma.local [hbm:s4], s20  }
0x9e: {  	_ =	swait.ge [sflag:s22], s20  }
0x9f: {  	s3 =	ssub.s32 $0x0, s20;
	[sflag:s22] =	ssyncset.done $0x0  }
0xa0: {  	[sflag:s22] =	ssyncadd.s32 s3;
	_ =	sdelay $0x1  }
0xa1: {  	s23 =	simm.s32 $0x1B8B  }
0xa2: {  	_ =	swait.ge [sflag:s23], $0x1  }
0xa3: {  	[sflag:s23] =	ssyncset.done $0x0  }
0xa4: {  	s25 =	simm.s32 $0x1B8E;
	s24 =	sld [smem:$0x3FFE];
	[sflag:s23] =	ssyncadd.s32 $0xFFFFFFFF  }
0xa5: {  	s26 =	simm.s32 $execute0_lowered;
	[smem:$0x3FD2] =	sst s25  }
0xa6: {  	s4 =	sshll.u32 s26, $0x1;
	_ =	strace $0x8000004C;
	[dreg:$0x1] =	wrdreg $0xFFFFFFFF  }
0xa7: {  	s28 =	simm.s32 $_size_execute0_lowered;
	s2 =	sadd.s32 s2, s4;
	[dreg:$0x0] =	wrdreg $0x0  }
0xa8: {  	s4 =	sshll.u32 s28, $0x1;
	[dreg:$0x2] =	wrdreg s2  }
0xa9: {  	[dreg:$0x3] =	wrdreg s4  }
0xaa: {  	[dreg:$0x4] =	wrdreg $0xC0  }
0xab: {  	_ =	task [dreg:s6], $0x5FFFF  }
0xac: {  	[dreg:$0x1] =	wrdreg $0xFFFFFFFF  }
0xad: {  	[dreg:$0x0] =	wrdreg $0x60  }
0xae: {  	[dreg:$0x2] =	wrdreg s24  }
0xaf: {  	[dreg:$0x3] =	wrdreg $0x10C000  }
0xb0: {  	[dreg:$0x4] =	wrdreg $0x9  }
0xb1: {  	_ =	task.clear_ibuf [dreg:s6], $0x5FFFF;
	_ =	strace $0x9000004C  }
0xb2: {  	s29 =	simm.s32 $0x9;
	_ =	strace $0x8000004E  }
0xb3: {  	_ =	swait.ge [sflag:s29], $0x1  }
0xb4: {  	[sflag:s29] =	ssyncadd.s32 $0xFFFFFFFF  }
0xb5: {  	_ =	strace $0x9000004E  }
0xb6: {  	_ =	sfence  }
0xb7: {  	s30 =	sld [smem:$0x0];
	_ =	sdelay $0x2  }
0xb8: {  	s31 =	sshll.u32 s1, $0xD;
	s1 =	sshrl.u32 s1, $0x2  }
0xb9: {  	s3 =	sand.u32 $0x4000, s31;
	s1 =	sadd.s32 s1, s30  }
0xba: {  	s0 =	sor.u32 s3, s0;
	s1 =	sshll.u32 s1, $0x11  }
0xbb: {  	s0 =	sor.u32 s1, s0  }
0xbc: {  	s0 =	sadd.s32 $0x8F2B, s0  }
0xbd: {  	[sflag:s0] =	ssyncadd.remote.s32 $0x1  }
0xbe: {  	_ =	sfence.sel $0xFFFF  }
0xbf: {  	[dreg:$0x0] =	wrdreg $0xFFFFFFFF;
	(pc) =	sbr.abs _section_cstart, $3  }
0xc0: {  	[dreg:$0x1] =	wrdreg $0xFFFFFFFF  }
0xc1: {  	_ =	task.clear_ibuf [dreg:s6], $0x2FFFF;
	_ =	strace $0x9FFFFFFF  }
0xc2: {  	(tm) =	ssettm $0x7FFFFFFF  }
0xc3: {  	_ =	shalt  }
tec
execute0_lowered:
.L_overlay_start_1:
0x0: {  	(tag) =	ssettag $0x1  }
0x1: {  	s5 =	rddreg [dreg:$0x0]  }
0x2: {  	s2 =	rddreg [dreg:$0x1]  }
0x3: {  	s0 =	rddreg [dreg:$0x2]  }
0x4: {  	s3 =	simm.s32 $0x0;
	s1 =	stileid.u32;
	s7 =	srdreg.scid  }
0x5: {  	s16 =	simm.s32 $0x1;
	s17 =	simm.s32 $0x600;
	s18 =	simm.s32 $0x2  }
0x6: {  	s19 =	simm.s32 $0x0;
	[smem:$0x7FF] =	sst s3;
	s4 =	smul.u32 $0x1900, s1  }
0x7: {  	s6 =	smul.u32 $0xC400, s1;
	s7 =	sand.u32 $0x1, s7;
	s11 =	sadd.s32 $0x1BC400, s5  }
0x8: {  	s14 =	sadd.s32 $0x7DC00, s5;
	s15 =	sadd.s32 $0x65400, s5;
	_ =	strace $0x8000004D  }
0x9: {  	s10 =	ssub.s32 $0x2, s7;
	p0 =	seq.s32 s7, $0x1;
	s9 =	sadd.s32 s4, s5  }
0xa: {  	s4 =	sadd.s32 $0x34400, s5;
	s8 =	sshrl.u32 s6, $0x3;
	s13 =	sshrl.u32 s10, $0x1  }
0xb: {  	s6 =	sadd.s32 s6, s2;
	s14 =	smov.u32 @p0 s15;
	s15 =	simm.s32 $0x2800  }
0xc: {  	s12 =	sadd.s32 s8, s5;
	s10 =	ssub.s32 s10, s13;
	s4 =	smov.u32 @p0 s11  }
0xd: {  	s8 =	sadd.s32 s14, s8;
	s9 =	sadd.s32 $0x1B400, s9;
	s11 =	simm.s32 $0x3  }
0xe: {  	s13 =	simm.s32 $0x200;
	s14 =	simm.s32 $0x800;
	s5 =	sadd.s32 $0x4CC00, s12  }
0xf: {  	s7 =	smax.u32 s10, $0x1;
	s10 =	simm.s32 $0x4800;
	s12 =	simm.s32 $0x400  }
.LBB2_1:
0x10: {  	[tilespmem:s10], [sflag:$0x3] =	stream.linear.gather [hbm4b:s5+s3], $0xC400, $0x38;
	[tilespmem:$0x1D000] =	vst v63  }
0x11: {  	_ =	swait.ge [sflag:s11], $0xC400  }
0x12: {  	[sflag:s11] =	ssyncset.done $0x0  }
0x13: {  	[sflag:s11] =	ssyncadd.s32 $0xFFFF3C00  }
0x14: {  	[spmem:s6] =	stream.linear.scatter [tilespmem:s10], [sflag:$0x3], $0xC400, $0x38;
	[tilespmem:$0x1D000] =	vst v63  }
0x15: {  	_ =	swait.ge [sflag:s11], $0xC400  }
0x16: {  	[sflag:s11] =	ssyncset.done $0x0  }
0x17: {  	[sflag:s11] =	ssyncadd.s32 $0xFFFF3C00  }
0x18: {  	s20 =	sadd.s32 $0xFFFE7000, s9;
	[bflag:$0x0] =	sbarrier.arrive $0xFFFF  }
0x19: {  	[tilespmem:s3], [sflag:$0x3] =	stream.linear.gather [hbm4b:s20+s3], $0x400, $0x38;
	[tilespmem:$0x1D000] =	vst v63  }
0x1a: {  	_ =	swait.ge [sflag:s11], $0x400  }
0x1b: {  	[sflag:s11] =	ssyncset.done $0x0  }
0x1c: {  	[sflag:s11] =	ssyncadd.s32 $0xFFFFFC00  }
0x1d: {  	[tilespmem:s12], [sflag:$0x3] =	stream.linear.gather [hbm4b:s9+s3], $0x400, $0x38;
	[tilespmem:$0x1D000] =	vst v63  }
0x1e: {  	_ =	swait.ge [sflag:s11], $0x400  }
0x1f: {  	[sflag:s11] =	ssyncset.done $0x0  }
0x20: {  	[sflag:s11] =	ssyncadd.s32 $0xFFFFFC00  }
0x21: {  	[tilespmem:s14], [sflag:$0x1] =	stream.indirect.gather [hbm4b:s4+s13], $0x10, s3, s13, $0xb8;
	[tilespmem:$0x1D000] =	vst v63  }
0x22: {  	_ = 	snop  }
0x23: {  	[tilespmem:s15], [sflag:$0x1] =	stream.indirect.gather [hbm4b:s4+s13], $0x10, s13, s13, $0xb8;
	[tilespmem:$0x1D000] =	vst v63  }
0x24: {  	_ =	swait.ge [sflag:s16], $0x2000  }
0x25: {  	[sflag:s16] =	ssyncset.done $0x0  }
0x26: {  	[sflag:s16] =	ssyncadd.s32 $0xFFFFE000  }
0x27: {  	[spmem:s2] =	stream.indirect.scatter.add.f32 [tilespmem:s14], [sflag:$0x2], $0x10, s12, s13, $0xb8;
	[tilespmem:$0x1D000] =	vst v63  }
0x28: {  	_ =	swait.ge [sflag:s16], $0x2000  }
0x29: {  	[sflag:s16] =	ssyncset.done $0x0  }
0x2a: {  	[sflag:s16] =	ssyncadd.s32 $0xFFFFE000  }
0x2b: {  	[spmem:s2] =	stream.indirect.scatter.add.f32 [tilespmem:s15], [sflag:$0x2], $0x10, s17, s13, $0xb8;
	[tilespmem:$0x1D000] =	vst v63  }
0x2c: {  	_ =	swait.ge [sflag:s18], $0x2000  }
0x2d: {  	[sflag:s18] =	ssyncset.done $0x0  }
0x2e: {  	[sflag:s18] =	ssyncadd.s32 $0xFFFFE000  }
0x2f: {  	_ =	swait.ge [sflag:s18], $0x2000  }
0x30: {  	s21 =	simm.s32 $0x4;
	s20 =	sadd.s32 $0x80, s9;
	[sflag:s18] =	ssyncset.done $0x0  }
.LBB2_2:
0x31: {  	p0 =	sne.s32 s21, $0x62;
	s22 =	sadd.s32 $0xFFFE7000, s20;
	[sflag:s18] =	ssyncadd.s32 $0xFFFFE000  }
0x32: {  	[tilespmem:s3], [sflag:$0x3] =	stream.linear.gather [hbm4b:s22+s3], $0x400, $0x38;
	[tilespmem:$0x1D000] =	vst v63  }
0x33: {  	s21 =	sadd.s32 $0x2, s21;
	_ =	swait.ge [sflag:s11], $0x400  }
0x34: {  	[sflag:s11] =	ssyncset.done $0x0  }
0x35: {  	[sflag:s11] =	ssyncadd.s32 $0xFFFFFC00  }
0x36: {  	[tilespmem:s12], [sflag:$0x3] =	stream.linear.gather [hbm4b:s20+s3], $0x400, $0x38;
	[tilespmem:$0x1D000] =	vst v63  }
0x37: {  	_ =	swait.ge [sflag:s11], $0x400  }
0x38: {  	[sflag:s11] =	ssyncset.done $0x0  }
0x39: {  	[sflag:s11] =	ssyncadd.s32 $0xFFFFFC00  }
0x3a: {  	[tilespmem:s14], [sflag:$0x1] =	stream.indirect.gather [hbm4b:s4+s13], $0x10, s3, s13, $0xb8;
	[tilespmem:$0x1D000] =	vst v63  }
0x3b: {  	_ = 	snop  }
0x3c: {  	[tilespmem:s15], [sflag:$0x1] =	stream.indirect.gather [hbm4b:s4+s13], $0x10, s13, s13, $0xb8;
	[tilespmem:$0x1D000] =	vst v63  }
0x3d: {  	_ =	swait.ge [sflag:s16], $0x2000  }
0x3e: {  	[sflag:s16] =	ssyncset.done $0x0  }
0x3f: {  	[sflag:s16] =	ssyncadd.s32 $0xFFFFE000  }
0x40: {  	[spmem:s2] =	stream.indirect.scatter.add.f32 [tilespmem:s14], [sflag:$0x2], $0x10, s12, s13, $0xb8;
	[tilespmem:$0x1D000] =	vst v63  }
0x41: {  	_ =	swait.ge [sflag:s16], $0x2000  }
0x42: {  	[sflag:s16] =	ssyncset.done $0x0  }
0x43: {  	[sflag:s16] =	ssyncadd.s32 $0xFFFFE000  }
0x44: {  	[spmem:s2] =	stream.indirect.scatter.add.f32 [tilespmem:s15], [sflag:$0x2], $0x10, s17, s13, $0xb8;
	[tilespmem:$0x1D000] =	vst v63  }
.Ltmp0:
0x45: {  	_ =	swait.ge [sflag:s18], $0x2000;
	(pc) =	sbr.rel @p0 .LBB2_2-.Ltmp0, $4  }
0x46: {  	[sflag:s18] =	ssyncset.done $0x0  }
0x47: {  	[sflag:s18] =	ssyncadd.s32 $0xFFFFE000  }
0x48: {  	_ =	swait.ge [sflag:s18], $0x2000  }
0x49: {  	s20 =	sadd.s32 $0x80, s20;
	[sflag:s18] =	ssyncset.done $0x0  }
0x4a: {  	s21 =	sadd.s32 $0xFFFE7000, s20;
	[sflag:s18] =	ssyncadd.s32 $0xFFFFE000  }
0x4b: {  	[tilespmem:s3], [sflag:$0x3] =	stream.linear.gather [hbm4b:s21+s3], $0x400, $0x38;
	[tilespmem:$0x1D000] =	vst v63  }
0x4c: {  	_ =	swait.ge [sflag:s11], $0x400  }
0x4d: {  	[sflag:s11] =	ssyncset.done $0x0  }
0x4e: {  	[sflag:s11] =	ssyncadd.s32 $0xFFFFFC00  }
0x4f: {  	[tilespmem:s12], [sflag:$0x3] =	stream.linear.gather [hbm4b:s20+s3], $0x400, $0x38;
	[tilespmem:$0x1D000] =	vst v63  }
0x50: {  	_ =	swait.ge [sflag:s11], $0x400  }
0x51: {  	[sflag:s11] =	ssyncset.done $0x0  }
0x52: {  	[sflag:s11] =	ssyncadd.s32 $0xFFFFFC00  }
0x53: {  	[tilespmem:s14], [sflag:$0x1] =	stream.indirect.gather [hbm4b:s4+s13], $0x10, s3, s13, $0xb8;
	[tilespmem:$0x1D000] =	vst v63  }
0x54: {  	_ = 	snop  }
0x55: {  	[tilespmem:s15], [sflag:$0x1] =	stream.indirect.gather [hbm4b:s4+s13], $0x10, s13, s13, $0xb8;
	[tilespmem:$0x1D000] =	vst v63  }
0x56: {  	_ =	swait.ge [sflag:s16], $0x2000  }
0x57: {  	[sflag:s16] =	ssyncset.done $0x0  }
0x58: {  	[sflag:s16] =	ssyncadd.s32 $0xFFFFE000  }
0x59: {  	[spmem:s2] =	stream.indirect.scatter.add.f32 [tilespmem:s14], [sflag:$0x2], $0x10, s12, s13, $0xb8;
	[tilespmem:$0x1D000] =	vst v63  }
0x5a: {  	_ =	swait.ge [sflag:s16], $0x2000  }
0x5b: {  	[sflag:s16] =	ssyncset.done $0x0  }
0x5c: {  	[sflag:s16] =	ssyncadd.s32 $0xFFFFE000  }
0x5d: {  	[spmem:s2] =	stream.indirect.scatter.add.f32 [tilespmem:s15], [sflag:$0x2], $0x10, s17, s13, $0xb8;
	[tilespmem:$0x1D000] =	vst v63  }
0x5e: {  	_ =	swait.ge [sflag:s18], $0x2000  }
0x5f: {  	[sflag:s18] =	ssyncset.done $0x0  }
0x60: {  	[sflag:s18] =	ssyncadd.s32 $0xFFFFE000  }
0x61: {  	_ =	swait.ge [sflag:s18], $0x2000  }
0x62: {  	[sflag:s18] =	ssyncset.done $0x0  }
0x63: {  	[sflag:s18] =	ssyncadd.s32 $0xFFFFE000  }
0x64: {  	[bflag:$0x0] =	sbarrier.arrive $0xFFFF  }
0x65: {  	[tilespmem:s10], [sflag:$0x3] =	stream.linear.gather [spmem:s6], $0xC400, $0x38;
	[tilespmem:$0x1D000] =	vst v63  }
0x66: {  	s19 =	sadd.s32 $0x1, s19;
	_ =	swait.ge [sflag:s11], $0xC400  }
0x67: {  	p0 =	sne.s32 s19, s7;
	[sflag:s11] =	ssyncset.done $0x0  }
.Ltmp1:
0x68: {  	[sflag:s11] =	ssyncadd.s32 $0xFFFF3C00;
	(pc) =	sbr.rel @p0 .LBB2_1-.Ltmp1, $4  }
0x69: {  	[hbm4b:s8+s3] =	stream.linear.scatter [tilespmem:s10], [sflag:$0x3], $0xC400, $0x38;
	[tilespmem:$0x1D000] =	vst v63  }
0x6a: {  	_ =	swait.ge [sflag:s11], $0xC400  }
0x6b: {  	[sflag:s11] =	ssyncset.done $0x0  }
0x6c: {  	[sflag:s11] =	ssyncadd.s32 $0xFFFF3C00  }
0x6d: {  	_ =	sfence.sel $0x180000  }
0x6e: {  	[bflag:$0x0] =	sbarrier.arrive $0xFFFF  }
0x6f: {  	p0 =	sne.s32 s1, $0x0;
	_ =	strace $0x9000004D  }
0x70: {  	s0 =	sadd.s32 @!p0 $0x100000, s0;
	[bflag:$0x2] =	sbarrier.arrive $0xFFFF  }
0x71: {  	[sflag:s0] =	ssyncadd.tile.s32 @!p0 $0x1;
	_ =	shalt  }
.Lfunc_end2:
_tile_overlayer_lowered:
.L_overlay_start_2:
0x72: {  	(tag) =	ssettag $0x2  }
0x73: {  	s0 =	rddreg [dreg:$0x0];
	s2 =	stileid.u32  }
0x74: {  	s1 =	rddreg [dreg:$0x1];
	p0 =	sne.s32 s2, $0x0  }
0x75: {  	s3 =	rddreg [dreg:$0x2];
	[bflag:$0x3] =	sbarrier.arrive $0xFFFF;
	s2 =	simm.s32 @!p0 $0x1C03  }
0x76: {  	[timem:s3], [sflag:s2] =	dma.local @!p0 [hbm:s0], s1  }
0x77: {  	s0 =	simm.s32 @!p0 $0x3  }
0x78: {  	_ =	swait.ge @!p0 [sflag:s0], s1  }
0x79: {  	s1 =	ssub.s32 @!p0 $0x0, s1;
	[sflag:s0] =	ssyncset.done @!p0 $0x0  }
0x7a: {  	[sflag:s0] =	ssyncadd.s32 @!p0 s1  }
0x7b: {  	[bflag:$0x3] =	sbarrier.arrive $0xFFFF  }
0x7c: {  	_ =	shalt  }

// kernel: kernel.7.cloned.1.call-start
scs
__scs_entry_jumppad:
0x0: {  	(pc) =	sbr.rel $0x88, $3  }
0x1: {  	(tag) =	ssettag $0x0;
	lr =	simm.s32 $0x1  }
0x2: {  	[smem:$0x3F97] =	sst lr;
	_ =	strace $0xD0000000  }
0x3: {  	_ = 	snop  }
0x4: {  	_ = 	snop  }
0x5: {  	_ = 	snop  }
0x6: {  	_ = 	snop  }
0x7: {  	_ = 	snop  }
__scs_overlays_trampoline_lowered:
0x8: {  	[smem:$0x3FA6] =	sst s0  }
0x9: {  	[smem:$0x3FA7] =	sst s1  }
0xa: {  	[smem:$0x3FA8] =	sst s2  }
0xb: {  	[smem:$0x3FA9] =	sst s3  }
0xc: {  	[smem:$0x3FAA] =	sst s4  }
0xd: {  	[smem:$0x3FAB] =	sst s5  }
0xe: {  	[smem:$0x3FAC] =	sst s6  }
0xf: {  	[smem:$0x3FAD] =	sst s7  }
0x10: {  	[smem:$0x3FAE] =	sst s8  }
0x11: {  	[smem:$0x3FAF] =	sst s9;
	s0 =	simm.s32 @!p0 $0x0  }
0x12: {  	s1 =	sld [smem:$0x3F95];
	s0 =	simm.s32 @p0 $0x1  }
0x13: {  	[smem:$0x3FB0] =	sst s0;
	s0 =	simm.s32 @!p1 $0x0  }
0x14: {  	s2 =	sld [smem:$0x3F94];
	s0 =	simm.s32 @p1 $0x1  }
0x15: {  	[smem:$0x3FB1] =	sst s0;
	s0 =	simm.s32 @!p2 $0x0  }
0x16: {  	s3 =	sld [smem:$0x3FDB];
	s0 =	simm.s32 @p2 $0x1  }
0x17: {  	s4 =	simm.s32 $0x1BF5;
	[smem:$0x3FB3] =	sst s0  }
0x18: {  	s0 =	sld [smem:$0x3F96];
	_ =	swait.ge [sflag:s4], $0x0  }
0x19: {  	s7 =	sld [smem:$0x3F97]  }
0x1a: {  	s8 =	sadd.s32 $0xFFFFE003, lr  }
0x1b: {  	s9 =	sadd.s32 $0xFFFFFEF7, lr;
	s5 =	simm.s32 $0xFFFFFFFF;
	p2 =	slt.u32 s8, $0xFFFFF086  }
0x1c: {  	p1 =	slt.u32 s9, $0xF7A;
	s5 =	simm.s32 @!p2 $0x0  }
0x1d: {  	s5 =	simm.s32 @p1 $0x1;
	p0 =	seq.s32 s7, s2  }
0x1e: {  	s7 =	smul.u32 @!p0 $0xF7A, s2;
	p2 =	seq.s32 @!p0 s5, $0x0  }
0x1f: {  	s9 =	smul.u32 $0xF7A, s1;
	s8 =	simm.s32 @!p0 $0x1BF5;
	p2 =	por !p2, p0  }
0x20: {  	[sflag:s8] =	ssyncset.s32 @!p0 $0xFFFFF086;
	s6 =	sadd.s32 @!p0 s3, s7;
	s7 =	simm.s32 @!p0 $0x108  }
0x21: {  	s3 =	sadd.s32 s3, s9;
	s6 =	sadd.s32 @!p0 $0x88, s6;
	s7 =	simm.s32 @p2 $0x1082  }
0x22: {  	[simem:s7], [sflag:s8] =	dma.local @!p0 [hbm:s6], $0xF7A  }
0x23: {  	s9 =	sor.u32 $0xD0000000, s2;
	s6 =	simm.s32 $0x108;
	_ =	swait.ge @!p0 [sflag:s8], $0x0  }
0x24: {  	s3 =	sadd.s32 $0x88, s3;
	s6 =	simm.s32 @!p1 $0x1082;
	[sflag:s4] =	ssyncset.s32 $0xFFFFF086  }
0x25: {  	[simem:s6], [sflag:s4] =	dma.local [hbm:s3], $0xF7A  }
0x26: {  	[smem:$0x3F97] =	sst s1;
	(tag) =	ssettag s2;
	_ =	strace s9  }
0x27: {  	s1 =	sld [smem:$0x3FA7]  }
0x28: {  	s2 =	sld [smem:$0x3FA8]  }
0x29: {  	s4 =	sld [smem:$0x3FAA]  }
0x2a: {  	p0 =	seq.s32 s5, $0x0;
	s5 =	sld [smem:$0x3FAB]  }
0x2b: {  	s6 =	sld [smem:$0x3FAC]  }
0x2c: {  	s7 =	sld [smem:$0x3FAD]  }
0x2d: {  	s3 =	simm.s32 $0x108;
	s8 =	sld [smem:$0x3FAE]  }
0x2e: {  	s3 =	simm.s32 @!p0 $0x1082;
	s9 =	sld [smem:$0x3FAF]  }
0x2f: {  	lr =	sadd.s32 s0, s3;
	s0 =	sld [smem:$0x3FA6]  }
0x30: {  	s3 =	sld [smem:$0x3FA9]  }
0x31: {  	[smem:$0x3FB2] =	sst s10  }
0x32: {  	s10 =	sld [smem:$0x3FB0];
	_ =	sdelay $0x3  }
0x33: {  	p0 =	seq.s32 s10, $0x1;
	s10 =	sld [smem:$0x3FB2];
	_ =	sdelay $0x3  }
0x34: {  	[smem:$0x3FB2] =	sst s10  }
0x35: {  	s10 =	sld [smem:$0x3FB1];
	_ =	sdelay $0x3  }
0x36: {  	p1 =	seq.s32 s10, $0x1;
	s10 =	sld [smem:$0x3FB2];
	_ =	sdelay $0x3  }
0x37: {  	[smem:$0x3FB2] =	sst s10  }
0x38: {  	s10 =	sld [smem:$0x3FB3]  }
0x39: {  	_ = 	snop;
	(pc) =	sbr.ind lr, $3  }
0x3a: {  	_ = 	snop  }
0x3b: {  	_ = 	snop  }
0x3c: {  	p2 =	seq.s32 s10, $0x1;
	s10 =	sld [smem:$0x3FB2]  }
0x3d: {  	_ =	shalt  }
0x3e: {  	_ =	shalt  }
0x3f: {  	_ =	shalt  }
0x40: {  	_ =	shalt  }
0x41: {  	_ =	shalt  }
0x42: {  	_ =	shalt  }
0x43: {  	_ =	shalt  }
0x44: {  	_ =	shalt  }
0x45: {  	_ =	shalt  }
0x46: {  	_ =	shalt  }
0x47: {  	_ =	shalt  }
0x48: {  	_ =	shalt  }
0x49: {  	_ =	shalt  }
0x4a: {  	_ =	shalt  }
0x4b: {  	_ =	shalt  }
0x4c: {  	_ =	shalt  }
0x4d: {  	_ =	shalt  }
0x4e: {  	_ =	shalt  }
0x4f: {  	_ =	shalt  }
0x50: {  	_ =	shalt  }
0x51: {  	_ =	shalt  }
0x52: {  	_ =	shalt  }
0x53: {  	_ =	shalt  }
0x54: {  	_ =	shalt  }
0x55: {  	_ =	shalt  }
0x56: {  	_ =	shalt  }
0x57: {  	_ =	shalt  }
0x58: {  	_ =	shalt  }
0x59: {  	_ =	shalt  }
0x5a: {  	_ =	shalt  }
0x5b: {  	_ =	shalt  }
0x5c: {  	_ =	shalt  }
0x5d: {  	_ =	shalt  }
0x5e: {  	_ =	shalt  }
0x5f: {  	_ =	shalt  }
0x60: {  	_ =	shalt  }
0x61: {  	_ =	shalt  }
0x62: {  	_ =	shalt  }
0x63: {  	_ =	shalt  }
0x64: {  	_ =	shalt  }
0x65: {  	_ =	shalt  }
0x66: {  	_ =	shalt  }
0x67: {  	_ =	shalt  }
0x68: {  	_ =	shalt  }
0x69: {  	_ =	shalt  }
0x6a: {  	_ =	shalt  }
0x6b: {  	_ =	shalt  }
0x6c: {  	_ =	shalt  }
0x6d: {  	_ =	shalt  }
0x6e: {  	_ =	shalt  }
0x6f: {  	_ =	shalt  }
0x70: {  	_ =	shalt  }
0x71: {  	_ =	shalt  }
0x72: {  	_ =	shalt  }
0x73: {  	_ =	shalt  }
0x74: {  	_ =	shalt  }
0x75: {  	_ =	shalt  }
0x76: {  	_ =	shalt  }
0x77: {  	_ =	shalt  }
0x78: {  	_ =	shalt  }
0x79: {  	_ =	shalt  }
0x7a: {  	_ =	shalt  }
0x7b: {  	_ =	shalt  }
0x7c: {  	_ =	shalt  }
0x7d: {  	_ =	shalt  }
0x7e: {  	_ =	shalt  }
0x7f: {  	_ =	shalt  }
0x80: {  	_ =	shalt  }
0x81: {  	_ =	shalt  }
0x82: {  	_ =	shalt  }
0x83: {  	_ =	shalt  }
0x84: {  	_ =	shalt  }
0x85: {  	_ =	shalt  }
0x86: {  	_ =	shalt  }
0x87: {  	_ =	shalt  }
.Lfunc_end0:
.L_simem_size_0:
called_computation_lowered:
.L_overlay_start_0:
0x88: {  	s2 =	sld [smem:$0x3FD9]  }
0x89: {  	s3 =	sld [smem:$0x3FFE];
	_ =	sdelay $0x1  }
0x8a: {  	s1 =	srdreg.scid  }
0x8b: {  	s0 =	sand.u32 $0x1, s1  }
0x8c: {  	s17 =	sshll.u32 s0, $0xA;
	s2 =	sadd.s32 s3, s2  }
0x8d: {  	s2 =	sadd.s32 s2, s17  }
0x8e: {  	[smem:$0x3FBE] =	sst s2  }
0x8f: {  	_ = 	snop  }
0x90: {  	s2 =	sld [smem:$0x3FD0];
	(tm) =	ssettm $0x1  }
0x91: {  	s18 =	sld [smem:$0x3FFB];
	_ =	sdelay $0x3  }
0x92: {  	_ =	strace s18  }
0x93: {  	s3 =	sld [smem:$0x3FFC];
	_ =	sdelay $0x3  }
0x94: {  	_ =	strace s3  }
0x95: {  	s3 =	sld [smem:$0x3FFD];
	_ =	sdelay $0x3  }
0x96: {  	_ =	strace s3  }
0x97: {  	_ =	strace $0x8FFFFFFF  }
0x98: {  	s19 =	sld [smem:$0x3FDB];
	_ =	sdelay $0x1  }
0x99: {  	s4 =	simm.s32 $_scs_section_size  }
0x9a: {  	s5 =	simm.s32 $_size__tile_overlayer_lowered;
	s6 =	simm.s32 $_tile_overlayer_lowered  }
0x9b: {  	s22 =	simm.s32 $0x1BFF;
	s21 =	sshll.u32 s6, $0x1;
	s3 =	sadd.s32 s4, s19  }
0x9c: {  	s7 =	simm.s32 $0x0;
	s20 =	sshll.u32 s5, $0x1;
	s5 =	sadd.s32 s21, s3  }
0x9d: {  	[timem:s7], [sflag:s22] =	dma.local [hbm:s5], s20  }
0x9e: {  	_ =	swait.ge [sflag:s22], s20  }
0x9f: {  	s4 =	ssub.s32 $0x0, s20;
	[sflag:s22] =	ssyncset.done $0x0  }
0xa0: {  	[sflag:s22] =	ssyncadd.s32 s4;
	_ =	sdelay $0x1  }
0xa1: {  	s23 =	simm.s32 $0x1B8B  }
0xa2: {  	_ =	swait.ge [sflag:s23], $0x1  }
0xa3: {  	[sflag:s23] =	ssyncset.done $0x0  }
0xa4: {  	s25 =	simm.s32 $0x1B8E;
	s24 =	sld [smem:$0x3FFE];
	[sflag:s23] =	ssyncadd.s32 $0xFFFFFFFF  }
0xa5: {  	s26 =	simm.s32 $execute0_lowered;
	[smem:$0x3FD2] =	sst s25  }
0xa6: {  	s5 =	sshll.u32 s26, $0x1;
	_ =	strace $0x80000046;
	[dreg:$0x1] =	wrdreg $0xFFFFFFFF  }
0xa7: {  	s28 =	simm.s32 $_size_execute0_lowered;
	s3 =	sadd.s32 s3, s5;
	[dreg:$0x0] =	wrdreg $0x0  }
0xa8: {  	s5 =	sshll.u32 s28, $0x1;
	[dreg:$0x2] =	wrdreg s3  }
0xa9: {  	[dreg:$0x3] =	wrdreg s5  }
0xaa: {  	[dreg:$0x4] =	wrdreg $0xC0  }
0xab: {  	_ =	task [dreg:s7], $0x5FFFF  }
0xac: {  	[dreg:$0x1] =	wrdreg $0xFFFFFFFF  }
0xad: {  	[dreg:$0x0] =	wrdreg $0x60  }
0xae: {  	[dreg:$0x2] =	wrdreg s24  }
0xaf: {  	[dreg:$0x3] =	wrdreg s2  }
0xb0: {  	[dreg:$0x4] =	wrdreg $0x20400  }
0xb1: {  	[dreg:$0x5] =	wrdreg $0x9  }
0xb2: {  	_ =	task.clear_ibuf [dreg:s7], $0x6FFFF;
	_ =	strace $0x90000046  }
0xb3: {  	s29 =	simm.s32 $0x9;
	_ =	strace $0x80000048  }
0xb4: {  	_ =	swait.ge [sflag:s29], $0x1  }
0xb5: {  	[sflag:s29] =	ssyncadd.s32 $0xFFFFFFFF  }
0xb6: {  	_ =	strace $0x90000048  }
0xb7: {  	_ =	sfence  }
0xb8: {  	s30 =	sld [smem:$0x0];
	_ =	sdelay $0x2  }
0xb9: {  	s31 =	sshll.u32 s1, $0xD;
	s1 =	sshrl.u32 s1, $0x2  }
0xba: {  	s3 =	sand.u32 $0x4000, s31;
	s1 =	sadd.s32 s1, s30  }
0xbb: {  	s0 =	sor.u32 s3, s0;
	s1 =	sshll.u32 s1, $0x11  }
0xbc: {  	s0 =	sor.u32 s1, s0  }
0xbd: {  	s0 =	sadd.s32 $0x8F2B, s0  }
0xbe: {  	[sflag:s0] =	ssyncadd.remote.s32 $0x1  }
0xbf: {  	_ =	sfence.sel $0xFFFF  }
0xc0: {  	[dreg:$0x0] =	wrdreg $0xFFFFFFFF;
	(pc) =	sbr.abs _section_cstart, $3  }
0xc1: {  	[dreg:$0x1] =	wrdreg $0xFFFFFFFF  }
0xc2: {  	_ =	task.clear_ibuf [dreg:s7], $0x2FFFF;
	_ =	strace $0x9FFFFFFF  }
0xc3: {  	(tm) =	ssettm $0x7FFFFFFF  }
tec
execute0_lowered:
.L_overlay_start_1:
0x0: {  	(tag) =	ssettag $0x1  }
0x1: {  	s5 =	rddreg [dreg:$0x0]  }
0x2: {  	s1 =	rddreg [dreg:$0x1];
	s0 =	srdreg.scid  }
0x3: {  	s3 =	rddreg [dreg:$0x2];
	s2 =	stileid.u32;
	s4 =	simm.s32 $0x0  }
0x4: {  	s13 =	simm.s32 $0x200;
	s14 =	simm.s32 $0xC00;
	s15 =	simm.s32 $0x400  }
0x5: {  	s16 =	simm.s32 $0xE00;
	s17 =	simm.s32 $0x600;
	s18 =	simm.s32 $0x1000  }
0x6: {  	s19 =	simm.s32 $0x800;
	s20 =	simm.s32 $0x1200;
	s8 =	smul.u32 $0xC40, s2  }
0x7: {  	s21 =	simm.s32 $0x1;
	s6 =	sand.u32 $0x1, s0;
	s12 =	smul.u32 $0xC80, s2  }
0x8: {  	s22 =	simm.s32 $0x0;
	s0 =	rddreg [dreg:$0x3];
	s7 =	smul.u32 $0xC800, s6  }
0x9: {  	[smem:$0x7FF] =	sst s4;
	s9 =	smul.u32 $0xC400, s6;
	s6 =	ssub.s32 $0x2, s6  }
0xa: {  	_ =	strace $0x80000047;
	s30 =	sshrl.u32 s8, $0x3;
	s11 =	sshrl.u32 s6, $0x1  }
0xb: {  	s10 =	sadd.s32 s7, s5;
	s7 =	sadd.s32 s30, s5;
	s9 =	sadd.s32 s8, s9  }
0xc: {  	s11 =	ssub.s32 s6, s11;
	s6 =	sadd.s32 s8, s3;
	s9 =	sshrl.u32 s9, $0x3  }
0xd: {  	s31 =	sadd.s32 s12, s10;
	s8 =	smax.u32 s11, $0x1;
	s10 =	simm.s32 $0x1400  }
0xe: {  	s11 =	simm.s32 $0x2;
	s12 =	simm.s32 $0xA00;
	s9 =	sadd.s32 s9, s5  }
0xf: {  	s5 =	sadd.s32 $0x34400, s7;
	s7 =	sadd.s32 $0x35E00, s9;
	s9 =	sadd.s32 $0x1B400, s31  }
.LBB2_1:
0x10: {  	[tilespmem:s10], [sflag:$0x2] =	stream.linear.gather [hbm4b:s5+s4], $0xC40, $0x38;
	[tilespmem:$0x2C80] =	vst v63  }
0x11: {  	_ =	swait.ge [sflag:s11], $0xC40  }
0x12: {  	[sflag:s11] =	ssyncset.done $0x0  }
0x13: {  	[sflag:s11] =	ssyncadd.s32 $0xFFFFF3C0  }
0x14: {  	[spmem:s6] =	stream.linear.scatter [tilespmem:s10], [sflag:$0x2], $0xC40, $0x38;
	[tilespmem:$0x2C80] =	vst v63  }
0x15: {  	_ =	swait.ge [sflag:s11], $0xC40  }
0x16: {  	[sflag:s11] =	ssyncset.done $0x0  }
0x17: {  	[sflag:s11] =	ssyncadd.s32 $0xFFFFF3C0  }
0x18: {  	[tilespmem:s12], [sflag:$0x2] =	stream.linear.gather [hbm4b:s1+s4], $0xA00, $0x38;
	[tilespmem:$0x2C80] =	vst v63  }
0x19: {  	_ =	swait.ge [sflag:s11], $0xA00  }
0x1a: {  	[sflag:s11] =	ssyncset.done $0x0  }
0x1b: {  	[sflag:s11] =	ssyncadd.s32 $0xFFFFF600  }
0x1c: {  	[bflag:$0x0] =	sbarrier.arrive $0xFFFF  }
0x1d: {  	[tilespmem:s4], [sflag:$0x2] =	stream.linear.gather [hbm4b:s9+s4], $0xA00, $0x38;
	[tilespmem:$0x2C80] =	vst v63  }
0x1e: {  	_ =	swait.ge [sflag:s11], $0xA00  }
0x1f: {  	[sflag:s11] =	ssyncset.done $0x0  }
0x20: {  	[sflag:s11] =	ssyncadd.s32 $0xFFFFF600  }
0x21: {  	[spmem:s3] =	stream.indirect.scatter.add.f32 [tilespmem:s12], [sflag:$0x1], $0x1, s4, s13, $0xb8;
	[tilespmem:$0x2C80] =	vst v63  }
0x22: {  	_ = 	snop  }
0x23: {  	[spmem:s3] =	stream.indirect.scatter.add.f32 [tilespmem:s14], [sflag:$0x1], $0x1, s13, s13, $0xb8;
	[tilespmem:$0x2C80] =	vst v63  }
0x24: {  	_ = 	snop  }
0x25: {  	[spmem:s3] =	stream.indirect.scatter.add.f32 [tilespmem:s16], [sflag:$0x1], $0x1, s15, s13, $0xb8;
	[tilespmem:$0x2C80] =	vst v63  }
0x26: {  	_ = 	snop  }
0x27: {  	[spmem:s3] =	stream.indirect.scatter.add.f32 [tilespmem:s18], [sflag:$0x1], $0x1, s17, s13, $0xb8;
	[tilespmem:$0x2C80] =	vst v63  }
0x28: {  	_ = 	snop  }
0x29: {  	[spmem:s3] =	stream.indirect.scatter.add.f32 [tilespmem:s20], [sflag:$0x1], $0x1, s19, s13, $0xb8;
	[tilespmem:$0x2C80] =	vst v63  }
0x2a: {  	_ =	swait.ge [sflag:s21], $0x200  }
0x2b: {  	[sflag:s21] =	ssyncset.done $0x0  }
0x2c: {  	[sflag:s21] =	ssyncadd.s32 $0xFFFFFE00  }
0x2d: {  	_ =	swait.ge [sflag:s21], $0x200  }
0x2e: {  	[sflag:s21] =	ssyncset.done $0x0  }
0x2f: {  	[sflag:s21] =	ssyncadd.s32 $0xFFFFFE00  }
0x30: {  	_ =	swait.ge [sflag:s21], $0x200  }
0x31: {  	[sflag:s21] =	ssyncset.done $0x0  }
0x32: {  	[sflag:s21] =	ssyncadd.s32 $0xFFFFFE00  }
0x33: {  	_ =	swait.ge [sflag:s21], $0x200  }
0x34: {  	[sflag:s21] =	ssyncset.done $0x0  }
0x35: {  	[sflag:s21] =	ssyncadd.s32 $0xFFFFFE00  }
0x36: {  	_ =	swait.ge [sflag:s21], $0x200  }
0x37: {  	s23 =	simm.s32 $0x5;
	s24 =	smov.u32 s9;
	[sflag:s21] =	ssyncset.done $0x0  }
.LBB2_2:
0x38: {  	p0 =	sne.s32 s23, $0x2D;
	[sflag:s21] =	ssyncadd.s32 $0xFFFFFE00;
	s24 =	sadd.s32 $0x140, s24  }
0x39: {  	[tilespmem:s4], [sflag:$0x2] =	stream.linear.gather [hbm4b:s24+s4], $0xA00, $0x38;
	[tilespmem:$0x2C80] =	vst v63  }
0x3a: {  	s23 =	sadd.s32 $0x5, s23;
	_ =	swait.ge [sflag:s11], $0xA00  }
0x3b: {  	[sflag:s11] =	ssyncset.done $0x0  }
0x3c: {  	[sflag:s11] =	ssyncadd.s32 $0xFFFFF600  }
0x3d: {  	[spmem:s3] =	stream.indirect.scatter.add.f32 [tilespmem:s12], [sflag:$0x1], $0x1, s4, s13, $0xb8;
	[tilespmem:$0x2C80] =	vst v63  }
0x3e: {  	_ = 	snop  }
0x3f: {  	[spmem:s3] =	stream.indirect.scatter.add.f32 [tilespmem:s14], [sflag:$0x1], $0x1, s13, s13, $0xb8;
	[tilespmem:$0x2C80] =	vst v63  }
0x40: {  	_ = 	snop  }
0x41: {  	[spmem:s3] =	stream.indirect.scatter.add.f32 [tilespmem:s16], [sflag:$0x1], $0x1, s15, s13, $0xb8;
	[tilespmem:$0x2C80] =	vst v63  }
0x42: {  	_ = 	snop  }
0x43: {  	[spmem:s3] =	stream.indirect.scatter.add.f32 [tilespmem:s18], [sflag:$0x1], $0x1, s17, s13, $0xb8;
	[tilespmem:$0x2C80] =	vst v63  }
0x44: {  	_ = 	snop  }
0x45: {  	[spmem:s3] =	stream.indirect.scatter.add.f32 [tilespmem:s20], [sflag:$0x1], $0x1, s19, s13, $0xb8;
	[tilespmem:$0x2C80] =	vst v63  }
0x46: {  	_ =	swait.ge [sflag:s21], $0x200  }
0x47: {  	[sflag:s21] =	ssyncset.done $0x0  }
0x48: {  	[sflag:s21] =	ssyncadd.s32 $0xFFFFFE00  }
0x49: {  	_ =	swait.ge [sflag:s21], $0x200  }
0x4a: {  	[sflag:s21] =	ssyncset.done $0x0  }
0x4b: {  	[sflag:s21] =	ssyncadd.s32 $0xFFFFFE00  }
0x4c: {  	_ =	swait.ge [sflag:s21], $0x200  }
0x4d: {  	[sflag:s21] =	ssyncset.done $0x0  }
0x4e: {  	[sflag:s21] =	ssyncadd.s32 $0xFFFFFE00  }
.Ltmp0:
0x4f: {  	_ =	swait.ge [sflag:s21], $0x200;
	(pc) =	sbr.rel @p0 .LBB2_2-.Ltmp0, $4  }
0x50: {  	[sflag:s21] =	ssyncset.done $0x0  }
0x51: {  	[sflag:s21] =	ssyncadd.s32 $0xFFFFFE00  }
0x52: {  	_ =	swait.ge [sflag:s21], $0x200  }
0x53: {  	[sflag:s21] =	ssyncset.done $0x0  }
0x54: {  	[sflag:s21] =	ssyncadd.s32 $0xFFFFFE00  }
0x55: {  	[bflag:$0x0] =	sbarrier.arrive $0xFFFF  }
0x56: {  	[tilespmem:s10], [sflag:$0x2] =	stream.linear.gather [spmem:s6], $0xC40, $0x38;
	[tilespmem:$0x2C80] =	vst v63  }
0x57: {  	s22 =	sadd.s32 $0x1, s22;
	_ =	swait.ge [sflag:s11], $0xC40  }
0x58: {  	p0 =	sne.s32 s22, s8;
	[sflag:s11] =	ssyncset.done $0x0  }
.Ltmp1:
0x59: {  	[sflag:s11] =	ssyncadd.s32 $0xFFFFF3C0;
	(pc) =	sbr.rel @p0 .LBB2_1-.Ltmp1, $4  }
0x5a: {  	[hbm4b:s7+s4] =	stream.linear.scatter [tilespmem:s10], [sflag:$0x2], $0xC40, $0x38;
	[tilespmem:$0x2C80] =	vst v63  }
0x5b: {  	_ =	swait.ge [sflag:s11], $0xC40  }
0x5c: {  	[sflag:s11] =	ssyncset.done $0x0  }
0x5d: {  	[sflag:s11] =	ssyncadd.s32 $0xFFFFF3C0  }
0x5e: {  	_ =	sfence.sel $0x180000  }
0x5f: {  	[bflag:$0x0] =	sbarrier.arrive $0xFFFF  }
0x60: {  	p0 =	sne.s32 s2, $0x0;
	_ =	strace $0x90000047  }
0x61: {  	s0 =	sadd.s32 @!p0 $0x100000, s0;
	[bflag:$0x2] =	sbarrier.arrive $0xFFFF  }
0x62: {  	[sflag:s0] =	ssyncadd.tile.s32 @!p0 $0x1;
	_ =	shalt  }
.Lfunc_end2:
_tile_overlayer_lowered:
.L_overlay_start_2:
0x63: {  	(tag) =	ssettag $0x2  }
0x64: {  	s0 =	rddreg [dreg:$0x0];
	s2 =	stileid.u32  }
0x65: {  	s1 =	rddreg [dreg:$0x1];
	p0 =	sne.s32 s2, $0x0  }
0x66: {  	s3 =	rddreg [dreg:$0x2];
	[bflag:$0x3] =	sbarrier.arrive $0xFFFF;
	s2 =	simm.s32 @!p0 $0x1C02  }
0x67: {  	[timem:s3], [sflag:s2] =	dma.local @!p0 [hbm:s0], s1  }
0x68: {  	s0 =	simm.s32 @!p0 $0x2  }
0x69: {  	_ =	swait.ge @!p0 [sflag:s0], s1  }
0x6a: {  	s1 =	ssub.s32 @!p0 $0x0, s1;
	[sflag:s0] =	ssyncset.done @!p0 $0x0  }
0x6b: {  	[sflag:s0] =	ssyncadd.s32 @!p0 s1  }
0x6c: {  	[bflag:$0x3] =	sbarrier.arrive $0xFFFF  }
0x6d: {  	_ =	shalt  }

</sc_bundles>
